<compile_context>
chip_gen: v7x
topology: tpu7x:2x2x1
jax: 0.10.2.dev20260603
libtpu: 0.0.44.dev20260713+nightly
codegen_flags: <defaults>
</compile_context>

<pallas_src>
import jax
import jax.numpy as jnp
from jax import lax
from jax.experimental import pallas as pl
from jax.experimental.pallas import tpu as pltpu
from jax.experimental.pallas import tpu_sc as plsc

N = 10000
E = 320000
D = 128
H = 8
F = 16
HF = H * F

NP = 10240
EP = 327680
NC = 2
NS = 16
NW = NC * NS
EWP = EP // NW
CHUNK = 1024
HALF = 512
SUB = 128
NCHUNK = EWP // CHUNK
BN = 512
GRID_A = NP // BN
BP = EP // 16 // GRID_A


def _dense_body(x_ref, p16_ref, wp_ref, wsk_ref, ssrc_ref, strg_ref,
                wtp_ref, stp_ref, bias_ref, e8_ref, exp_ref, g_ref,
                proj_ref, sk_ref, a8_ref, b8_ref, pc_ref):
    xb = x_ref[...]
    proj = jnp.dot(xb, wp_ref[...], preferred_element_type=jnp.float32)
    proj_ref[...] = proj
    sk_ref[...] = (
        jnp.dot(xb, wsk_ref[...], preferred_element_type=jnp.float32)
        + bias_ref[...]
    )
    a8_ref[...] = jnp.dot(proj * ssrc_ref[...], e8_ref[...],
                          preferred_element_type=jnp.float32)
    b8_ref[...] = jnp.dot(proj * strg_ref[...], e8_ref[...],
                          preferred_element_type=jnp.float32)
    ct = jnp.dot(wtp_ref[...] * stp_ref[...], g_ref[...],
                 preferred_element_type=jnp.float32)
    pc_ref[...] = jnp.dot(p16_ref[...], exp_ref[...],
                          preferred_element_type=jnp.float32) * ct


def _dense(x, p16, wp, wsk, ssrc, strg, wtp, stp, bias, e8, expm, g):
    return pl.pallas_call(
        _dense_body,
        grid=(GRID_A,),
        in_specs=[
            pl.BlockSpec((BN, D), lambda i: (i, 0)),
            pl.BlockSpec((BP, 16), lambda i: (i, 0)),
            pl.BlockSpec((D, HF), lambda i: (0, 0)),
            pl.BlockSpec((D, HF), lambda i: (0, 0)),
            pl.BlockSpec((1, HF), lambda i: (0, 0)),
            pl.BlockSpec((1, HF), lambda i: (0, 0)),
            pl.BlockSpec((1, HF), lambda i: (0, 0)),
            pl.BlockSpec((1, HF), lambda i: (0, 0)),
            pl.BlockSpec((1, HF), lambda i: (0, 0)),
            pl.BlockSpec((D, H), lambda i: (0, 0)),
            pl.BlockSpec((16, HF), lambda i: (0, 0)),
            pl.BlockSpec((HF, HF), lambda i: (0, 0)),
        ],
        out_specs=[
            pl.BlockSpec((BN, D), lambda i: (i, 0)),
            pl.BlockSpec((BN, D), lambda i: (i, 0)),
            pl.BlockSpec((BN, H), lambda i: (i, 0)),
            pl.BlockSpec((BN, H), lambda i: (i, 0)),
            pl.BlockSpec((BP, HF), lambda i: (i, 0)),
        ],
        out_shape=[
            jax.ShapeDtypeStruct((NP, D), jnp.float32),
            jax.ShapeDtypeStruct((NP, D), jnp.float32),
            jax.ShapeDtypeStruct((NP, H), jnp.float32),
            jax.ShapeDtypeStruct((NP, H), jnp.float32),
            jax.ShapeDtypeStruct((EP // 16, HF), jnp.float32),
        ],
    )(x, p16, wp, wsk, ssrc, strg, wtp, stp, bias, e8, expm, g)


def _patterns():
    iota = lax.iota(jnp.int32, 16)
    return iota // 8, iota % 8


def _p1a_body(a8f, src2d, pc, sa_out, tab_v, src_v, pc_v, sa_v, sem):
    cid = lax.axis_index("c")
    sid = lax.axis_index("s")
    g = cid * NS + sid
    r_pat, c_pat = _patterns()

    pltpu.sync_copy(a8f, tab_v)

    def chunk(k, _):
        base = g * EWP + k * CHUNK
        c1 = pltpu.async_copy(src2d.at[pl.ds(g * 80 + 8 * k, 8), :],
                              src_v, sem)
        c2 = pltpu.async_copy(pc.at[pl.ds(8 * base, 8 * CHUNK)], pc_v, sem)
        c1.wait()
        c2.wait()

        @plsc.parallel_loop(0, CHUNK // 2, 1, unroll=4)
        def pair(i):
            le = 2 * i + r_pat
            nid = plsc.load_gather(src_v, [le // SUB, le % SUB])
            va = plsc.load_gather(tab_v, [nid * 8 + c_pat])
            sa_v[pl.ds(16 * i, 16)] = va + pc_v[pl.ds(16 * i, 16)]
        pltpu.sync_copy(sa_v, sa_out.at[pl.ds(8 * base, 8 * CHUNK)])
        return 0

    lax.fori_loop(0, NCHUNK, chunk, 0)


def _pass1a(a8f, src2d, pc_flat):
    mesh = plsc.VectorSubcoreMesh(core_axis_name="c", subcore_axis_name="s")
    f = pl.kernel(
        _p1a_body,
        out_type=jax.ShapeDtypeStruct((EP * 8,), jnp.float32),
        mesh=mesh,
        compiler_params=pltpu.CompilerParams(
            needs_layout_passes=False, use_tc_tiling_on_sc=False),
        scratch_types=[
            pltpu.VMEM((NP * 8,), jnp.float32),
            pltpu.VMEM((8, SUB), jnp.int32),
            pltpu.VMEM((CHUNK * 8,), jnp.float32),
            pltpu.VMEM((CHUNK * 8,), jnp.float32),
            pltpu.SemaphoreType.DMA,
        ],
    )
    return f(a8f, src2d, pc_flat)


def _p1b_body(b8f, trg2d, sa,
              es_out, dp_out,
              tab_v, trg_v, sa_v, es_v, es2d, denom_sh, sem):
    cid = lax.axis_index("c")
    sid = lax.axis_index("s")
    g = cid * NS + sid
    r_pat, c_pat = _patterns()

    pltpu.sync_copy(b8f, tab_v)

    zero16 = jnp.zeros((16,), jnp.float32)

    def z2(r, _):
        es2d[r, :] = zero16
        return 0

    lax.fori_loop(0, HALF, z2, 0)
    pltpu.sync_copy(es2d, denom_sh.at[pl.ds(sid * 640, HALF), :])
    pltpu.sync_copy(es2d.at[pl.ds(0, 128), :],
                    denom_sh.at[pl.ds(sid * 640 + HALF, 128), :])
    plsc.subcore_barrier()

    def chunk(k, _):
        base = g * EWP + k * CHUNK
        c1 = pltpu.async_copy(trg2d.at[pl.ds(g * 80 + 8 * k, 8), :],
                              trg_v, sem)
        c2 = pltpu.async_copy(sa.at[pl.ds(8 * base, 8 * CHUNK)], sa_v, sem)
        c1.wait()
        c2.wait()
        for hf in range(2):
            def pair(i, _, hf=hf):
                le = 512 * hf + 2 * i + r_pat
                nid = plsc.load_gather(trg_v, [le // SUB, le % SUB])
                vb = plsc.load_gather(tab_v, [nid * 8 + c_pat])
                j = 16 * (256 * hf + i)
                s = sa_v[pl.ds(j, 16)] + vb
                s = jnp.maximum(s, 0.2 * s)
                es = jnp.exp(s)
                es_v[pl.ds(j, 16)] = es
                plsc.store_scatter(es2d, [2 * i + r_pat, c_pat], es)
                return 0

            lax.fori_loop(0, HALF // 2, pair, 0)
            dcs = [
                pltpu.async_copy(es2d.at[pl.ds(j * SUB, SUB), :],
                                 denom_sh.at[trg_v.at[4 * hf + j]], sem,
                                 add=True)
                for j in range(4)
            ]
            for c in dcs:
                c.wait()
        pltpu.sync_copy(es_v, es_out.at[pl.ds(8 * base, 8 * CHUNK)])
        return 0

    lax.fori_loop(0, NCHUNK, chunk, 0)
    plsc.subcore_barrier()
    for r0, nr in ((0, HALF), (HALF, 128)):
        pltpu.sync_copy(denom_sh.at[pl.ds(sid * 640 + r0, nr), :],
                        es2d.at[pl.ds(0, nr), :])

        def flat(r, _):
            sa_v[pl.ds(16 * r, 16)] = es2d[r, :]
            return 0

        lax.fori_loop(0, nr, flat, 0)
        pltpu.sync_copy(
            sa_v.at[pl.ds(0, 16 * nr)],
            dp_out.at[pl.ds(cid * NP * 16 + sid * 10240 + 16 * r0, 16 * nr)])


def _pass1b(b8f, trg2d, sa_flat):
    mesh = plsc.VectorSubcoreMesh(core_axis_name="c", subcore_axis_name="s")
    f = pl.kernel(
        _p1b_body,
        out_type=(
            jax.ShapeDtypeStruct((EP * 8,), jnp.float32),
            jax.ShapeDtypeStruct((NC * NP * 16,), jnp.float32),
        ),
        mesh=mesh,
        compiler_params=pltpu.CompilerParams(
            needs_layout_passes=False, use_tc_tiling_on_sc=False),
        scratch_types=[
            pltpu.VMEM((NP * 8,), jnp.float32),
            pltpu.VMEM((8, SUB), jnp.int32),
            pltpu.VMEM((CHUNK * 8,), jnp.float32),
            pltpu.VMEM((CHUNK * 8,), jnp.float32),
            pltpu.VMEM((HALF, 16), jnp.float32),
            pltpu.VMEM_SHARED((NP, 16), jnp.float32),
            pltpu.SemaphoreType.DMA,
        ],
    )
    return f(b8f, trg2d, sa_flat)


def _recip_body(d0_ref, d1_ref, o_ref):
    o_ref[...] = 1.0 / (d0_ref[...] + d1_ref[...] + 1e-16)


def _recip(d0, d1):
    return pl.pallas_call(
        _recip_body,
        out_shape=jax.ShapeDtypeStruct((NP * 16 // HF, HF), jnp.float32),
    )(d0, d1)


def _p1c_body(r8f, trg2d, es, at_out, tab_v, trg_v, es_v, at_v, sem):
    cid = lax.axis_index("c")
    sid = lax.axis_index("s")
    g = cid * NS + sid
    r_pat, c_pat = _patterns()

    pltpu.sync_copy(r8f, tab_v)

    def chunk(k, _):
        base = g * EWP + k * CHUNK
        c1 = pltpu.async_copy(trg2d.at[pl.ds(g * 80 + 8 * k, 8), :],
                              trg_v, sem)
        c2 = pltpu.async_copy(es.at[pl.ds(8 * base, 8 * CHUNK)], es_v, sem)
        c1.wait()
        c2.wait()

        @plsc.parallel_loop(0, CHUNK // 2, 1, unroll=4)
        def pair(i):
            le = 2 * i + r_pat
            nid = plsc.load_gather(trg_v, [le // SUB, le % SUB])
            rd = plsc.load_gather(tab_v, [nid * 8 + c_pat])
            at_v[pl.ds(16 * i, 16)] = es_v[pl.ds(16 * i, 16)] * rd
        pltpu.sync_copy(at_v, at_out.at[pl.ds(8 * base, 8 * CHUNK)])
        return 0

    lax.fori_loop(0, NCHUNK, chunk, 0)


def _pass1c(r8f, trg2d, es_flat):
    mesh = plsc.VectorSubcoreMesh(core_axis_name="c", subcore_axis_name="s")
    f = pl.kernel(
        _p1c_body,
        out_type=jax.ShapeDtypeStruct((EP * 8 + 8 * SUB,), jnp.float32),
        mesh=mesh,
        compiler_params=pltpu.CompilerParams(
            needs_layout_passes=False, use_tc_tiling_on_sc=False),
        scratch_types=[
            pltpu.VMEM((NP * 8,), jnp.float32),
            pltpu.VMEM((8, SUB), jnp.int32),
            pltpu.VMEM((CHUNK * 8,), jnp.float32),
            pltpu.VMEM((CHUNK * 8,), jnp.float32),
            pltpu.SemaphoreType.DMA,
        ],
    )
    return f(r8f, trg2d, es_flat)


def _p2_body(proj, attn, src2d, trg2d,
             op_out,
             src_v, trg_v, p0, p1, a0, a1, zvm, acc_sh,
             sg0, sg1, sa0, sa1, ss0, ss1):
    cid = lax.axis_index("c")
    sid = lax.axis_index("s")
    g = cid * NS + sid

    zero16 = jnp.zeros((16,), jnp.float32)

    def z1(r, _):
        for j in range(8):
            zvm[r, pl.ds(16 * j, 16)] = zero16
        return 0

    lax.fori_loop(0, 32, z1, 0)
    for q in range(20):
        pltpu.sync_copy(zvm, acc_sh.at[pl.ds(sid * 640 + 32 * q, 32), :])
    plsc.subcore_barrier()

    pbufs, abufs = (p0, p1), (a0, a1)
    gsems, asems, ssems = (sg0, sg1), (sa0, sa1), (ss0, ss1)
    row0 = g * 80

    def compute(b):
        p_v, at_v = pbufs[b], abufs[b]

        @plsc.parallel_loop(0, SUB // 2, 1, unroll=2)
        def pair(i):
            av = at_v[pl.ds(16 * i, 16)]
            for eo in range(2):
                e = 2 * i + eo
                for h in range(H):
                    m = jnp.take_along_axis(
                        av, jnp.full((16,), 8 * eo + h, jnp.int32), axis=0,
                        mode="promise_in_bounds")
                    v = p_v[e, pl.ds(16 * h, 16)]
                    p_v[e, pl.ds(16 * h, 16)] = v * m

    pltpu.sync_copy(src2d.at[pl.ds(row0, 8), :], src_v)
    pltpu.sync_copy(trg2d.at[pl.ds(row0, 8), :], trg_v.at[0])
    g0 = pltpu.async_copy(proj.at[src_v.at[0]], p0.at[...], sg0)
    a0c = pltpu.async_copy(attn.at[pl.ds(8 * g * EWP, 8 * SUB)], a0, sa0)
    g0.wait()
    a0c.wait()

    def two(t, _):
        for b in range(2):
            u = 2 * t + b
            k = u // 8
            u1 = u + 1

            @pl.when(u >= 1)
            def _():
                pltpu.make_async_copy(
                    pbufs[1 - b].at[...],
                    acc_sh.at[trg_v.at[0, 0]], ssems[1 - b]).wait()

            @pl.when(jnp.logical_and(u1 % 8 == 0, u1 < 80))
            def _():
                k1 = u1 // 8
                pltpu.sync_copy(src2d.at[pl.ds(row0 + 8 * k1, 8), :],
                                src_v)
                pltpu.sync_copy(trg2d.at[pl.ds(row0 + 8 * k1, 8), :],
                                trg_v.at[k1 % 2])

            gd = pltpu.async_copy(proj.at[src_v.at[u1 % 8]],
                                  pbufs[1 - b].at[...], gsems[1 - b])
            ad = pltpu.async_copy(
                attn.at[pl.ds(8 * (g * EWP + u1 * SUB), 8 * SUB)],
                abufs[1 - b], asems[1 - b])
            compute(b)
            pltpu.async_copy(pbufs[b].at[...],
                             acc_sh.at[trg_v.at[k % 2, u % 8]], ssems[b],
                             add=True)
            gd.wait()
            ad.wait()
        return 0

    lax.fori_loop(0, 40, two, 0)
    pltpu.make_async_copy(pbufs[1].at[...],
                          acc_sh.at[trg_v.at[0, 0]], ssems[1]).wait()
    plsc.subcore_barrier()
    pltpu.sync_copy(acc_sh.at[pl.ds(sid * 640, 640), :],
                    op_out.at[cid, pl.ds(sid * 640, 640), :])


def _pass2(proj, attn_flat, src2d, trg2d):
    mesh = plsc.VectorSubcoreMesh(core_axis_name="c", subcore_axis_name="s")
    f = pl.kernel(
        _p2_body,
        out_type=jax.ShapeDtypeStruct((NC, NP, D), jnp.float32),
        mesh=mesh,
        compiler_params=pltpu.CompilerParams(
            needs_layout_passes=False, use_tc_tiling_on_sc=False),
        scratch_types=[
            pltpu.VMEM((8, SUB), jnp.int32),
            pltpu.VMEM((2, 8, SUB), jnp.int32),
            pltpu.VMEM((SUB, D), jnp.float32),
            pltpu.VMEM((SUB, D), jnp.float32),
            pltpu.VMEM((8 * SUB,), jnp.float32),
            pltpu.VMEM((8 * SUB,), jnp.float32),
            pltpu.VMEM((32, D), jnp.float32),
            pltpu.VMEM_SHARED((NP, D), jnp.float32),
            pltpu.SemaphoreType.DMA,
            pltpu.SemaphoreType.DMA,
            pltpu.SemaphoreType.DMA,
            pltpu.SemaphoreType.DMA,
            pltpu.SemaphoreType.DMA,
            pltpu.SemaphoreType.DMA,
        ],
    )
    return f(proj, attn_flat, src2d, trg2d)


def _finish_body(a_ref, b_ref, sk_ref, o_ref):
    s = a_ref[...] + b_ref[...] + sk_ref[...]
    o_ref[...] = jnp.where(s > 0, s, jnp.exp(s) - 1.0)


def _finish(op0, op1, sk):
    return pl.pallas_call(
        _finish_body,
        grid=(GRID_A,),
        in_specs=[pl.BlockSpec((BN, D), lambda i: (i, 0))] * 3,
        out_specs=pl.BlockSpec((BN, D), lambda i: (i, 0)),
        out_shape=jax.ShapeDtypeStruct((NP, D), jnp.float32),
    )(op0, op1, sk)


def kernel(in_nodes_features, edge_index, edge_prob, W_proj, W_tp, s_src,
           s_trg, s_tp, W_skip, bias):
    xp = jnp.zeros((NP, D), jnp.float32).at[:N].set(in_nodes_features)
    ssrc = s_src.reshape(1, HF)
    strg = s_trg.reshape(1, HF)
    stp = s_tp.reshape(1, HF)
    bias2 = bias.reshape(1, HF)

    pad = EP - E
    p_pad = jnp.concatenate(
        [edge_prob.reshape(-1), jnp.zeros((pad,), jnp.float32)])
    p16 = p_pad.reshape(EP // 16, 16)
    src2d = jnp.concatenate(
        [edge_index[0], jnp.zeros((pad,), jnp.int32)]).reshape(EP // SUB, SUB)
    trg2d = jnp.concatenate(
        [edge_index[1], jnp.full((pad,), N, jnp.int32)]).reshape(EP // SUB, SUB)

    j128 = jnp.arange(HF)
    j16 = jnp.arange(16)
    e8 = (j128[:, None] // F == jnp.arange(H)[None, :]).astype(jnp.float32)
    expm = (j128[None, :] // H == j16[:, None]).astype(jnp.float32)
    g1h = (j128[:, None] // F == (j128[None, :] % H)).astype(jnp.float32)

    proj, sk, a8, b8, pc2d = _dense(
        xp, p16, W_proj, W_skip, ssrc, strg, W_tp, stp, bias2, e8, expm, g1h)

    sa_flat = _pass1a(a8.reshape(-1), src2d, pc2d.reshape(-1))

    es_flat, dpart = _pass1b(b8.reshape(-1), trg2d, sa_flat)

    dp2 = dpart.reshape(NC, NP * 16 // HF, HF)
    rden8 = _recip(dp2[0], dp2[1]).reshape(NP, 16)[:, :8].reshape(-1)

    attn_flat = _pass1c(rden8, trg2d, es_flat)

    opart = _pass2(proj, attn_flat, src2d, trg2d)

    out = _finish(opart[0], opart[1], sk)[:N]
    return (out, edge_index, edge_prob)

# --- scband reference (transcript-rebuilt; emitter-appended) ---
"""Pipeline reference for scband-bert-8495445311962 (READ-ONLY COPY).

The authoritative reference and input builder live on the scoring server;
editing this copy changes nothing except your own understanding.
"""

import jax, jax.numpy as jnp
import numpy as np

N = 10000
E = 320000
D = 128
H = 8
F = 16

def setup_inputs(seed: int = 0) -> dict:
    key = jax.random.key(seed)
    ks = jax.random.split(key, 10)
    in_nodes_features = jax.random.normal(ks[0], (N, D), dtype=jnp.float32)
    edge_index = jax.random.randint(ks[1], (2, E), 0, N, dtype=jnp.int32)
    edge_prob = jax.random.uniform(ks[2], (E, 1), dtype=jnp.float32)
    # learned parameters (xavier-ish scaling)
    W_proj = jax.random.normal(ks[3], (D, H * F), dtype=jnp.float32) * (1.0 / np.sqrt(D))
    W_tp = jax.random.normal(ks[4], (1, H * F), dtype=jnp.float32) * 0.5
    s_src = jax.random.normal(ks[5], (1, H, F), dtype=jnp.float32) * 0.1
    s_trg = jax.random.normal(ks[6], (1, H, F), dtype=jnp.float32) * 0.1
    s_tp = jax.random.normal(ks[7], (1, H, F), dtype=jnp.float32) * 0.1
    W_skip = jax.random.normal(ks[8], (D, H * F), dtype=jnp.float32) * (1.0 / np.sqrt(D))
    bias = jnp.zeros((H * F,), dtype=jnp.float32)
    return {
        "in_nodes_features": in_nodes_features,
        "edge_index": edge_index,
        "edge_prob": edge_prob,
        "W_proj": W_proj,
        "W_tp": W_tp,
        "s_src": s_src,
        "s_trg": s_trg,
        "s_tp": s_tp,
        "W_skip": W_skip,
        "bias": bias,
    }

def reference(in_nodes_features, edge_index, edge_prob, W_proj, W_tp, s_src, s_trg, s_tp, W_skip, bias):
    # dropout_prob=0.0 / eval mode -> dropouts are identity
    x = in_nodes_features
    proj = (x @ W_proj).reshape(-1, H, F)                      # [N,H,F]
    tp_proj = (edge_prob @ W_tp).reshape(-1, H, F)             # [E,H,F]
    scores_source = jnp.sum(proj * s_src, axis=-1)             # [N,H]
    scores_target = jnp.sum(proj * s_trg, axis=-1)             # [N,H]
    src = edge_index[0]
    trg = edge_index[1]
    # lift (gather) to edges
    scores_source_lifted = scores_source[src]                  # [E,H]
    scores_target_lifted = scores_target[trg]                  # [E,H]
    proj_lifted = proj[src]                                    # [E,H,F]
    scores_trans_prob = jnp.sum(tp_proj * s_tp, axis=-1)       # [E,H]
    scores_per_edge = jax.nn.leaky_relu(
        scores_source_lifted + scores_target_lifted + scores_trans_prob,
        negative_slope=0.2,
    )
    # neighborhood-aware softmax over incoming edges of each target node
    scores_per_edge = scores_per_edge - jnp.max(scores_per_edge)
    exp_scores = jnp.exp(scores_per_edge)                      # [E,H]
    denom = jax.ops.segment_sum(exp_scores, trg, num_segments=N)  # [N,H]
    attn = exp_scores / (denom[trg] + 1e-16)                   # [E,H]
    weighted = proj_lifted * attn[..., None]                   # [E,H,F]
    out = jax.ops.segment_sum(weighted, trg, num_segments=N)   # [N,H,F]
    # skip connection: out feature dim (F) != in dim (D) -> skip_proj path
    out = out + (x @ W_skip).reshape(-1, H, F)
    # concat heads + bias + ELU activation
    out = out.reshape(-1, H * F) + bias
    out = jax.nn.elu(out)
    return (out, edge_index, edge_prob)

if __name__ == "__main__":
    import jax
    _d = setup_inputs()
    print(jax.jit(kernel)(*tuple(_d.values())))

</pallas_src>

<mosaic_0001>
#map = affine_map<(d0, d1) -> (0)>
#map1 = affine_map<(d0, d1) -> (0, 0)>
module attributes {stable_mosaic.version = 14 : i64} {
  func.func @_p1b_body(%arg0: i32, %arg1: i32, %arg2: memref<81920xf32, #tpu.memory_space<hbm>>, %arg3: memref<2560x128xi32, #tpu.memory_space<hbm>>, %arg4: memref<2621440xf32, #tpu.memory_space<hbm>>, %arg5: memref<2621440xf32, #tpu.memory_space<hbm>>, %arg6: memref<327680xf32, #tpu.memory_space<hbm>>, %arg7: memref<81920xf32, #tpu.memory_space<vmem>>, %arg8: memref<8x128xi32, #tpu.memory_space<vmem>>, %arg9: memref<8192xf32, #tpu.memory_space<vmem>>, %arg10: memref<8192xf32, #tpu.memory_space<vmem>>, %arg11: memref<512x16xf32, #tpu.memory_space<vmem>>, %arg12: memref<10240x16xf32, #tpu.memory_space<vmem_shared>>, %arg13: memref<!tpu.dma_semaphore, #tpu.memory_space<semaphore_mem>>) attributes {dimension_semantics = [#tpu.dimension_semantics<core_parallel>, #tpu.dimension_semantics<subcore_parallel>], iteration_bounds = array<i64: 2, 16>, scalar_prefetch = 0 : i64, scratch_operands = 7 : i64, tpu.core_type = #tpu.core_type<sc_vector_subcore>, window_params = [{transform_indices = #map}, {transform_indices = #map1}, {transform_indices = #map}, {transform_indices = #map}, {transform_indices = #map}]} {
    %mul3A = arith.constant 16 : i32
    %mul3A_0 = arith.muli %arg0, %mul3A : i32
    %add3A = arith.addi %mul3A_0, %arg1 : i32
    %iota3A = tpu.iota {dimensions = array<i32: 0>} : vector<16xi32>
    %jit3A = arith.constant 8 : i32
    %div3A = vector.broadcast %jit3A : i32 to vector<16xi32>
    %div3A_1 = arith.divsi %iota3A, %div3A : vector<16xi32>
    %sign3A = arith.constant 0 : i32
    %sign3A_2 = vector.broadcast %sign3A : i32 to vector<16xi32>
    %sign3A_3 = arith.cmpi sgt, %iota3A, %sign3A_2 : vector<16xi32>
    %sign3A_4 = arith.extui %sign3A_3 : vector<16xi1> to vector<16xi32>
    %sign3A_5 = arith.constant 0 : i32
    %sign3A_6 = vector.broadcast %sign3A_5 : i32 to vector<16xi32>
    %sign3A_7 = arith.cmpi slt, %iota3A, %sign3A_6 : vector<16xi32>
    %sign3A_8 = arith.extui %sign3A_7 : vector<16xi1> to vector<16xi32>
    %sign3A_9 = arith.subi %sign3A_4, %sign3A_8 : vector<16xi32>
    %sign3A_10 = arith.constant 0 : i32
    %sign3A_11 = arith.cmpi sgt, %jit3A, %sign3A_10 : i32
    %sign3A_12 = arith.extui %sign3A_11 : i1 to i32
    %sign3A_13 = arith.constant 0 : i32
    %sign3A_14 = arith.cmpi slt, %jit3A, %sign3A_13 : i32
    %sign3A_15 = arith.extui %sign3A_14 : i1 to i32
    %sign3A_16 = arith.subi %sign3A_12, %sign3A_15 : i32
    %ne3A = vector.broadcast %sign3A_16 : i32 to vector<16xi32>
    %ne3A_17 = arith.cmpi ne, %sign3A_9, %ne3A : vector<16xi32>
    %rem3A = vector.broadcast %jit3A : i32 to vector<16xi32>
    %rem3A_18 = arith.remsi %iota3A, %rem3A : vector<16xi32>
    %ne3A_19 = arith.constant 0 : i32
    %ne3A_20 = vector.broadcast %ne3A_19 : i32 to vector<16xi32>
    %ne3A_21 = arith.cmpi ne, %rem3A_18, %ne3A_20 : vector<16xi32>
    %and3A = arith.andi %ne3A_17, %ne3A_21 : vector<16xi1>
    %sub3A = arith.constant 1 : i32
    %sub3A_22 = vector.broadcast %sub3A : i32 to vector<16xi32>
    %sub3A_23 = arith.subi %div3A_1, %sub3A_22 : vector<16xi32>
    %select_n3A = arith.select %and3A, %sub3A_23, %div3A_1 : vector<16xi1>, vector<16xi32>
    %jit3A_24 = arith.constant 8 : i32
    %eq3A = arith.constant 0 : i32
    %eq3A_25 = arith.cmpi eq, %jit3A_24, %eq3A : i32
    %jit3A_26 = arith.constant 1 : i32
    %select_n3A_27 = arith.select %eq3A_25, %jit3A_26, %jit3A_24 : i32
    %rem3A_28 = vector.broadcast %select_n3A_27 : i32 to vector<16xi32>
    %rem3A_29 = arith.remsi %iota3A, %rem3A_28 : vector<16xi32>
    %ne3A_30 = arith.constant 0 : i32
    %ne3A_31 = vector.broadcast %ne3A_30 : i32 to vector<16xi32>
    %ne3A_32 = arith.cmpi ne, %rem3A_29, %ne3A_31 : vector<16xi32>
    %lt3A = arith.constant 0 : i32
    %lt3A_33 = vector.broadcast %lt3A : i32 to vector<16xi32>
    %lt3A_34 = arith.cmpi slt, %rem3A_29, %lt3A_33 : vector<16xi32>
    %lt3A_35 = arith.constant 0 : i32
    %lt3A_36 = arith.cmpi slt, %select_n3A_27, %lt3A_35 : i32
    %ne3A_37 = vector.broadcast %lt3A_36 : i1 to vector<16xi1>
    %ne3A_38 = vector.broadcast %ne3A_37 : vector<16xi1> to vector<16xi1>
    %ne3A_39 = arith.xori %lt3A_34, %ne3A_38 : vector<16xi1>
    %and3A_40 = arith.andi %ne3A_39, %ne3A_32 : vector<16xi1>
    %add3A_41 = vector.broadcast %select_n3A_27 : i32 to vector<16xi32>
    %add3A_42 = arith.addi %rem3A_29, %add3A_41 : vector<16xi32>
    %select_n3A_43 = arith.select %and3A_40, %add3A_42, %rem3A_29 : vector<16xi1>, vector<16xi32>
    "tpu.region"() ({
      %run_scoped3A = tpu.sem_alloc : memref<!tpu.dma_semaphore, #tpu.memory_space<semaphore_mem>>
      tpu.enqueue_dma source(%arg2 : memref<81920xf32, #tpu.memory_space<hbm>>) target(%arg7 : memref<81920xf32, #tpu.memory_space<vmem>>) target_semaphore(%run_scoped3A : memref<!tpu.dma_semaphore, #tpu.memory_space<semaphore_mem>>)
      tpu.wait_dma2 semaphore(%run_scoped3A : memref<!tpu.dma_semaphore, #tpu.memory_space<semaphore_mem>>) src(%arg2 : memref<81920xf32, #tpu.memory_space<hbm>>) dst(%arg7 : memref<81920xf32, #tpu.memory_space<vmem>>)
      tpu.yield
    }) : () -> ()
    %broadcast_in_dim3A = arith.constant 0.000000e+00 : f32
    %broadcast_in_dim3A_44 = vector.broadcast %broadcast_in_dim3A : f32 to vector<16xf32>
    %scan3A = arith.constant 0 : i32
    %scan3A_45 = arith.constant 0 : i32
    %scan3A_46 = arith.constant 512 : i32
    %scan3A_47 = arith.addi %scan3A_45, %scan3A_46 : i32
    %scan3A_48 = arith.constant 1 : i32
    %scan3A_49 = scf.for %scan3A_105 = %scan3A_45 to %scan3A_47 step %scan3A_48 iter_args(%scan3A_106 = %scan3A) -> (i32)  : i32 {
      %swap3A = arith.index_cast %scan3A_105 : i32 to index
      %swap3A_107 = arith.constant 0 : index
      %swap3A_108 = tpu.vector_load %arg11[%swap3A, %swap3A_107] {strides = array<i32>} : memref<512x16xf32, #tpu.memory_space<vmem>>, vector<16xf32>,
      tpu.vector_store %arg11[%swap3A, %swap3A_107], %broadcast_in_dim3A_44 {strides = array<i32>} : memref<512x16xf32, #tpu.memory_space<vmem>>, vector<16xf32>,
      %scan3A_109 = arith.constant 0 : i32
      scf.yield %scan3A_109 : i32
    }
    %scan3A_50 = arith.constant 512 : i32
    %mul3A_51 = arith.constant 640 : i32
    %mul3A_52 = arith.muli %arg1, %mul3A_51 : i32
    "tpu.region"() ({
      %run_scoped3A = tpu.sem_alloc : memref<!tpu.dma_semaphore, #tpu.memory_space<semaphore_mem>>
      %dma_start3A = arith.constant 0 : i32
      %dma_start3A_105 = tpu.memref_slice %arg12[%mul3A_52, %dma_start3A] : memref<10240x16xf32, #tpu.memory_space<vmem_shared>> -> memref<512x16xf32, #tpu.memory_space<vmem_shared>>
      %dma_start3A_106 = arith.constant 0 : i32
      %dma_start3A_107 = tpu.memref_slice %arg12[%mul3A_52, %dma_start3A_106] : memref<10240x16xf32, #tpu.memory_space<vmem_shared>> -> memref<512x16xf32, #tpu.memory_space<vmem_shared>>
      tpu.enqueue_dma source(%arg11 : memref<512x16xf32, #tpu.memory_space<vmem>>) target(%dma_start3A_107 : memref<512x16xf32, #tpu.memory_space<vmem_shared>>) target_semaphore(%run_scoped3A : memref<!tpu.dma_semaphore, #tpu.memory_space<semaphore_mem>>)
      %dma_wait3A = arith.constant 0 : i32
      %dma_wait3A_108 = tpu.memref_slice %arg12[%mul3A_52, %dma_wait3A] : memref<10240x16xf32, #tpu.memory_space<vmem_shared>> -> memref<512x16xf32, #tpu.memory_space<vmem_shared>>
      %dma_wait3A_109 = arith.constant 0 : i32
      %dma_wait3A_110 = tpu.memref_slice %arg12[%mul3A_52, %dma_wait3A_109] : memref<10240x16xf32, #tpu.memory_space<vmem_shared>> -> memref<512x16xf32, #tpu.memory_space<vmem_shared>>
      tpu.wait_dma2 semaphore(%run_scoped3A : memref<!tpu.dma_semaphore, #tpu.memory_space<semaphore_mem>>) src(%arg11 : memref<512x16xf32, #tpu.memory_space<vmem>>) dst(%dma_wait3A_110 : memref<512x16xf32, #tpu.memory_space<vmem_shared>>)
      tpu.yield
    }) : () -> ()
    %mul3A_53 = arith.constant 640 : i32
    %mul3A_54 = arith.muli %arg1, %mul3A_53 : i32
    %add3A_55 = arith.constant 512 : i32
    %add3A_56 = arith.addi %mul3A_54, %add3A_55 : i32
    "tpu.region"() ({
      %run_scoped3A = tpu.sem_alloc : memref<!tpu.dma_semaphore, #tpu.memory_space<semaphore_mem>>
      %dma_start3A = arith.constant 0 : i32
      %dma_start3A_105 = arith.constant 0 : i32
      %dma_start3A_106 = tpu.memref_slice %arg11[%dma_start3A, %dma_start3A_105] : memref<512x16xf32, #tpu.memory_space<vmem>> -> memref<128x16xf32, #tpu.memory_space<vmem>>
      %dma_start3A_107 = arith.constant 0 : i32
      %dma_start3A_108 = tpu.memref_slice %arg12[%add3A_56, %dma_start3A_107] : memref<10240x16xf32, #tpu.memory_space<vmem_shared>> -> memref<128x16xf32, #tpu.memory_space<vmem_shared>>
      %dma_start3A_109 = arith.constant 0 : i32
      %dma_start3A_110 = tpu.memref_slice %arg12[%add3A_56, %dma_start3A_109] : memref<10240x16xf32, #tpu.memory_space<vmem_shared>> -> memref<128x16xf32, #tpu.memory_space<vmem_shared>>
      %dma_start3A_111 = arith.constant 0 : i32
      %dma_start3A_112 = arith.constant 0 : i32
      %dma_start3A_113 = tpu.memref_slice %arg11[%dma_start3A_111, %dma_start3A_112] : memref<512x16xf32, #tpu.memory_space<vmem>> -> memref<128x16xf32, #tpu.memory_space<vmem>>
      tpu.enqueue_dma source(%dma_start3A_113 : memref<128x16xf32, #tpu.memory_space<vmem>>) target(%dma_start3A_110 : memref<128x16xf32, #tpu.memory_space<vmem_shared>>) target_semaphore(%run_scoped3A : memref<!tpu.dma_semaphore, #tpu.memory_space<semaphore_mem>>)
      %dma_wait3A = arith.constant 0 : i32
      %dma_wait3A_114 = arith.constant 0 : i32
      %dma_wait3A_115 = tpu.memref_slice %arg11[%dma_wait3A, %dma_wait3A_114] : memref<512x16xf32, #tpu.memory_space<vmem>> -> memref<128x16xf32, #tpu.memory_space<vmem>>
      %dma_wait3A_116 = arith.constant 0 : i32
      %dma_wait3A_117 = tpu.memref_slice %arg12[%add3A_56, %dma_wait3A_116] : memref<10240x16xf32, #tpu.memory_space<vmem_shared>> -> memref<128x16xf32, #tpu.memory_space<vmem_shared>>
      %dma_wait3A_118 = arith.constant 0 : i32
      %dma_wait3A_119 = tpu.memref_slice %arg12[%add3A_56, %dma_wait3A_118] : memref<10240x16xf32, #tpu.memory_space<vmem_shared>> -> memref<128x16xf32, #tpu.memory_space<vmem_shared>>
      %dma_wait3A_120 = arith.constant 0 : i32
      %dma_wait3A_121 = arith.constant 0 : i32
      %dma_wait3A_122 = tpu.memref_slice %arg11[%dma_wait3A_120, %dma_wait3A_121] : memref<512x16xf32, #tpu.memory_space<vmem>> -> memref<128x16xf32, #tpu.memory_space<vmem>>
      tpu.wait_dma2 semaphore(%run_scoped3A : memref<!tpu.dma_semaphore, #tpu.memory_space<semaphore_mem>>) src(%dma_wait3A_122 : memref<128x16xf32, #tpu.memory_space<vmem>>) dst(%dma_wait3A_119 : memref<128x16xf32, #tpu.memory_space<vmem_shared>>)
      tpu.yield
    }) : () -> ()
    %barrier3A = arith.constant 0 : index
    tpu.barrier barrier_id(%barrier3A)
    %scan3A_57 = arith.constant 0 : i32
    %scan3A_58 = arith.constant 0 : i32
    %scan3A_59 = arith.constant 10 : i32
    %scan3A_60 = arith.addi %scan3A_58, %scan3A_59 : i32
    %scan3A_61 = arith.constant 1 : i32
    %scan3A_62 = scf.for %scan3A_105 = %scan3A_58 to %scan3A_60 step %scan3A_61 iter_args(%scan3A_106 = %scan3A_57) -> (i32)  : i32 {
      %mul3A_107 = arith.constant 10240 : i32
      %mul3A_108 = arith.muli %add3A, %mul3A_107 : i32
      %mul3A_109 = arith.constant 1024 : i32
      %mul3A_110 = arith.muli %scan3A_105, %mul3A_109 : i32
      %add3A_111 = arith.addi %mul3A_108, %mul3A_110 : i32
      %mul3A_112 = arith.constant 80 : i32
      %mul3A_113 = arith.muli %add3A, %mul3A_112 : i32
      %mul3A_114 = arith.constant 8 : i32
      %mul3A_115 = arith.muli %mul3A_114, %scan3A_105 : i32
      %add3A_116 = arith.addi %mul3A_113, %mul3A_115 : i32
      %dma_start3A = arith.constant 0 : i32
      %dma_start3A_117 = tpu.memref_slice %arg3[%add3A_116, %dma_start3A] : memref<2560x128xi32, #tpu.memory_space<hbm>> -> memref<8x128xi32, #tpu.memory_space<hbm>>
      %dma_start3A_118 = arith.constant 0 : i32
      %dma_start3A_119 = tpu.memref_slice %arg3[%add3A_116, %dma_start3A_118] : memref<2560x128xi32, #tpu.memory_space<hbm>> -> memref<8x128xi32, #tpu.memory_space<hbm>>
      tpu.enqueue_dma source(%dma_start3A_119 : memref<8x128xi32, #tpu.memory_space<hbm>>) target(%arg8 : memref<8x128xi32, #tpu.memory_space<vmem>>) target_semaphore(%arg13 : memref<!tpu.dma_semaphore, #tpu.memory_space<semaphore_mem>>)
      %mul3A_120 = arith.constant 8 : i32
      %mul3A_121 = arith.muli %mul3A_120, %add3A_111 : i32
      %dma_start3A_122 = tpu.memref_slice %arg4[%mul3A_121] : memref<2621440xf32, #tpu.memory_space<hbm>> -> memref<8192xf32, #tpu.memory_space<hbm>>
      %dma_start3A_123 = tpu.memref_slice %arg4[%mul3A_121] : memref<2621440xf32, #tpu.memory_space<hbm>> -> memref<8192xf32, #tpu.memory_space<hbm>>
      tpu.enqueue_dma source(%dma_start3A_123 : memref<8192xf32, #tpu.memory_space<hbm>>) target(%arg9 : memref<8192xf32, #tpu.memory_space<vmem>>) target_semaphore(%arg13 : memref<!tpu.dma_semaphore, #tpu.memory_space<semaphore_mem>>)
      %dma_wait3A = arith.constant 0 : i32
      %dma_wait3A_124 = tpu.memref_slice %arg3[%add3A_116, %dma_wait3A] : memref<2560x128xi32, #tpu.memory_space<hbm>> -> memref<8x128xi32, #tpu.memory_space<hbm>>
      %dma_wait3A_125 = arith.constant 0 : i32
      %dma_wait3A_126 = tpu.memref_slice %arg3[%add3A_116, %dma_wait3A_125] : memref<2560x128xi32, #tpu.memory_space<hbm>> -> memref<8x128xi32, #tpu.memory_space<hbm>>
      tpu.wait_dma2 semaphore(%arg13 : memref<!tpu.dma_semaphore, #tpu.memory_space<semaphore_mem>>) src(%dma_wait3A_126 : memref<8x128xi32, #tpu.memory_space<hbm>>) dst(%arg8 : memref<8x128xi32, #tpu.memory_space<vmem>>)
      %dma_wait3A_127 = tpu.memref_slice %arg4[%mul3A_121] : memref<2621440xf32, #tpu.memory_space<hbm>> -> memref<8192xf32, #tpu.memory_space<hbm>>
      %dma_wait3A_128 = tpu.memref_slice %arg4[%mul3A_121] : memref<2621440xf32, #tpu.memory_space<hbm>> -> memref<8192xf32, #tpu.memory_space<hbm>>
      tpu.wait_dma2 semaphore(%arg13 : memref<!tpu.dma_semaphore, #tpu.memory_space<semaphore_mem>>) src(%dma_wait3A_128 : memref<8192xf32, #tpu.memory_space<hbm>>) dst(%arg9 : memref<8192xf32, #tpu.memory_space<vmem>>)
      %scan3A_129 = arith.constant 0 : i32
      %scan3A_130 = arith.constant 0 : i32
      %scan3A_131 = arith.constant 256 : i32
      %scan3A_132 = arith.addi %scan3A_130, %scan3A_131 : i32
      %scan3A_133 = arith.constant 1 : i32
      %scan3A_134 = scf.for %scan3A_306 = %scan3A_130 to %scan3A_132 step %scan3A_133 iter_args(%scan3A_307 = %scan3A_129) -> (i32)  : i32 {
        %mul3A_308 = arith.constant 2 : i32
        %mul3A_309 = arith.muli %mul3A_308, %scan3A_306 : i32
        %add3A_310 = arith.constant 0 : i32
        %add3A_311 = arith.addi %add3A_310, %mul3A_309 : i32
        %add3A_312 = vector.broadcast %add3A_311 : i32 to vector<16xi32>
        %add3A_313 = arith.addi %add3A_312, %select_n3A : vector<16xi32>
        %jit3A_314 = arith.constant 128 : i32
        %div3A_315 = vector.broadcast %jit3A_314 : i32 to vector<16xi32>
        %div3A_316 = arith.divsi %add3A_313, %div3A_315 : vector<16xi32>
        %sign3A_317 = arith.constant 0 : i32
        %sign3A_318 = vector.broadcast %sign3A_317 : i32 to vector<16xi32>
        %sign3A_319 = arith.cmpi sgt, %add3A_313, %sign3A_318 : vector<16xi32>
        %sign3A_320 = arith.extui %sign3A_319 : vector<16xi1> to vector<16xi32>
        %sign3A_321 = arith.constant 0 : i32
        %sign3A_322 = vector.broadcast %sign3A_321 : i32 to vector<16xi32>
        %sign3A_323 = arith.cmpi slt, %add3A_313, %sign3A_322 : vector<16xi32>
        %sign3A_324 = arith.extui %sign3A_323 : vector<16xi1> to vector<16xi32>
        %sign3A_325 = arith.subi %sign3A_320, %sign3A_324 : vector<16xi32>
        %sign3A_326 = arith.constant 0 : i32
        %sign3A_327 = arith.cmpi sgt, %jit3A_314, %sign3A_326 : i32
        %sign3A_328 = arith.extui %sign3A_327 : i1 to i32
        %sign3A_329 = arith.constant 0 : i32
        %sign3A_330 = arith.cmpi slt, %jit3A_314, %sign3A_329 : i32
        %sign3A_331 = arith.extui %sign3A_330 : i1 to i32
        %sign3A_332 = arith.subi %sign3A_328, %sign3A_331 : i32
        %ne3A_333 = vector.broadcast %sign3A_332 : i32 to vector<16xi32>
        %ne3A_334 = arith.cmpi ne, %sign3A_325, %ne3A_333 : vector<16xi32>
        %rem3A_335 = vector.broadcast %jit3A_314 : i32 to vector<16xi32>
        %rem3A_336 = arith.remsi %add3A_313, %rem3A_335 : vector<16xi32>
        %ne3A_337 = arith.constant 0 : i32
        %ne3A_338 = vector.broadcast %ne3A_337 : i32 to vector<16xi32>
        %ne3A_339 = arith.cmpi ne, %rem3A_336, %ne3A_338 : vector<16xi32>
        %and3A_340 = arith.andi %ne3A_334, %ne3A_339 : vector<16xi1>
        %sub3A_341 = arith.constant 1 : i32
        %sub3A_342 = vector.broadcast %sub3A_341 : i32 to vector<16xi32>
        %sub3A_343 = arith.subi %div3A_316, %sub3A_342 : vector<16xi32>
        %select_n3A_344 = arith.select %and3A_340, %sub3A_343, %div3A_316 : vector<16xi1>, vector<16xi32>
        %jit3A_345 = arith.constant 128 : i32
        %eq3A_346 = arith.constant 0 : i32
        %eq3A_347 = arith.cmpi eq, %jit3A_345, %eq3A_346 : i32
        %jit3A_348 = arith.constant 1 : i32
        %select_n3A_349 = arith.select %eq3A_347, %jit3A_348, %jit3A_345 : i32
        %rem3A_350 = vector.broadcast %select_n3A_349 : i32 to vector<16xi32>
        %rem3A_351 = arith.remsi %add3A_313, %rem3A_350 : vector<16xi32>
        %ne3A_352 = arith.constant 0 : i32
        %ne3A_353 = vector.broadcast %ne3A_352 : i32 to vector<16xi32>
        %ne3A_354 = arith.cmpi ne, %rem3A_351, %ne3A_353 : vector<16xi32>
        %lt3A_355 = arith.constant 0 : i32
        %lt3A_356 = vector.broadcast %lt3A_355 : i32 to vector<16xi32>
        %lt3A_357 = arith.cmpi slt, %rem3A_351, %lt3A_356 : vector<16xi32>
        %lt3A_358 = arith.constant 0 : i32
        %lt3A_359 = arith.cmpi slt, %select_n3A_349, %lt3A_358 : i32
        %ne3A_360 = vector.broadcast %lt3A_359 : i1 to vector<16xi1>
        %ne3A_361 = vector.broadcast %ne3A_360 : vector<16xi1> to vector<16xi1>
        %ne3A_362 = arith.xori %lt3A_357, %ne3A_361 : vector<16xi1>
        %and3A_363 = arith.andi %ne3A_362, %ne3A_354 : vector<16xi1>
        %add3A_364 = vector.broadcast %select_n3A_349 : i32 to vector<16xi32>
        %add3A_365 = arith.addi %rem3A_351, %add3A_364 : vector<16xi32>
        %select_n3A_366 = arith.select %and3A_363, %add3A_365, %rem3A_351 : vector<16xi1>, vector<16xi32>
        %gather3A = tpu.vector_load_idx %arg8[%select_n3A_344, %select_n3A_366] : memref<8x128xi32, #tpu.memory_space<vmem>>[vector<16xi32>, vector<16xi32>], vector<16xi32>,
        %mul3A_367 = arith.constant 8 : i32
        %mul3A_368 = vector.broadcast %mul3A_367 : i32 to vector<16xi32>
        %mul3A_369 = arith.muli %gather3A, %mul3A_368 : vector<16xi32>
        %add3A_370 = arith.addi %mul3A_369, %select_n3A_43 : vector<16xi32>
        %gather3A_371 = tpu.vector_load_idx %arg7[%add3A_370] : memref<81920xf32, #tpu.memory_space<vmem>>[vector<16xi32>], vector<16xf32>,
        %add3A_372 = arith.constant 0 : i32
        %add3A_373 = arith.addi %add3A_372, %scan3A_306 : i32
        %mul3A_374 = arith.constant 16 : i32
        %mul3A_375 = arith.muli %mul3A_374, %add3A_373 : i32
        %get3A = arith.index_cast %mul3A_375 : i32 to index
        %get3A_376 = tpu.vector_load %arg9[%get3A] {strides = array<i32>} : memref<8192xf32, #tpu.memory_space<vmem>>, vector<16xf32>,
        %add3A_377 = arith.addf %get3A_376, %gather3A_371 : vector<16xf32>
        %mul3A_378 = arith.constant 2.000000e-01 : f32
        %mul3A_379 = vector.broadcast %mul3A_378 : f32 to vector<16xf32>
        %mul3A_380 = arith.mulf %mul3A_379, %add3A_377 : vector<16xf32>
        %max3A = arith.maximumf %add3A_377, %mul3A_380 : vector<16xf32>
        %exp3A = math.exp %max3A : vector<16xf32>
        %swap3A = arith.index_cast %mul3A_375 : i32 to index
        %swap3A_381 = tpu.vector_load %arg10[%swap3A] {strides = array<i32>} : memref<8192xf32, #tpu.memory_space<vmem>>, vector<16xf32>,
        tpu.vector_store %arg10[%swap3A], %exp3A {strides = array<i32>} : memref<8192xf32, #tpu.memory_space<vmem>>, vector<16xf32>,
        %mul3A_382 = arith.constant 2 : i32
        %mul3A_383 = arith.muli %mul3A_382, %scan3A_306 : i32
        %add3A_384 = vector.broadcast %mul3A_383 : i32 to vector<16xi32>
        %add3A_385 = arith.addi %add3A_384, %select_n3A : vector<16xi32>
        tpu.vector_store_idx %arg11[%add3A_385, %select_n3A_43], %exp3A : memref<512x16xf32, #tpu.memory_space<vmem>>[vector<16xi32>, vector<16xi32>], vector<16xf32>,
        %scan3A_386 = arith.constant 0 : i32
        scf.yield %scan3A_386 : i32
      }
      %scan3A_135 = arith.constant 256 : i32
      %dma_start3A_136 = arith.constant 0 : i32
      %dma_start3A_137 = arith.constant 0 : i32
      %dma_start3A_138 = arith.constant 0 : i32
      %dma_start3A_139 = tpu.memref_slice %arg11[%dma_start3A_137, %dma_start3A_138] : memref<512x16xf32, #tpu.memory_space<vmem>> -> memref<128x16xf32, #tpu.memory_space<vmem>>
      %dma_start3A_140 = arith.constant 0 : i32
      %dma_start3A_141 = tpu.memref_slice %arg8[%dma_start3A_136, %dma_start3A_140] : memref<8x128xi32, #tpu.memory_space<vmem>> -> memref<1x128xi32, #tpu.memory_space<vmem>>
      %dma_start3A_142 = tpu.memref_squeeze %dma_start3A_141 : memref<1x128xi32, #tpu.memory_space<vmem>> -> memref<128xi32, #tpu.memory_space<vmem>>
      %dma_start3A_143 = arith.constant 0 : i32
      %dma_start3A_144 = arith.constant 0 : i32
      %dma_start3A_145 = tpu.memref_slice %arg12[%dma_start3A_143, %dma_start3A_144] : memref<10240x16xf32, #tpu.memory_space<vmem_shared>> -> memref<10240x16xf32, #tpu.memory_space<vmem_shared>>
      tpu.enqueue_indirect_dma source(%dma_start3A_139 : memref<128x16xf32, #tpu.memory_space<vmem>>) target(%dma_start3A_145 : memref<10240x16xf32, #tpu.memory_space<vmem_shared>>) offsets(%dma_start3A_142 : memref<128xi32, #tpu.memory_space<vmem>>) semaphore(%arg13 : memref<!tpu.dma_semaphore, #tpu.memory_space<semaphore_mem>>) {add = true}
      %dma_start3A_146 = arith.constant 1 : i32
      %dma_start3A_147 = arith.constant 128 : i32
      %dma_start3A_148 = arith.constant 0 : i32
      %dma_start3A_149 = tpu.memref_slice %arg11[%dma_start3A_147, %dma_start3A_148] : memref<512x16xf32, #tpu.memory_space<vmem>> -> memref<128x16xf32, #tpu.memory_space<vmem>>
      %dma_start3A_150 = arith.constant 0 : i32
      %dma_start3A_151 = tpu.memref_slice %arg8[%dma_start3A_146, %dma_start3A_150] : memref<8x128xi32, #tpu.memory_space<vmem>> -> memref<1x128xi32, #tpu.memory_space<vmem>>
      %dma_start3A_152 = tpu.memref_squeeze %dma_start3A_151 : memref<1x128xi32, #tpu.memory_space<vmem>> -> memref<128xi32, #tpu.memory_space<vmem>>
      %dma_start3A_153 = arith.constant 0 : i32
      %dma_start3A_154 = arith.constant 0 : i32
      %dma_start3A_155 = tpu.memref_slice %arg12[%dma_start3A_153, %dma_start3A_154] : memref<10240x16xf32, #tpu.memory_space<vmem_shared>> -> memref<10240x16xf32, #tpu.memory_space<vmem_shared>>
      tpu.enqueue_indirect_dma source(%dma_start3A_149 : memref<128x16xf32, #tpu.memory_space<vmem>>) target(%dma_start3A_155 : memref<10240x16xf32, #tpu.memory_space<vmem_shared>>) offsets(%dma_start3A_152 : memref<128xi32, #tpu.memory_space<vmem>>) semaphore(%arg13 : memref<!tpu.dma_semaphore, #tpu.memory_space<semaphore_mem>>) {add = true}
      %dma_start3A_156 = arith.constant 2 : i32
      %dma_start3A_157 = arith.constant 256 : i32
      %dma_start3A_158 = arith.constant 0 : i32
      %dma_start3A_159 = tpu.memref_slice %arg11[%dma_start3A_157, %dma_start3A_158] : memref<512x16xf32, #tpu.memory_space<vmem>> -> memref<128x16xf32, #tpu.memory_space<vmem>>
      %dma_start3A_160 = arith.constant 0 : i32
      %dma_start3A_161 = tpu.memref_slice %arg8[%dma_start3A_156, %dma_start3A_160] : memref<8x128xi32, #tpu.memory_space<vmem>> -> memref<1x128xi32, #tpu.memory_space<vmem>>
      %dma_start3A_162 = tpu.memref_squeeze %dma_start3A_161 : memref<1x128xi32, #tpu.memory_space<vmem>> -> memref<128xi32, #tpu.memory_space<vmem>>
      %dma_start3A_163 = arith.constant 0 : i32
      %dma_start3A_164 = arith.constant 0 : i32
      %dma_start3A_165 = tpu.memref_slice %arg12[%dma_start3A_163, %dma_start3A_164] : memref<10240x16xf32, #tpu.memory_space<vmem_shared>> -> memref<10240x16xf32, #tpu.memory_space<vmem_shared>>
      tpu.enqueue_indirect_dma source(%dma_start3A_159 : memref<128x16xf32, #tpu.memory_space<vmem>>) target(%dma_start3A_165 : memref<10240x16xf32, #tpu.memory_space<vmem_shared>>) offsets(%dma_start3A_162 : memref<128xi32, #tpu.memory_space<vmem>>) semaphore(%arg13 : memref<!tpu.dma_semaphore, #tpu.memory_space<semaphore_mem>>) {add = true}
      %dma_start3A_166 = arith.constant 3 : i32
      %dma_start3A_167 = arith.constant 384 : i32
      %dma_start3A_168 = arith.constant 0 : i32
      %dma_start3A_169 = tpu.memref_slice %arg11[%dma_start3A_167, %dma_start3A_168] : memref<512x16xf32, #tpu.memory_space<vmem>> -> memref<128x16xf32, #tpu.memory_space<vmem>>
      %dma_start3A_170 = arith.constant 0 : i32
      %dma_start3A_171 = tpu.memref_slice %arg8[%dma_start3A_166, %dma_start3A_170] : memref<8x128xi32, #tpu.memory_space<vmem>> -> memref<1x128xi32, #tpu.memory_space<vmem>>
      %dma_start3A_172 = tpu.memref_squeeze %dma_start3A_171 : memref<1x128xi32, #tpu.memory_space<vmem>> -> memref<128xi32, #tpu.memory_space<vmem>>
      %dma_start3A_173 = arith.constant 0 : i32
      %dma_start3A_174 = arith.constant 0 : i32
      %dma_start3A_175 = tpu.memref_slice %arg12[%dma_start3A_173, %dma_start3A_174] : memref<10240x16xf32, #tpu.memory_space<vmem_shared>> -> memref<10240x16xf32, #tpu.memory_space<vmem_shared>>
      tpu.enqueue_indirect_dma source(%dma_start3A_169 : memref<128x16xf32, #tpu.memory_space<vmem>>) target(%dma_start3A_175 : memref<10240x16xf32, #tpu.memory_space<vmem_shared>>) offsets(%dma_start3A_172 : memref<128xi32, #tpu.memory_space<vmem>>) semaphore(%arg13 : memref<!tpu.dma_semaphore, #tpu.memory_space<semaphore_mem>>) {add = true}
      %dma_wait3A_176 = arith.constant 0 : i32
      %dma_wait3A_177 = arith.constant 0 : i32
      %dma_wait3A_178 = arith.constant 0 : i32
      %dma_wait3A_179 = tpu.memref_slice %arg11[%dma_wait3A_177, %dma_wait3A_178] : memref<512x16xf32, #tpu.memory_space<vmem>> -> memref<128x16xf32, #tpu.memory_space<vmem>>
      %dma_wait3A_180 = arith.constant 0 : i32
      %dma_wait3A_181 = tpu.memref_slice %arg8[%dma_wait3A_176, %dma_wait3A_180] : memref<8x128xi32, #tpu.memory_space<vmem>> -> memref<1x128xi32, #tpu.memory_space<vmem>>
      %dma_wait3A_182 = tpu.memref_squeeze %dma_wait3A_181 : memref<1x128xi32, #tpu.memory_space<vmem>> -> memref<128xi32, #tpu.memory_space<vmem>>
      %dma_wait3A_183 = arith.constant 0 : i32
      %dma_wait3A_184 = arith.constant 0 : i32
      %dma_wait3A_185 = tpu.memref_slice %arg12[%dma_wait3A_183, %dma_wait3A_184] : memref<10240x16xf32, #tpu.memory_space<vmem_shared>> -> memref<10240x16xf32, #tpu.memory_space<vmem_shared>>
      tpu.wait_indirect_dma semaphore(%arg13 : memref<!tpu.dma_semaphore, #tpu.memory_space<semaphore_mem>>) src(%dma_wait3A_179 : memref<128x16xf32, #tpu.memory_space<vmem>>) dst(%dma_wait3A_185 : memref<10240x16xf32, #tpu.memory_space<vmem_shared>>)
      %dma_wait3A_186 = arith.constant 1 : i32
      %dma_wait3A_187 = arith.constant 128 : i32
      %dma_wait3A_188 = arith.constant 0 : i32
      %dma_wait3A_189 = tpu.memref_slice %arg11[%dma_wait3A_187, %dma_wait3A_188] : memref<512x16xf32, #tpu.memory_space<vmem>> -> memref<128x16xf32, #tpu.memory_space<vmem>>
      %dma_wait3A_190 = arith.constant 0 : i32
      %dma_wait3A_191 = tpu.memref_slice %arg8[%dma_wait3A_186, %dma_wait3A_190] : memref<8x128xi32, #tpu.memory_space<vmem>> -> memref<1x128xi32, #tpu.memory_space<vmem>>
      %dma_wait3A_192 = tpu.memref_squeeze %dma_wait3A_191 : memref<1x128xi32, #tpu.memory_space<vmem>> -> memref<128xi32, #tpu.memory_space<vmem>>
      %dma_wait3A_193 = arith.constant 0 : i32
      %dma_wait3A_194 = arith.constant 0 : i32
      %dma_wait3A_195 = tpu.memref_slice %arg12[%dma_wait3A_193, %dma_wait3A_194] : memref<10240x16xf32, #tpu.memory_space<vmem_shared>> -> memref<10240x16xf32, #tpu.memory_space<vmem_shared>>
      tpu.wait_indirect_dma semaphore(%arg13 : memref<!tpu.dma_semaphore, #tpu.memory_space<semaphore_mem>>) src(%dma_wait3A_189 : memref<128x16xf32, #tpu.memory_space<vmem>>) dst(%dma_wait3A_195 : memref<10240x16xf32, #tpu.memory_space<vmem_shared>>)
      %dma_wait3A_196 = arith.constant 2 : i32
      %dma_wait3A_197 = arith.constant 256 : i32
      %dma_wait3A_198 = arith.constant 0 : i32
      %dma_wait3A_199 = tpu.memref_slice %arg11[%dma_wait3A_197, %dma_wait3A_198] : memref<512x16xf32, #tpu.memory_space<vmem>> -> memref<128x16xf32, #tpu.memory_space<vmem>>
      %dma_wait3A_200 = arith.constant 0 : i32
      %dma_wait3A_201 = tpu.memref_slice %arg8[%dma_wait3A_196, %dma_wait3A_200] : memref<8x128xi32, #tpu.memory_space<vmem>> -> memref<1x128xi32, #tpu.memory_space<vmem>>
      %dma_wait3A_202 = tpu.memref_squeeze %dma_wait3A_201 : memref<1x128xi32, #tpu.memory_space<vmem>> -> memref<128xi32, #tpu.memory_space<vmem>>
      %dma_wait3A_203 = arith.constant 0 : i32
      %dma_wait3A_204 = arith.constant 0 : i32
      %dma_wait3A_205 = tpu.memref_slice %arg12[%dma_wait3A_203, %dma_wait3A_204] : memref<10240x16xf32, #tpu.memory_space<vmem_shared>> -> memref<10240x16xf32, #tpu.memory_space<vmem_shared>>
      tpu.wait_indirect_dma semaphore(%arg13 : memref<!tpu.dma_semaphore, #tpu.memory_space<semaphore_mem>>) src(%dma_wait3A_199 : memref<128x16xf32, #tpu.memory_space<vmem>>) dst(%dma_wait3A_205 : memref<10240x16xf32, #tpu.memory_space<vmem_shared>>)
      %dma_wait3A_206 = arith.constant 3 : i32
      %dma_wait3A_207 = arith.constant 384 : i32
      %dma_wait3A_208 = arith.constant 0 : i32
      %dma_wait3A_209 = tpu.memref_slice %arg11[%dma_wait3A_207, %dma_wait3A_208] : memref<512x16xf32, #tpu.memory_space<vmem>> -> memref<128x16xf32, #tpu.memory_space<vmem>>
      %dma_wait3A_210 = arith.constant 0 : i32
      %dma_wait3A_211 = tpu.memref_slice %arg8[%dma_wait3A_206, %dma_wait3A_210] : memref<8x128xi32, #tpu.memory_space<vmem>> -> memref<1x128xi32, #tpu.memory_space<vmem>>
      %dma_wait3A_212 = tpu.memref_squeeze %dma_wait3A_211 : memref<1x128xi32, #tpu.memory_space<vmem>> -> memref<128xi32, #tpu.memory_space<vmem>>
      %dma_wait3A_213 = arith.constant 0 : i32
      %dma_wait3A_214 = arith.constant 0 : i32
      %dma_wait3A_215 = tpu.memref_slice %arg12[%dma_wait3A_213, %dma_wait3A_214] : memref<10240x16xf32, #tpu.memory_space<vmem_shared>> -> memref<10240x16xf32, #tpu.memory_space<vmem_shared>>
      tpu.wait_indirect_dma semaphore(%arg13 : memref<!tpu.dma_semaphore, #tpu.memory_space<semaphore_mem>>) src(%dma_wait3A_209 : memref<128x16xf32, #tpu.memory_space<vmem>>) dst(%dma_wait3A_215 : memref<10240x16xf32, #tpu.memory_space<vmem_shared>>)
      %scan3A_216 = arith.constant 0 : i32
      %scan3A_217 = arith.constant 0 : i32
      %scan3A_218 = arith.constant 256 : i32
      %scan3A_219 = arith.addi %scan3A_217, %scan3A_218 : i32
      %scan3A_220 = arith.constant 1 : i32
      %scan3A_221 = scf.for %scan3A_306 = %scan3A_217 to %scan3A_219 step %scan3A_220 iter_args(%scan3A_307 = %scan3A_216) -> (i32)  : i32 {
        %mul3A_308 = arith.constant 2 : i32
        %mul3A_309 = arith.muli %mul3A_308, %scan3A_306 : i32
        %add3A_310 = arith.constant 512 : i32
        %add3A_311 = arith.addi %add3A_310, %mul3A_309 : i32
        %add3A_312 = vector.broadcast %add3A_311 : i32 to vector<16xi32>
        %add3A_313 = arith.addi %add3A_312, %select_n3A : vector<16xi32>
        %jit3A_314 = arith.constant 128 : i32
        %div3A_315 = vector.broadcast %jit3A_314 : i32 to vector<16xi32>
        %div3A_316 = arith.divsi %add3A_313, %div3A_315 : vector<16xi32>
        %sign3A_317 = arith.constant 0 : i32
        %sign3A_318 = vector.broadcast %sign3A_317 : i32 to vector<16xi32>
        %sign3A_319 = arith.cmpi sgt, %add3A_313, %sign3A_318 : vector<16xi32>
        %sign3A_320 = arith.extui %sign3A_319 : vector<16xi1> to vector<16xi32>
        %sign3A_321 = arith.constant 0 : i32
        %sign3A_322 = vector.broadcast %sign3A_321 : i32 to vector<16xi32>
        %sign3A_323 = arith.cmpi slt, %add3A_313, %sign3A_322 : vector<16xi32>
        %sign3A_324 = arith.extui %sign3A_323 : vector<16xi1> to vector<16xi32>
        %sign3A_325 = arith.subi %sign3A_320, %sign3A_324 : vector<16xi32>
        %sign3A_326 = arith.constant 0 : i32
        %sign3A_327 = arith.cmpi sgt, %jit3A_314, %sign3A_326 : i32
        %sign3A_328 = arith.extui %sign3A_327 : i1 to i32
        %sign3A_329 = arith.constant 0 : i32
        %sign3A_330 = arith.cmpi slt, %jit3A_314, %sign3A_329 : i32
        %sign3A_331 = arith.extui %sign3A_330 : i1 to i32
        %sign3A_332 = arith.subi %sign3A_328, %sign3A_331 : i32
        %ne3A_333 = vector.broadcast %sign3A_332 : i32 to vector<16xi32>
        %ne3A_334 = arith.cmpi ne, %sign3A_325, %ne3A_333 : vector<16xi32>
        %rem3A_335 = vector.broadcast %jit3A_314 : i32 to vector<16xi32>
        %rem3A_336 = arith.remsi %add3A_313, %rem3A_335 : vector<16xi32>
        %ne3A_337 = arith.constant 0 : i32
        %ne3A_338 = vector.broadcast %ne3A_337 : i32 to vector<16xi32>
        %ne3A_339 = arith.cmpi ne, %rem3A_336, %ne3A_338 : vector<16xi32>
        %and3A_340 = arith.andi %ne3A_334, %ne3A_339 : vector<16xi1>
        %sub3A_341 = arith.constant 1 : i32
        %sub3A_342 = vector.broadcast %sub3A_341 : i32 to vector<16xi32>
        %sub3A_343 = arith.subi %div3A_316, %sub3A_342 : vector<16xi32>
        %select_n3A_344 = arith.select %and3A_340, %sub3A_343, %div3A_316 : vector<16xi1>, vector<16xi32>
        %jit3A_345 = arith.constant 128 : i32
        %eq3A_346 = arith.constant 0 : i32
        %eq3A_347 = arith.cmpi eq, %jit3A_345, %eq3A_346 : i32
        %jit3A_348 = arith.constant 1 : i32
        %select_n3A_349 = arith.select %eq3A_347, %jit3A_348, %jit3A_345 : i32
        %rem3A_350 = vector.broadcast %select_n3A_349 : i32 to vector<16xi32>
        %rem3A_351 = arith.remsi %add3A_313, %rem3A_350 : vector<16xi32>
        %ne3A_352 = arith.constant 0 : i32
        %ne3A_353 = vector.broadcast %ne3A_352 : i32 to vector<16xi32>
        %ne3A_354 = arith.cmpi ne, %rem3A_351, %ne3A_353 : vector<16xi32>
        %lt3A_355 = arith.constant 0 : i32
        %lt3A_356 = vector.broadcast %lt3A_355 : i32 to vector<16xi32>
        %lt3A_357 = arith.cmpi slt, %rem3A_351, %lt3A_356 : vector<16xi32>
        %lt3A_358 = arith.constant 0 : i32
        %lt3A_359 = arith.cmpi slt, %select_n3A_349, %lt3A_358 : i32
        %ne3A_360 = vector.broadcast %lt3A_359 : i1 to vector<16xi1>
        %ne3A_361 = vector.broadcast %ne3A_360 : vector<16xi1> to vector<16xi1>
        %ne3A_362 = arith.xori %lt3A_357, %ne3A_361 : vector<16xi1>
        %and3A_363 = arith.andi %ne3A_362, %ne3A_354 : vector<16xi1>
        %add3A_364 = vector.broadcast %select_n3A_349 : i32 to vector<16xi32>
        %add3A_365 = arith.addi %rem3A_351, %add3A_364 : vector<16xi32>
        %select_n3A_366 = arith.select %and3A_363, %add3A_365, %rem3A_351 : vector<16xi1>, vector<16xi32>
        %gather3A = tpu.vector_load_idx %arg8[%select_n3A_344, %select_n3A_366] : memref<8x128xi32, #tpu.memory_space<vmem>>[vector<16xi32>, vector<16xi32>], vector<16xi32>,
        %mul3A_367 = arith.constant 8 : i32
        %mul3A_368 = vector.broadcast %mul3A_367 : i32 to vector<16xi32>
        %mul3A_369 = arith.muli %gather3A, %mul3A_368 : vector<16xi32>
        %add3A_370 = arith.addi %mul3A_369, %select_n3A_43 : vector<16xi32>
        %gather3A_371 = tpu.vector_load_idx %arg7[%add3A_370] : memref<81920xf32, #tpu.memory_space<vmem>>[vector<16xi32>], vector<16xf32>,
        %add3A_372 = arith.constant 256 : i32
        %add3A_373 = arith.addi %add3A_372, %scan3A_306 : i32
        %mul3A_374 = arith.constant 16 : i32
        %mul3A_375 = arith.muli %mul3A_374, %add3A_373 : i32
        %get3A = arith.index_cast %mul3A_375 : i32 to index
        %get3A_376 = tpu.vector_load %arg9[%get3A] {strides = array<i32>} : memref<8192xf32, #tpu.memory_space<vmem>>, vector<16xf32>,
        %add3A_377 = arith.addf %get3A_376, %gather3A_371 : vector<16xf32>
        %mul3A_378 = arith.constant 2.000000e-01 : f32
        %mul3A_379 = vector.broadcast %mul3A_378 : f32 to vector<16xf32>
        %mul3A_380 = arith.mulf %mul3A_379, %add3A_377 : vector<16xf32>
        %max3A = arith.maximumf %add3A_377, %mul3A_380 : vector<16xf32>
        %exp3A = math.exp %max3A : vector<16xf32>
        %swap3A = arith.index_cast %mul3A_375 : i32 to index
        %swap3A_381 = tpu.vector_load %arg10[%swap3A] {strides = array<i32>} : memref<8192xf32, #tpu.memory_space<vmem>>, vector<16xf32>,
        tpu.vector_store %arg10[%swap3A], %exp3A {strides = array<i32>} : memref<8192xf32, #tpu.memory_space<vmem>>, vector<16xf32>,
        %mul3A_382 = arith.constant 2 : i32
        %mul3A_383 = arith.muli %mul3A_382, %scan3A_306 : i32
        %add3A_384 = vector.broadcast %mul3A_383 : i32 to vector<16xi32>
        %add3A_385 = arith.addi %add3A_384, %select_n3A : vector<16xi32>
        tpu.vector_store_idx %arg11[%add3A_385, %select_n3A_43], %exp3A : memref<512x16xf32, #tpu.memory_space<vmem>>[vector<16xi32>, vector<16xi32>], vector<16xf32>,
        %scan3A_386 = arith.constant 0 : i32
        scf.yield %scan3A_386 : i32
      }
      %scan3A_222 = arith.constant 256 : i32
      %dma_start3A_223 = arith.constant 4 : i32
      %dma_start3A_224 = arith.constant 0 : i32
      %dma_start3A_225 = arith.constant 0 : i32
      %dma_start3A_226 = tpu.memref_slice %arg11[%dma_start3A_224, %dma_start3A_225] : memref<512x16xf32, #tpu.memory_space<vmem>> -> memref<128x16xf32, #tpu.memory_space<vmem>>
      %dma_start3A_227 = arith.constant 0 : i32
      %dma_start3A_228 = tpu.memref_slice %arg8[%dma_start3A_223, %dma_start3A_227] : memref<8x128xi32, #tpu.memory_space<vmem>> -> memref<1x128xi32, #tpu.memory_space<vmem>>
      %dma_start3A_229 = tpu.memref_squeeze %dma_start3A_228 : memref<1x128xi32, #tpu.memory_space<vmem>> -> memref<128xi32, #tpu.memory_space<vmem>>
      %dma_start3A_230 = arith.constant 0 : i32
      %dma_start3A_231 = arith.constant 0 : i32
      %dma_start3A_232 = tpu.memref_slice %arg12[%dma_start3A_230, %dma_start3A_231] : memref<10240x16xf32, #tpu.memory_space<vmem_shared>> -> memref<10240x16xf32, #tpu.memory_space<vmem_shared>>
      tpu.enqueue_indirect_dma source(%dma_start3A_226 : memref<128x16xf32, #tpu.memory_space<vmem>>) target(%dma_start3A_232 : memref<10240x16xf32, #tpu.memory_space<vmem_shared>>) offsets(%dma_start3A_229 : memref<128xi32, #tpu.memory_space<vmem>>) semaphore(%arg13 : memref<!tpu.dma_semaphore, #tpu.memory_space<semaphore_mem>>) {add = true}
      %dma_start3A_233 = arith.constant 5 : i32
      %dma_start3A_234 = arith.constant 128 : i32
      %dma_start3A_235 = arith.constant 0 : i32
      %dma_start3A_236 = tpu.memref_slice %arg11[%dma_start3A_234, %dma_start3A_235] : memref<512x16xf32, #tpu.memory_space<vmem>> -> memref<128x16xf32, #tpu.memory_space<vmem>>
      %dma_start3A_237 = arith.constant 0 : i32
      %dma_start3A_238 = tpu.memref_slice %arg8[%dma_start3A_233, %dma_start3A_237] : memref<8x128xi32, #tpu.memory_space<vmem>> -> memref<1x128xi32, #tpu.memory_space<vmem>>
      %dma_start3A_239 = tpu.memref_squeeze %dma_start3A_238 : memref<1x128xi32, #tpu.memory_space<vmem>> -> memref<128xi32, #tpu.memory_space<vmem>>
      %dma_start3A_240 = arith.constant 0 : i32
      %dma_start3A_241 = arith.constant 0 : i32
      %dma_start3A_242 = tpu.memref_slice %arg12[%dma_start3A_240, %dma_start3A_241] : memref<10240x16xf32, #tpu.memory_space<vmem_shared>> -> memref<10240x16xf32, #tpu.memory_space<vmem_shared>>
      tpu.enqueue_indirect_dma source(%dma_start3A_236 : memref<128x16xf32, #tpu.memory_space<vmem>>) target(%dma_start3A_242 : memref<10240x16xf32, #tpu.memory_space<vmem_shared>>) offsets(%dma_start3A_239 : memref<128xi32, #tpu.memory_space<vmem>>) semaphore(%arg13 : memref<!tpu.dma_semaphore, #tpu.memory_space<semaphore_mem>>) {add = true}
      %dma_start3A_243 = arith.constant 6 : i32
      %dma_start3A_244 = arith.constant 256 : i32
      %dma_start3A_245 = arith.constant 0 : i32
      %dma_start3A_246 = tpu.memref_slice %arg11[%dma_start3A_244, %dma_start3A_245] : memref<512x16xf32, #tpu.memory_space<vmem>> -> memref<128x16xf32, #tpu.memory_space<vmem>>
      %dma_start3A_247 = arith.constant 0 : i32
      %dma_start3A_248 = tpu.memref_slice %arg8[%dma_start3A_243, %dma_start3A_247] : memref<8x128xi32, #tpu.memory_space<vmem>> -> memref<1x128xi32, #tpu.memory_space<vmem>>
      %dma_start3A_249 = tpu.memref_squeeze %dma_start3A_248 : memref<1x128xi32, #tpu.memory_space<vmem>> -> memref<128xi32, #tpu.memory_space<vmem>>
      %dma_start3A_250 = arith.constant 0 : i32
      %dma_start3A_251 = arith.constant 0 : i32
      %dma_start3A_252 = tpu.memref_slice %arg12[%dma_start3A_250, %dma_start3A_251] : memref<10240x16xf32, #tpu.memory_space<vmem_shared>> -> memref<10240x16xf32, #tpu.memory_space<vmem_shared>>
      tpu.enqueue_indirect_dma source(%dma_start3A_246 : memref<128x16xf32, #tpu.memory_space<vmem>>) target(%dma_start3A_252 : memref<10240x16xf32, #tpu.memory_space<vmem_shared>>) offsets(%dma_start3A_249 : memref<128xi32, #tpu.memory_space<vmem>>) semaphore(%arg13 : memref<!tpu.dma_semaphore, #tpu.memory_space<semaphore_mem>>) {add = true}
      %dma_start3A_253 = arith.constant 7 : i32
      %dma_start3A_254 = arith.constant 384 : i32
      %dma_start3A_255 = arith.constant 0 : i32
      %dma_start3A_256 = tpu.memref_slice %arg11[%dma_start3A_254, %dma_start3A_255] : memref<512x16xf32, #tpu.memory_space<vmem>> -> memref<128x16xf32, #tpu.memory_space<vmem>>
      %dma_start3A_257 = arith.constant 0 : i32
      %dma_start3A_258 = tpu.memref_slice %arg8[%dma_start3A_253, %dma_start3A_257] : memref<8x128xi32, #tpu.memory_space<vmem>> -> memref<1x128xi32, #tpu.memory_space<vmem>>
      %dma_start3A_259 = tpu.memref_squeeze %dma_start3A_258 : memref<1x128xi32, #tpu.memory_space<vmem>> -> memref<128xi32, #tpu.memory_space<vmem>>
      %dma_start3A_260 = arith.constant 0 : i32
      %dma_start3A_261 = arith.constant 0 : i32
      %dma_start3A_262 = tpu.memref_slice %arg12[%dma_start3A_260, %dma_start3A_261] : memref<10240x16xf32, #tpu.memory_space<vmem_shared>> -> memref<10240x16xf32, #tpu.memory_space<vmem_shared>>
      tpu.enqueue_indirect_dma source(%dma_start3A_256 : memref<128x16xf32, #tpu.memory_space<vmem>>) target(%dma_start3A_262 : memref<10240x16xf32, #tpu.memory_space<vmem_shared>>) offsets(%dma_start3A_259 : memref<128xi32, #tpu.memory_space<vmem>>) semaphore(%arg13 : memref<!tpu.dma_semaphore, #tpu.memory_space<semaphore_mem>>) {add = true}
      %dma_wait3A_263 = arith.constant 4 : i32
      %dma_wait3A_264 = arith.constant 0 : i32
      %dma_wait3A_265 = arith.constant 0 : i32
      %dma_wait3A_266 = tpu.memref_slice %arg11[%dma_wait3A_264, %dma_wait3A_265] : memref<512x16xf32, #tpu.memory_space<vmem>> -> memref<128x16xf32, #tpu.memory_space<vmem>>
      %dma_wait3A_267 = arith.constant 0 : i32
      %dma_wait3A_268 = tpu.memref_slice %arg8[%dma_wait3A_263, %dma_wait3A_267] : memref<8x128xi32, #tpu.memory_space<vmem>> -> memref<1x128xi32, #tpu.memory_space<vmem>>
      %dma_wait3A_269 = tpu.memref_squeeze %dma_wait3A_268 : memref<1x128xi32, #tpu.memory_space<vmem>> -> memref<128xi32, #tpu.memory_space<vmem>>
      %dma_wait3A_270 = arith.constant 0 : i32
      %dma_wait3A_271 = arith.constant 0 : i32
      %dma_wait3A_272 = tpu.memref_slice %arg12[%dma_wait3A_270, %dma_wait3A_271] : memref<10240x16xf32, #tpu.memory_space<vmem_shared>> -> memref<10240x16xf32, #tpu.memory_space<vmem_shared>>
      tpu.wait_indirect_dma semaphore(%arg13 : memref<!tpu.dma_semaphore, #tpu.memory_space<semaphore_mem>>) src(%dma_wait3A_266 : memref<128x16xf32, #tpu.memory_space<vmem>>) dst(%dma_wait3A_272 : memref<10240x16xf32, #tpu.memory_space<vmem_shared>>)
      %dma_wait3A_273 = arith.constant 5 : i32
      %dma_wait3A_274 = arith.constant 128 : i32
      %dma_wait3A_275 = arith.constant 0 : i32
      %dma_wait3A_276 = tpu.memref_slice %arg11[%dma_wait3A_274, %dma_wait3A_275] : memref<512x16xf32, #tpu.memory_space<vmem>> -> memref<128x16xf32, #tpu.memory_space<vmem>>
      %dma_wait3A_277 = arith.constant 0 : i32
      %dma_wait3A_278 = tpu.memref_slice %arg8[%dma_wait3A_273, %dma_wait3A_277] : memref<8x128xi32, #tpu.memory_space<vmem>> -> memref<1x128xi32, #tpu.memory_space<vmem>>
      %dma_wait3A_279 = tpu.memref_squeeze %dma_wait3A_278 : memref<1x128xi32, #tpu.memory_space<vmem>> -> memref<128xi32, #tpu.memory_space<vmem>>
      %dma_wait3A_280 = arith.constant 0 : i32
      %dma_wait3A_281 = arith.constant 0 : i32
      %dma_wait3A_282 = tpu.memref_slice %arg12[%dma_wait3A_280, %dma_wait3A_281] : memref<10240x16xf32, #tpu.memory_space<vmem_shared>> -> memref<10240x16xf32, #tpu.memory_space<vmem_shared>>
      tpu.wait_indirect_dma semaphore(%arg13 : memref<!tpu.dma_semaphore, #tpu.memory_space<semaphore_mem>>) src(%dma_wait3A_276 : memref<128x16xf32, #tpu.memory_space<vmem>>) dst(%dma_wait3A_282 : memref<10240x16xf32, #tpu.memory_space<vmem_shared>>)
      %dma_wait3A_283 = arith.constant 6 : i32
      %dma_wait3A_284 = arith.constant 256 : i32
      %dma_wait3A_285 = arith.constant 0 : i32
      %dma_wait3A_286 = tpu.memref_slice %arg11[%dma_wait3A_284, %dma_wait3A_285] : memref<512x16xf32, #tpu.memory_space<vmem>> -> memref<128x16xf32, #tpu.memory_space<vmem>>
      %dma_wait3A_287 = arith.constant 0 : i32
      %dma_wait3A_288 = tpu.memref_slice %arg8[%dma_wait3A_283, %dma_wait3A_287] : memref<8x128xi32, #tpu.memory_space<vmem>> -> memref<1x128xi32, #tpu.memory_space<vmem>>
      %dma_wait3A_289 = tpu.memref_squeeze %dma_wait3A_288 : memref<1x128xi32, #tpu.memory_space<vmem>> -> memref<128xi32, #tpu.memory_space<vmem>>
      %dma_wait3A_290 = arith.constant 0 : i32
      %dma_wait3A_291 = arith.constant 0 : i32
      %dma_wait3A_292 = tpu.memref_slice %arg12[%dma_wait3A_290, %dma_wait3A_291] : memref<10240x16xf32, #tpu.memory_space<vmem_shared>> -> memref<10240x16xf32, #tpu.memory_space<vmem_shared>>
      tpu.wait_indirect_dma semaphore(%arg13 : memref<!tpu.dma_semaphore, #tpu.memory_space<semaphore_mem>>) src(%dma_wait3A_286 : memref<128x16xf32, #tpu.memory_space<vmem>>) dst(%dma_wait3A_292 : memref<10240x16xf32, #tpu.memory_space<vmem_shared>>)
      %dma_wait3A_293 = arith.constant 7 : i32
      %dma_wait3A_294 = arith.constant 384 : i32
      %dma_wait3A_295 = arith.constant 0 : i32
      %dma_wait3A_296 = tpu.memref_slice %arg11[%dma_wait3A_294, %dma_wait3A_295] : memref<512x16xf32, #tpu.memory_space<vmem>> -> memref<128x16xf32, #tpu.memory_space<vmem>>
      %dma_wait3A_297 = arith.constant 0 : i32
      %dma_wait3A_298 = tpu.memref_slice %arg8[%dma_wait3A_293, %dma_wait3A_297] : memref<8x128xi32, #tpu.memory_space<vmem>> -> memref<1x128xi32, #tpu.memory_space<vmem>>
      %dma_wait3A_299 = tpu.memref_squeeze %dma_wait3A_298 : memref<1x128xi32, #tpu.memory_space<vmem>> -> memref<128xi32, #tpu.memory_space<vmem>>
      %dma_wait3A_300 = arith.constant 0 : i32
      %dma_wait3A_301 = arith.constant 0 : i32
      %dma_wait3A_302 = tpu.memref_slice %arg12[%dma_wait3A_300, %dma_wait3A_301] : memref<10240x16xf32, #tpu.memory_space<vmem_shared>> -> memref<10240x16xf32, #tpu.memory_space<vmem_shared>>
      tpu.wait_indirect_dma semaphore(%arg13 : memref<!tpu.dma_semaphore, #tpu.memory_space<semaphore_mem>>) src(%dma_wait3A_296 : memref<128x16xf32, #tpu.memory_space<vmem>>) dst(%dma_wait3A_302 : memref<10240x16xf32, #tpu.memory_space<vmem_shared>>)
      %mul3A_303 = arith.constant 8 : i32
      %mul3A_304 = arith.muli %mul3A_303, %add3A_111 : i32
      "tpu.region"() ({
        %run_scoped3A = tpu.sem_alloc : memref<!tpu.dma_semaphore, #tpu.memory_space<semaphore_mem>>
        %dma_start3A_306 = tpu.memref_slice %arg5[%mul3A_304] : memref<2621440xf32, #tpu.memory_space<hbm>> -> memref<8192xf32, #tpu.memory_space<hbm>>
        %dma_start3A_307 = tpu.memref_slice %arg5[%mul3A_304] : memref<2621440xf32, #tpu.memory_space<hbm>> -> memref<8192xf32, #tpu.memory_space<hbm>>
        tpu.enqueue_dma source(%arg10 : memref<8192xf32, #tpu.memory_space<vmem>>) target(%dma_start3A_307 : memref<8192xf32, #tpu.memory_space<hbm>>) target_semaphore(%run_scoped3A : memref<!tpu.dma_semaphore, #tpu.memory_space<semaphore_mem>>)
        %dma_wait3A_308 = tpu.memref_slice %arg5[%mul3A_304] : memref<2621440xf32, #tpu.memory_space<hbm>> -> memref<8192xf32, #tpu.memory_space<hbm>>
        %dma_wait3A_309 = tpu.memref_slice %arg5[%mul3A_304] : memref<2621440xf32, #tpu.memory_space<hbm>> -> memref<8192xf32, #tpu.memory_space<hbm>>
        tpu.wait_dma2 semaphore(%run_scoped3A : memref<!tpu.dma_semaphore, #tpu.memory_space<semaphore_mem>>) src(%arg10 : memref<8192xf32, #tpu.memory_space<vmem>>) dst(%dma_wait3A_309 : memref<8192xf32, #tpu.memory_space<hbm>>)
        tpu.yield
      }) : () -> ()
      %scan3A_305 = arith.constant 0 : i32
      scf.yield %scan3A_305 : i32
    }
    %scan3A_63 = arith.constant 10 : i32
    %barrier3A_64 = arith.constant 0 : index
    tpu.barrier barrier_id(%barrier3A_64)
    %mul3A_65 = arith.constant 640 : i32
    %mul3A_66 = arith.muli %arg1, %mul3A_65 : i32
    %add3A_67 = arith.constant 0 : i32
    %add3A_68 = arith.addi %mul3A_66, %add3A_67 : i32
    "tpu.region"() ({
      %run_scoped3A = tpu.sem_alloc : memref<!tpu.dma_semaphore, #tpu.memory_space<semaphore_mem>>
      %dma_start3A = arith.constant 0 : i32
      %dma_start3A_105 = arith.constant 0 : i32
      %dma_start3A_106 = tpu.memref_slice %arg11[%dma_start3A, %dma_start3A_105] : memref<512x16xf32, #tpu.memory_space<vmem>> -> memref<512x16xf32, #tpu.memory_space<vmem>>
      %dma_start3A_107 = arith.constant 0 : i32
      %dma_start3A_108 = tpu.memref_slice %arg12[%add3A_68, %dma_start3A_107] : memref<10240x16xf32, #tpu.memory_space<vmem_shared>> -> memref<512x16xf32, #tpu.memory_space<vmem_shared>>
      %dma_start3A_109 = arith.constant 0 : i32
      %dma_start3A_110 = arith.constant 0 : i32
      %dma_start3A_111 = tpu.memref_slice %arg11[%dma_start3A_109, %dma_start3A_110] : memref<512x16xf32, #tpu.memory_space<vmem>> -> memref<512x16xf32, #tpu.memory_space<vmem>>
      %dma_start3A_112 = arith.constant 0 : i32
      %dma_start3A_113 = tpu.memref_slice %arg12[%add3A_68, %dma_start3A_112] : memref<10240x16xf32, #tpu.memory_space<vmem_shared>> -> memref<512x16xf32, #tpu.memory_space<vmem_shared>>
      tpu.enqueue_dma source(%dma_start3A_113 : memref<512x16xf32, #tpu.memory_space<vmem_shared>>) target(%dma_start3A_111 : memref<512x16xf32, #tpu.memory_space<vmem>>) target_semaphore(%run_scoped3A : memref<!tpu.dma_semaphore, #tpu.memory_space<semaphore_mem>>)
      %dma_wait3A = arith.constant 0 : i32
      %dma_wait3A_114 = arith.constant 0 : i32
      %dma_wait3A_115 = tpu.memref_slice %arg11[%dma_wait3A, %dma_wait3A_114] : memref<512x16xf32, #tpu.memory_space<vmem>> -> memref<512x16xf32, #tpu.memory_space<vmem>>
      %dma_wait3A_116 = arith.constant 0 : i32
      %dma_wait3A_117 = tpu.memref_slice %arg12[%add3A_68, %dma_wait3A_116] : memref<10240x16xf32, #tpu.memory_space<vmem_shared>> -> memref<512x16xf32, #tpu.memory_space<vmem_shared>>
      %dma_wait3A_118 = arith.constant 0 : i32
      %dma_wait3A_119 = arith.constant 0 : i32
      %dma_wait3A_120 = tpu.memref_slice %arg11[%dma_wait3A_118, %dma_wait3A_119] : memref<512x16xf32, #tpu.memory_space<vmem>> -> memref<512x16xf32, #tpu.memory_space<vmem>>
      %dma_wait3A_121 = arith.constant 0 : i32
      %dma_wait3A_122 = tpu.memref_slice %arg12[%add3A_68, %dma_wait3A_121] : memref<10240x16xf32, #tpu.memory_space<vmem_shared>> -> memref<512x16xf32, #tpu.memory_space<vmem_shared>>
      tpu.wait_dma2 semaphore(%run_scoped3A : memref<!tpu.dma_semaphore, #tpu.memory_space<semaphore_mem>>) src(%dma_wait3A_122 : memref<512x16xf32, #tpu.memory_space<vmem_shared>>) dst(%dma_wait3A_120 : memref<512x16xf32, #tpu.memory_space<vmem>>)
      tpu.yield
    }) : () -> ()
    %scan3A_69 = arith.constant 0 : i32
    %scan3A_70 = arith.constant 0 : i32
    %scan3A_71 = arith.constant 512 : i32
    %scan3A_72 = arith.addi %scan3A_70, %scan3A_71 : i32
    %scan3A_73 = arith.constant 1 : i32
    %scan3A_74 = scf.for %scan3A_105 = %scan3A_70 to %scan3A_72 step %scan3A_73 iter_args(%scan3A_106 = %scan3A_69) -> (i32)  : i32 {
      %get3A = arith.index_cast %scan3A_105 : i32 to index
      %get3A_107 = arith.constant 0 : index
      %get3A_108 = tpu.vector_load %arg11[%get3A, %get3A_107] {strides = array<i32>} : memref<512x16xf32, #tpu.memory_space<vmem>>, vector<16xf32>,
      %mul3A_109 = arith.constant 16 : i32
      %mul3A_110 = arith.muli %mul3A_109, %scan3A_105 : i32
      %swap3A = arith.index_cast %mul3A_110 : i32 to index
      %swap3A_111 = tpu.vector_load %arg9[%swap3A] {strides = array<i32>} : memref<8192xf32, #tpu.memory_space<vmem>>, vector<16xf32>,
      tpu.vector_store %arg9[%swap3A], %get3A_108 {strides = array<i32>} : memref<8192xf32, #tpu.memory_space<vmem>>, vector<16xf32>,
      %scan3A_112 = arith.constant 0 : i32
      scf.yield %scan3A_112 : i32
    }
    %scan3A_75 = arith.constant 512 : i32
    %mul3A_76 = arith.constant 10240 : i32
    %mul3A_77 = arith.muli %arg0, %mul3A_76 : i32
    %mul3A_78 = arith.constant 16 : i32
    %mul3A_79 = arith.muli %mul3A_77, %mul3A_78 : i32
    %mul3A_80 = arith.constant 10240 : i32
    %mul3A_81 = arith.muli %arg1, %mul3A_80 : i32
    %add3A_82 = arith.addi %mul3A_79, %mul3A_81 : i32
    %add3A_83 = arith.constant 0 : i32
    %add3A_84 = arith.addi %add3A_82, %add3A_83 : i32
    "tpu.region"() ({
      %run_scoped3A = tpu.sem_alloc : memref<!tpu.dma_semaphore, #tpu.memory_space<semaphore_mem>>
      %dma_start3A = arith.constant 0 : i32
      %dma_start3A_105 = tpu.memref_slice %arg9[%dma_start3A] : memref<8192xf32, #tpu.memory_space<vmem>> -> memref<8192xf32, #tpu.memory_space<vmem>>
      %dma_start3A_106 = tpu.memref_slice %arg6[%add3A_84] : memref<327680xf32, #tpu.memory_space<hbm>> -> memref<8192xf32, #tpu.memory_space<hbm>>
      %dma_start3A_107 = tpu.memref_slice %arg6[%add3A_84] : memref<327680xf32, #tpu.memory_space<hbm>> -> memref<8192xf32, #tpu.memory_space<hbm>>
      %dma_start3A_108 = arith.constant 0 : i32
      %dma_start3A_109 = tpu.memref_slice %arg9[%dma_start3A_108] : memref<8192xf32, #tpu.memory_space<vmem>> -> memref<8192xf32, #tpu.memory_space<vmem>>
      tpu.enqueue_dma source(%dma_start3A_109 : memref<8192xf32, #tpu.memory_space<vmem>>) target(%dma_start3A_107 : memref<8192xf32, #tpu.memory_space<hbm>>) target_semaphore(%run_scoped3A : memref<!tpu.dma_semaphore, #tpu.memory_space<semaphore_mem>>)
      %dma_wait3A = arith.constant 0 : i32
      %dma_wait3A_110 = tpu.memref_slice %arg9[%dma_wait3A] : memref<8192xf32, #tpu.memory_space<vmem>> -> memref<8192xf32, #tpu.memory_space<vmem>>
      %dma_wait3A_111 = tpu.memref_slice %arg6[%add3A_84] : memref<327680xf32, #tpu.memory_space<hbm>> -> memref<8192xf32, #tpu.memory_space<hbm>>
      %dma_wait3A_112 = tpu.memref_slice %arg6[%add3A_84] : memref<327680xf32, #tpu.memory_space<hbm>> -> memref<8192xf32, #tpu.memory_space<hbm>>
      %dma_wait3A_113 = arith.constant 0 : i32
      %dma_wait3A_114 = tpu.memref_slice %arg9[%dma_wait3A_113] : memref<8192xf32, #tpu.memory_space<vmem>> -> memref<8192xf32, #tpu.memory_space<vmem>>
      tpu.wait_dma2 semaphore(%run_scoped3A : memref<!tpu.dma_semaphore, #tpu.memory_space<semaphore_mem>>) src(%dma_wait3A_114 : memref<8192xf32, #tpu.memory_space<vmem>>) dst(%dma_wait3A_112 : memref<8192xf32, #tpu.memory_space<hbm>>)
      tpu.yield
    }) : () -> ()
    %mul3A_85 = arith.constant 640 : i32
    %mul3A_86 = arith.muli %arg1, %mul3A_85 : i32
    %add3A_87 = arith.constant 512 : i32
    %add3A_88 = arith.addi %mul3A_86, %add3A_87 : i32
    "tpu.region"() ({
      %run_scoped3A = tpu.sem_alloc : memref<!tpu.dma_semaphore, #tpu.memory_space<semaphore_mem>>
      %dma_start3A = arith.constant 0 : i32
      %dma_start3A_105 = arith.constant 0 : i32
      %dma_start3A_106 = tpu.memref_slice %arg11[%dma_start3A, %dma_start3A_105] : memref<512x16xf32, #tpu.memory_space<vmem>> -> memref<128x16xf32, #tpu.memory_space<vmem>>
      %dma_start3A_107 = arith.constant 0 : i32
      %dma_start3A_108 = tpu.memref_slice %arg12[%add3A_88, %dma_start3A_107] : memref<10240x16xf32, #tpu.memory_space<vmem_shared>> -> memref<128x16xf32, #tpu.memory_space<vmem_shared>>
      %dma_start3A_109 = arith.constant 0 : i32
      %dma_start3A_110 = arith.constant 0 : i32
      %dma_start3A_111 = tpu.memref_slice %arg11[%dma_start3A_109, %dma_start3A_110] : memref<512x16xf32, #tpu.memory_space<vmem>> -> memref<128x16xf32, #tpu.memory_space<vmem>>
      %dma_start3A_112 = arith.constant 0 : i32
      %dma_start3A_113 = tpu.memref_slice %arg12[%add3A_88, %dma_start3A_112] : memref<10240x16xf32, #tpu.memory_space<vmem_shared>> -> memref<128x16xf32, #tpu.memory_space<vmem_shared>>
      tpu.enqueue_dma source(%dma_start3A_113 : memref<128x16xf32, #tpu.memory_space<vmem_shared>>) target(%dma_start3A_111 : memref<128x16xf32, #tpu.memory_space<vmem>>) target_semaphore(%run_scoped3A : memref<!tpu.dma_semaphore, #tpu.memory_space<semaphore_mem>>)
      %dma_wait3A = arith.constant 0 : i32
      %dma_wait3A_114 = arith.constant 0 : i32
      %dma_wait3A_115 = tpu.memref_slice %arg11[%dma_wait3A, %dma_wait3A_114] : memref<512x16xf32, #tpu.memory_space<vmem>> -> memref<128x16xf32, #tpu.memory_space<vmem>>
      %dma_wait3A_116 = arith.constant 0 : i32
      %dma_wait3A_117 = tpu.memref_slice %arg12[%add3A_88, %dma_wait3A_116] : memref<10240x16xf32, #tpu.memory_space<vmem_shared>> -> memref<128x16xf32, #tpu.memory_space<vmem_shared>>
      %dma_wait3A_118 = arith.constant 0 : i32
      %dma_wait3A_119 = arith.constant 0 : i32
      %dma_wait3A_120 = tpu.memref_slice %arg11[%dma_wait3A_118, %dma_wait3A_119] : memref<512x16xf32, #tpu.memory_space<vmem>> -> memref<128x16xf32, #tpu.memory_space<vmem>>
      %dma_wait3A_121 = arith.constant 0 : i32
      %dma_wait3A_122 = tpu.memref_slice %arg12[%add3A_88, %dma_wait3A_121] : memref<10240x16xf32, #tpu.memory_space<vmem_shared>> -> memref<128x16xf32, #tpu.memory_space<vmem_shared>>
      tpu.wait_dma2 semaphore(%run_scoped3A : memref<!tpu.dma_semaphore, #tpu.memory_space<semaphore_mem>>) src(%dma_wait3A_122 : memref<128x16xf32, #tpu.memory_space<vmem_shared>>) dst(%dma_wait3A_120 : memref<128x16xf32, #tpu.memory_space<vmem>>)
      tpu.yield
    }) : () -> ()
    %scan3A_89 = arith.constant 0 : i32
    %scan3A_90 = arith.constant 0 : i32
    %scan3A_91 = arith.constant 128 : i32
    %scan3A_92 = arith.addi %scan3A_90, %scan3A_91 : i32
    %scan3A_93 = arith.constant 1 : i32
    %scan3A_94 = scf.for %scan3A_105 = %scan3A_90 to %scan3A_92 step %scan3A_93 iter_args(%scan3A_106 = %scan3A_89) -> (i32)  : i32 {
      %get3A = arith.index_cast %scan3A_105 : i32 to index
      %get3A_107 = arith.constant 0 : index
      %get3A_108 = tpu.vector_load %arg11[%get3A, %get3A_107] {strides = array<i32>} : memref<512x16xf32, #tpu.memory_space<vmem>>, vector<16xf32>,
      %mul3A_109 = arith.constant 16 : i32
      %mul3A_110 = arith.muli %mul3A_109, %scan3A_105 : i32
      %swap3A = arith.index_cast %mul3A_110 : i32 to index
      %swap3A_111 = tpu.vector_load %arg9[%swap3A] {strides = array<i32>} : memref<8192xf32, #tpu.memory_space<vmem>>, vector<16xf32>,
      tpu.vector_store %arg9[%swap3A], %get3A_108 {strides = array<i32>} : memref<8192xf32, #tpu.memory_space<vmem>>, vector<16xf32>,
      %scan3A_112 = arith.constant 0 : i32
      scf.yield %scan3A_112 : i32
    }
    %scan3A_95 = arith.constant 128 : i32
    %mul3A_96 = arith.constant 10240 : i32
    %mul3A_97 = arith.muli %arg0, %mul3A_96 : i32
    %mul3A_98 = arith.constant 16 : i32
    %mul3A_99 = arith.muli %mul3A_97, %mul3A_98 : i32
    %mul3A_100 = arith.constant 10240 : i32
    %mul3A_101 = arith.muli %arg1, %mul3A_100 : i32
    %add3A_102 = arith.addi %mul3A_99, %mul3A_101 : i32
    %add3A_103 = arith.constant 8192 : i32
    %add3A_104 = arith.addi %add3A_102, %add3A_103 : i32
    "tpu.region"() ({
      %run_scoped3A = tpu.sem_alloc : memref<!tpu.dma_semaphore, #tpu.memory_space<semaphore_mem>>
      %dma_start3A = arith.constant 0 : i32
      %dma_start3A_105 = tpu.memref_slice %arg9[%dma_start3A] : memref<8192xf32, #tpu.memory_space<vmem>> -> memref<2048xf32, #tpu.memory_space<vmem>>
      %dma_start3A_106 = tpu.memref_slice %arg6[%add3A_104] : memref<327680xf32, #tpu.memory_space<hbm>> -> memref<2048xf32, #tpu.memory_space<hbm>>
      %dma_start3A_107 = tpu.memref_slice %arg6[%add3A_104] : memref<327680xf32, #tpu.memory_space<hbm>> -> memref<2048xf32, #tpu.memory_space<hbm>>
      %dma_start3A_108 = arith.constant 0 : i32
      %dma_start3A_109 = tpu.memref_slice %arg9[%dma_start3A_108] : memref<8192xf32, #tpu.memory_space<vmem>> -> memref<2048xf32, #tpu.memory_space<vmem>>
      tpu.enqueue_dma source(%dma_start3A_109 : memref<2048xf32, #tpu.memory_space<vmem>>) target(%dma_start3A_107 : memref<2048xf32, #tpu.memory_space<hbm>>) target_semaphore(%run_scoped3A : memref<!tpu.dma_semaphore, #tpu.memory_space<semaphore_mem>>)
      %dma_wait3A = arith.constant 0 : i32
      %dma_wait3A_110 = tpu.memref_slice %arg9[%dma_wait3A] : memref<8192xf32, #tpu.memory_space<vmem>> -> memref<2048xf32, #tpu.memory_space<vmem>>
      %dma_wait3A_111 = tpu.memref_slice %arg6[%add3A_104] : memref<327680xf32, #tpu.memory_space<hbm>> -> memref<2048xf32, #tpu.memory_space<hbm>>
      %dma_wait3A_112 = tpu.memref_slice %arg6[%add3A_104] : memref<327680xf32, #tpu.memory_space<hbm>> -> memref<2048xf32, #tpu.memory_space<hbm>>
      %dma_wait3A_113 = arith.constant 0 : i32
      %dma_wait3A_114 = tpu.memref_slice %arg9[%dma_wait3A_113] : memref<8192xf32, #tpu.memory_space<vmem>> -> memref<2048xf32, #tpu.memory_space<vmem>>
      tpu.wait_dma2 semaphore(%run_scoped3A : memref<!tpu.dma_semaphore, #tpu.memory_space<semaphore_mem>>) src(%dma_wait3A_114 : memref<2048xf32, #tpu.memory_space<vmem>>) dst(%dma_wait3A_112 : memref<2048xf32, #tpu.memory_space<hbm>>)
      tpu.yield
    }) : () -> ()
    return
  }
}

#map = affine_map<(d0, d1) -> (0)>
#map1 = affine_map<(d0, d1) -> (0, 0)>
module attributes {stable_mosaic.version = 14 : i64} {
  func.func @_p1c_body(%arg0: i32, %arg1: i32, %arg2: memref<81920xf32, #tpu.memory_space<hbm>>, %arg3: memref<2560x128xi32, #tpu.memory_space<hbm>>, %arg4: memref<2621440xf32, #tpu.memory_space<hbm>>, %arg5: memref<2622464xf32, #tpu.memory_space<hbm>>, %arg6: memref<81920xf32, #tpu.memory_space<vmem>>, %arg7: memref<8x128xi32, #tpu.memory_space<vmem>>, %arg8: memref<8192xf32, #tpu.memory_space<vmem>>, %arg9: memref<8192xf32, #tpu.memory_space<vmem>>, %arg10: memref<!tpu.dma_semaphore, #tpu.memory_space<semaphore_mem>>) attributes {dimension_semantics = [#tpu.dimension_semantics<core_parallel>, #tpu.dimension_semantics<subcore_parallel>], iteration_bounds = array<i64: 2, 16>, scalar_prefetch = 0 : i64, scratch_operands = 5 : i64, tpu.core_type = #tpu.core_type<sc_vector_subcore>, window_params = [{transform_indices = #map}, {transform_indices = #map1}, {transform_indices = #map}, {transform_indices = #map}]} {
    %mul3A = arith.constant 16 : i32
    %mul3A_0 = arith.muli %arg0, %mul3A : i32
    %add3A = arith.addi %mul3A_0, %arg1 : i32
    %iota3A = tpu.iota {dimensions = array<i32: 0>} : vector<16xi32>
    %jit3A = arith.constant 8 : i32
    %div3A = vector.broadcast %jit3A : i32 to vector<16xi32>
    %div3A_1 = arith.divsi %iota3A, %div3A : vector<16xi32>
    %sign3A = arith.constant 0 : i32
    %sign3A_2 = vector.broadcast %sign3A : i32 to vector<16xi32>
    %sign3A_3 = arith.cmpi sgt, %iota3A, %sign3A_2 : vector<16xi32>
    %sign3A_4 = arith.extui %sign3A_3 : vector<16xi1> to vector<16xi32>
    %sign3A_5 = arith.constant 0 : i32
    %sign3A_6 = vector.broadcast %sign3A_5 : i32 to vector<16xi32>
    %sign3A_7 = arith.cmpi slt, %iota3A, %sign3A_6 : vector<16xi32>
    %sign3A_8 = arith.extui %sign3A_7 : vector<16xi1> to vector<16xi32>
    %sign3A_9 = arith.subi %sign3A_4, %sign3A_8 : vector<16xi32>
    %sign3A_10 = arith.constant 0 : i32
    %sign3A_11 = arith.cmpi sgt, %jit3A, %sign3A_10 : i32
    %sign3A_12 = arith.extui %sign3A_11 : i1 to i32
    %sign3A_13 = arith.constant 0 : i32
    %sign3A_14 = arith.cmpi slt, %jit3A, %sign3A_13 : i32
    %sign3A_15 = arith.extui %sign3A_14 : i1 to i32
    %sign3A_16 = arith.subi %sign3A_12, %sign3A_15 : i32
    %ne3A = vector.broadcast %sign3A_16 : i32 to vector<16xi32>
    %ne3A_17 = arith.cmpi ne, %sign3A_9, %ne3A : vector<16xi32>
    %rem3A = vector.broadcast %jit3A : i32 to vector<16xi32>
    %rem3A_18 = arith.remsi %iota3A, %rem3A : vector<16xi32>
    %ne3A_19 = arith.constant 0 : i32
    %ne3A_20 = vector.broadcast %ne3A_19 : i32 to vector<16xi32>
    %ne3A_21 = arith.cmpi ne, %rem3A_18, %ne3A_20 : vector<16xi32>
    %and3A = arith.andi %ne3A_17, %ne3A_21 : vector<16xi1>
    %sub3A = arith.constant 1 : i32
    %sub3A_22 = vector.broadcast %sub3A : i32 to vector<16xi32>
    %sub3A_23 = arith.subi %div3A_1, %sub3A_22 : vector<16xi32>
    %select_n3A = arith.select %and3A, %sub3A_23, %div3A_1 : vector<16xi1>, vector<16xi32>
    %jit3A_24 = arith.constant 8 : i32
    %eq3A = arith.constant 0 : i32
    %eq3A_25 = arith.cmpi eq, %jit3A_24, %eq3A : i32
    %jit3A_26 = arith.constant 1 : i32
    %select_n3A_27 = arith.select %eq3A_25, %jit3A_26, %jit3A_24 : i32
    %rem3A_28 = vector.broadcast %select_n3A_27 : i32 to vector<16xi32>
    %rem3A_29 = arith.remsi %iota3A, %rem3A_28 : vector<16xi32>
    %ne3A_30 = arith.constant 0 : i32
    %ne3A_31 = vector.broadcast %ne3A_30 : i32 to vector<16xi32>
    %ne3A_32 = arith.cmpi ne, %rem3A_29, %ne3A_31 : vector<16xi32>
    %lt3A = arith.constant 0 : i32
    %lt3A_33 = vector.broadcast %lt3A : i32 to vector<16xi32>
    %lt3A_34 = arith.cmpi slt, %rem3A_29, %lt3A_33 : vector<16xi32>
    %lt3A_35 = arith.constant 0 : i32
    %lt3A_36 = arith.cmpi slt, %select_n3A_27, %lt3A_35 : i32
    %ne3A_37 = vector.broadcast %lt3A_36 : i1 to vector<16xi1>
    %ne3A_38 = vector.broadcast %ne3A_37 : vector<16xi1> to vector<16xi1>
    %ne3A_39 = arith.xori %lt3A_34, %ne3A_38 : vector<16xi1>
    %and3A_40 = arith.andi %ne3A_39, %ne3A_32 : vector<16xi1>
    %add3A_41 = vector.broadcast %select_n3A_27 : i32 to vector<16xi32>
    %add3A_42 = arith.addi %rem3A_29, %add3A_41 : vector<16xi32>
    %select_n3A_43 = arith.select %and3A_40, %add3A_42, %rem3A_29 : vector<16xi1>, vector<16xi32>
    "tpu.region"() ({
      %run_scoped3A = tpu.sem_alloc : memref<!tpu.dma_semaphore, #tpu.memory_space<semaphore_mem>>
      tpu.enqueue_dma source(%arg2 : memref<81920xf32, #tpu.memory_space<hbm>>) target(%arg6 : memref<81920xf32, #tpu.memory_space<vmem>>) target_semaphore(%run_scoped3A : memref<!tpu.dma_semaphore, #tpu.memory_space<semaphore_mem>>)
      tpu.wait_dma2 semaphore(%run_scoped3A : memref<!tpu.dma_semaphore, #tpu.memory_space<semaphore_mem>>) src(%arg2 : memref<81920xf32, #tpu.memory_space<hbm>>) dst(%arg6 : memref<81920xf32, #tpu.memory_space<vmem>>)
      tpu.yield
    }) : () -> ()
    %scan3A = arith.constant 0 : i32
    %scan3A_44 = arith.constant 0 : i32
    %scan3A_45 = arith.constant 10 : i32
    %scan3A_46 = arith.addi %scan3A_44, %scan3A_45 : i32
    %scan3A_47 = arith.constant 1 : i32
    %scan3A_48 = scf.for %scan3A_50 = %scan3A_44 to %scan3A_46 step %scan3A_47 iter_args(%scan3A_51 = %scan3A) -> (i32)  : i32 {
      %mul3A_52 = arith.constant 10240 : i32
      %mul3A_53 = arith.muli %add3A, %mul3A_52 : i32
      %mul3A_54 = arith.constant 1024 : i32
      %mul3A_55 = arith.muli %scan3A_50, %mul3A_54 : i32
      %add3A_56 = arith.addi %mul3A_53, %mul3A_55 : i32
      %mul3A_57 = arith.constant 80 : i32
      %mul3A_58 = arith.muli %add3A, %mul3A_57 : i32
      %mul3A_59 = arith.constant 8 : i32
      %mul3A_60 = arith.muli %mul3A_59, %scan3A_50 : i32
      %add3A_61 = arith.addi %mul3A_58, %mul3A_60 : i32
      %dma_start3A = arith.constant 0 : i32
      %dma_start3A_62 = tpu.memref_slice %arg3[%add3A_61, %dma_start3A] : memref<2560x128xi32, #tpu.memory_space<hbm>> -> memref<8x128xi32, #tpu.memory_space<hbm>>
      %dma_start3A_63 = arith.constant 0 : i32
      %dma_start3A_64 = tpu.memref_slice %arg3[%add3A_61, %dma_start3A_63] : memref<2560x128xi32, #tpu.memory_space<hbm>> -> memref<8x128xi32, #tpu.memory_space<hbm>>
      tpu.enqueue_dma source(%dma_start3A_64 : memref<8x128xi32, #tpu.memory_space<hbm>>) target(%arg7 : memref<8x128xi32, #tpu.memory_space<vmem>>) target_semaphore(%arg10 : memref<!tpu.dma_semaphore, #tpu.memory_space<semaphore_mem>>)
      %mul3A_65 = arith.constant 8 : i32
      %mul3A_66 = arith.muli %mul3A_65, %add3A_56 : i32
      %dma_start3A_67 = tpu.memref_slice %arg4[%mul3A_66] : memref<2621440xf32, #tpu.memory_space<hbm>> -> memref<8192xf32, #tpu.memory_space<hbm>>
      %dma_start3A_68 = tpu.memref_slice %arg4[%mul3A_66] : memref<2621440xf32, #tpu.memory_space<hbm>> -> memref<8192xf32, #tpu.memory_space<hbm>>
      tpu.enqueue_dma source(%dma_start3A_68 : memref<8192xf32, #tpu.memory_space<hbm>>) target(%arg8 : memref<8192xf32, #tpu.memory_space<vmem>>) target_semaphore(%arg10 : memref<!tpu.dma_semaphore, #tpu.memory_space<semaphore_mem>>)
      %dma_wait3A = arith.constant 0 : i32
      %dma_wait3A_69 = tpu.memref_slice %arg3[%add3A_61, %dma_wait3A] : memref<2560x128xi32, #tpu.memory_space<hbm>> -> memref<8x128xi32, #tpu.memory_space<hbm>>
      %dma_wait3A_70 = arith.constant 0 : i32
      %dma_wait3A_71 = tpu.memref_slice %arg3[%add3A_61, %dma_wait3A_70] : memref<2560x128xi32, #tpu.memory_space<hbm>> -> memref<8x128xi32, #tpu.memory_space<hbm>>
      tpu.wait_dma2 semaphore(%arg10 : memref<!tpu.dma_semaphore, #tpu.memory_space<semaphore_mem>>) src(%dma_wait3A_71 : memref<8x128xi32, #tpu.memory_space<hbm>>) dst(%arg7 : memref<8x128xi32, #tpu.memory_space<vmem>>)
      %dma_wait3A_72 = tpu.memref_slice %arg4[%mul3A_66] : memref<2621440xf32, #tpu.memory_space<hbm>> -> memref<8192xf32, #tpu.memory_space<hbm>>
      %dma_wait3A_73 = tpu.memref_slice %arg4[%mul3A_66] : memref<2621440xf32, #tpu.memory_space<hbm>> -> memref<8192xf32, #tpu.memory_space<hbm>>
      tpu.wait_dma2 semaphore(%arg10 : memref<!tpu.dma_semaphore, #tpu.memory_space<semaphore_mem>>) src(%dma_wait3A_73 : memref<8192xf32, #tpu.memory_space<hbm>>) dst(%arg8 : memref<8192xf32, #tpu.memory_space<vmem>>)
      %parallel_loop3A = arith.constant 0 : i32
      %parallel_loop3A_74 = arith.constant 512 : i32
      %parallel_loop3A_75 = arith.constant 1 : i32
      scf.for %parallel_loop3A_79 = %parallel_loop3A to %parallel_loop3A_74 step %parallel_loop3A_75  : i32 {
        %parallel_loop3A_80 = arith.constant 2 : i32
        %parallel_loop3A_81 = arith.muli %parallel_loop3A_80, %parallel_loop3A_79 : i32
        %parallel_loop3A_82 = vector.broadcast %parallel_loop3A_81 : i32 to vector<16xi32>
        %parallel_loop3A_83 = arith.addi %parallel_loop3A_82, %select_n3A : vector<16xi32>
        %parallel_loop3A_84 = arith.constant 128 : i32
        %parallel_loop3A_85 = vector.broadcast %parallel_loop3A_84 : i32 to vector<16xi32>
        %parallel_loop3A_86 = arith.divsi %parallel_loop3A_83, %parallel_loop3A_85 : vector<16xi32>
        %parallel_loop3A_87 = arith.constant 0 : i32
        %parallel_loop3A_88 = vector.broadcast %parallel_loop3A_87 : i32 to vector<16xi32>
        %parallel_loop3A_89 = arith.cmpi sgt, %parallel_loop3A_83, %parallel_loop3A_88 : vector<16xi32>
        %parallel_loop3A_90 = arith.extui %parallel_loop3A_89 : vector<16xi1> to vector<16xi32>
        %parallel_loop3A_91 = arith.constant 0 : i32
        %parallel_loop3A_92 = vector.broadcast %parallel_loop3A_91 : i32 to vector<16xi32>
        %parallel_loop3A_93 = arith.cmpi slt, %parallel_loop3A_83, %parallel_loop3A_92 : vector<16xi32>
        %parallel_loop3A_94 = arith.extui %parallel_loop3A_93 : vector<16xi1> to vector<16xi32>
        %parallel_loop3A_95 = arith.subi %parallel_loop3A_90, %parallel_loop3A_94 : vector<16xi32>
        %parallel_loop3A_96 = arith.constant 0 : i32
        %parallel_loop3A_97 = arith.cmpi sgt, %parallel_loop3A_84, %parallel_loop3A_96 : i32
        %parallel_loop3A_98 = arith.extui %parallel_loop3A_97 : i1 to i32
        %parallel_loop3A_99 = arith.constant 0 : i32
        %parallel_loop3A_100 = arith.cmpi slt, %parallel_loop3A_84, %parallel_loop3A_99 : i32
        %parallel_loop3A_101 = arith.extui %parallel_loop3A_100 : i1 to i32
        %parallel_loop3A_102 = arith.subi %parallel_loop3A_98, %parallel_loop3A_101 : i32
        %parallel_loop3A_103 = vector.broadcast %parallel_loop3A_102 : i32 to vector<16xi32>
        %parallel_loop3A_104 = arith.cmpi ne, %parallel_loop3A_95, %parallel_loop3A_103 : vector<16xi32>
        %parallel_loop3A_105 = vector.broadcast %parallel_loop3A_84 : i32 to vector<16xi32>
        %parallel_loop3A_106 = arith.remsi %parallel_loop3A_83, %parallel_loop3A_105 : vector<16xi32>
        %parallel_loop3A_107 = arith.constant 0 : i32
        %parallel_loop3A_108 = vector.broadcast %parallel_loop3A_107 : i32 to vector<16xi32>
        %parallel_loop3A_109 = arith.cmpi ne, %parallel_loop3A_106, %parallel_loop3A_108 : vector<16xi32>
        %parallel_loop3A_110 = arith.andi %parallel_loop3A_104, %parallel_loop3A_109 : vector<16xi1>
        %parallel_loop3A_111 = arith.constant 1 : i32
        %parallel_loop3A_112 = vector.broadcast %parallel_loop3A_111 : i32 to vector<16xi32>
        %parallel_loop3A_113 = arith.subi %parallel_loop3A_86, %parallel_loop3A_112 : vector<16xi32>
        %parallel_loop3A_114 = arith.select %parallel_loop3A_110, %parallel_loop3A_113, %parallel_loop3A_86 : vector<16xi1>, vector<16xi32>
        %parallel_loop3A_115 = arith.constant 128 : i32
        %parallel_loop3A_116 = arith.constant 0 : i32
        %parallel_loop3A_117 = arith.cmpi eq, %parallel_loop3A_115, %parallel_loop3A_116 : i32
        %parallel_loop3A_118 = arith.constant 1 : i32
        %parallel_loop3A_119 = arith.select %parallel_loop3A_117, %parallel_loop3A_118, %parallel_loop3A_115 : i32
        %parallel_loop3A_120 = vector.broadcast %parallel_loop3A_119 : i32 to vector<16xi32>
        %parallel_loop3A_121 = arith.remsi %parallel_loop3A_83, %parallel_loop3A_120 : vector<16xi32>
        %parallel_loop3A_122 = arith.constant 0 : i32
        %parallel_loop3A_123 = vector.broadcast %parallel_loop3A_122 : i32 to vector<16xi32>
        %parallel_loop3A_124 = arith.cmpi ne, %parallel_loop3A_121, %parallel_loop3A_123 : vector<16xi32>
        %parallel_loop3A_125 = arith.constant 0 : i32
        %parallel_loop3A_126 = vector.broadcast %parallel_loop3A_125 : i32 to vector<16xi32>
        %parallel_loop3A_127 = arith.cmpi slt, %parallel_loop3A_121, %parallel_loop3A_126 : vector<16xi32>
        %parallel_loop3A_128 = arith.constant 0 : i32
        %parallel_loop3A_129 = arith.cmpi slt, %parallel_loop3A_119, %parallel_loop3A_128 : i32
        %parallel_loop3A_130 = vector.broadcast %parallel_loop3A_129 : i1 to vector<16xi1>
        %parallel_loop3A_131 = vector.broadcast %parallel_loop3A_130 : vector<16xi1> to vector<16xi1>
        %parallel_loop3A_132 = arith.xori %parallel_loop3A_127, %parallel_loop3A_131 : vector<16xi1>
        %parallel_loop3A_133 = arith.andi %parallel_loop3A_132, %parallel_loop3A_124 : vector<16xi1>
        %parallel_loop3A_134 = vector.broadcast %parallel_loop3A_119 : i32 to vector<16xi32>
        %parallel_loop3A_135 = arith.addi %parallel_loop3A_121, %parallel_loop3A_134 : vector<16xi32>
        %parallel_loop3A_136 = arith.select %parallel_loop3A_133, %parallel_loop3A_135, %parallel_loop3A_121 : vector<16xi1>, vector<16xi32>
        %parallel_loop3A_137 = tpu.vector_load_idx %arg7[%parallel_loop3A_114, %parallel_loop3A_136] : memref<8x128xi32, #tpu.memory_space<vmem>>[vector<16xi32>, vector<16xi32>], vector<16xi32>,
        %parallel_loop3A_138 = arith.constant 8 : i32
        %parallel_loop3A_139 = vector.broadcast %parallel_loop3A_138 : i32 to vector<16xi32>
        %parallel_loop3A_140 = arith.muli %parallel_loop3A_137, %parallel_loop3A_139 : vector<16xi32>
        %parallel_loop3A_141 = arith.addi %parallel_loop3A_140, %select_n3A_43 : vector<16xi32>
        %parallel_loop3A_142 = tpu.vector_load_idx %arg6[%parallel_loop3A_141] : memref<81920xf32, #tpu.memory_space<vmem>>[vector<16xi32>], vector<16xf32>,
        %parallel_loop3A_143 = arith.constant 16 : i32
        %parallel_loop3A_144 = arith.muli %parallel_loop3A_143, %parallel_loop3A_79 : i32
        %parallel_loop3A_145 = arith.index_cast %parallel_loop3A_144 : i32 to index
        %parallel_loop3A_146 = tpu.vector_load %arg8[%parallel_loop3A_145] {strides = array<i32>} : memref<8192xf32, #tpu.memory_space<vmem>>, vector<16xf32>,
        %parallel_loop3A_147 = arith.mulf %parallel_loop3A_146, %parallel_loop3A_142 : vector<16xf32>
        %parallel_loop3A_148 = arith.constant 16 : i32
        %parallel_loop3A_149 = arith.muli %parallel_loop3A_148, %parallel_loop3A_79 : i32
        %parallel_loop3A_150 = arith.index_cast %parallel_loop3A_149 : i32 to index
        %parallel_loop3A_151 = tpu.vector_load %arg9[%parallel_loop3A_150] {strides = array<i32>} : memref<8192xf32, #tpu.memory_space<vmem>>, vector<16xf32>,
        tpu.vector_store %arg9[%parallel_loop3A_150], %parallel_loop3A_147 {strides = array<i32>} : memref<8192xf32, #tpu.memory_space<vmem>>, vector<16xf32>,
      } {sc.loop_unroll_factor = 4 : i64, sc.parallel_access}
      %mul3A_76 = arith.constant 8 : i32
      %mul3A_77 = arith.muli %mul3A_76, %add3A_56 : i32
      "tpu.region"() ({
        %run_scoped3A = tpu.sem_alloc : memref<!tpu.dma_semaphore, #tpu.memory_space<semaphore_mem>>
        %dma_start3A_79 = tpu.memref_slice %arg5[%mul3A_77] : memref<2622464xf32, #tpu.memory_space<hbm>> -> memref<8192xf32, #tpu.memory_space<hbm>>
        %dma_start3A_80 = tpu.memref_slice %arg5[%mul3A_77] : memref<2622464xf32, #tpu.memory_space<hbm>> -> memref<8192xf32, #tpu.memory_space<hbm>>
        tpu.enqueue_dma source(%arg9 : memref<8192xf32, #tpu.memory_space<vmem>>) target(%dma_start3A_80 : memref<8192xf32, #tpu.memory_space<hbm>>) target_semaphore(%run_scoped3A : memref<!tpu.dma_semaphore, #tpu.memory_space<semaphore_mem>>)
        %dma_wait3A_81 = tpu.memref_slice %arg5[%mul3A_77] : memref<2622464xf32, #tpu.memory_space<hbm>> -> memref<8192xf32, #tpu.memory_space<hbm>>
        %dma_wait3A_82 = tpu.memref_slice %arg5[%mul3A_77] : memref<2622464xf32, #tpu.memory_space<hbm>> -> memref<8192xf32, #tpu.memory_space<hbm>>
        tpu.wait_dma2 semaphore(%run_scoped3A : memref<!tpu.dma_semaphore, #tpu.memory_space<semaphore_mem>>) src(%arg9 : memref<8192xf32, #tpu.memory_space<vmem>>) dst(%dma_wait3A_82 : memref<8192xf32, #tpu.memory_space<hbm>>)
        tpu.yield
      }) : () -> ()
      %scan3A_78 = arith.constant 0 : i32
      scf.yield %scan3A_78 : i32
    }
    %scan3A_49 = arith.constant 10 : i32
    return
  }
}

#map = affine_map<(d0, d1) -> (0, 0)>
#map1 = affine_map<(d0, d1) -> (0)>
#map2 = affine_map<(d0, d1) -> (0, 0, 0)>
module attributes {stable_mosaic.version = 14 : i64} {
  func.func @_p2_body(%arg0: i32, %arg1: i32, %arg2: memref<10240x128xf32, #tpu.memory_space<hbm>>, %arg3: memref<2622464xf32, #tpu.memory_space<hbm>>, %arg4: memref<2560x128xi32, #tpu.memory_space<hbm>>, %arg5: memref<2560x128xi32, #tpu.memory_space<hbm>>, %arg6: memref<2x10240x128xf32, #tpu.memory_space<hbm>>, %arg7: memref<8x128xi32, #tpu.memory_space<vmem>>, %arg8: memref<2x8x128xi32, #tpu.memory_space<vmem>>, %arg9: memref<128x128xf32, #tpu.memory_space<vmem>>, %arg10: memref<128x128xf32, #tpu.memory_space<vmem>>, %arg11: memref<1024xf32, #tpu.memory_space<vmem>>, %arg12: memref<1024xf32, #tpu.memory_space<vmem>>, %arg13: memref<32x128xf32, #tpu.memory_space<vmem>>, %arg14: memref<10240x128xf32, #tpu.memory_space<vmem_shared>>, %arg15: memref<!tpu.dma_semaphore, #tpu.memory_space<semaphore_mem>>, %arg16: memref<!tpu.dma_semaphore, #tpu.memory_space<semaphore_mem>>, %arg17: memref<!tpu.dma_semaphore, #tpu.memory_space<semaphore_mem>>, %arg18: memref<!tpu.dma_semaphore, #tpu.memory_space<semaphore_mem>>, %arg19: memref<!tpu.dma_semaphore, #tpu.memory_space<semaphore_mem>>, %arg20: memref<!tpu.dma_semaphore, #tpu.memory_space<semaphore_mem>>) attributes {dimension_semantics = [#tpu.dimension_semantics<core_parallel>, #tpu.dimension_semantics<subcore_parallel>], iteration_bounds = array<i64: 2, 16>, scalar_prefetch = 0 : i64, scratch_operands = 14 : i64, tpu.core_type = #tpu.core_type<sc_vector_subcore>, window_params = [{transform_indices = #map}, {transform_indices = #map1}, {transform_indices = #map}, {transform_indices = #map}, {transform_indices = #map2}]} {
    %mul3A = arith.constant 16 : i32
    %mul3A_0 = arith.muli %arg0, %mul3A : i32
    %add3A = arith.addi %mul3A_0, %arg1 : i32
    %broadcast_in_dim3A = arith.constant 0.000000e+00 : f32
    %broadcast_in_dim3A_1 = vector.broadcast %broadcast_in_dim3A : f32 to vector<16xf32>
    %scan3A = arith.constant 0 : i32
    %scan3A_2 = arith.constant 0 : i32
    %scan3A_3 = arith.constant 32 : i32
    %scan3A_4 = arith.addi %scan3A_2, %scan3A_3 : i32
    %scan3A_5 = arith.constant 1 : i32
    %scan3A_6 = scf.for %scan3A_139 = %scan3A_2 to %scan3A_4 step %scan3A_5 iter_args(%scan3A_140 = %scan3A) -> (i32)  : i32 {
      %swap3A = arith.index_cast %scan3A_139 : i32 to index
      %swap3A_141 = arith.constant 0 : index
      %swap3A_142 = tpu.vector_load %arg13[%swap3A, %swap3A_141] {strides = array<i32>} : memref<32x128xf32, #tpu.memory_space<vmem>>, vector<16xf32>,
      tpu.vector_store %arg13[%swap3A, %swap3A_141], %broadcast_in_dim3A_1 {strides = array<i32>} : memref<32x128xf32, #tpu.memory_space<vmem>>, vector<16xf32>,
      %swap3A_143 = arith.index_cast %scan3A_139 : i32 to index
      %swap3A_144 = arith.constant 16 : index
      %swap3A_145 = tpu.vector_load %arg13[%swap3A_143, %swap3A_144] {strides = array<i32>} : memref<32x128xf32, #tpu.memory_space<vmem>>, vector<16xf32>,
      tpu.vector_store %arg13[%swap3A_143, %swap3A_144], %broadcast_in_dim3A_1 {strides = array<i32>} : memref<32x128xf32, #tpu.memory_space<vmem>>, vector<16xf32>,
      %swap3A_146 = arith.index_cast %scan3A_139 : i32 to index
      %swap3A_147 = arith.constant 32 : index
      %swap3A_148 = tpu.vector_load %arg13[%swap3A_146, %swap3A_147] {strides = array<i32>} : memref<32x128xf32, #tpu.memory_space<vmem>>, vector<16xf32>,
      tpu.vector_store %arg13[%swap3A_146, %swap3A_147], %broadcast_in_dim3A_1 {strides = array<i32>} : memref<32x128xf32, #tpu.memory_space<vmem>>, vector<16xf32>,
      %swap3A_149 = arith.index_cast %scan3A_139 : i32 to index
      %swap3A_150 = arith.constant 48 : index
      %swap3A_151 = tpu.vector_load %arg13[%swap3A_149, %swap3A_150] {strides = array<i32>} : memref<32x128xf32, #tpu.memory_space<vmem>>, vector<16xf32>,
      tpu.vector_store %arg13[%swap3A_149, %swap3A_150], %broadcast_in_dim3A_1 {strides = array<i32>} : memref<32x128xf32, #tpu.memory_space<vmem>>, vector<16xf32>,
      %swap3A_152 = arith.index_cast %scan3A_139 : i32 to index
      %swap3A_153 = arith.constant 64 : index
      %swap3A_154 = tpu.vector_load %arg13[%swap3A_152, %swap3A_153] {strides = array<i32>} : memref<32x128xf32, #tpu.memory_space<vmem>>, vector<16xf32>,
      tpu.vector_store %arg13[%swap3A_152, %swap3A_153], %broadcast_in_dim3A_1 {strides = array<i32>} : memref<32x128xf32, #tpu.memory_space<vmem>>, vector<16xf32>,
      %swap3A_155 = arith.index_cast %scan3A_139 : i32 to index
      %swap3A_156 = arith.constant 80 : index
      %swap3A_157 = tpu.vector_load %arg13[%swap3A_155, %swap3A_156] {strides = array<i32>} : memref<32x128xf32, #tpu.memory_space<vmem>>, vector<16xf32>,
      tpu.vector_store %arg13[%swap3A_155, %swap3A_156], %broadcast_in_dim3A_1 {strides = array<i32>} : memref<32x128xf32, #tpu.memory_space<vmem>>, vector<16xf32>,
      %swap3A_158 = arith.index_cast %scan3A_139 : i32 to index
      %swap3A_159 = arith.constant 96 : index
      %swap3A_160 = tpu.vector_load %arg13[%swap3A_158, %swap3A_159] {strides = array<i32>} : memref<32x128xf32, #tpu.memory_space<vmem>>, vector<16xf32>,
      tpu.vector_store %arg13[%swap3A_158, %swap3A_159], %broadcast_in_dim3A_1 {strides = array<i32>} : memref<32x128xf32, #tpu.memory_space<vmem>>, vector<16xf32>,
      %swap3A_161 = arith.index_cast %scan3A_139 : i32 to index
      %swap3A_162 = arith.constant 112 : index
      %swap3A_163 = tpu.vector_load %arg13[%swap3A_161, %swap3A_162] {strides = array<i32>} : memref<32x128xf32, #tpu.memory_space<vmem>>, vector<16xf32>,
      tpu.vector_store %arg13[%swap3A_161, %swap3A_162], %broadcast_in_dim3A_1 {strides = array<i32>} : memref<32x128xf32, #tpu.memory_space<vmem>>, vector<16xf32>,
      %scan3A_164 = arith.constant 0 : i32
      scf.yield %scan3A_164 : i32
    }
    %scan3A_7 = arith.constant 32 : i32
    %mul3A_8 = arith.constant 640 : i32
    %mul3A_9 = arith.muli %arg1, %mul3A_8 : i32
    %add3A_10 = arith.constant 0 : i32
    %add3A_11 = arith.addi %mul3A_9, %add3A_10 : i32
    "tpu.region"() ({
      %run_scoped3A_139 = tpu.sem_alloc : memref<!tpu.dma_semaphore, #tpu.memory_space<semaphore_mem>>
      %dma_start3A_140 = arith.constant 0 : i32
      %dma_start3A_141 = tpu.memref_slice %arg14[%add3A_11, %dma_start3A_140] : memref<10240x128xf32, #tpu.memory_space<vmem_shared>> -> memref<32x128xf32, #tpu.memory_space<vmem_shared>>
      %dma_start3A_142 = arith.constant 0 : i32
      %dma_start3A_143 = tpu.memref_slice %arg14[%add3A_11, %dma_start3A_142] : memref<10240x128xf32, #tpu.memory_space<vmem_shared>> -> memref<32x128xf32, #tpu.memory_space<vmem_shared>>
      tpu.enqueue_dma source(%arg13 : memref<32x128xf32, #tpu.memory_space<vmem>>) target(%dma_start3A_143 : memref<32x128xf32, #tpu.memory_space<vmem_shared>>) target_semaphore(%run_scoped3A_139 : memref<!tpu.dma_semaphore, #tpu.memory_space<semaphore_mem>>)
      %dma_wait3A_144 = arith.constant 0 : i32
      %dma_wait3A_145 = tpu.memref_slice %arg14[%add3A_11, %dma_wait3A_144] : memref<10240x128xf32, #tpu.memory_space<vmem_shared>> -> memref<32x128xf32, #tpu.memory_space<vmem_shared>>
      %dma_wait3A_146 = arith.constant 0 : i32
      %dma_wait3A_147 = tpu.memref_slice %arg14[%add3A_11, %dma_wait3A_146] : memref<10240x128xf32, #tpu.memory_space<vmem_shared>> -> memref<32x128xf32, #tpu.memory_space<vmem_shared>>
      tpu.wait_dma2 semaphore(%run_scoped3A_139 : memref<!tpu.dma_semaphore, #tpu.memory_space<semaphore_mem>>) src(%arg13 : memref<32x128xf32, #tpu.memory_space<vmem>>) dst(%dma_wait3A_147 : memref<32x128xf32, #tpu.memory_space<vmem_shared>>)
      tpu.yield
    }) : () -> ()
    %mul3A_12 = arith.constant 640 : i32
    %mul3A_13 = arith.muli %arg1, %mul3A_12 : i32
    %add3A_14 = arith.constant 32 : i32
    %add3A_15 = arith.addi %mul3A_13, %add3A_14 : i32
    "tpu.region"() ({
      %run_scoped3A_139 = tpu.sem_alloc : memref<!tpu.dma_semaphore, #tpu.memory_space<semaphore_mem>>
      %dma_start3A_140 = arith.constant 0 : i32
      %dma_start3A_141 = tpu.memref_slice %arg14[%add3A_15, %dma_start3A_140] : memref<10240x128xf32, #tpu.memory_space<vmem_shared>> -> memref<32x128xf32, #tpu.memory_space<vmem_shared>>
      %dma_start3A_142 = arith.constant 0 : i32
      %dma_start3A_143 = tpu.memref_slice %arg14[%add3A_15, %dma_start3A_142] : memref<10240x128xf32, #tpu.memory_space<vmem_shared>> -> memref<32x128xf32, #tpu.memory_space<vmem_shared>>
      tpu.enqueue_dma source(%arg13 : memref<32x128xf32, #tpu.memory_space<vmem>>) target(%dma_start3A_143 : memref<32x128xf32, #tpu.memory_space<vmem_shared>>) target_semaphore(%run_scoped3A_139 : memref<!tpu.dma_semaphore, #tpu.memory_space<semaphore_mem>>)
      %dma_wait3A_144 = arith.constant 0 : i32
      %dma_wait3A_145 = tpu.memref_slice %arg14[%add3A_15, %dma_wait3A_144] : memref<10240x128xf32, #tpu.memory_space<vmem_shared>> -> memref<32x128xf32, #tpu.memory_space<vmem_shared>>
      %dma_wait3A_146 = arith.constant 0 : i32
      %dma_wait3A_147 = tpu.memref_slice %arg14[%add3A_15, %dma_wait3A_146] : memref<10240x128xf32, #tpu.memory_space<vmem_shared>> -> memref<32x128xf32, #tpu.memory_space<vmem_shared>>
      tpu.wait_dma2 semaphore(%run_scoped3A_139 : memref<!tpu.dma_semaphore, #tpu.memory_space<semaphore_mem>>) src(%arg13 : memref<32x128xf32, #tpu.memory_space<vmem>>) dst(%dma_wait3A_147 : memref<32x128xf32, #tpu.memory_space<vmem_shared>>)
      tpu.yield
    }) : () -> ()
    %mul3A_16 = arith.constant 640 : i32
    %mul3A_17 = arith.muli %arg1, %mul3A_16 : i32
    %add3A_18 = arith.constant 64 : i32
    %add3A_19 = arith.addi %mul3A_17, %add3A_18 : i32
    "tpu.region"() ({
      %run_scoped3A_139 = tpu.sem_alloc : memref<!tpu.dma_semaphore, #tpu.memory_space<semaphore_mem>>
      %dma_start3A_140 = arith.constant 0 : i32
      %dma_start3A_141 = tpu.memref_slice %arg14[%add3A_19, %dma_start3A_140] : memref<10240x128xf32, #tpu.memory_space<vmem_shared>> -> memref<32x128xf32, #tpu.memory_space<vmem_shared>>
      %dma_start3A_142 = arith.constant 0 : i32
      %dma_start3A_143 = tpu.memref_slice %arg14[%add3A_19, %dma_start3A_142] : memref<10240x128xf32, #tpu.memory_space<vmem_shared>> -> memref<32x128xf32, #tpu.memory_space<vmem_shared>>
      tpu.enqueue_dma source(%arg13 : memref<32x128xf32, #tpu.memory_space<vmem>>) target(%dma_start3A_143 : memref<32x128xf32, #tpu.memory_space<vmem_shared>>) target_semaphore(%run_scoped3A_139 : memref<!tpu.dma_semaphore, #tpu.memory_space<semaphore_mem>>)
      %dma_wait3A_144 = arith.constant 0 : i32
      %dma_wait3A_145 = tpu.memref_slice %arg14[%add3A_19, %dma_wait3A_144] : memref<10240x128xf32, #tpu.memory_space<vmem_shared>> -> memref<32x128xf32, #tpu.memory_space<vmem_shared>>
      %dma_wait3A_146 = arith.constant 0 : i32
      %dma_wait3A_147 = tpu.memref_slice %arg14[%add3A_19, %dma_wait3A_146] : memref<10240x128xf32, #tpu.memory_space<vmem_shared>> -> memref<32x128xf32, #tpu.memory_space<vmem_shared>>
      tpu.wait_dma2 semaphore(%run_scoped3A_139 : memref<!tpu.dma_semaphore, #tpu.memory_space<semaphore_mem>>) src(%arg13 : memref<32x128xf32, #tpu.memory_space<vmem>>) dst(%dma_wait3A_147 : memref<32x128xf32, #tpu.memory_space<vmem_shared>>)
      tpu.yield
    }) : () -> ()
    %mul3A_20 = arith.constant 640 : i32
    %mul3A_21 = arith.muli %arg1, %mul3A_20 : i32
    %add3A_22 = arith.constant 96 : i32
    %add3A_23 = arith.addi %mul3A_21, %add3A_22 : i32
    "tpu.region"() ({
      %run_scoped3A_139 = tpu.sem_alloc : memref<!tpu.dma_semaphore, #tpu.memory_space<semaphore_mem>>
      %dma_start3A_140 = arith.constant 0 : i32
      %dma_start3A_141 = tpu.memref_slice %arg14[%add3A_23, %dma_start3A_140] : memref<10240x128xf32, #tpu.memory_space<vmem_shared>> -> memref<32x128xf32, #tpu.memory_space<vmem_shared>>
      %dma_start3A_142 = arith.constant 0 : i32
      %dma_start3A_143 = tpu.memref_slice %arg14[%add3A_23, %dma_start3A_142] : memref<10240x128xf32, #tpu.memory_space<vmem_shared>> -> memref<32x128xf32, #tpu.memory_space<vmem_shared>>
      tpu.enqueue_dma source(%arg13 : memref<32x128xf32, #tpu.memory_space<vmem>>) target(%dma_start3A_143 : memref<32x128xf32, #tpu.memory_space<vmem_shared>>) target_semaphore(%run_scoped3A_139 : memref<!tpu.dma_semaphore, #tpu.memory_space<semaphore_mem>>)
      %dma_wait3A_144 = arith.constant 0 : i32
      %dma_wait3A_145 = tpu.memref_slice %arg14[%add3A_23, %dma_wait3A_144] : memref<10240x128xf32, #tpu.memory_space<vmem_shared>> -> memref<32x128xf32, #tpu.memory_space<vmem_shared>>
      %dma_wait3A_146 = arith.constant 0 : i32
      %dma_wait3A_147 = tpu.memref_slice %arg14[%add3A_23, %dma_wait3A_146] : memref<10240x128xf32, #tpu.memory_space<vmem_shared>> -> memref<32x128xf32, #tpu.memory_space<vmem_shared>>
      tpu.wait_dma2 semaphore(%run_scoped3A_139 : memref<!tpu.dma_semaphore, #tpu.memory_space<semaphore_mem>>) src(%arg13 : memref<32x128xf32, #tpu.memory_space<vmem>>) dst(%dma_wait3A_147 : memref<32x128xf32, #tpu.memory_space<vmem_shared>>)
      tpu.yield
    }) : () -> ()
    %mul3A_24 = arith.constant 640 : i32
    %mul3A_25 = arith.muli %arg1, %mul3A_24 : i32
    %add3A_26 = arith.constant 128 : i32
    %add3A_27 = arith.addi %mul3A_25, %add3A_26 : i32
    "tpu.region"() ({
      %run_scoped3A_139 = tpu.sem_alloc : memref<!tpu.dma_semaphore, #tpu.memory_space<semaphore_mem>>
      %dma_start3A_140 = arith.constant 0 : i32
      %dma_start3A_141 = tpu.memref_slice %arg14[%add3A_27, %dma_start3A_140] : memref<10240x128xf32, #tpu.memory_space<vmem_shared>> -> memref<32x128xf32, #tpu.memory_space<vmem_shared>>
      %dma_start3A_142 = arith.constant 0 : i32
      %dma_start3A_143 = tpu.memref_slice %arg14[%add3A_27, %dma_start3A_142] : memref<10240x128xf32, #tpu.memory_space<vmem_shared>> -> memref<32x128xf32, #tpu.memory_space<vmem_shared>>
      tpu.enqueue_dma source(%arg13 : memref<32x128xf32, #tpu.memory_space<vmem>>) target(%dma_start3A_143 : memref<32x128xf32, #tpu.memory_space<vmem_shared>>) target_semaphore(%run_scoped3A_139 : memref<!tpu.dma_semaphore, #tpu.memory_space<semaphore_mem>>)
      %dma_wait3A_144 = arith.constant 0 : i32
      %dma_wait3A_145 = tpu.memref_slice %arg14[%add3A_27, %dma_wait3A_144] : memref<10240x128xf32, #tpu.memory_space<vmem_shared>> -> memref<32x128xf32, #tpu.memory_space<vmem_shared>>
      %dma_wait3A_146 = arith.constant 0 : i32
      %dma_wait3A_147 = tpu.memref_slice %arg14[%add3A_27, %dma_wait3A_146] : memref<10240x128xf32, #tpu.memory_space<vmem_shared>> -> memref<32x128xf32, #tpu.memory_space<vmem_shared>>
      tpu.wait_dma2 semaphore(%run_scoped3A_139 : memref<!tpu.dma_semaphore, #tpu.memory_space<semaphore_mem>>) src(%arg13 : memref<32x128xf32, #tpu.memory_space<vmem>>) dst(%dma_wait3A_147 : memref<32x128xf32, #tpu.memory_space<vmem_shared>>)
      tpu.yield
    }) : () -> ()
    %mul3A_28 = arith.constant 640 : i32
    %mul3A_29 = arith.muli %arg1, %mul3A_28 : i32
    %add3A_30 = arith.constant 160 : i32
    %add3A_31 = arith.addi %mul3A_29, %add3A_30 : i32
    "tpu.region"() ({
      %run_scoped3A_139 = tpu.sem_alloc : memref<!tpu.dma_semaphore, #tpu.memory_space<semaphore_mem>>
      %dma_start3A_140 = arith.constant 0 : i32
      %dma_start3A_141 = tpu.memref_slice %arg14[%add3A_31, %dma_start3A_140] : memref<10240x128xf32, #tpu.memory_space<vmem_shared>> -> memref<32x128xf32, #tpu.memory_space<vmem_shared>>
      %dma_start3A_142 = arith.constant 0 : i32
      %dma_start3A_143 = tpu.memref_slice %arg14[%add3A_31, %dma_start3A_142] : memref<10240x128xf32, #tpu.memory_space<vmem_shared>> -> memref<32x128xf32, #tpu.memory_space<vmem_shared>>
      tpu.enqueue_dma source(%arg13 : memref<32x128xf32, #tpu.memory_space<vmem>>) target(%dma_start3A_143 : memref<32x128xf32, #tpu.memory_space<vmem_shared>>) target_semaphore(%run_scoped3A_139 : memref<!tpu.dma_semaphore, #tpu.memory_space<semaphore_mem>>)
      %dma_wait3A_144 = arith.constant 0 : i32
      %dma_wait3A_145 = tpu.memref_slice %arg14[%add3A_31, %dma_wait3A_144] : memref<10240x128xf32, #tpu.memory_space<vmem_shared>> -> memref<32x128xf32, #tpu.memory_space<vmem_shared>>
      %dma_wait3A_146 = arith.constant 0 : i32
      %dma_wait3A_147 = tpu.memref_slice %arg14[%add3A_31, %dma_wait3A_146] : memref<10240x128xf32, #tpu.memory_space<vmem_shared>> -> memref<32x128xf32, #tpu.memory_space<vmem_shared>>
      tpu.wait_dma2 semaphore(%run_scoped3A_139 : memref<!tpu.dma_semaphore, #tpu.memory_space<semaphore_mem>>) src(%arg13 : memref<32x128xf32, #tpu.memory_space<vmem>>) dst(%dma_wait3A_147 : memref<32x128xf32, #tpu.memory_space<vmem_shared>>)
      tpu.yield
    }) : () -> ()
    %mul3A_32 = arith.constant 640 : i32
    %mul3A_33 = arith.muli %arg1, %mul3A_32 : i32
    %add3A_34 = arith.constant 192 : i32
    %add3A_35 = arith.addi %mul3A_33, %add3A_34 : i32
    "tpu.region"() ({
      %run_scoped3A_139 = tpu.sem_alloc : memref<!tpu.dma_semaphore, #tpu.memory_space<semaphore_mem>>
      %dma_start3A_140 = arith.constant 0 : i32
      %dma_start3A_141 = tpu.memref_slice %arg14[%add3A_35, %dma_start3A_140] : memref<10240x128xf32, #tpu.memory_space<vmem_shared>> -> memref<32x128xf32, #tpu.memory_space<vmem_shared>>
      %dma_start3A_142 = arith.constant 0 : i32
      %dma_start3A_143 = tpu.memref_slice %arg14[%add3A_35, %dma_start3A_142] : memref<10240x128xf32, #tpu.memory_space<vmem_shared>> -> memref<32x128xf32, #tpu.memory_space<vmem_shared>>
      tpu.enqueue_dma source(%arg13 : memref<32x128xf32, #tpu.memory_space<vmem>>) target(%dma_start3A_143 : memref<32x128xf32, #tpu.memory_space<vmem_shared>>) target_semaphore(%run_scoped3A_139 : memref<!tpu.dma_semaphore, #tpu.memory_space<semaphore_mem>>)
      %dma_wait3A_144 = arith.constant 0 : i32
      %dma_wait3A_145 = tpu.memref_slice %arg14[%add3A_35, %dma_wait3A_144] : memref<10240x128xf32, #tpu.memory_space<vmem_shared>> -> memref<32x128xf32, #tpu.memory_space<vmem_shared>>
      %dma_wait3A_146 = arith.constant 0 : i32
      %dma_wait3A_147 = tpu.memref_slice %arg14[%add3A_35, %dma_wait3A_146] : memref<10240x128xf32, #tpu.memory_space<vmem_shared>> -> memref<32x128xf32, #tpu.memory_space<vmem_shared>>
      tpu.wait_dma2 semaphore(%run_scoped3A_139 : memref<!tpu.dma_semaphore, #tpu.memory_space<semaphore_mem>>) src(%arg13 : memref<32x128xf32, #tpu.memory_space<vmem>>) dst(%dma_wait3A_147 : memref<32x128xf32, #tpu.memory_space<vmem_shared>>)
      tpu.yield
    }) : () -> ()
    %mul3A_36 = arith.constant 640 : i32
    %mul3A_37 = arith.muli %arg1, %mul3A_36 : i32
    %add3A_38 = arith.constant 224 : i32
    %add3A_39 = arith.addi %mul3A_37, %add3A_38 : i32
    "tpu.region"() ({
      %run_scoped3A_139 = tpu.sem_alloc : memref<!tpu.dma_semaphore, #tpu.memory_space<semaphore_mem>>
      %dma_start3A_140 = arith.constant 0 : i32
      %dma_start3A_141 = tpu.memref_slice %arg14[%add3A_39, %dma_start3A_140] : memref<10240x128xf32, #tpu.memory_space<vmem_shared>> -> memref<32x128xf32, #tpu.memory_space<vmem_shared>>
      %dma_start3A_142 = arith.constant 0 : i32
      %dma_start3A_143 = tpu.memref_slice %arg14[%add3A_39, %dma_start3A_142] : memref<10240x128xf32, #tpu.memory_space<vmem_shared>> -> memref<32x128xf32, #tpu.memory_space<vmem_shared>>
      tpu.enqueue_dma source(%arg13 : memref<32x128xf32, #tpu.memory_space<vmem>>) target(%dma_start3A_143 : memref<32x128xf32, #tpu.memory_space<vmem_shared>>) target_semaphore(%run_scoped3A_139 : memref<!tpu.dma_semaphore, #tpu.memory_space<semaphore_mem>>)
      %dma_wait3A_144 = arith.constant 0 : i32
      %dma_wait3A_145 = tpu.memref_slice %arg14[%add3A_39, %dma_wait3A_144] : memref<10240x128xf32, #tpu.memory_space<vmem_shared>> -> memref<32x128xf32, #tpu.memory_space<vmem_shared>>
      %dma_wait3A_146 = arith.constant 0 : i32
      %dma_wait3A_147 = tpu.memref_slice %arg14[%add3A_39, %dma_wait3A_146] : memref<10240x128xf32, #tpu.memory_space<vmem_shared>> -> memref<32x128xf32, #tpu.memory_space<vmem_shared>>
      tpu.wait_dma2 semaphore(%run_scoped3A_139 : memref<!tpu.dma_semaphore, #tpu.memory_space<semaphore_mem>>) src(%arg13 : memref<32x128xf32, #tpu.memory_space<vmem>>) dst(%dma_wait3A_147 : memref<32x128xf32, #tpu.memory_space<vmem_shared>>)
      tpu.yield
    }) : () -> ()
    %mul3A_40 = arith.constant 640 : i32
    %mul3A_41 = arith.muli %arg1, %mul3A_40 : i32
    %add3A_42 = arith.constant 256 : i32
    %add3A_43 = arith.addi %mul3A_41, %add3A_42 : i32
    "tpu.region"() ({
      %run_scoped3A_139 = tpu.sem_alloc : memref<!tpu.dma_semaphore, #tpu.memory_space<semaphore_mem>>
      %dma_start3A_140 = arith.constant 0 : i32
      %dma_start3A_141 = tpu.memref_slice %arg14[%add3A_43, %dma_start3A_140] : memref<10240x128xf32, #tpu.memory_space<vmem_shared>> -> memref<32x128xf32, #tpu.memory_space<vmem_shared>>
      %dma_start3A_142 = arith.constant 0 : i32
      %dma_start3A_143 = tpu.memref_slice %arg14[%add3A_43, %dma_start3A_142] : memref<10240x128xf32, #tpu.memory_space<vmem_shared>> -> memref<32x128xf32, #tpu.memory_space<vmem_shared>>
      tpu.enqueue_dma source(%arg13 : memref<32x128xf32, #tpu.memory_space<vmem>>) target(%dma_start3A_143 : memref<32x128xf32, #tpu.memory_space<vmem_shared>>) target_semaphore(%run_scoped3A_139 : memref<!tpu.dma_semaphore, #tpu.memory_space<semaphore_mem>>)
      %dma_wait3A_144 = arith.constant 0 : i32
      %dma_wait3A_145 = tpu.memref_slice %arg14[%add3A_43, %dma_wait3A_144] : memref<10240x128xf32, #tpu.memory_space<vmem_shared>> -> memref<32x128xf32, #tpu.memory_space<vmem_shared>>
      %dma_wait3A_146 = arith.constant 0 : i32
      %dma_wait3A_147 = tpu.memref_slice %arg14[%add3A_43, %dma_wait3A_146] : memref<10240x128xf32, #tpu.memory_space<vmem_shared>> -> memref<32x128xf32, #tpu.memory_space<vmem_shared>>
      tpu.wait_dma2 semaphore(%run_scoped3A_139 : memref<!tpu.dma_semaphore, #tpu.memory_space<semaphore_mem>>) src(%arg13 : memref<32x128xf32, #tpu.memory_space<vmem>>) dst(%dma_wait3A_147 : memref<32x128xf32, #tpu.memory_space<vmem_shared>>)
      tpu.yield
    }) : () -> ()
    %mul3A_44 = arith.constant 640 : i32
    %mul3A_45 = arith.muli %arg1, %mul3A_44 : i32
    %add3A_46 = arith.constant 288 : i32
    %add3A_47 = arith.addi %mul3A_45, %add3A_46 : i32
    "tpu.region"() ({
      %run_scoped3A_139 = tpu.sem_alloc : memref<!tpu.dma_semaphore, #tpu.memory_space<semaphore_mem>>
      %dma_start3A_140 = arith.constant 0 : i32
      %dma_start3A_141 = tpu.memref_slice %arg14[%add3A_47, %dma_start3A_140] : memref<10240x128xf32, #tpu.memory_space<vmem_shared>> -> memref<32x128xf32, #tpu.memory_space<vmem_shared>>
      %dma_start3A_142 = arith.constant 0 : i32
      %dma_start3A_143 = tpu.memref_slice %arg14[%add3A_47, %dma_start3A_142] : memref<10240x128xf32, #tpu.memory_space<vmem_shared>> -> memref<32x128xf32, #tpu.memory_space<vmem_shared>>
      tpu.enqueue_dma source(%arg13 : memref<32x128xf32, #tpu.memory_space<vmem>>) target(%dma_start3A_143 : memref<32x128xf32, #tpu.memory_space<vmem_shared>>) target_semaphore(%run_scoped3A_139 : memref<!tpu.dma_semaphore, #tpu.memory_space<semaphore_mem>>)
      %dma_wait3A_144 = arith.constant 0 : i32
      %dma_wait3A_145 = tpu.memref_slice %arg14[%add3A_47, %dma_wait3A_144] : memref<10240x128xf32, #tpu.memory_space<vmem_shared>> -> memref<32x128xf32, #tpu.memory_space<vmem_shared>>
      %dma_wait3A_146 = arith.constant 0 : i32
      %dma_wait3A_147 = tpu.memref_slice %arg14[%add3A_47, %dma_wait3A_146] : memref<10240x128xf32, #tpu.memory_space<vmem_shared>> -> memref<32x128xf32, #tpu.memory_space<vmem_shared>>
      tpu.wait_dma2 semaphore(%run_scoped3A_139 : memref<!tpu.dma_semaphore, #tpu.memory_space<semaphore_mem>>) src(%arg13 : memref<32x128xf32, #tpu.memory_space<vmem>>) dst(%dma_wait3A_147 : memref<32x128xf32, #tpu.memory_space<vmem_shared>>)
      tpu.yield
    }) : () -> ()
    %mul3A_48 = arith.constant 640 : i32
    %mul3A_49 = arith.muli %arg1, %mul3A_48 : i32
    %add3A_50 = arith.constant 320 : i32
    %add3A_51 = arith.addi %mul3A_49, %add3A_50 : i32
    "tpu.region"() ({
      %run_scoped3A_139 = tpu.sem_alloc : memref<!tpu.dma_semaphore, #tpu.memory_space<semaphore_mem>>
      %dma_start3A_140 = arith.constant 0 : i32
      %dma_start3A_141 = tpu.memref_slice %arg14[%add3A_51, %dma_start3A_140] : memref<10240x128xf32, #tpu.memory_space<vmem_shared>> -> memref<32x128xf32, #tpu.memory_space<vmem_shared>>
      %dma_start3A_142 = arith.constant 0 : i32
      %dma_start3A_143 = tpu.memref_slice %arg14[%add3A_51, %dma_start3A_142] : memref<10240x128xf32, #tpu.memory_space<vmem_shared>> -> memref<32x128xf32, #tpu.memory_space<vmem_shared>>
      tpu.enqueue_dma source(%arg13 : memref<32x128xf32, #tpu.memory_space<vmem>>) target(%dma_start3A_143 : memref<32x128xf32, #tpu.memory_space<vmem_shared>>) target_semaphore(%run_scoped3A_139 : memref<!tpu.dma_semaphore, #tpu.memory_space<semaphore_mem>>)
      %dma_wait3A_144 = arith.constant 0 : i32
      %dma_wait3A_145 = tpu.memref_slice %arg14[%add3A_51, %dma_wait3A_144] : memref<10240x128xf32, #tpu.memory_space<vmem_shared>> -> memref<32x128xf32, #tpu.memory_space<vmem_shared>>
      %dma_wait3A_146 = arith.constant 0 : i32
      %dma_wait3A_147 = tpu.memref_slice %arg14[%add3A_51, %dma_wait3A_146] : memref<10240x128xf32, #tpu.memory_space<vmem_shared>> -> memref<32x128xf32, #tpu.memory_space<vmem_shared>>
      tpu.wait_dma2 semaphore(%run_scoped3A_139 : memref<!tpu.dma_semaphore, #tpu.memory_space<semaphore_mem>>) src(%arg13 : memref<32x128xf32, #tpu.memory_space<vmem>>) dst(%dma_wait3A_147 : memref<32x128xf32, #tpu.memory_space<vmem_shared>>)
      tpu.yield
    }) : () -> ()
    %mul3A_52 = arith.constant 640 : i32
    %mul3A_53 = arith.muli %arg1, %mul3A_52 : i32
    %add3A_54 = arith.constant 352 : i32
    %add3A_55 = arith.addi %mul3A_53, %add3A_54 : i32
    "tpu.region"() ({
      %run_scoped3A_139 = tpu.sem_alloc : memref<!tpu.dma_semaphore, #tpu.memory_space<semaphore_mem>>
      %dma_start3A_140 = arith.constant 0 : i32
      %dma_start3A_141 = tpu.memref_slice %arg14[%add3A_55, %dma_start3A_140] : memref<10240x128xf32, #tpu.memory_space<vmem_shared>> -> memref<32x128xf32, #tpu.memory_space<vmem_shared>>
      %dma_start3A_142 = arith.constant 0 : i32
      %dma_start3A_143 = tpu.memref_slice %arg14[%add3A_55, %dma_start3A_142] : memref<10240x128xf32, #tpu.memory_space<vmem_shared>> -> memref<32x128xf32, #tpu.memory_space<vmem_shared>>
      tpu.enqueue_dma source(%arg13 : memref<32x128xf32, #tpu.memory_space<vmem>>) target(%dma_start3A_143 : memref<32x128xf32, #tpu.memory_space<vmem_shared>>) target_semaphore(%run_scoped3A_139 : memref<!tpu.dma_semaphore, #tpu.memory_space<semaphore_mem>>)
      %dma_wait3A_144 = arith.constant 0 : i32
      %dma_wait3A_145 = tpu.memref_slice %arg14[%add3A_55, %dma_wait3A_144] : memref<10240x128xf32, #tpu.memory_space<vmem_shared>> -> memref<32x128xf32, #tpu.memory_space<vmem_shared>>
      %dma_wait3A_146 = arith.constant 0 : i32
      %dma_wait3A_147 = tpu.memref_slice %arg14[%add3A_55, %dma_wait3A_146] : memref<10240x128xf32, #tpu.memory_space<vmem_shared>> -> memref<32x128xf32, #tpu.memory_space<vmem_shared>>
      tpu.wait_dma2 semaphore(%run_scoped3A_139 : memref<!tpu.dma_semaphore, #tpu.memory_space<semaphore_mem>>) src(%arg13 : memref<32x128xf32, #tpu.memory_space<vmem>>) dst(%dma_wait3A_147 : memref<32x128xf32, #tpu.memory_space<vmem_shared>>)
      tpu.yield
    }) : () -> ()
    %mul3A_56 = arith.constant 640 : i32
    %mul3A_57 = arith.muli %arg1, %mul3A_56 : i32
    %add3A_58 = arith.constant 384 : i32
    %add3A_59 = arith.addi %mul3A_57, %add3A_58 : i32
    "tpu.region"() ({
      %run_scoped3A_139 = tpu.sem_alloc : memref<!tpu.dma_semaphore, #tpu.memory_space<semaphore_mem>>
      %dma_start3A_140 = arith.constant 0 : i32
      %dma_start3A_141 = tpu.memref_slice %arg14[%add3A_59, %dma_start3A_140] : memref<10240x128xf32, #tpu.memory_space<vmem_shared>> -> memref<32x128xf32, #tpu.memory_space<vmem_shared>>
      %dma_start3A_142 = arith.constant 0 : i32
      %dma_start3A_143 = tpu.memref_slice %arg14[%add3A_59, %dma_start3A_142] : memref<10240x128xf32, #tpu.memory_space<vmem_shared>> -> memref<32x128xf32, #tpu.memory_space<vmem_shared>>
      tpu.enqueue_dma source(%arg13 : memref<32x128xf32, #tpu.memory_space<vmem>>) target(%dma_start3A_143 : memref<32x128xf32, #tpu.memory_space<vmem_shared>>) target_semaphore(%run_scoped3A_139 : memref<!tpu.dma_semaphore, #tpu.memory_space<semaphore_mem>>)
      %dma_wait3A_144 = arith.constant 0 : i32
      %dma_wait3A_145 = tpu.memref_slice %arg14[%add3A_59, %dma_wait3A_144] : memref<10240x128xf32, #tpu.memory_space<vmem_shared>> -> memref<32x128xf32, #tpu.memory_space<vmem_shared>>
      %dma_wait3A_146 = arith.constant 0 : i32
      %dma_wait3A_147 = tpu.memref_slice %arg14[%add3A_59, %dma_wait3A_146] : memref<10240x128xf32, #tpu.memory_space<vmem_shared>> -> memref<32x128xf32, #tpu.memory_space<vmem_shared>>
      tpu.wait_dma2 semaphore(%run_scoped3A_139 : memref<!tpu.dma_semaphore, #tpu.memory_space<semaphore_mem>>) src(%arg13 : memref<32x128xf32, #tpu.memory_space<vmem>>) dst(%dma_wait3A_147 : memref<32x128xf32, #tpu.memory_space<vmem_shared>>)
      tpu.yield
    }) : () -> ()
    %mul3A_60 = arith.constant 640 : i32
    %mul3A_61 = arith.muli %arg1, %mul3A_60 : i32
    %add3A_62 = arith.constant 416 : i32
    %add3A_63 = arith.addi %mul3A_61, %add3A_62 : i32
    "tpu.region"() ({
      %run_scoped3A_139 = tpu.sem_alloc : memref<!tpu.dma_semaphore, #tpu.memory_space<semaphore_mem>>
      %dma_start3A_140 = arith.constant 0 : i32
      %dma_start3A_141 = tpu.memref_slice %arg14[%add3A_63, %dma_start3A_140] : memref<10240x128xf32, #tpu.memory_space<vmem_shared>> -> memref<32x128xf32, #tpu.memory_space<vmem_shared>>
      %dma_start3A_142 = arith.constant 0 : i32
      %dma_start3A_143 = tpu.memref_slice %arg14[%add3A_63, %dma_start3A_142] : memref<10240x128xf32, #tpu.memory_space<vmem_shared>> -> memref<32x128xf32, #tpu.memory_space<vmem_shared>>
      tpu.enqueue_dma source(%arg13 : memref<32x128xf32, #tpu.memory_space<vmem>>) target(%dma_start3A_143 : memref<32x128xf32, #tpu.memory_space<vmem_shared>>) target_semaphore(%run_scoped3A_139 : memref<!tpu.dma_semaphore, #tpu.memory_space<semaphore_mem>>)
      %dma_wait3A_144 = arith.constant 0 : i32
      %dma_wait3A_145 = tpu.memref_slice %arg14[%add3A_63, %dma_wait3A_144] : memref<10240x128xf32, #tpu.memory_space<vmem_shared>> -> memref<32x128xf32, #tpu.memory_space<vmem_shared>>
      %dma_wait3A_146 = arith.constant 0 : i32
      %dma_wait3A_147 = tpu.memref_slice %arg14[%add3A_63, %dma_wait3A_146] : memref<10240x128xf32, #tpu.memory_space<vmem_shared>> -> memref<32x128xf32, #tpu.memory_space<vmem_shared>>
      tpu.wait_dma2 semaphore(%run_scoped3A_139 : memref<!tpu.dma_semaphore, #tpu.memory_space<semaphore_mem>>) src(%arg13 : memref<32x128xf32, #tpu.memory_space<vmem>>) dst(%dma_wait3A_147 : memref<32x128xf32, #tpu.memory_space<vmem_shared>>)
      tpu.yield
    }) : () -> ()
    %mul3A_64 = arith.constant 640 : i32
    %mul3A_65 = arith.muli %arg1, %mul3A_64 : i32
    %add3A_66 = arith.constant 448 : i32
    %add3A_67 = arith.addi %mul3A_65, %add3A_66 : i32
    "tpu.region"() ({
      %run_scoped3A_139 = tpu.sem_alloc : memref<!tpu.dma_semaphore, #tpu.memory_space<semaphore_mem>>
      %dma_start3A_140 = arith.constant 0 : i32
      %dma_start3A_141 = tpu.memref_slice %arg14[%add3A_67, %dma_start3A_140] : memref<10240x128xf32, #tpu.memory_space<vmem_shared>> -> memref<32x128xf32, #tpu.memory_space<vmem_shared>>
      %dma_start3A_142 = arith.constant 0 : i32
      %dma_start3A_143 = tpu.memref_slice %arg14[%add3A_67, %dma_start3A_142] : memref<10240x128xf32, #tpu.memory_space<vmem_shared>> -> memref<32x128xf32, #tpu.memory_space<vmem_shared>>
      tpu.enqueue_dma source(%arg13 : memref<32x128xf32, #tpu.memory_space<vmem>>) target(%dma_start3A_143 : memref<32x128xf32, #tpu.memory_space<vmem_shared>>) target_semaphore(%run_scoped3A_139 : memref<!tpu.dma_semaphore, #tpu.memory_space<semaphore_mem>>)
      %dma_wait3A_144 = arith.constant 0 : i32
      %dma_wait3A_145 = tpu.memref_slice %arg14[%add3A_67, %dma_wait3A_144] : memref<10240x128xf32, #tpu.memory_space<vmem_shared>> -> memref<32x128xf32, #tpu.memory_space<vmem_shared>>
      %dma_wait3A_146 = arith.constant 0 : i32
      %dma_wait3A_147 = tpu.memref_slice %arg14[%add3A_67, %dma_wait3A_146] : memref<10240x128xf32, #tpu.memory_space<vmem_shared>> -> memref<32x128xf32, #tpu.memory_space<vmem_shared>>
      tpu.wait_dma2 semaphore(%run_scoped3A_139 : memref<!tpu.dma_semaphore, #tpu.memory_space<semaphore_mem>>) src(%arg13 : memref<32x128xf32, #tpu.memory_space<vmem>>) dst(%dma_wait3A_147 : memref<32x128xf32, #tpu.memory_space<vmem_shared>>)
      tpu.yield
    }) : () -> ()
    %mul3A_68 = arith.constant 640 : i32
    %mul3A_69 = arith.muli %arg1, %mul3A_68 : i32
    %add3A_70 = arith.constant 480 : i32
    %add3A_71 = arith.addi %mul3A_69, %add3A_70 : i32
    "tpu.region"() ({
      %run_scoped3A_139 = tpu.sem_alloc : memref<!tpu.dma_semaphore, #tpu.memory_space<semaphore_mem>>
      %dma_start3A_140 = arith.constant 0 : i32
      %dma_start3A_141 = tpu.memref_slice %arg14[%add3A_71, %dma_start3A_140] : memref<10240x128xf32, #tpu.memory_space<vmem_shared>> -> memref<32x128xf32, #tpu.memory_space<vmem_shared>>
      %dma_start3A_142 = arith.constant 0 : i32
      %dma_start3A_143 = tpu.memref_slice %arg14[%add3A_71, %dma_start3A_142] : memref<10240x128xf32, #tpu.memory_space<vmem_shared>> -> memref<32x128xf32, #tpu.memory_space<vmem_shared>>
      tpu.enqueue_dma source(%arg13 : memref<32x128xf32, #tpu.memory_space<vmem>>) target(%dma_start3A_143 : memref<32x128xf32, #tpu.memory_space<vmem_shared>>) target_semaphore(%run_scoped3A_139 : memref<!tpu.dma_semaphore, #tpu.memory_space<semaphore_mem>>)
      %dma_wait3A_144 = arith.constant 0 : i32
      %dma_wait3A_145 = tpu.memref_slice %arg14[%add3A_71, %dma_wait3A_144] : memref<10240x128xf32, #tpu.memory_space<vmem_shared>> -> memref<32x128xf32, #tpu.memory_space<vmem_shared>>
      %dma_wait3A_146 = arith.constant 0 : i32
      %dma_wait3A_147 = tpu.memref_slice %arg14[%add3A_71, %dma_wait3A_146] : memref<10240x128xf32, #tpu.memory_space<vmem_shared>> -> memref<32x128xf32, #tpu.memory_space<vmem_shared>>
      tpu.wait_dma2 semaphore(%run_scoped3A_139 : memref<!tpu.dma_semaphore, #tpu.memory_space<semaphore_mem>>) src(%arg13 : memref<32x128xf32, #tpu.memory_space<vmem>>) dst(%dma_wait3A_147 : memref<32x128xf32, #tpu.memory_space<vmem_shared>>)
      tpu.yield
    }) : () -> ()
    %mul3A_72 = arith.constant 640 : i32
    %mul3A_73 = arith.muli %arg1, %mul3A_72 : i32
    %add3A_74 = arith.constant 512 : i32
    %add3A_75 = arith.addi %mul3A_73, %add3A_74 : i32
    "tpu.region"() ({
      %run_scoped3A_139 = tpu.sem_alloc : memref<!tpu.dma_semaphore, #tpu.memory_space<semaphore_mem>>
      %dma_start3A_140 = arith.constant 0 : i32
      %dma_start3A_141 = tpu.memref_slice %arg14[%add3A_75, %dma_start3A_140] : memref<10240x128xf32, #tpu.memory_space<vmem_shared>> -> memref<32x128xf32, #tpu.memory_space<vmem_shared>>
      %dma_start3A_142 = arith.constant 0 : i32
      %dma_start3A_143 = tpu.memref_slice %arg14[%add3A_75, %dma_start3A_142] : memref<10240x128xf32, #tpu.memory_space<vmem_shared>> -> memref<32x128xf32, #tpu.memory_space<vmem_shared>>
      tpu.enqueue_dma source(%arg13 : memref<32x128xf32, #tpu.memory_space<vmem>>) target(%dma_start3A_143 : memref<32x128xf32, #tpu.memory_space<vmem_shared>>) target_semaphore(%run_scoped3A_139 : memref<!tpu.dma_semaphore, #tpu.memory_space<semaphore_mem>>)
      %dma_wait3A_144 = arith.constant 0 : i32
      %dma_wait3A_145 = tpu.memref_slice %arg14[%add3A_75, %dma_wait3A_144] : memref<10240x128xf32, #tpu.memory_space<vmem_shared>> -> memref<32x128xf32, #tpu.memory_space<vmem_shared>>
      %dma_wait3A_146 = arith.constant 0 : i32
      %dma_wait3A_147 = tpu.memref_slice %arg14[%add3A_75, %dma_wait3A_146] : memref<10240x128xf32, #tpu.memory_space<vmem_shared>> -> memref<32x128xf32, #tpu.memory_space<vmem_shared>>
      tpu.wait_dma2 semaphore(%run_scoped3A_139 : memref<!tpu.dma_semaphore, #tpu.memory_space<semaphore_mem>>) src(%arg13 : memref<32x128xf32, #tpu.memory_space<vmem>>) dst(%dma_wait3A_147 : memref<32x128xf32, #tpu.memory_space<vmem_shared>>)
      tpu.yield
    }) : () -> ()
    %mul3A_76 = arith.constant 640 : i32
    %mul3A_77 = arith.muli %arg1, %mul3A_76 : i32
    %add3A_78 = arith.constant 544 : i32
    %add3A_79 = arith.addi %mul3A_77, %add3A_78 : i32
    "tpu.region"() ({
      %run_scoped3A_139 = tpu.sem_alloc : memref<!tpu.dma_semaphore, #tpu.memory_space<semaphore_mem>>
      %dma_start3A_140 = arith.constant 0 : i32
      %dma_start3A_141 = tpu.memref_slice %arg14[%add3A_79, %dma_start3A_140] : memref<10240x128xf32, #tpu.memory_space<vmem_shared>> -> memref<32x128xf32, #tpu.memory_space<vmem_shared>>
      %dma_start3A_142 = arith.constant 0 : i32
      %dma_start3A_143 = tpu.memref_slice %arg14[%add3A_79, %dma_start3A_142] : memref<10240x128xf32, #tpu.memory_space<vmem_shared>> -> memref<32x128xf32, #tpu.memory_space<vmem_shared>>
      tpu.enqueue_dma source(%arg13 : memref<32x128xf32, #tpu.memory_space<vmem>>) target(%dma_start3A_143 : memref<32x128xf32, #tpu.memory_space<vmem_shared>>) target_semaphore(%run_scoped3A_139 : memref<!tpu.dma_semaphore, #tpu.memory_space<semaphore_mem>>)
      %dma_wait3A_144 = arith.constant 0 : i32
      %dma_wait3A_145 = tpu.memref_slice %arg14[%add3A_79, %dma_wait3A_144] : memref<10240x128xf32, #tpu.memory_space<vmem_shared>> -> memref<32x128xf32, #tpu.memory_space<vmem_shared>>
      %dma_wait3A_146 = arith.constant 0 : i32
      %dma_wait3A_147 = tpu.memref_slice %arg14[%add3A_79, %dma_wait3A_146] : memref<10240x128xf32, #tpu.memory_space<vmem_shared>> -> memref<32x128xf32, #tpu.memory_space<vmem_shared>>
      tpu.wait_dma2 semaphore(%run_scoped3A_139 : memref<!tpu.dma_semaphore, #tpu.memory_space<semaphore_mem>>) src(%arg13 : memref<32x128xf32, #tpu.memory_space<vmem>>) dst(%dma_wait3A_147 : memref<32x128xf32, #tpu.memory_space<vmem_shared>>)
      tpu.yield
    }) : () -> ()
    %mul3A_80 = arith.constant 640 : i32
    %mul3A_81 = arith.muli %arg1, %mul3A_80 : i32
    %add3A_82 = arith.constant 576 : i32
    %add3A_83 = arith.addi %mul3A_81, %add3A_82 : i32
    "tpu.region"() ({
      %run_scoped3A_139 = tpu.sem_alloc : memref<!tpu.dma_semaphore, #tpu.memory_space<semaphore_mem>>
      %dma_start3A_140 = arith.constant 0 : i32
      %dma_start3A_141 = tpu.memref_slice %arg14[%add3A_83, %dma_start3A_140] : memref<10240x128xf32, #tpu.memory_space<vmem_shared>> -> memref<32x128xf32, #tpu.memory_space<vmem_shared>>
      %dma_start3A_142 = arith.constant 0 : i32
      %dma_start3A_143 = tpu.memref_slice %arg14[%add3A_83, %dma_start3A_142] : memref<10240x128xf32, #tpu.memory_space<vmem_shared>> -> memref<32x128xf32, #tpu.memory_space<vmem_shared>>
      tpu.enqueue_dma source(%arg13 : memref<32x128xf32, #tpu.memory_space<vmem>>) target(%dma_start3A_143 : memref<32x128xf32, #tpu.memory_space<vmem_shared>>) target_semaphore(%run_scoped3A_139 : memref<!tpu.dma_semaphore, #tpu.memory_space<semaphore_mem>>)
      %dma_wait3A_144 = arith.constant 0 : i32
      %dma_wait3A_145 = tpu.memref_slice %arg14[%add3A_83, %dma_wait3A_144] : memref<10240x128xf32, #tpu.memory_space<vmem_shared>> -> memref<32x128xf32, #tpu.memory_space<vmem_shared>>
      %dma_wait3A_146 = arith.constant 0 : i32
      %dma_wait3A_147 = tpu.memref_slice %arg14[%add3A_83, %dma_wait3A_146] : memref<10240x128xf32, #tpu.memory_space<vmem_shared>> -> memref<32x128xf32, #tpu.memory_space<vmem_shared>>
      tpu.wait_dma2 semaphore(%run_scoped3A_139 : memref<!tpu.dma_semaphore, #tpu.memory_space<semaphore_mem>>) src(%arg13 : memref<32x128xf32, #tpu.memory_space<vmem>>) dst(%dma_wait3A_147 : memref<32x128xf32, #tpu.memory_space<vmem_shared>>)
      tpu.yield
    }) : () -> ()
    %mul3A_84 = arith.constant 640 : i32
    %mul3A_85 = arith.muli %arg1, %mul3A_84 : i32
    %add3A_86 = arith.constant 608 : i32
    %add3A_87 = arith.addi %mul3A_85, %add3A_86 : i32
    "tpu.region"() ({
      %run_scoped3A_139 = tpu.sem_alloc : memref<!tpu.dma_semaphore, #tpu.memory_space<semaphore_mem>>
      %dma_start3A_140 = arith.constant 0 : i32
      %dma_start3A_141 = tpu.memref_slice %arg14[%add3A_87, %dma_start3A_140] : memref<10240x128xf32, #tpu.memory_space<vmem_shared>> -> memref<32x128xf32, #tpu.memory_space<vmem_shared>>
      %dma_start3A_142 = arith.constant 0 : i32
      %dma_start3A_143 = tpu.memref_slice %arg14[%add3A_87, %dma_start3A_142] : memref<10240x128xf32, #tpu.memory_space<vmem_shared>> -> memref<32x128xf32, #tpu.memory_space<vmem_shared>>
      tpu.enqueue_dma source(%arg13 : memref<32x128xf32, #tpu.memory_space<vmem>>) target(%dma_start3A_143 : memref<32x128xf32, #tpu.memory_space<vmem_shared>>) target_semaphore(%run_scoped3A_139 : memref<!tpu.dma_semaphore, #tpu.memory_space<semaphore_mem>>)
      %dma_wait3A_144 = arith.constant 0 : i32
      %dma_wait3A_145 = tpu.memref_slice %arg14[%add3A_87, %dma_wait3A_144] : memref<10240x128xf32, #tpu.memory_space<vmem_shared>> -> memref<32x128xf32, #tpu.memory_space<vmem_shared>>
      %dma_wait3A_146 = arith.constant 0 : i32
      %dma_wait3A_147 = tpu.memref_slice %arg14[%add3A_87, %dma_wait3A_146] : memref<10240x128xf32, #tpu.memory_space<vmem_shared>> -> memref<32x128xf32, #tpu.memory_space<vmem_shared>>
      tpu.wait_dma2 semaphore(%run_scoped3A_139 : memref<!tpu.dma_semaphore, #tpu.memory_space<semaphore_mem>>) src(%arg13 : memref<32x128xf32, #tpu.memory_space<vmem>>) dst(%dma_wait3A_147 : memref<32x128xf32, #tpu.memory_space<vmem_shared>>)
      tpu.yield
    }) : () -> ()
    %barrier3A = arith.constant 0 : index
    tpu.barrier barrier_id(%barrier3A)
    %mul3A_88 = arith.constant 80 : i32
    %mul3A_89 = arith.muli %add3A, %mul3A_88 : i32
    "tpu.region"() ({
      %run_scoped3A_139 = tpu.sem_alloc : memref<!tpu.dma_semaphore, #tpu.memory_space<semaphore_mem>>
      %dma_start3A_140 = arith.constant 0 : i32
      %dma_start3A_141 = tpu.memref_slice %arg4[%mul3A_89, %dma_start3A_140] : memref<2560x128xi32, #tpu.memory_space<hbm>> -> memref<8x128xi32, #tpu.memory_space<hbm>>
      %dma_start3A_142 = arith.constant 0 : i32
      %dma_start3A_143 = tpu.memref_slice %arg4[%mul3A_89, %dma_start3A_142] : memref<2560x128xi32, #tpu.memory_space<hbm>> -> memref<8x128xi32, #tpu.memory_space<hbm>>
      tpu.enqueue_dma source(%dma_start3A_143 : memref<8x128xi32, #tpu.memory_space<hbm>>) target(%arg7 : memref<8x128xi32, #tpu.memory_space<vmem>>) target_semaphore(%run_scoped3A_139 : memref<!tpu.dma_semaphore, #tpu.memory_space<semaphore_mem>>)
      %dma_wait3A_144 = arith.constant 0 : i32
      %dma_wait3A_145 = tpu.memref_slice %arg4[%mul3A_89, %dma_wait3A_144] : memref<2560x128xi32, #tpu.memory_space<hbm>> -> memref<8x128xi32, #tpu.memory_space<hbm>>
      %dma_wait3A_146 = arith.constant 0 : i32
      %dma_wait3A_147 = tpu.memref_slice %arg4[%mul3A_89, %dma_wait3A_146] : memref<2560x128xi32, #tpu.memory_space<hbm>> -> memref<8x128xi32, #tpu.memory_space<hbm>>
      tpu.wait_dma2 semaphore(%run_scoped3A_139 : memref<!tpu.dma_semaphore, #tpu.memory_space<semaphore_mem>>) src(%dma_wait3A_147 : memref<8x128xi32, #tpu.memory_space<hbm>>) dst(%arg7 : memref<8x128xi32, #tpu.memory_space<vmem>>)
      tpu.yield
    }) : () -> ()
    %run_scoped3A = arith.constant 0 : i32
    "tpu.region"() ({
      %run_scoped3A_139 = tpu.sem_alloc : memref<!tpu.dma_semaphore, #tpu.memory_space<semaphore_mem>>
      %dma_start3A_140 = arith.constant 0 : i32
      %dma_start3A_141 = arith.constant 0 : i32
      %dma_start3A_142 = tpu.memref_slice %arg8[%run_scoped3A, %dma_start3A_140, %dma_start3A_141] : memref<2x8x128xi32, #tpu.memory_space<vmem>> -> memref<1x8x128xi32, #tpu.memory_space<vmem>>
      %dma_start3A_143 = tpu.memref_squeeze %dma_start3A_142 : memref<1x8x128xi32, #tpu.memory_space<vmem>> -> memref<8x128xi32, #tpu.memory_space<vmem>>
      %dma_start3A_144 = arith.constant 0 : i32
      %dma_start3A_145 = tpu.memref_slice %arg5[%mul3A_89, %dma_start3A_144] : memref<2560x128xi32, #tpu.memory_space<hbm>> -> memref<8x128xi32, #tpu.memory_space<hbm>>
      %dma_start3A_146 = arith.constant 0 : i32
      %dma_start3A_147 = arith.constant 0 : i32
      %dma_start3A_148 = tpu.memref_slice %arg8[%run_scoped3A, %dma_start3A_146, %dma_start3A_147] : memref<2x8x128xi32, #tpu.memory_space<vmem>> -> memref<1x8x128xi32, #tpu.memory_space<vmem>>
      %dma_start3A_149 = tpu.memref_squeeze %dma_start3A_148 : memref<1x8x128xi32, #tpu.memory_space<vmem>> -> memref<8x128xi32, #tpu.memory_space<vmem>>
      %dma_start3A_150 = arith.constant 0 : i32
      %dma_start3A_151 = tpu.memref_slice %arg5[%mul3A_89, %dma_start3A_150] : memref<2560x128xi32, #tpu.memory_space<hbm>> -> memref<8x128xi32, #tpu.memory_space<hbm>>
      tpu.enqueue_dma source(%dma_start3A_151 : memref<8x128xi32, #tpu.memory_space<hbm>>) target(%dma_start3A_149 : memref<8x128xi32, #tpu.memory_space<vmem>>) target_semaphore(%run_scoped3A_139 : memref<!tpu.dma_semaphore, #tpu.memory_space<semaphore_mem>>)
      %dma_wait3A_152 = arith.constant 0 : i32
      %dma_wait3A_153 = arith.constant 0 : i32
      %dma_wait3A_154 = tpu.memref_slice %arg8[%run_scoped3A, %dma_wait3A_152, %dma_wait3A_153] : memref<2x8x128xi32, #tpu.memory_space<vmem>> -> memref<1x8x128xi32, #tpu.memory_space<vmem>>
      %dma_wait3A_155 = tpu.memref_squeeze %dma_wait3A_154 : memref<1x8x128xi32, #tpu.memory_space<vmem>> -> memref<8x128xi32, #tpu.memory_space<vmem>>
      %dma_wait3A_156 = arith.constant 0 : i32
      %dma_wait3A_157 = tpu.memref_slice %arg5[%mul3A_89, %dma_wait3A_156] : memref<2560x128xi32, #tpu.memory_space<hbm>> -> memref<8x128xi32, #tpu.memory_space<hbm>>
      %dma_wait3A_158 = arith.constant 0 : i32
      %dma_wait3A_159 = arith.constant 0 : i32
      %dma_wait3A_160 = tpu.memref_slice %arg8[%run_scoped3A, %dma_wait3A_158, %dma_wait3A_159] : memref<2x8x128xi32, #tpu.memory_space<vmem>> -> memref<1x8x128xi32, #tpu.memory_space<vmem>>
      %dma_wait3A_161 = tpu.memref_squeeze %dma_wait3A_160 : memref<1x8x128xi32, #tpu.memory_space<vmem>> -> memref<8x128xi32, #tpu.memory_space<vmem>>
      %dma_wait3A_162 = arith.constant 0 : i32
      %dma_wait3A_163 = tpu.memref_slice %arg5[%mul3A_89, %dma_wait3A_162] : memref<2560x128xi32, #tpu.memory_space<hbm>> -> memref<8x128xi32, #tpu.memory_space<hbm>>
      tpu.wait_dma2 semaphore(%run_scoped3A_139 : memref<!tpu.dma_semaphore, #tpu.memory_space<semaphore_mem>>) src(%dma_wait3A_163 : memref<8x128xi32, #tpu.memory_space<hbm>>) dst(%dma_wait3A_161 : memref<8x128xi32, #tpu.memory_space<vmem>>)
      tpu.yield
    }) : () -> ()
    %dma_start3A = arith.constant 0 : i32
    %dma_start3A_90 = arith.constant 0 : i32
    %dma_start3A_91 = arith.constant 0 : i32
    %dma_start3A_92 = tpu.memref_slice %arg9[%dma_start3A_90, %dma_start3A_91] : memref<128x128xf32, #tpu.memory_space<vmem>> -> memref<128x128xf32, #tpu.memory_space<vmem>>
    %dma_start3A_93 = arith.constant 0 : i32
    %dma_start3A_94 = tpu.memref_slice %arg7[%dma_start3A, %dma_start3A_93] : memref<8x128xi32, #tpu.memory_space<vmem>> -> memref<1x128xi32, #tpu.memory_space<vmem>>
    %dma_start3A_95 = tpu.memref_squeeze %dma_start3A_94 : memref<1x128xi32, #tpu.memory_space<vmem>> -> memref<128xi32, #tpu.memory_space<vmem>>
    %dma_start3A_96 = arith.constant 0 : i32
    %dma_start3A_97 = arith.constant 0 : i32
    %dma_start3A_98 = tpu.memref_slice %arg2[%dma_start3A_96, %dma_start3A_97] : memref<10240x128xf32, #tpu.memory_space<hbm>> -> memref<10240x128xf32, #tpu.memory_space<hbm>>
    tpu.enqueue_indirect_dma source(%dma_start3A_98 : memref<10240x128xf32, #tpu.memory_space<hbm>>) target(%dma_start3A_92 : memref<128x128xf32, #tpu.memory_space<vmem>>) offsets(%dma_start3A_95 : memref<128xi32, #tpu.memory_space<vmem>>) semaphore(%arg15 : memref<!tpu.dma_semaphore, #tpu.memory_space<semaphore_mem>>)
    %mul3A_99 = arith.constant 8 : i32
    %mul3A_100 = arith.muli %mul3A_99, %add3A : i32
    %mul3A_101 = arith.constant 10240 : i32
    %mul3A_102 = arith.muli %mul3A_100, %mul3A_101 : i32
    %dma_start3A_103 = tpu.memref_slice %arg3[%mul3A_102] : memref<2622464xf32, #tpu.memory_space<hbm>> -> memref<1024xf32, #tpu.memory_space<hbm>>
    %dma_start3A_104 = tpu.memref_slice %arg3[%mul3A_102] : memref<2622464xf32, #tpu.memory_space<hbm>> -> memref<1024xf32, #tpu.memory_space<hbm>>
    tpu.enqueue_dma source(%dma_start3A_104 : memref<1024xf32, #tpu.memory_space<hbm>>) target(%arg11 : memref<1024xf32, #tpu.memory_space<vmem>>) target_semaphore(%arg17 : memref<!tpu.dma_semaphore, #tpu.memory_space<semaphore_mem>>)
    %dma_wait3A = arith.constant 0 : i32
    %dma_wait3A_105 = arith.constant 0 : i32
    %dma_wait3A_106 = arith.constant 0 : i32
    %dma_wait3A_107 = tpu.memref_slice %arg9[%dma_wait3A_105, %dma_wait3A_106] : memref<128x128xf32, #tpu.memory_space<vmem>> -> memref<128x128xf32, #tpu.memory_space<vmem>>
    %dma_wait3A_108 = arith.constant 0 : i32
    %dma_wait3A_109 = tpu.memref_slice %arg7[%dma_wait3A, %dma_wait3A_108] : memref<8x128xi32, #tpu.memory_space<vmem>> -> memref<1x128xi32, #tpu.memory_space<vmem>>
    %dma_wait3A_110 = tpu.memref_squeeze %dma_wait3A_109 : memref<1x128xi32, #tpu.memory_space<vmem>> -> memref<128xi32, #tpu.memory_space<vmem>>
    %dma_wait3A_111 = arith.constant 0 : i32
    %dma_wait3A_112 = arith.constant 0 : i32
    %dma_wait3A_113 = tpu.memref_slice %arg2[%dma_wait3A_111, %dma_wait3A_112] : memref<10240x128xf32, #tpu.memory_space<hbm>> -> memref<10240x128xf32, #tpu.memory_space<hbm>>
    tpu.wait_indirect_dma semaphore(%arg15 : memref<!tpu.dma_semaphore, #tpu.memory_space<semaphore_mem>>) src(%dma_wait3A_113 : memref<10240x128xf32, #tpu.memory_space<hbm>>) dst(%dma_wait3A_107 : memref<128x128xf32, #tpu.memory_space<vmem>>)
    %dma_wait3A_114 = tpu.memref_slice %arg3[%mul3A_102] : memref<2622464xf32, #tpu.memory_space<hbm>> -> memref<1024xf32, #tpu.memory_space<hbm>>
    %dma_wait3A_115 = tpu.memref_slice %arg3[%mul3A_102] : memref<2622464xf32, #tpu.memory_space<hbm>> -> memref<1024xf32, #tpu.memory_space<hbm>>
    tpu.wait_dma2 semaphore(%arg17 : memref<!tpu.dma_semaphore, #tpu.memory_space<semaphore_mem>>) src(%dma_wait3A_115 : memref<1024xf32, #tpu.memory_space<hbm>>) dst(%arg11 : memref<1024xf32, #tpu.memory_space<vmem>>)
    %scan3A_116 = arith.constant 0 : i32
    %scan3A_117 = arith.constant 0 : i32
    %scan3A_118 = arith.constant 40 : i32
    %scan3A_119 = arith.addi %scan3A_117, %scan3A_118 : i32
    %scan3A_120 = arith.constant 1 : i32
    %scan3A_121 = scf.for %scan3A_139 = %scan3A_117 to %scan3A_119 step %scan3A_120 iter_args(%scan3A_140 = %scan3A_116) -> (i32)  : i32 {
      %mul3A_141 = arith.constant 2 : i32
      %mul3A_142 = arith.muli %mul3A_141, %scan3A_139 : i32
      %add3A_143 = arith.constant 0 : i32
      %add3A_144 = arith.addi %mul3A_142, %add3A_143 : i32
      %jit3A = arith.constant 8 : i32
      %div3A = arith.divsi %add3A_144, %jit3A : i32
      %sign3A = arith.constant 0 : i32
      %sign3A_145 = arith.cmpi sgt, %add3A_144, %sign3A : i32
      %sign3A_146 = arith.extui %sign3A_145 : i1 to i32
      %sign3A_147 = arith.constant 0 : i32
      %sign3A_148 = arith.cmpi slt, %add3A_144, %sign3A_147 : i32
      %sign3A_149 = arith.extui %sign3A_148 : i1 to i32
      %sign3A_150 = arith.subi %sign3A_146, %sign3A_149 : i32
      %sign3A_151 = arith.constant 0 : i32
      %sign3A_152 = arith.cmpi sgt, %jit3A, %sign3A_151 : i32
      %sign3A_153 = arith.extui %sign3A_152 : i1 to i32
      %sign3A_154 = arith.constant 0 : i32
      %sign3A_155 = arith.cmpi slt, %jit3A, %sign3A_154 : i32
      %sign3A_156 = arith.extui %sign3A_155 : i1 to i32
      %sign3A_157 = arith.subi %sign3A_153, %sign3A_156 : i32
      %ne3A = arith.cmpi ne, %sign3A_150, %sign3A_157 : i32
      %rem3A = arith.remsi %add3A_144, %jit3A : i32
      %ne3A_158 = arith.constant 0 : i32
      %ne3A_159 = arith.cmpi ne, %rem3A, %ne3A_158 : i32
      %and3A = arith.andi %ne3A, %ne3A_159 : i1
      %sub3A = arith.constant 1 : i32
      %sub3A_160 = arith.subi %div3A, %sub3A : i32
      %select_n3A = arith.select %and3A, %sub3A_160, %div3A : i32
      %add3A_161 = arith.constant 1 : i32
      %add3A_162 = arith.addi %add3A_144, %add3A_161 : i32
      %ge3A = arith.constant 1 : i32
      %ge3A_163 = arith.cmpi sge, %add3A_144, %ge3A : i32
      %convert_element_type3A = arith.extui %ge3A_163 : i1 to i32
      %cond3A = arith.constant 0 : i32
      %cond3A_164 = arith.cmpi ne, %convert_element_type3A, %cond3A : i32
      scf.if %cond3A_164 {
        %dma_wait3A_424 = arith.constant 0 : i32
        %dma_wait3A_425 = arith.constant 0 : i32
        %dma_wait3A_426 = arith.constant 0 : i32
        %dma_wait3A_427 = arith.constant 0 : i32
        %dma_wait3A_428 = tpu.memref_slice %arg10[%dma_wait3A_426, %dma_wait3A_427] : memref<128x128xf32, #tpu.memory_space<vmem>> -> memref<128x128xf32, #tpu.memory_space<vmem>>
        %dma_wait3A_429 = arith.constant 0 : i32
        %dma_wait3A_430 = tpu.memref_slice %arg8[%dma_wait3A_424, %dma_wait3A_425, %dma_wait3A_429] : memref<2x8x128xi32, #tpu.memory_space<vmem>> -> memref<1x1x128xi32, #tpu.memory_space<vmem>>
        %dma_wait3A_431 = tpu.memref_squeeze %dma_wait3A_430 : memref<1x1x128xi32, #tpu.memory_space<vmem>> -> memref<128xi32, #tpu.memory_space<vmem>>
        %dma_wait3A_432 = arith.constant 0 : i32
        %dma_wait3A_433 = arith.constant 0 : i32
        %dma_wait3A_434 = tpu.memref_slice %arg14[%dma_wait3A_432, %dma_wait3A_433] : memref<10240x128xf32, #tpu.memory_space<vmem_shared>> -> memref<10240x128xf32, #tpu.memory_space<vmem_shared>>
        tpu.wait_indirect_dma semaphore(%arg20 : memref<!tpu.dma_semaphore, #tpu.memory_space<semaphore_mem>>) src(%dma_wait3A_428 : memref<128x128xf32, #tpu.memory_space<vmem>>) dst(%dma_wait3A_434 : memref<10240x128xf32, #tpu.memory_space<vmem_shared>>)
      } else {
      }
      %jit3A_165 = arith.constant 8 : i32
      %eq3A = arith.constant 0 : i32
      %eq3A_166 = arith.cmpi eq, %jit3A_165, %eq3A : i32
      %jit3A_167 = arith.constant 1 : i32
      %select_n3A_168 = arith.select %eq3A_166, %jit3A_167, %jit3A_165 : i32
      %rem3A_169 = arith.remsi %add3A_162, %select_n3A_168 : i32
      %ne3A_170 = arith.constant 0 : i32
      %ne3A_171 = arith.cmpi ne, %rem3A_169, %ne3A_170 : i32
      %lt3A = arith.constant 0 : i32
      %lt3A_172 = arith.cmpi slt, %rem3A_169, %lt3A : i32
      %lt3A_173 = arith.constant 0 : i32
      %lt3A_174 = arith.cmpi slt, %select_n3A_168, %lt3A_173 : i32
      %ne3A_175 = arith.xori %lt3A_172, %lt3A_174 : i1
      %and3A_176 = arith.andi %ne3A_175, %ne3A_171 : i1
      %add3A_177 = arith.addi %rem3A_169, %select_n3A_168 : i32
      %select_n3A_178 = arith.select %and3A_176, %add3A_177, %rem3A_169 : i32
      %eq3A_179 = arith.constant 0 : i32
      %eq3A_180 = arith.cmpi eq, %select_n3A_178, %eq3A_179 : i32
      %lt3A_181 = arith.constant 80 : i32
      %lt3A_182 = arith.cmpi slt, %add3A_162, %lt3A_181 : i32
      %and3A_183 = arith.andi %eq3A_180, %lt3A_182 : i1
      %convert_element_type3A_184 = arith.extui %and3A_183 : i1 to i32
      %cond3A_185 = arith.constant 0 : i32
      %cond3A_186 = arith.cmpi ne, %convert_element_type3A_184, %cond3A_185 : i32
      scf.if %cond3A_186 {
        %jit3A_424 = arith.constant 8 : i32
        %div3A_425 = arith.divsi %add3A_162, %jit3A_424 : i32
        %sign3A_426 = arith.constant 0 : i32
        %sign3A_427 = arith.cmpi sgt, %add3A_162, %sign3A_426 : i32
        %sign3A_428 = arith.extui %sign3A_427 : i1 to i32
        %sign3A_429 = arith.constant 0 : i32
        %sign3A_430 = arith.cmpi slt, %add3A_162, %sign3A_429 : i32
        %sign3A_431 = arith.extui %sign3A_430 : i1 to i32
        %sign3A_432 = arith.subi %sign3A_428, %sign3A_431 : i32
        %sign3A_433 = arith.constant 0 : i32
        %sign3A_434 = arith.cmpi sgt, %jit3A_424, %sign3A_433 : i32
        %sign3A_435 = arith.extui %sign3A_434 : i1 to i32
        %sign3A_436 = arith.constant 0 : i32
        %sign3A_437 = arith.cmpi slt, %jit3A_424, %sign3A_436 : i32
        %sign3A_438 = arith.extui %sign3A_437 : i1 to i32
        %sign3A_439 = arith.subi %sign3A_435, %sign3A_438 : i32
        %ne3A_440 = arith.cmpi ne, %sign3A_432, %sign3A_439 : i32
        %rem3A_441 = arith.remsi %add3A_162, %jit3A_424 : i32
        %ne3A_442 = arith.constant 0 : i32
        %ne3A_443 = arith.cmpi ne, %rem3A_441, %ne3A_442 : i32
        %and3A_444 = arith.andi %ne3A_440, %ne3A_443 : i1
        %sub3A_445 = arith.constant 1 : i32
        %sub3A_446 = arith.subi %div3A_425, %sub3A_445 : i32
        %select_n3A_447 = arith.select %and3A_444, %sub3A_446, %div3A_425 : i32
        %mul3A_448 = arith.constant 8 : i32
        %mul3A_449 = arith.muli %mul3A_448, %select_n3A_447 : i32
        %add3A_450 = arith.addi %mul3A_89, %mul3A_449 : i32
        "tpu.region"() ({
          %run_scoped3A_470 = tpu.sem_alloc : memref<!tpu.dma_semaphore, #tpu.memory_space<semaphore_mem>>
          %dma_start3A_471 = arith.constant 0 : i32
          %dma_start3A_472 = tpu.memref_slice %arg4[%add3A_450, %dma_start3A_471] : memref<2560x128xi32, #tpu.memory_space<hbm>> -> memref<8x128xi32, #tpu.memory_space<hbm>>
          %dma_start3A_473 = arith.constant 0 : i32
          %dma_start3A_474 = tpu.memref_slice %arg4[%add3A_450, %dma_start3A_473] : memref<2560x128xi32, #tpu.memory_space<hbm>> -> memref<8x128xi32, #tpu.memory_space<hbm>>
          tpu.enqueue_dma source(%dma_start3A_474 : memref<8x128xi32, #tpu.memory_space<hbm>>) target(%arg7 : memref<8x128xi32, #tpu.memory_space<vmem>>) target_semaphore(%run_scoped3A_470 : memref<!tpu.dma_semaphore, #tpu.memory_space<semaphore_mem>>)
          %dma_wait3A_475 = arith.constant 0 : i32
          %dma_wait3A_476 = tpu.memref_slice %arg4[%add3A_450, %dma_wait3A_475] : memref<2560x128xi32, #tpu.memory_space<hbm>> -> memref<8x128xi32, #tpu.memory_space<hbm>>
          %dma_wait3A_477 = arith.constant 0 : i32
          %dma_wait3A_478 = tpu.memref_slice %arg4[%add3A_450, %dma_wait3A_477] : memref<2560x128xi32, #tpu.memory_space<hbm>> -> memref<8x128xi32, #tpu.memory_space<hbm>>
          tpu.wait_dma2 semaphore(%run_scoped3A_470 : memref<!tpu.dma_semaphore, #tpu.memory_space<semaphore_mem>>) src(%dma_wait3A_478 : memref<8x128xi32, #tpu.memory_space<hbm>>) dst(%arg7 : memref<8x128xi32, #tpu.memory_space<vmem>>)
          tpu.yield
        }) : () -> ()
        %mul3A_451 = arith.constant 8 : i32
        %mul3A_452 = arith.muli %mul3A_451, %select_n3A_447 : i32
        %add3A_453 = arith.addi %mul3A_89, %mul3A_452 : i32
        %jit3A_454 = arith.constant 2 : i32
        %eq3A_455 = arith.constant 0 : i32
        %eq3A_456 = arith.cmpi eq, %jit3A_454, %eq3A_455 : i32
        %jit3A_457 = arith.constant 1 : i32
        %select_n3A_458 = arith.select %eq3A_456, %jit3A_457, %jit3A_454 : i32
        %rem3A_459 = arith.remsi %select_n3A_447, %select_n3A_458 : i32
        %ne3A_460 = arith.constant 0 : i32
        %ne3A_461 = arith.cmpi ne, %rem3A_459, %ne3A_460 : i32
        %lt3A_462 = arith.constant 0 : i32
        %lt3A_463 = arith.cmpi slt, %rem3A_459, %lt3A_462 : i32
        %lt3A_464 = arith.constant 0 : i32
        %lt3A_465 = arith.cmpi slt, %select_n3A_458, %lt3A_464 : i32
        %ne3A_466 = arith.xori %lt3A_463, %lt3A_465 : i1
        %and3A_467 = arith.andi %ne3A_466, %ne3A_461 : i1
        %add3A_468 = arith.addi %rem3A_459, %select_n3A_458 : i32
        %select_n3A_469 = arith.select %and3A_467, %add3A_468, %rem3A_459 : i32
        "tpu.region"() ({
          %run_scoped3A_470 = tpu.sem_alloc : memref<!tpu.dma_semaphore, #tpu.memory_space<semaphore_mem>>
          %dma_start3A_471 = arith.constant 0 : i32
          %dma_start3A_472 = arith.constant 0 : i32
          %dma_start3A_473 = tpu.memref_slice %arg8[%select_n3A_469, %dma_start3A_471, %dma_start3A_472] : memref<2x8x128xi32, #tpu.memory_space<vmem>> -> memref<1x8x128xi32, #tpu.memory_space<vmem>>
          %dma_start3A_474 = tpu.memref_squeeze %dma_start3A_473 : memref<1x8x128xi32, #tpu.memory_space<vmem>> -> memref<8x128xi32, #tpu.memory_space<vmem>>
          %dma_start3A_475 = arith.constant 0 : i32
          %dma_start3A_476 = tpu.memref_slice %arg5[%add3A_453, %dma_start3A_475] : memref<2560x128xi32, #tpu.memory_space<hbm>> -> memref<8x128xi32, #tpu.memory_space<hbm>>
          %dma_start3A_477 = arith.constant 0 : i32
          %dma_start3A_478 = arith.constant 0 : i32
          %dma_start3A_479 = tpu.memref_slice %arg8[%select_n3A_469, %dma_start3A_477, %dma_start3A_478] : memref<2x8x128xi32, #tpu.memory_space<vmem>> -> memref<1x8x128xi32, #tpu.memory_space<vmem>>
          %dma_start3A_480 = tpu.memref_squeeze %dma_start3A_479 : memref<1x8x128xi32, #tpu.memory_space<vmem>> -> memref<8x128xi32, #tpu.memory_space<vmem>>
          %dma_start3A_481 = arith.constant 0 : i32
          %dma_start3A_482 = tpu.memref_slice %arg5[%add3A_453, %dma_start3A_481] : memref<2560x128xi32, #tpu.memory_space<hbm>> -> memref<8x128xi32, #tpu.memory_space<hbm>>
          tpu.enqueue_dma source(%dma_start3A_482 : memref<8x128xi32, #tpu.memory_space<hbm>>) target(%dma_start3A_480 : memref<8x128xi32, #tpu.memory_space<vmem>>) target_semaphore(%run_scoped3A_470 : memref<!tpu.dma_semaphore, #tpu.memory_space<semaphore_mem>>)
          %dma_wait3A_483 = arith.constant 0 : i32
          %dma_wait3A_484 = arith.constant 0 : i32
          %dma_wait3A_485 = tpu.memref_slice %arg8[%select_n3A_469, %dma_wait3A_483, %dma_wait3A_484] : memref<2x8x128xi32, #tpu.memory_space<vmem>> -> memref<1x8x128xi32, #tpu.memory_space<vmem>>
          %dma_wait3A_486 = tpu.memref_squeeze %dma_wait3A_485 : memref<1x8x128xi32, #tpu.memory_space<vmem>> -> memref<8x128xi32, #tpu.memory_space<vmem>>
          %dma_wait3A_487 = arith.constant 0 : i32
          %dma_wait3A_488 = tpu.memref_slice %arg5[%add3A_453, %dma_wait3A_487] : memref<2560x128xi32, #tpu.memory_space<hbm>> -> memref<8x128xi32, #tpu.memory_space<hbm>>
          %dma_wait3A_489 = arith.constant 0 : i32
          %dma_wait3A_490 = arith.constant 0 : i32
          %dma_wait3A_491 = tpu.memref_slice %arg8[%select_n3A_469, %dma_wait3A_489, %dma_wait3A_490] : memref<2x8x128xi32, #tpu.memory_space<vmem>> -> memref<1x8x128xi32, #tpu.memory_space<vmem>>
          %dma_wait3A_492 = tpu.memref_squeeze %dma_wait3A_491 : memref<1x8x128xi32, #tpu.memory_space<vmem>> -> memref<8x128xi32, #tpu.memory_space<vmem>>
          %dma_wait3A_493 = arith.constant 0 : i32
          %dma_wait3A_494 = tpu.memref_slice %arg5[%add3A_453, %dma_wait3A_493] : memref<2560x128xi32, #tpu.memory_space<hbm>> -> memref<8x128xi32, #tpu.memory_space<hbm>>
          tpu.wait_dma2 semaphore(%run_scoped3A_470 : memref<!tpu.dma_semaphore, #tpu.memory_space<semaphore_mem>>) src(%dma_wait3A_494 : memref<8x128xi32, #tpu.memory_space<hbm>>) dst(%dma_wait3A_492 : memref<8x128xi32, #tpu.memory_space<vmem>>)
          tpu.yield
        }) : () -> ()
      } else {
      }
      %jit3A_187 = arith.constant 8 : i32
      %eq3A_188 = arith.constant 0 : i32
      %eq3A_189 = arith.cmpi eq, %jit3A_187, %eq3A_188 : i32
      %jit3A_190 = arith.constant 1 : i32
      %select_n3A_191 = arith.select %eq3A_189, %jit3A_190, %jit3A_187 : i32
      %rem3A_192 = arith.remsi %add3A_162, %select_n3A_191 : i32
      %ne3A_193 = arith.constant 0 : i32
      %ne3A_194 = arith.cmpi ne, %rem3A_192, %ne3A_193 : i32
      %lt3A_195 = arith.constant 0 : i32
      %lt3A_196 = arith.cmpi slt, %rem3A_192, %lt3A_195 : i32
      %lt3A_197 = arith.constant 0 : i32
      %lt3A_198 = arith.cmpi slt, %select_n3A_191, %lt3A_197 : i32
      %ne3A_199 = arith.xori %lt3A_196, %lt3A_198 : i1
      %and3A_200 = arith.andi %ne3A_199, %ne3A_194 : i1
      %add3A_201 = arith.addi %rem3A_192, %select_n3A_191 : i32
      %select_n3A_202 = arith.select %and3A_200, %add3A_201, %rem3A_192 : i32
      %dma_start3A_203 = arith.constant 0 : i32
      %dma_start3A_204 = arith.constant 0 : i32
      %dma_start3A_205 = tpu.memref_slice %arg10[%dma_start3A_203, %dma_start3A_204] : memref<128x128xf32, #tpu.memory_space<vmem>> -> memref<128x128xf32, #tpu.memory_space<vmem>>
      %dma_start3A_206 = arith.constant 0 : i32
      %dma_start3A_207 = tpu.memref_slice %arg7[%select_n3A_202, %dma_start3A_206] : memref<8x128xi32, #tpu.memory_space<vmem>> -> memref<1x128xi32, #tpu.memory_space<vmem>>
      %dma_start3A_208 = tpu.memref_squeeze %dma_start3A_207 : memref<1x128xi32, #tpu.memory_space<vmem>> -> memref<128xi32, #tpu.memory_space<vmem>>
      %dma_start3A_209 = arith.constant 0 : i32
      %dma_start3A_210 = arith.constant 0 : i32
      %dma_start3A_211 = tpu.memref_slice %arg2[%dma_start3A_209, %dma_start3A_210] : memref<10240x128xf32, #tpu.memory_space<hbm>> -> memref<10240x128xf32, #tpu.memory_space<hbm>>
      tpu.enqueue_indirect_dma source(%dma_start3A_211 : memref<10240x128xf32, #tpu.memory_space<hbm>>) target(%dma_start3A_205 : memref<128x128xf32, #tpu.memory_space<vmem>>) offsets(%dma_start3A_208 : memref<128xi32, #tpu.memory_space<vmem>>) semaphore(%arg16 : memref<!tpu.dma_semaphore, #tpu.memory_space<semaphore_mem>>)
      %mul3A_212 = arith.constant 10240 : i32
      %mul3A_213 = arith.muli %add3A, %mul3A_212 : i32
      %mul3A_214 = arith.constant 128 : i32
      %mul3A_215 = arith.muli %add3A_162, %mul3A_214 : i32
      %add3A_216 = arith.addi %mul3A_213, %mul3A_215 : i32
      %mul3A_217 = arith.constant 8 : i32
      %mul3A_218 = arith.muli %mul3A_217, %add3A_216 : i32
      %dma_start3A_219 = tpu.memref_slice %arg3[%mul3A_218] : memref<2622464xf32, #tpu.memory_space<hbm>> -> memref<1024xf32, #tpu.memory_space<hbm>>
      %dma_start3A_220 = tpu.memref_slice %arg3[%mul3A_218] : memref<2622464xf32, #tpu.memory_space<hbm>> -> memref<1024xf32, #tpu.memory_space<hbm>>
      tpu.enqueue_dma source(%dma_start3A_220 : memref<1024xf32, #tpu.memory_space<hbm>>) target(%arg12 : memref<1024xf32, #tpu.memory_space<vmem>>) target_semaphore(%arg18 : memref<!tpu.dma_semaphore, #tpu.memory_space<semaphore_mem>>)
      %parallel_loop3A = arith.constant 0 : i32
      %parallel_loop3A_221 = arith.constant 64 : i32
      %parallel_loop3A_222 = arith.constant 1 : i32
      scf.for %parallel_loop3A_424 = %parallel_loop3A to %parallel_loop3A_221 step %parallel_loop3A_222  : i32 {
        %parallel_loop3A_425 = arith.constant 16 : i32
        %parallel_loop3A_426 = arith.muli %parallel_loop3A_425, %parallel_loop3A_424 : i32
        %parallel_loop3A_427 = arith.index_cast %parallel_loop3A_426 : i32 to index
        %parallel_loop3A_428 = tpu.vector_load %arg11[%parallel_loop3A_427] {strides = array<i32>} : memref<1024xf32, #tpu.memory_space<vmem>>, vector<16xf32>,
        %parallel_loop3A_429 = arith.constant 2 : i32
        %parallel_loop3A_430 = arith.muli %parallel_loop3A_429, %parallel_loop3A_424 : i32
        %parallel_loop3A_431 = arith.constant 0 : i32
        %parallel_loop3A_432 = arith.addi %parallel_loop3A_430, %parallel_loop3A_431 : i32
        %parallel_loop3A_433 = arith.constant 0 : i32
        %parallel_loop3A_434 = vector.broadcast %parallel_loop3A_433 : i32 to vector<16xi32>
        %parallel_loop3A_435 = vector.shape_cast %parallel_loop3A_434 : vector<16xi32> to vector<16x1xi32>
        %parallel_loop3A_436 = vector.shape_cast %parallel_loop3A_435 : vector<16x1xi32> to vector<16xi32>
        %parallel_loop3A_437 = tpu.dynamic_gather %parallel_loop3A_428[%parallel_loop3A_436] in [0] : vector<16xf32>, vector<16xi32> -> vector<16xf32>
        %parallel_loop3A_438 = arith.index_cast %parallel_loop3A_432 : i32 to index
        %parallel_loop3A_439 = arith.constant 0 : index
        %parallel_loop3A_440 = tpu.vector_load %arg9[%parallel_loop3A_438, %parallel_loop3A_439] {strides = array<i32>} : memref<128x128xf32, #tpu.memory_space<vmem>>, vector<16xf32>,
        %parallel_loop3A_441 = arith.mulf %parallel_loop3A_440, %parallel_loop3A_437 : vector<16xf32>
        %parallel_loop3A_442 = arith.index_cast %parallel_loop3A_432 : i32 to index
        %parallel_loop3A_443 = arith.constant 0 : index
        %parallel_loop3A_444 = tpu.vector_load %arg9[%parallel_loop3A_442, %parallel_loop3A_443] {strides = array<i32>} : memref<128x128xf32, #tpu.memory_space<vmem>>, vector<16xf32>,
        tpu.vector_store %arg9[%parallel_loop3A_442, %parallel_loop3A_443], %parallel_loop3A_441 {strides = array<i32>} : memref<128x128xf32, #tpu.memory_space<vmem>>, vector<16xf32>,
        %parallel_loop3A_445 = arith.constant 1 : i32
        %parallel_loop3A_446 = vector.broadcast %parallel_loop3A_445 : i32 to vector<16xi32>
        %parallel_loop3A_447 = vector.shape_cast %parallel_loop3A_446 : vector<16xi32> to vector<16x1xi32>
        %parallel_loop3A_448 = vector.shape_cast %parallel_loop3A_447 : vector<16x1xi32> to vector<16xi32>
        %parallel_loop3A_449 = tpu.dynamic_gather %parallel_loop3A_428[%parallel_loop3A_448] in [0] : vector<16xf32>, vector<16xi32> -> vector<16xf32>
        %parallel_loop3A_450 = arith.index_cast %parallel_loop3A_432 : i32 to index
        %parallel_loop3A_451 = arith.constant 16 : index
        %parallel_loop3A_452 = tpu.vector_load %arg9[%parallel_loop3A_450, %parallel_loop3A_451] {strides = array<i32>} : memref<128x128xf32, #tpu.memory_space<vmem>>, vector<16xf32>,
        %parallel_loop3A_453 = arith.mulf %parallel_loop3A_452, %parallel_loop3A_449 : vector<16xf32>
        %parallel_loop3A_454 = arith.index_cast %parallel_loop3A_432 : i32 to index
        %parallel_loop3A_455 = arith.constant 16 : index
        %parallel_loop3A_456 = tpu.vector_load %arg9[%parallel_loop3A_454, %parallel_loop3A_455] {strides = array<i32>} : memref<128x128xf32, #tpu.memory_space<vmem>>, vector<16xf32>,
        tpu.vector_store %arg9[%parallel_loop3A_454, %parallel_loop3A_455], %parallel_loop3A_453 {strides = array<i32>} : memref<128x128xf32, #tpu.memory_space<vmem>>, vector<16xf32>,
        %parallel_loop3A_457 = arith.constant 2 : i32
        %parallel_loop3A_458 = vector.broadcast %parallel_loop3A_457 : i32 to vector<16xi32>
        %parallel_loop3A_459 = vector.shape_cast %parallel_loop3A_458 : vector<16xi32> to vector<16x1xi32>
        %parallel_loop3A_460 = vector.shape_cast %parallel_loop3A_459 : vector<16x1xi32> to vector<16xi32>
        %parallel_loop3A_461 = tpu.dynamic_gather %parallel_loop3A_428[%parallel_loop3A_460] in [0] : vector<16xf32>, vector<16xi32> -> vector<16xf32>
        %parallel_loop3A_462 = arith.index_cast %parallel_loop3A_432 : i32 to index
        %parallel_loop3A_463 = arith.constant 32 : index
        %parallel_loop3A_464 = tpu.vector_load %arg9[%parallel_loop3A_462, %parallel_loop3A_463] {strides = array<i32>} : memref<128x128xf32, #tpu.memory_space<vmem>>, vector<16xf32>,
        %parallel_loop3A_465 = arith.mulf %parallel_loop3A_464, %parallel_loop3A_461 : vector<16xf32>
        %parallel_loop3A_466 = arith.index_cast %parallel_loop3A_432 : i32 to index
        %parallel_loop3A_467 = arith.constant 32 : index
        %parallel_loop3A_468 = tpu.vector_load %arg9[%parallel_loop3A_466, %parallel_loop3A_467] {strides = array<i32>} : memref<128x128xf32, #tpu.memory_space<vmem>>, vector<16xf32>,
        tpu.vector_store %arg9[%parallel_loop3A_466, %parallel_loop3A_467], %parallel_loop3A_465 {strides = array<i32>} : memref<128x128xf32, #tpu.memory_space<vmem>>, vector<16xf32>,
        %parallel_loop3A_469 = arith.constant 3 : i32
        %parallel_loop3A_470 = vector.broadcast %parallel_loop3A_469 : i32 to vector<16xi32>
        %parallel_loop3A_471 = vector.shape_cast %parallel_loop3A_470 : vector<16xi32> to vector<16x1xi32>
        %parallel_loop3A_472 = vector.shape_cast %parallel_loop3A_471 : vector<16x1xi32> to vector<16xi32>
        %parallel_loop3A_473 = tpu.dynamic_gather %parallel_loop3A_428[%parallel_loop3A_472] in [0] : vector<16xf32>, vector<16xi32> -> vector<16xf32>
        %parallel_loop3A_474 = arith.index_cast %parallel_loop3A_432 : i32 to index
        %parallel_loop3A_475 = arith.constant 48 : index
        %parallel_loop3A_476 = tpu.vector_load %arg9[%parallel_loop3A_474, %parallel_loop3A_475] {strides = array<i32>} : memref<128x128xf32, #tpu.memory_space<vmem>>, vector<16xf32>,
        %parallel_loop3A_477 = arith.mulf %parallel_loop3A_476, %parallel_loop3A_473 : vector<16xf32>
        %parallel_loop3A_478 = arith.index_cast %parallel_loop3A_432 : i32 to index
        %parallel_loop3A_479 = arith.constant 48 : index
        %parallel_loop3A_480 = tpu.vector_load %arg9[%parallel_loop3A_478, %parallel_loop3A_479] {strides = array<i32>} : memref<128x128xf32, #tpu.memory_space<vmem>>, vector<16xf32>,
        tpu.vector_store %arg9[%parallel_loop3A_478, %parallel_loop3A_479], %parallel_loop3A_477 {strides = array<i32>} : memref<128x128xf32, #tpu.memory_space<vmem>>, vector<16xf32>,
        %parallel_loop3A_481 = arith.constant 4 : i32
        %parallel_loop3A_482 = vector.broadcast %parallel_loop3A_481 : i32 to vector<16xi32>
        %parallel_loop3A_483 = vector.shape_cast %parallel_loop3A_482 : vector<16xi32> to vector<16x1xi32>
        %parallel_loop3A_484 = vector.shape_cast %parallel_loop3A_483 : vector<16x1xi32> to vector<16xi32>
        %parallel_loop3A_485 = tpu.dynamic_gather %parallel_loop3A_428[%parallel_loop3A_484] in [0] : vector<16xf32>, vector<16xi32> -> vector<16xf32>
        %parallel_loop3A_486 = arith.index_cast %parallel_loop3A_432 : i32 to index
        %parallel_loop3A_487 = arith.constant 64 : index
        %parallel_loop3A_488 = tpu.vector_load %arg9[%parallel_loop3A_486, %parallel_loop3A_487] {strides = array<i32>} : memref<128x128xf32, #tpu.memory_space<vmem>>, vector<16xf32>,
        %parallel_loop3A_489 = arith.mulf %parallel_loop3A_488, %parallel_loop3A_485 : vector<16xf32>
        %parallel_loop3A_490 = arith.index_cast %parallel_loop3A_432 : i32 to index
        %parallel_loop3A_491 = arith.constant 64 : index
        %parallel_loop3A_492 = tpu.vector_load %arg9[%parallel_loop3A_490, %parallel_loop3A_491] {strides = array<i32>} : memref<128x128xf32, #tpu.memory_space<vmem>>, vector<16xf32>,
        tpu.vector_store %arg9[%parallel_loop3A_490, %parallel_loop3A_491], %parallel_loop3A_489 {strides = array<i32>} : memref<128x128xf32, #tpu.memory_space<vmem>>, vector<16xf32>,
        %parallel_loop3A_493 = arith.constant 5 : i32
        %parallel_loop3A_494 = vector.broadcast %parallel_loop3A_493 : i32 to vector<16xi32>
        %parallel_loop3A_495 = vector.shape_cast %parallel_loop3A_494 : vector<16xi32> to vector<16x1xi32>
        %parallel_loop3A_496 = vector.shape_cast %parallel_loop3A_495 : vector<16x1xi32> to vector<16xi32>
        %parallel_loop3A_497 = tpu.dynamic_gather %parallel_loop3A_428[%parallel_loop3A_496] in [0] : vector<16xf32>, vector<16xi32> -> vector<16xf32>
        %parallel_loop3A_498 = arith.index_cast %parallel_loop3A_432 : i32 to index
        %parallel_loop3A_499 = arith.constant 80 : index
        %parallel_loop3A_500 = tpu.vector_load %arg9[%parallel_loop3A_498, %parallel_loop3A_499] {strides = array<i32>} : memref<128x128xf32, #tpu.memory_space<vmem>>, vector<16xf32>,
        %parallel_loop3A_501 = arith.mulf %parallel_loop3A_500, %parallel_loop3A_497 : vector<16xf32>
        %parallel_loop3A_502 = arith.index_cast %parallel_loop3A_432 : i32 to index
        %parallel_loop3A_503 = arith.constant 80 : index
        %parallel_loop3A_504 = tpu.vector_load %arg9[%parallel_loop3A_502, %parallel_loop3A_503] {strides = array<i32>} : memref<128x128xf32, #tpu.memory_space<vmem>>, vector<16xf32>,
        tpu.vector_store %arg9[%parallel_loop3A_502, %parallel_loop3A_503], %parallel_loop3A_501 {strides = array<i32>} : memref<128x128xf32, #tpu.memory_space<vmem>>, vector<16xf32>,
        %parallel_loop3A_505 = arith.constant 6 : i32
        %parallel_loop3A_506 = vector.broadcast %parallel_loop3A_505 : i32 to vector<16xi32>
        %parallel_loop3A_507 = vector.shape_cast %parallel_loop3A_506 : vector<16xi32> to vector<16x1xi32>
        %parallel_loop3A_508 = vector.shape_cast %parallel_loop3A_507 : vector<16x1xi32> to vector<16xi32>
        %parallel_loop3A_509 = tpu.dynamic_gather %parallel_loop3A_428[%parallel_loop3A_508] in [0] : vector<16xf32>, vector<16xi32> -> vector<16xf32>
        %parallel_loop3A_510 = arith.index_cast %parallel_loop3A_432 : i32 to index
        %parallel_loop3A_511 = arith.constant 96 : index
        %parallel_loop3A_512 = tpu.vector_load %arg9[%parallel_loop3A_510, %parallel_loop3A_511] {strides = array<i32>} : memref<128x128xf32, #tpu.memory_space<vmem>>, vector<16xf32>,
        %parallel_loop3A_513 = arith.mulf %parallel_loop3A_512, %parallel_loop3A_509 : vector<16xf32>
        %parallel_loop3A_514 = arith.index_cast %parallel_loop3A_432 : i32 to index
        %parallel_loop3A_515 = arith.constant 96 : index
        %parallel_loop3A_516 = tpu.vector_load %arg9[%parallel_loop3A_514, %parallel_loop3A_515] {strides = array<i32>} : memref<128x128xf32, #tpu.memory_space<vmem>>, vector<16xf32>,
        tpu.vector_store %arg9[%parallel_loop3A_514, %parallel_loop3A_515], %parallel_loop3A_513 {strides = array<i32>} : memref<128x128xf32, #tpu.memory_space<vmem>>, vector<16xf32>,
        %parallel_loop3A_517 = arith.constant 7 : i32
        %parallel_loop3A_518 = vector.broadcast %parallel_loop3A_517 : i32 to vector<16xi32>
        %parallel_loop3A_519 = vector.shape_cast %parallel_loop3A_518 : vector<16xi32> to vector<16x1xi32>
        %parallel_loop3A_520 = vector.shape_cast %parallel_loop3A_519 : vector<16x1xi32> to vector<16xi32>
        %parallel_loop3A_521 = tpu.dynamic_gather %parallel_loop3A_428[%parallel_loop3A_520] in [0] : vector<16xf32>, vector<16xi32> -> vector<16xf32>
        %parallel_loop3A_522 = arith.index_cast %parallel_loop3A_432 : i32 to index
        %parallel_loop3A_523 = arith.constant 112 : index
        %parallel_loop3A_524 = tpu.vector_load %arg9[%parallel_loop3A_522, %parallel_loop3A_523] {strides = array<i32>} : memref<128x128xf32, #tpu.memory_space<vmem>>, vector<16xf32>,
        %parallel_loop3A_525 = arith.mulf %parallel_loop3A_524, %parallel_loop3A_521 : vector<16xf32>
        %parallel_loop3A_526 = arith.index_cast %parallel_loop3A_432 : i32 to index
        %parallel_loop3A_527 = arith.constant 112 : index
        %parallel_loop3A_528 = tpu.vector_load %arg9[%parallel_loop3A_526, %parallel_loop3A_527] {strides = array<i32>} : memref<128x128xf32, #tpu.memory_space<vmem>>, vector<16xf32>,
        tpu.vector_store %arg9[%parallel_loop3A_526, %parallel_loop3A_527], %parallel_loop3A_525 {strides = array<i32>} : memref<128x128xf32, #tpu.memory_space<vmem>>, vector<16xf32>,
        %parallel_loop3A_529 = arith.constant 2 : i32
        %parallel_loop3A_530 = arith.muli %parallel_loop3A_529, %parallel_loop3A_424 : i32
        %parallel_loop3A_531 = arith.constant 1 : i32
        %parallel_loop3A_532 = arith.addi %parallel_loop3A_530, %parallel_loop3A_531 : i32
        %parallel_loop3A_533 = arith.constant 8 : i32
        %parallel_loop3A_534 = vector.broadcast %parallel_loop3A_533 : i32 to vector<16xi32>
        %parallel_loop3A_535 = vector.shape_cast %parallel_loop3A_534 : vector<16xi32> to vector<16x1xi32>
        %parallel_loop3A_536 = vector.shape_cast %parallel_loop3A_535 : vector<16x1xi32> to vector<16xi32>
        %parallel_loop3A_537 = tpu.dynamic_gather %parallel_loop3A_428[%parallel_loop3A_536] in [0] : vector<16xf32>, vector<16xi32> -> vector<16xf32>
        %parallel_loop3A_538 = arith.index_cast %parallel_loop3A_532 : i32 to index
        %parallel_loop3A_539 = arith.constant 0 : index
        %parallel_loop3A_540 = tpu.vector_load %arg9[%parallel_loop3A_538, %parallel_loop3A_539] {strides = array<i32>} : memref<128x128xf32, #tpu.memory_space<vmem>>, vector<16xf32>,
        %parallel_loop3A_541 = arith.mulf %parallel_loop3A_540, %parallel_loop3A_537 : vector<16xf32>
        %parallel_loop3A_542 = arith.index_cast %parallel_loop3A_532 : i32 to index
        %parallel_loop3A_543 = arith.constant 0 : index
        %parallel_loop3A_544 = tpu.vector_load %arg9[%parallel_loop3A_542, %parallel_loop3A_543] {strides = array<i32>} : memref<128x128xf32, #tpu.memory_space<vmem>>, vector<16xf32>,
        tpu.vector_store %arg9[%parallel_loop3A_542, %parallel_loop3A_543], %parallel_loop3A_541 {strides = array<i32>} : memref<128x128xf32, #tpu.memory_space<vmem>>, vector<16xf32>,
        %parallel_loop3A_545 = arith.constant 9 : i32
        %parallel_loop3A_546 = vector.broadcast %parallel_loop3A_545 : i32 to vector<16xi32>
        %parallel_loop3A_547 = vector.shape_cast %parallel_loop3A_546 : vector<16xi32> to vector<16x1xi32>
        %parallel_loop3A_548 = vector.shape_cast %parallel_loop3A_547 : vector<16x1xi32> to vector<16xi32>
        %parallel_loop3A_549 = tpu.dynamic_gather %parallel_loop3A_428[%parallel_loop3A_548] in [0] : vector<16xf32>, vector<16xi32> -> vector<16xf32>
        %parallel_loop3A_550 = arith.index_cast %parallel_loop3A_532 : i32 to index
        %parallel_loop3A_551 = arith.constant 16 : index
        %parallel_loop3A_552 = tpu.vector_load %arg9[%parallel_loop3A_550, %parallel_loop3A_551] {strides = array<i32>} : memref<128x128xf32, #tpu.memory_space<vmem>>, vector<16xf32>,
        %parallel_loop3A_553 = arith.mulf %parallel_loop3A_552, %parallel_loop3A_549 : vector<16xf32>
        %parallel_loop3A_554 = arith.index_cast %parallel_loop3A_532 : i32 to index
        %parallel_loop3A_555 = arith.constant 16 : index
        %parallel_loop3A_556 = tpu.vector_load %arg9[%parallel_loop3A_554, %parallel_loop3A_555] {strides = array<i32>} : memref<128x128xf32, #tpu.memory_space<vmem>>, vector<16xf32>,
        tpu.vector_store %arg9[%parallel_loop3A_554, %parallel_loop3A_555], %parallel_loop3A_553 {strides = array<i32>} : memref<128x128xf32, #tpu.memory_space<vmem>>, vector<16xf32>,
        %parallel_loop3A_557 = arith.constant 10 : i32
        %parallel_loop3A_558 = vector.broadcast %parallel_loop3A_557 : i32 to vector<16xi32>
        %parallel_loop3A_559 = vector.shape_cast %parallel_loop3A_558 : vector<16xi32> to vector<16x1xi32>
        %parallel_loop3A_560 = vector.shape_cast %parallel_loop3A_559 : vector<16x1xi32> to vector<16xi32>
        %parallel_loop3A_561 = tpu.dynamic_gather %parallel_loop3A_428[%parallel_loop3A_560] in [0] : vector<16xf32>, vector<16xi32> -> vector<16xf32>
        %parallel_loop3A_562 = arith.index_cast %parallel_loop3A_532 : i32 to index
        %parallel_loop3A_563 = arith.constant 32 : index
        %parallel_loop3A_564 = tpu.vector_load %arg9[%parallel_loop3A_562, %parallel_loop3A_563] {strides = array<i32>} : memref<128x128xf32, #tpu.memory_space<vmem>>, vector<16xf32>,
        %parallel_loop3A_565 = arith.mulf %parallel_loop3A_564, %parallel_loop3A_561 : vector<16xf32>
        %parallel_loop3A_566 = arith.index_cast %parallel_loop3A_532 : i32 to index
        %parallel_loop3A_567 = arith.constant 32 : index
        %parallel_loop3A_568 = tpu.vector_load %arg9[%parallel_loop3A_566, %parallel_loop3A_567] {strides = array<i32>} : memref<128x128xf32, #tpu.memory_space<vmem>>, vector<16xf32>,
        tpu.vector_store %arg9[%parallel_loop3A_566, %parallel_loop3A_567], %parallel_loop3A_565 {strides = array<i32>} : memref<128x128xf32, #tpu.memory_space<vmem>>, vector<16xf32>,
        %parallel_loop3A_569 = arith.constant 11 : i32
        %parallel_loop3A_570 = vector.broadcast %parallel_loop3A_569 : i32 to vector<16xi32>
        %parallel_loop3A_571 = vector.shape_cast %parallel_loop3A_570 : vector<16xi32> to vector<16x1xi32>
        %parallel_loop3A_572 = vector.shape_cast %parallel_loop3A_571 : vector<16x1xi32> to vector<16xi32>
        %parallel_loop3A_573 = tpu.dynamic_gather %parallel_loop3A_428[%parallel_loop3A_572] in [0] : vector<16xf32>, vector<16xi32> -> vector<16xf32>
        %parallel_loop3A_574 = arith.index_cast %parallel_loop3A_532 : i32 to index
        %parallel_loop3A_575 = arith.constant 48 : index
        %parallel_loop3A_576 = tpu.vector_load %arg9[%parallel_loop3A_574, %parallel_loop3A_575] {strides = array<i32>} : memref<128x128xf32, #tpu.memory_space<vmem>>, vector<16xf32>,
        %parallel_loop3A_577 = arith.mulf %parallel_loop3A_576, %parallel_loop3A_573 : vector<16xf32>
        %parallel_loop3A_578 = arith.index_cast %parallel_loop3A_532 : i32 to index
        %parallel_loop3A_579 = arith.constant 48 : index
        %parallel_loop3A_580 = tpu.vector_load %arg9[%parallel_loop3A_578, %parallel_loop3A_579] {strides = array<i32>} : memref<128x128xf32, #tpu.memory_space<vmem>>, vector<16xf32>,
        tpu.vector_store %arg9[%parallel_loop3A_578, %parallel_loop3A_579], %parallel_loop3A_577 {strides = array<i32>} : memref<128x128xf32, #tpu.memory_space<vmem>>, vector<16xf32>,
        %parallel_loop3A_581 = arith.constant 12 : i32
        %parallel_loop3A_582 = vector.broadcast %parallel_loop3A_581 : i32 to vector<16xi32>
        %parallel_loop3A_583 = vector.shape_cast %parallel_loop3A_582 : vector<16xi32> to vector<16x1xi32>
        %parallel_loop3A_584 = vector.shape_cast %parallel_loop3A_583 : vector<16x1xi32> to vector<16xi32>
        %parallel_loop3A_585 = tpu.dynamic_gather %parallel_loop3A_428[%parallel_loop3A_584] in [0] : vector<16xf32>, vector<16xi32> -> vector<16xf32>
        %parallel_loop3A_586 = arith.index_cast %parallel_loop3A_532 : i32 to index
        %parallel_loop3A_587 = arith.constant 64 : index
        %parallel_loop3A_588 = tpu.vector_load %arg9[%parallel_loop3A_586, %parallel_loop3A_587] {strides = array<i32>} : memref<128x128xf32, #tpu.memory_space<vmem>>, vector<16xf32>,
        %parallel_loop3A_589 = arith.mulf %parallel_loop3A_588, %parallel_loop3A_585 : vector<16xf32>
        %parallel_loop3A_590 = arith.index_cast %parallel_loop3A_532 : i32 to index
        %parallel_loop3A_591 = arith.constant 64 : index
        %parallel_loop3A_592 = tpu.vector_load %arg9[%parallel_loop3A_590, %parallel_loop3A_591] {strides = array<i32>} : memref<128x128xf32, #tpu.memory_space<vmem>>, vector<16xf32>,
        tpu.vector_store %arg9[%parallel_loop3A_590, %parallel_loop3A_591], %parallel_loop3A_589 {strides = array<i32>} : memref<128x128xf32, #tpu.memory_space<vmem>>, vector<16xf32>,
        %parallel_loop3A_593 = arith.constant 13 : i32
        %parallel_loop3A_594 = vector.broadcast %parallel_loop3A_593 : i32 to vector<16xi32>
        %parallel_loop3A_595 = vector.shape_cast %parallel_loop3A_594 : vector<16xi32> to vector<16x1xi32>
        %parallel_loop3A_596 = vector.shape_cast %parallel_loop3A_595 : vector<16x1xi32> to vector<16xi32>
        %parallel_loop3A_597 = tpu.dynamic_gather %parallel_loop3A_428[%parallel_loop3A_596] in [0] : vector<16xf32>, vector<16xi32> -> vector<16xf32>
        %parallel_loop3A_598 = arith.index_cast %parallel_loop3A_532 : i32 to index
        %parallel_loop3A_599 = arith.constant 80 : index
        %parallel_loop3A_600 = tpu.vector_load %arg9[%parallel_loop3A_598, %parallel_loop3A_599] {strides = array<i32>} : memref<128x128xf32, #tpu.memory_space<vmem>>, vector<16xf32>,
        %parallel_loop3A_601 = arith.mulf %parallel_loop3A_600, %parallel_loop3A_597 : vector<16xf32>
        %parallel_loop3A_602 = arith.index_cast %parallel_loop3A_532 : i32 to index
        %parallel_loop3A_603 = arith.constant 80 : index
        %parallel_loop3A_604 = tpu.vector_load %arg9[%parallel_loop3A_602, %parallel_loop3A_603] {strides = array<i32>} : memref<128x128xf32, #tpu.memory_space<vmem>>, vector<16xf32>,
        tpu.vector_store %arg9[%parallel_loop3A_602, %parallel_loop3A_603], %parallel_loop3A_601 {strides = array<i32>} : memref<128x128xf32, #tpu.memory_space<vmem>>, vector<16xf32>,
        %parallel_loop3A_605 = arith.constant 14 : i32
        %parallel_loop3A_606 = vector.broadcast %parallel_loop3A_605 : i32 to vector<16xi32>
        %parallel_loop3A_607 = vector.shape_cast %parallel_loop3A_606 : vector<16xi32> to vector<16x1xi32>
        %parallel_loop3A_608 = vector.shape_cast %parallel_loop3A_607 : vector<16x1xi32> to vector<16xi32>
        %parallel_loop3A_609 = tpu.dynamic_gather %parallel_loop3A_428[%parallel_loop3A_608] in [0] : vector<16xf32>, vector<16xi32> -> vector<16xf32>
        %parallel_loop3A_610 = arith.index_cast %parallel_loop3A_532 : i32 to index
        %parallel_loop3A_611 = arith.constant 96 : index
        %parallel_loop3A_612 = tpu.vector_load %arg9[%parallel_loop3A_610, %parallel_loop3A_611] {strides = array<i32>} : memref<128x128xf32, #tpu.memory_space<vmem>>, vector<16xf32>,
        %parallel_loop3A_613 = arith.mulf %parallel_loop3A_612, %parallel_loop3A_609 : vector<16xf32>
        %parallel_loop3A_614 = arith.index_cast %parallel_loop3A_532 : i32 to index
        %parallel_loop3A_615 = arith.constant 96 : index
        %parallel_loop3A_616 = tpu.vector_load %arg9[%parallel_loop3A_614, %parallel_loop3A_615] {strides = array<i32>} : memref<128x128xf32, #tpu.memory_space<vmem>>, vector<16xf32>,
        tpu.vector_store %arg9[%parallel_loop3A_614, %parallel_loop3A_615], %parallel_loop3A_613 {strides = array<i32>} : memref<128x128xf32, #tpu.memory_space<vmem>>, vector<16xf32>,
        %parallel_loop3A_617 = arith.constant 15 : i32
        %parallel_loop3A_618 = vector.broadcast %parallel_loop3A_617 : i32 to vector<16xi32>
        %parallel_loop3A_619 = vector.shape_cast %parallel_loop3A_618 : vector<16xi32> to vector<16x1xi32>
        %parallel_loop3A_620 = vector.shape_cast %parallel_loop3A_619 : vector<16x1xi32> to vector<16xi32>
        %parallel_loop3A_621 = tpu.dynamic_gather %parallel_loop3A_428[%parallel_loop3A_620] in [0] : vector<16xf32>, vector<16xi32> -> vector<16xf32>
        %parallel_loop3A_622 = arith.index_cast %parallel_loop3A_532 : i32 to index
        %parallel_loop3A_623 = arith.constant 112 : index
        %parallel_loop3A_624 = tpu.vector_load %arg9[%parallel_loop3A_622, %parallel_loop3A_623] {strides = array<i32>} : memref<128x128xf32, #tpu.memory_space<vmem>>, vector<16xf32>,
        %parallel_loop3A_625 = arith.mulf %parallel_loop3A_624, %parallel_loop3A_621 : vector<16xf32>
        %parallel_loop3A_626 = arith.index_cast %parallel_loop3A_532 : i32 to index
        %parallel_loop3A_627 = arith.constant 112 : index
        %parallel_loop3A_628 = tpu.vector_load %arg9[%parallel_loop3A_626, %parallel_loop3A_627] {strides = array<i32>} : memref<128x128xf32, #tpu.memory_space<vmem>>, vector<16xf32>,
        tpu.vector_store %arg9[%parallel_loop3A_626, %parallel_loop3A_627], %parallel_loop3A_625 {strides = array<i32>} : memref<128x128xf32, #tpu.memory_space<vmem>>, vector<16xf32>,
      } {sc.loop_unroll_factor = 2 : i64, sc.parallel_access}
      %jit3A_223 = arith.constant 2 : i32
      %eq3A_224 = arith.constant 0 : i32
      %eq3A_225 = arith.cmpi eq, %jit3A_223, %eq3A_224 : i32
      %jit3A_226 = arith.constant 1 : i32
      %select_n3A_227 = arith.select %eq3A_225, %jit3A_226, %jit3A_223 : i32
      %rem3A_228 = arith.remsi %select_n3A, %select_n3A_227 : i32
      %ne3A_229 = arith.constant 0 : i32
      %ne3A_230 = arith.cmpi ne, %rem3A_228, %ne3A_229 : i32
      %lt3A_231 = arith.constant 0 : i32
      %lt3A_232 = arith.cmpi slt, %rem3A_228, %lt3A_231 : i32
      %lt3A_233 = arith.constant 0 : i32
      %lt3A_234 = arith.cmpi slt, %select_n3A_227, %lt3A_233 : i32
      %ne3A_235 = arith.xori %lt3A_232, %lt3A_234 : i1
      %and3A_236 = arith.andi %ne3A_235, %ne3A_230 : i1
      %add3A_237 = arith.addi %rem3A_228, %select_n3A_227 : i32
      %select_n3A_238 = arith.select %and3A_236, %add3A_237, %rem3A_228 : i32
      %jit3A_239 = arith.constant 8 : i32
      %eq3A_240 = arith.constant 0 : i32
      %eq3A_241 = arith.cmpi eq, %jit3A_239, %eq3A_240 : i32
      %jit3A_242 = arith.constant 1 : i32
      %select_n3A_243 = arith.select %eq3A_241, %jit3A_242, %jit3A_239 : i32
      %rem3A_244 = arith.remsi %add3A_144, %select_n3A_243 : i32
      %ne3A_245 = arith.constant 0 : i32
      %ne3A_246 = arith.cmpi ne, %rem3A_244, %ne3A_245 : i32
      %lt3A_247 = arith.constant 0 : i32
      %lt3A_248 = arith.cmpi slt, %rem3A_244, %lt3A_247 : i32
      %lt3A_249 = arith.constant 0 : i32
      %lt3A_250 = arith.cmpi slt, %select_n3A_243, %lt3A_249 : i32
      %ne3A_251 = arith.xori %lt3A_248, %lt3A_250 : i1
      %and3A_252 = arith.andi %ne3A_251, %ne3A_246 : i1
      %add3A_253 = arith.addi %rem3A_244, %select_n3A_243 : i32
      %select_n3A_254 = arith.select %and3A_252, %add3A_253, %rem3A_244 : i32
      %dma_start3A_255 = arith.constant 0 : i32
      %dma_start3A_256 = arith.constant 0 : i32
      %dma_start3A_257 = tpu.memref_slice %arg9[%dma_start3A_255, %dma_start3A_256] : memref<128x128xf32, #tpu.memory_space<vmem>> -> memref<128x128xf32, #tpu.memory_space<vmem>>
      %dma_start3A_258 = arith.constant 0 : i32
      %dma_start3A_259 = tpu.memref_slice %arg8[%select_n3A_238, %select_n3A_254, %dma_start3A_258] : memref<2x8x128xi32, #tpu.memory_space<vmem>> -> memref<1x1x128xi32, #tpu.memory_space<vmem>>
      %dma_start3A_260 = tpu.memref_squeeze %dma_start3A_259 : memref<1x1x128xi32, #tpu.memory_space<vmem>> -> memref<128xi32, #tpu.memory_space<vmem>>
      %dma_start3A_261 = arith.constant 0 : i32
      %dma_start3A_262 = arith.constant 0 : i32
      %dma_start3A_263 = tpu.memref_slice %arg14[%dma_start3A_261, %dma_start3A_262] : memref<10240x128xf32, #tpu.memory_space<vmem_shared>> -> memref<10240x128xf32, #tpu.memory_space<vmem_shared>>
      tpu.enqueue_indirect_dma source(%dma_start3A_257 : memref<128x128xf32, #tpu.memory_space<vmem>>) target(%dma_start3A_263 : memref<10240x128xf32, #tpu.memory_space<vmem_shared>>) offsets(%dma_start3A_260 : memref<128xi32, #tpu.memory_space<vmem>>) semaphore(%arg19 : memref<!tpu.dma_semaphore, #tpu.memory_space<semaphore_mem>>) {add = true}
      %dma_wait3A_264 = arith.constant 0 : i32
      %dma_wait3A_265 = arith.constant 0 : i32
      %dma_wait3A_266 = tpu.memref_slice %arg10[%dma_wait3A_264, %dma_wait3A_265] : memref<128x128xf32, #tpu.memory_space<vmem>> -> memref<128x128xf32, #tpu.memory_space<vmem>>
      %dma_wait3A_267 = arith.constant 0 : i32
      %dma_wait3A_268 = tpu.memref_slice %arg7[%select_n3A_202, %dma_wait3A_267] : memref<8x128xi32, #tpu.memory_space<vmem>> -> memref<1x128xi32, #tpu.memory_space<vmem>>
      %dma_wait3A_269 = tpu.memref_squeeze %dma_wait3A_268 : memref<1x128xi32, #tpu.memory_space<vmem>> -> memref<128xi32, #tpu.memory_space<vmem>>
      %dma_wait3A_270 = arith.constant 0 : i32
      %dma_wait3A_271 = arith.constant 0 : i32
      %dma_wait3A_272 = tpu.memref_slice %arg2[%dma_wait3A_270, %dma_wait3A_271] : memref<10240x128xf32, #tpu.memory_space<hbm>> -> memref<10240x128xf32, #tpu.memory_space<hbm>>
      tpu.wait_indirect_dma semaphore(%arg16 : memref<!tpu.dma_semaphore, #tpu.memory_space<semaphore_mem>>) src(%dma_wait3A_272 : memref<10240x128xf32, #tpu.memory_space<hbm>>) dst(%dma_wait3A_266 : memref<128x128xf32, #tpu.memory_space<vmem>>)
      %dma_wait3A_273 = tpu.memref_slice %arg3[%mul3A_218] : memref<2622464xf32, #tpu.memory_space<hbm>> -> memref<1024xf32, #tpu.memory_space<hbm>>
      %dma_wait3A_274 = tpu.memref_slice %arg3[%mul3A_218] : memref<2622464xf32, #tpu.memory_space<hbm>> -> memref<1024xf32, #tpu.memory_space<hbm>>
      tpu.wait_dma2 semaphore(%arg18 : memref<!tpu.dma_semaphore, #tpu.memory_space<semaphore_mem>>) src(%dma_wait3A_274 : memref<1024xf32, #tpu.memory_space<hbm>>) dst(%arg12 : memref<1024xf32, #tpu.memory_space<vmem>>)
      %mul3A_275 = arith.constant 2 : i32
      %mul3A_276 = arith.muli %mul3A_275, %scan3A_139 : i32
      %add3A_277 = arith.constant 1 : i32
      %add3A_278 = arith.addi %mul3A_276, %add3A_277 : i32
      %jit3A_279 = arith.constant 8 : i32
      %div3A_280 = arith.divsi %add3A_278, %jit3A_279 : i32
      %sign3A_281 = arith.constant 0 : i32
      %sign3A_282 = arith.cmpi sgt, %add3A_278, %sign3A_281 : i32
      %sign3A_283 = arith.extui %sign3A_282 : i1 to i32
      %sign3A_284 = arith.constant 0 : i32
      %sign3A_285 = arith.cmpi slt, %add3A_278, %sign3A_284 : i32
      %sign3A_286 = arith.extui %sign3A_285 : i1 to i32
      %sign3A_287 = arith.subi %sign3A_283, %sign3A_286 : i32
      %sign3A_288 = arith.constant 0 : i32
      %sign3A_289 = arith.cmpi sgt, %jit3A_279, %sign3A_288 : i32
      %sign3A_290 = arith.extui %sign3A_289 : i1 to i32
      %sign3A_291 = arith.constant 0 : i32
      %sign3A_292 = arith.cmpi slt, %jit3A_279, %sign3A_291 : i32
      %sign3A_293 = arith.extui %sign3A_292 : i1 to i32
      %sign3A_294 = arith.subi %sign3A_290, %sign3A_293 : i32
      %ne3A_295 = arith.cmpi ne, %sign3A_287, %sign3A_294 : i32
      %rem3A_296 = arith.remsi %add3A_278, %jit3A_279 : i32
      %ne3A_297 = arith.constant 0 : i32
      %ne3A_298 = arith.cmpi ne, %rem3A_296, %ne3A_297 : i32
      %and3A_299 = arith.andi %ne3A_295, %ne3A_298 : i1
      %sub3A_300 = arith.constant 1 : i32
      %sub3A_301 = arith.subi %div3A_280, %sub3A_300 : i32
      %select_n3A_302 = arith.select %and3A_299, %sub3A_301, %div3A_280 : i32
      %add3A_303 = arith.constant 1 : i32
      %add3A_304 = arith.addi %add3A_278, %add3A_303 : i32
      %ge3A_305 = arith.constant 1 : i32
      %ge3A_306 = arith.cmpi sge, %add3A_278, %ge3A_305 : i32
      %convert_element_type3A_307 = arith.extui %ge3A_306 : i1 to i32
      %cond3A_308 = arith.constant 0 : i32
      %cond3A_309 = arith.cmpi ne, %convert_element_type3A_307, %cond3A_308 : i32
      scf.if %cond3A_309 {
        %dma_wait3A_424 = arith.constant 0 : i32
        %dma_wait3A_425 = arith.constant 0 : i32
        %dma_wait3A_426 = arith.constant 0 : i32
        %dma_wait3A_427 = arith.constant 0 : i32
        %dma_wait3A_428 = tpu.memref_slice %arg9[%dma_wait3A_426, %dma_wait3A_427] : memref<128x128xf32, #tpu.memory_space<vmem>> -> memref<128x128xf32, #tpu.memory_space<vmem>>
        %dma_wait3A_429 = arith.constant 0 : i32
        %dma_wait3A_430 = tpu.memref_slice %arg8[%dma_wait3A_424, %dma_wait3A_425, %dma_wait3A_429] : memref<2x8x128xi32, #tpu.memory_space<vmem>> -> memref<1x1x128xi32, #tpu.memory_space<vmem>>
        %dma_wait3A_431 = tpu.memref_squeeze %dma_wait3A_430 : memref<1x1x128xi32, #tpu.memory_space<vmem>> -> memref<128xi32, #tpu.memory_space<vmem>>
        %dma_wait3A_432 = arith.constant 0 : i32
        %dma_wait3A_433 = arith.constant 0 : i32
        %dma_wait3A_434 = tpu.memref_slice %arg14[%dma_wait3A_432, %dma_wait3A_433] : memref<10240x128xf32, #tpu.memory_space<vmem_shared>> -> memref<10240x128xf32, #tpu.memory_space<vmem_shared>>
        tpu.wait_indirect_dma semaphore(%arg19 : memref<!tpu.dma_semaphore, #tpu.memory_space<semaphore_mem>>) src(%dma_wait3A_428 : memref<128x128xf32, #tpu.memory_space<vmem>>) dst(%dma_wait3A_434 : memref<10240x128xf32, #tpu.memory_space<vmem_shared>>)
      } else {
      }
      %jit3A_310 = arith.constant 8 : i32
      %eq3A_311 = arith.constant 0 : i32
      %eq3A_312 = arith.cmpi eq, %jit3A_310, %eq3A_311 : i32
      %jit3A_313 = arith.constant 1 : i32
      %select_n3A_314 = arith.select %eq3A_312, %jit3A_313, %jit3A_310 : i32
      %rem3A_315 = arith.remsi %add3A_304, %select_n3A_314 : i32
      %ne3A_316 = arith.constant 0 : i32
      %ne3A_317 = arith.cmpi ne, %rem3A_315, %ne3A_316 : i32
      %lt3A_318 = arith.constant 0 : i32
      %lt3A_319 = arith.cmpi slt, %rem3A_315, %lt3A_318 : i32
      %lt3A_320 = arith.constant 0 : i32
      %lt3A_321 = arith.cmpi slt, %select_n3A_314, %lt3A_320 : i32
      %ne3A_322 = arith.xori %lt3A_319, %lt3A_321 : i1
      %and3A_323 = arith.andi %ne3A_322, %ne3A_317 : i1
      %add3A_324 = arith.addi %rem3A_315, %select_n3A_314 : i32
      %select_n3A_325 = arith.select %and3A_323, %add3A_324, %rem3A_315 : i32
      %eq3A_326 = arith.constant 0 : i32
      %eq3A_327 = arith.cmpi eq, %select_n3A_325, %eq3A_326 : i32
      %lt3A_328 = arith.constant 80 : i32
      %lt3A_329 = arith.cmpi slt, %add3A_304, %lt3A_328 : i32
      %and3A_330 = arith.andi %eq3A_327, %lt3A_329 : i1
      %convert_element_type3A_331 = arith.extui %and3A_330 : i1 to i32
      %cond3A_332 = arith.constant 0 : i32
      %cond3A_333 = arith.cmpi ne, %convert_element_type3A_331, %cond3A_332 : i32
      scf.if %cond3A_333 {
        %jit3A_424 = arith.constant 8 : i32
        %div3A_425 = arith.divsi %add3A_304, %jit3A_424 : i32
        %sign3A_426 = arith.constant 0 : i32
        %sign3A_427 = arith.cmpi sgt, %add3A_304, %sign3A_426 : i32
        %sign3A_428 = arith.extui %sign3A_427 : i1 to i32
        %sign3A_429 = arith.constant 0 : i32
        %sign3A_430 = arith.cmpi slt, %add3A_304, %sign3A_429 : i32
        %sign3A_431 = arith.extui %sign3A_430 : i1 to i32
        %sign3A_432 = arith.subi %sign3A_428, %sign3A_431 : i32
        %sign3A_433 = arith.constant 0 : i32
        %sign3A_434 = arith.cmpi sgt, %jit3A_424, %sign3A_433 : i32
        %sign3A_435 = arith.extui %sign3A_434 : i1 to i32
        %sign3A_436 = arith.constant 0 : i32
        %sign3A_437 = arith.cmpi slt, %jit3A_424, %sign3A_436 : i32
        %sign3A_438 = arith.extui %sign3A_437 : i1 to i32
        %sign3A_439 = arith.subi %sign3A_435, %sign3A_438 : i32
        %ne3A_440 = arith.cmpi ne, %sign3A_432, %sign3A_439 : i32
        %rem3A_441 = arith.remsi %add3A_304, %jit3A_424 : i32
        %ne3A_442 = arith.constant 0 : i32
        %ne3A_443 = arith.cmpi ne, %rem3A_441, %ne3A_442 : i32
        %and3A_444 = arith.andi %ne3A_440, %ne3A_443 : i1
        %sub3A_445 = arith.constant 1 : i32
        %sub3A_446 = arith.subi %div3A_425, %sub3A_445 : i32
        %select_n3A_447 = arith.select %and3A_444, %sub3A_446, %div3A_425 : i32
        %mul3A_448 = arith.constant 8 : i32
        %mul3A_449 = arith.muli %mul3A_448, %select_n3A_447 : i32
        %add3A_450 = arith.addi %mul3A_89, %mul3A_449 : i32
        "tpu.region"() ({
          %run_scoped3A_470 = tpu.sem_alloc : memref<!tpu.dma_semaphore, #tpu.memory_space<semaphore_mem>>
          %dma_start3A_471 = arith.constant 0 : i32
          %dma_start3A_472 = tpu.memref_slice %arg4[%add3A_450, %dma_start3A_471] : memref<2560x128xi32, #tpu.memory_space<hbm>> -> memref<8x128xi32, #tpu.memory_space<hbm>>
          %dma_start3A_473 = arith.constant 0 : i32
          %dma_start3A_474 = tpu.memref_slice %arg4[%add3A_450, %dma_start3A_473] : memref<2560x128xi32, #tpu.memory_space<hbm>> -> memref<8x128xi32, #tpu.memory_space<hbm>>
          tpu.enqueue_dma source(%dma_start3A_474 : memref<8x128xi32, #tpu.memory_space<hbm>>) target(%arg7 : memref<8x128xi32, #tpu.memory_space<vmem>>) target_semaphore(%run_scoped3A_470 : memref<!tpu.dma_semaphore, #tpu.memory_space<semaphore_mem>>)
          %dma_wait3A_475 = arith.constant 0 : i32
          %dma_wait3A_476 = tpu.memref_slice %arg4[%add3A_450, %dma_wait3A_475] : memref<2560x128xi32, #tpu.memory_space<hbm>> -> memref<8x128xi32, #tpu.memory_space<hbm>>
          %dma_wait3A_477 = arith.constant 0 : i32
          %dma_wait3A_478 = tpu.memref_slice %arg4[%add3A_450, %dma_wait3A_477] : memref<2560x128xi32, #tpu.memory_space<hbm>> -> memref<8x128xi32, #tpu.memory_space<hbm>>
          tpu.wait_dma2 semaphore(%run_scoped3A_470 : memref<!tpu.dma_semaphore, #tpu.memory_space<semaphore_mem>>) src(%dma_wait3A_478 : memref<8x128xi32, #tpu.memory_space<hbm>>) dst(%arg7 : memref<8x128xi32, #tpu.memory_space<vmem>>)
          tpu.yield
        }) : () -> ()
        %mul3A_451 = arith.constant 8 : i32
        %mul3A_452 = arith.muli %mul3A_451, %select_n3A_447 : i32
        %add3A_453 = arith.addi %mul3A_89, %mul3A_452 : i32
        %jit3A_454 = arith.constant 2 : i32
        %eq3A_455 = arith.constant 0 : i32
        %eq3A_456 = arith.cmpi eq, %jit3A_454, %eq3A_455 : i32
        %jit3A_457 = arith.constant 1 : i32
        %select_n3A_458 = arith.select %eq3A_456, %jit3A_457, %jit3A_454 : i32
        %rem3A_459 = arith.remsi %select_n3A_447, %select_n3A_458 : i32
        %ne3A_460 = arith.constant 0 : i32
        %ne3A_461 = arith.cmpi ne, %rem3A_459, %ne3A_460 : i32
        %lt3A_462 = arith.constant 0 : i32
        %lt3A_463 = arith.cmpi slt, %rem3A_459, %lt3A_462 : i32
        %lt3A_464 = arith.constant 0 : i32
        %lt3A_465 = arith.cmpi slt, %select_n3A_458, %lt3A_464 : i32
        %ne3A_466 = arith.xori %lt3A_463, %lt3A_465 : i1
        %and3A_467 = arith.andi %ne3A_466, %ne3A_461 : i1
        %add3A_468 = arith.addi %rem3A_459, %select_n3A_458 : i32
        %select_n3A_469 = arith.select %and3A_467, %add3A_468, %rem3A_459 : i32
        "tpu.region"() ({
          %run_scoped3A_470 = tpu.sem_alloc : memref<!tpu.dma_semaphore, #tpu.memory_space<semaphore_mem>>
          %dma_start3A_471 = arith.constant 0 : i32
          %dma_start3A_472 = arith.constant 0 : i32
          %dma_start3A_473 = tpu.memref_slice %arg8[%select_n3A_469, %dma_start3A_471, %dma_start3A_472] : memref<2x8x128xi32, #tpu.memory_space<vmem>> -> memref<1x8x128xi32, #tpu.memory_space<vmem>>
          %dma_start3A_474 = tpu.memref_squeeze %dma_start3A_473 : memref<1x8x128xi32, #tpu.memory_space<vmem>> -> memref<8x128xi32, #tpu.memory_space<vmem>>
          %dma_start3A_475 = arith.constant 0 : i32
          %dma_start3A_476 = tpu.memref_slice %arg5[%add3A_453, %dma_start3A_475] : memref<2560x128xi32, #tpu.memory_space<hbm>> -> memref<8x128xi32, #tpu.memory_space<hbm>>
          %dma_start3A_477 = arith.constant 0 : i32
          %dma_start3A_478 = arith.constant 0 : i32
          %dma_start3A_479 = tpu.memref_slice %arg8[%select_n3A_469, %dma_start3A_477, %dma_start3A_478] : memref<2x8x128xi32, #tpu.memory_space<vmem>> -> memref<1x8x128xi32, #tpu.memory_space<vmem>>
          %dma_start3A_480 = tpu.memref_squeeze %dma_start3A_479 : memref<1x8x128xi32, #tpu.memory_space<vmem>> -> memref<8x128xi32, #tpu.memory_space<vmem>>
          %dma_start3A_481 = arith.constant 0 : i32
          %dma_start3A_482 = tpu.memref_slice %arg5[%add3A_453, %dma_start3A_481] : memref<2560x128xi32, #tpu.memory_space<hbm>> -> memref<8x128xi32, #tpu.memory_space<hbm>>
          tpu.enqueue_dma source(%dma_start3A_482 : memref<8x128xi32, #tpu.memory_space<hbm>>) target(%dma_start3A_480 : memref<8x128xi32, #tpu.memory_space<vmem>>) target_semaphore(%run_scoped3A_470 : memref<!tpu.dma_semaphore, #tpu.memory_space<semaphore_mem>>)
          %dma_wait3A_483 = arith.constant 0 : i32
          %dma_wait3A_484 = arith.constant 0 : i32
          %dma_wait3A_485 = tpu.memref_slice %arg8[%select_n3A_469, %dma_wait3A_483, %dma_wait3A_484] : memref<2x8x128xi32, #tpu.memory_space<vmem>> -> memref<1x8x128xi32, #tpu.memory_space<vmem>>
          %dma_wait3A_486 = tpu.memref_squeeze %dma_wait3A_485 : memref<1x8x128xi32, #tpu.memory_space<vmem>> -> memref<8x128xi32, #tpu.memory_space<vmem>>
          %dma_wait3A_487 = arith.constant 0 : i32
          %dma_wait3A_488 = tpu.memref_slice %arg5[%add3A_453, %dma_wait3A_487] : memref<2560x128xi32, #tpu.memory_space<hbm>> -> memref<8x128xi32, #tpu.memory_space<hbm>>
          %dma_wait3A_489 = arith.constant 0 : i32
          %dma_wait3A_490 = arith.constant 0 : i32
          %dma_wait3A_491 = tpu.memref_slice %arg8[%select_n3A_469, %dma_wait3A_489, %dma_wait3A_490] : memref<2x8x128xi32, #tpu.memory_space<vmem>> -> memref<1x8x128xi32, #tpu.memory_space<vmem>>
          %dma_wait3A_492 = tpu.memref_squeeze %dma_wait3A_491 : memref<1x8x128xi32, #tpu.memory_space<vmem>> -> memref<8x128xi32, #tpu.memory_space<vmem>>
          %dma_wait3A_493 = arith.constant 0 : i32
          %dma_wait3A_494 = tpu.memref_slice %arg5[%add3A_453, %dma_wait3A_493] : memref<2560x128xi32, #tpu.memory_space<hbm>> -> memref<8x128xi32, #tpu.memory_space<hbm>>
          tpu.wait_dma2 semaphore(%run_scoped3A_470 : memref<!tpu.dma_semaphore, #tpu.memory_space<semaphore_mem>>) src(%dma_wait3A_494 : memref<8x128xi32, #tpu.memory_space<hbm>>) dst(%dma_wait3A_492 : memref<8x128xi32, #tpu.memory_space<vmem>>)
          tpu.yield
        }) : () -> ()
      } else {
      }
      %jit3A_334 = arith.constant 8 : i32
      %eq3A_335 = arith.constant 0 : i32
      %eq3A_336 = arith.cmpi eq, %jit3A_334, %eq3A_335 : i32
      %jit3A_337 = arith.constant 1 : i32
      %select_n3A_338 = arith.select %eq3A_336, %jit3A_337, %jit3A_334 : i32
      %rem3A_339 = arith.remsi %add3A_304, %select_n3A_338 : i32
      %ne3A_340 = arith.constant 0 : i32
      %ne3A_341 = arith.cmpi ne, %rem3A_339, %ne3A_340 : i32
      %lt3A_342 = arith.constant 0 : i32
      %lt3A_343 = arith.cmpi slt, %rem3A_339, %lt3A_342 : i32
      %lt3A_344 = arith.constant 0 : i32
      %lt3A_345 = arith.cmpi slt, %select_n3A_338, %lt3A_344 : i32
      %ne3A_346 = arith.xori %lt3A_343, %lt3A_345 : i1
      %and3A_347 = arith.andi %ne3A_346, %ne3A_341 : i1
      %add3A_348 = arith.addi %rem3A_339, %select_n3A_338 : i32
      %select_n3A_349 = arith.select %and3A_347, %add3A_348, %rem3A_339 : i32
      %dma_start3A_350 = arith.constant 0 : i32
      %dma_start3A_351 = arith.constant 0 : i32
      %dma_start3A_352 = tpu.memref_slice %arg9[%dma_start3A_350, %dma_start3A_351] : memref<128x128xf32, #tpu.memory_space<vmem>> -> memref<128x128xf32, #tpu.memory_space<vmem>>
      %dma_start3A_353 = arith.constant 0 : i32
      %dma_start3A_354 = tpu.memref_slice %arg7[%select_n3A_349, %dma_start3A_353] : memref<8x128xi32, #tpu.memory_space<vmem>> -> memref<1x128xi32, #tpu.memory_space<vmem>>
      %dma_start3A_355 = tpu.memref_squeeze %dma_start3A_354 : memref<1x128xi32, #tpu.memory_space<vmem>> -> memref<128xi32, #tpu.memory_space<vmem>>
      %dma_start3A_356 = arith.constant 0 : i32
      %dma_start3A_357 = arith.constant 0 : i32
      %dma_start3A_358 = tpu.memref_slice %arg2[%dma_start3A_356, %dma_start3A_357] : memref<10240x128xf32, #tpu.memory_space<hbm>> -> memref<10240x128xf32, #tpu.memory_space<hbm>>
      tpu.enqueue_indirect_dma source(%dma_start3A_358 : memref<10240x128xf32, #tpu.memory_space<hbm>>) target(%dma_start3A_352 : memref<128x128xf32, #tpu.memory_space<vmem>>) offsets(%dma_start3A_355 : memref<128xi32, #tpu.memory_space<vmem>>) semaphore(%arg15 : memref<!tpu.dma_semaphore, #tpu.memory_space<semaphore_mem>>)
      %mul3A_359 = arith.constant 10240 : i32
      %mul3A_360 = arith.muli %add3A, %mul3A_359 : i32
      %mul3A_361 = arith.constant 128 : i32
      %mul3A_362 = arith.muli %add3A_304, %mul3A_361 : i32
      %add3A_363 = arith.addi %mul3A_360, %mul3A_362 : i32
      %mul3A_364 = arith.constant 8 : i32
      %mul3A_365 = arith.muli %mul3A_364, %add3A_363 : i32
      %dma_start3A_366 = tpu.memref_slice %arg3[%mul3A_365] : memref<2622464xf32, #tpu.memory_space<hbm>> -> memref<1024xf32, #tpu.memory_space<hbm>>
      %dma_start3A_367 = tpu.memref_slice %arg3[%mul3A_365] : memref<2622464xf32, #tpu.memory_space<hbm>> -> memref<1024xf32, #tpu.memory_space<hbm>>
      tpu.enqueue_dma source(%dma_start3A_367 : memref<1024xf32, #tpu.memory_space<hbm>>) target(%arg11 : memref<1024xf32, #tpu.memory_space<vmem>>) target_semaphore(%arg17 : memref<!tpu.dma_semaphore, #tpu.memory_space<semaphore_mem>>)
      %parallel_loop3A_368 = arith.constant 0 : i32
      %parallel_loop3A_369 = arith.constant 64 : i32
      %parallel_loop3A_370 = arith.constant 1 : i32
      scf.for %parallel_loop3A_424 = %parallel_loop3A_368 to %parallel_loop3A_369 step %parallel_loop3A_370  : i32 {
        %parallel_loop3A_425 = arith.constant 16 : i32
        %parallel_loop3A_426 = arith.muli %parallel_loop3A_425, %parallel_loop3A_424 : i32
        %parallel_loop3A_427 = arith.index_cast %parallel_loop3A_426 : i32 to index
        %parallel_loop3A_428 = tpu.vector_load %arg12[%parallel_loop3A_427] {strides = array<i32>} : memref<1024xf32, #tpu.memory_space<vmem>>, vector<16xf32>,
        %parallel_loop3A_429 = arith.constant 2 : i32
        %parallel_loop3A_430 = arith.muli %parallel_loop3A_429, %parallel_loop3A_424 : i32
        %parallel_loop3A_431 = arith.constant 0 : i32
        %parallel_loop3A_432 = arith.addi %parallel_loop3A_430, %parallel_loop3A_431 : i32
        %parallel_loop3A_433 = arith.constant 0 : i32
        %parallel_loop3A_434 = vector.broadcast %parallel_loop3A_433 : i32 to vector<16xi32>
        %parallel_loop3A_435 = vector.shape_cast %parallel_loop3A_434 : vector<16xi32> to vector<16x1xi32>
        %parallel_loop3A_436 = vector.shape_cast %parallel_loop3A_435 : vector<16x1xi32> to vector<16xi32>
        %parallel_loop3A_437 = tpu.dynamic_gather %parallel_loop3A_428[%parallel_loop3A_436] in [0] : vector<16xf32>, vector<16xi32> -> vector<16xf32>
        %parallel_loop3A_438 = arith.index_cast %parallel_loop3A_432 : i32 to index
        %parallel_loop3A_439 = arith.constant 0 : index
        %parallel_loop3A_440 = tpu.vector_load %arg10[%parallel_loop3A_438, %parallel_loop3A_439] {strides = array<i32>} : memref<128x128xf32, #tpu.memory_space<vmem>>, vector<16xf32>,
        %parallel_loop3A_441 = arith.mulf %parallel_loop3A_440, %parallel_loop3A_437 : vector<16xf32>
        %parallel_loop3A_442 = arith.index_cast %parallel_loop3A_432 : i32 to index
        %parallel_loop3A_443 = arith.constant 0 : index
        %parallel_loop3A_444 = tpu.vector_load %arg10[%parallel_loop3A_442, %parallel_loop3A_443] {strides = array<i32>} : memref<128x128xf32, #tpu.memory_space<vmem>>, vector<16xf32>,
        tpu.vector_store %arg10[%parallel_loop3A_442, %parallel_loop3A_443], %parallel_loop3A_441 {strides = array<i32>} : memref<128x128xf32, #tpu.memory_space<vmem>>, vector<16xf32>,
        %parallel_loop3A_445 = arith.constant 1 : i32
        %parallel_loop3A_446 = vector.broadcast %parallel_loop3A_445 : i32 to vector<16xi32>
        %parallel_loop3A_447 = vector.shape_cast %parallel_loop3A_446 : vector<16xi32> to vector<16x1xi32>
        %parallel_loop3A_448 = vector.shape_cast %parallel_loop3A_447 : vector<16x1xi32> to vector<16xi32>
        %parallel_loop3A_449 = tpu.dynamic_gather %parallel_loop3A_428[%parallel_loop3A_448] in [0] : vector<16xf32>, vector<16xi32> -> vector<16xf32>
        %parallel_loop3A_450 = arith.index_cast %parallel_loop3A_432 : i32 to index
        %parallel_loop3A_451 = arith.constant 16 : index
        %parallel_loop3A_452 = tpu.vector_load %arg10[%parallel_loop3A_450, %parallel_loop3A_451] {strides = array<i32>} : memref<128x128xf32, #tpu.memory_space<vmem>>, vector<16xf32>,
        %parallel_loop3A_453 = arith.mulf %parallel_loop3A_452, %parallel_loop3A_449 : vector<16xf32>
        %parallel_loop3A_454 = arith.index_cast %parallel_loop3A_432 : i32 to index
        %parallel_loop3A_455 = arith.constant 16 : index
        %parallel_loop3A_456 = tpu.vector_load %arg10[%parallel_loop3A_454, %parallel_loop3A_455] {strides = array<i32>} : memref<128x128xf32, #tpu.memory_space<vmem>>, vector<16xf32>,
        tpu.vector_store %arg10[%parallel_loop3A_454, %parallel_loop3A_455], %parallel_loop3A_453 {strides = array<i32>} : memref<128x128xf32, #tpu.memory_space<vmem>>, vector<16xf32>,
        %parallel_loop3A_457 = arith.constant 2 : i32
        %parallel_loop3A_458 = vector.broadcast %parallel_loop3A_457 : i32 to vector<16xi32>
        %parallel_loop3A_459 = vector.shape_cast %parallel_loop3A_458 : vector<16xi32> to vector<16x1xi32>
        %parallel_loop3A_460 = vector.shape_cast %parallel_loop3A_459 : vector<16x1xi32> to vector<16xi32>
        %parallel_loop3A_461 = tpu.dynamic_gather %parallel_loop3A_428[%parallel_loop3A_460] in [0] : vector<16xf32>, vector<16xi32> -> vector<16xf32>
        %parallel_loop3A_462 = arith.index_cast %parallel_loop3A_432 : i32 to index
        %parallel_loop3A_463 = arith.constant 32 : index
        %parallel_loop3A_464 = tpu.vector_load %arg10[%parallel_loop3A_462, %parallel_loop3A_463] {strides = array<i32>} : memref<128x128xf32, #tpu.memory_space<vmem>>, vector<16xf32>,
        %parallel_loop3A_465 = arith.mulf %parallel_loop3A_464, %parallel_loop3A_461 : vector<16xf32>
        %parallel_loop3A_466 = arith.index_cast %parallel_loop3A_432 : i32 to index
        %parallel_loop3A_467 = arith.constant 32 : index
        %parallel_loop3A_468 = tpu.vector_load %arg10[%parallel_loop3A_466, %parallel_loop3A_467] {strides = array<i32>} : memref<128x128xf32, #tpu.memory_space<vmem>>, vector<16xf32>,
        tpu.vector_store %arg10[%parallel_loop3A_466, %parallel_loop3A_467], %parallel_loop3A_465 {strides = array<i32>} : memref<128x128xf32, #tpu.memory_space<vmem>>, vector<16xf32>,
        %parallel_loop3A_469 = arith.constant 3 : i32
        %parallel_loop3A_470 = vector.broadcast %parallel_loop3A_469 : i32 to vector<16xi32>
        %parallel_loop3A_471 = vector.shape_cast %parallel_loop3A_470 : vector<16xi32> to vector<16x1xi32>
        %parallel_loop3A_472 = vector.shape_cast %parallel_loop3A_471 : vector<16x1xi32> to vector<16xi32>
        %parallel_loop3A_473 = tpu.dynamic_gather %parallel_loop3A_428[%parallel_loop3A_472] in [0] : vector<16xf32>, vector<16xi32> -> vector<16xf32>
        %parallel_loop3A_474 = arith.index_cast %parallel_loop3A_432 : i32 to index
        %parallel_loop3A_475 = arith.constant 48 : index
        %parallel_loop3A_476 = tpu.vector_load %arg10[%parallel_loop3A_474, %parallel_loop3A_475] {strides = array<i32>} : memref<128x128xf32, #tpu.memory_space<vmem>>, vector<16xf32>,
        %parallel_loop3A_477 = arith.mulf %parallel_loop3A_476, %parallel_loop3A_473 : vector<16xf32>
        %parallel_loop3A_478 = arith.index_cast %parallel_loop3A_432 : i32 to index
        %parallel_loop3A_479 = arith.constant 48 : index
        %parallel_loop3A_480 = tpu.vector_load %arg10[%parallel_loop3A_478, %parallel_loop3A_479] {strides = array<i32>} : memref<128x128xf32, #tpu.memory_space<vmem>>, vector<16xf32>,
        tpu.vector_store %arg10[%parallel_loop3A_478, %parallel_loop3A_479], %parallel_loop3A_477 {strides = array<i32>} : memref<128x128xf32, #tpu.memory_space<vmem>>, vector<16xf32>,
        %parallel_loop3A_481 = arith.constant 4 : i32
        %parallel_loop3A_482 = vector.broadcast %parallel_loop3A_481 : i32 to vector<16xi32>
        %parallel_loop3A_483 = vector.shape_cast %parallel_loop3A_482 : vector<16xi32> to vector<16x1xi32>
        %parallel_loop3A_484 = vector.shape_cast %parallel_loop3A_483 : vector<16x1xi32> to vector<16xi32>
        %parallel_loop3A_485 = tpu.dynamic_gather %parallel_loop3A_428[%parallel_loop3A_484] in [0] : vector<16xf32>, vector<16xi32> -> vector<16xf32>
        %parallel_loop3A_486 = arith.index_cast %parallel_loop3A_432 : i32 to index
        %parallel_loop3A_487 = arith.constant 64 : index
        %parallel_loop3A_488 = tpu.vector_load %arg10[%parallel_loop3A_486, %parallel_loop3A_487] {strides = array<i32>} : memref<128x128xf32, #tpu.memory_space<vmem>>, vector<16xf32>,
        %parallel_loop3A_489 = arith.mulf %parallel_loop3A_488, %parallel_loop3A_485 : vector<16xf32>
        %parallel_loop3A_490 = arith.index_cast %parallel_loop3A_432 : i32 to index
        %parallel_loop3A_491 = arith.constant 64 : index
        %parallel_loop3A_492 = tpu.vector_load %arg10[%parallel_loop3A_490, %parallel_loop3A_491] {strides = array<i32>} : memref<128x128xf32, #tpu.memory_space<vmem>>, vector<16xf32>,
        tpu.vector_store %arg10[%parallel_loop3A_490, %parallel_loop3A_491], %parallel_loop3A_489 {strides = array<i32>} : memref<128x128xf32, #tpu.memory_space<vmem>>, vector<16xf32>,
        %parallel_loop3A_493 = arith.constant 5 : i32
        %parallel_loop3A_494 = vector.broadcast %parallel_loop3A_493 : i32 to vector<16xi32>
        %parallel_loop3A_495 = vector.shape_cast %parallel_loop3A_494 : vector<16xi32> to vector<16x1xi32>
        %parallel_loop3A_496 = vector.shape_cast %parallel_loop3A_495 : vector<16x1xi32> to vector<16xi32>
        %parallel_loop3A_497 = tpu.dynamic_gather %parallel_loop3A_428[%parallel_loop3A_496] in [0] : vector<16xf32>, vector<16xi32> -> vector<16xf32>
        %parallel_loop3A_498 = arith.index_cast %parallel_loop3A_432 : i32 to index
        %parallel_loop3A_499 = arith.constant 80 : index
        %parallel_loop3A_500 = tpu.vector_load %arg10[%parallel_loop3A_498, %parallel_loop3A_499] {strides = array<i32>} : memref<128x128xf32, #tpu.memory_space<vmem>>, vector<16xf32>,
        %parallel_loop3A_501 = arith.mulf %parallel_loop3A_500, %parallel_loop3A_497 : vector<16xf32>
        %parallel_loop3A_502 = arith.index_cast %parallel_loop3A_432 : i32 to index
        %parallel_loop3A_503 = arith.constant 80 : index
        %parallel_loop3A_504 = tpu.vector_load %arg10[%parallel_loop3A_502, %parallel_loop3A_503] {strides = array<i32>} : memref<128x128xf32, #tpu.memory_space<vmem>>, vector<16xf32>,
        tpu.vector_store %arg10[%parallel_loop3A_502, %parallel_loop3A_503], %parallel_loop3A_501 {strides = array<i32>} : memref<128x128xf32, #tpu.memory_space<vmem>>, vector<16xf32>,
        %parallel_loop3A_505 = arith.constant 6 : i32
        %parallel_loop3A_506 = vector.broadcast %parallel_loop3A_505 : i32 to vector<16xi32>
        %parallel_loop3A_507 = vector.shape_cast %parallel_loop3A_506 : vector<16xi32> to vector<16x1xi32>
        %parallel_loop3A_508 = vector.shape_cast %parallel_loop3A_507 : vector<16x1xi32> to vector<16xi32>
        %parallel_loop3A_509 = tpu.dynamic_gather %parallel_loop3A_428[%parallel_loop3A_508] in [0] : vector<16xf32>, vector<16xi32> -> vector<16xf32>
        %parallel_loop3A_510 = arith.index_cast %parallel_loop3A_432 : i32 to index
        %parallel_loop3A_511 = arith.constant 96 : index
        %parallel_loop3A_512 = tpu.vector_load %arg10[%parallel_loop3A_510, %parallel_loop3A_511] {strides = array<i32>} : memref<128x128xf32, #tpu.memory_space<vmem>>, vector<16xf32>,
        %parallel_loop3A_513 = arith.mulf %parallel_loop3A_512, %parallel_loop3A_509 : vector<16xf32>
        %parallel_loop3A_514 = arith.index_cast %parallel_loop3A_432 : i32 to index
        %parallel_loop3A_515 = arith.constant 96 : index
        %parallel_loop3A_516 = tpu.vector_load %arg10[%parallel_loop3A_514, %parallel_loop3A_515] {strides = array<i32>} : memref<128x128xf32, #tpu.memory_space<vmem>>, vector<16xf32>,
        tpu.vector_store %arg10[%parallel_loop3A_514, %parallel_loop3A_515], %parallel_loop3A_513 {strides = array<i32>} : memref<128x128xf32, #tpu.memory_space<vmem>>, vector<16xf32>,
        %parallel_loop3A_517 = arith.constant 7 : i32
        %parallel_loop3A_518 = vector.broadcast %parallel_loop3A_517 : i32 to vector<16xi32>
        %parallel_loop3A_519 = vector.shape_cast %parallel_loop3A_518 : vector<16xi32> to vector<16x1xi32>
        %parallel_loop3A_520 = vector.shape_cast %parallel_loop3A_519 : vector<16x1xi32> to vector<16xi32>
        %parallel_loop3A_521 = tpu.dynamic_gather %parallel_loop3A_428[%parallel_loop3A_520] in [0] : vector<16xf32>, vector<16xi32> -> vector<16xf32>
        %parallel_loop3A_522 = arith.index_cast %parallel_loop3A_432 : i32 to index
        %parallel_loop3A_523 = arith.constant 112 : index
        %parallel_loop3A_524 = tpu.vector_load %arg10[%parallel_loop3A_522, %parallel_loop3A_523] {strides = array<i32>} : memref<128x128xf32, #tpu.memory_space<vmem>>, vector<16xf32>,
        %parallel_loop3A_525 = arith.mulf %parallel_loop3A_524, %parallel_loop3A_521 : vector<16xf32>
        %parallel_loop3A_526 = arith.index_cast %parallel_loop3A_432 : i32 to index
        %parallel_loop3A_527 = arith.constant 112 : index
        %parallel_loop3A_528 = tpu.vector_load %arg10[%parallel_loop3A_526, %parallel_loop3A_527] {strides = array<i32>} : memref<128x128xf32, #tpu.memory_space<vmem>>, vector<16xf32>,
        tpu.vector_store %arg10[%parallel_loop3A_526, %parallel_loop3A_527], %parallel_loop3A_525 {strides = array<i32>} : memref<128x128xf32, #tpu.memory_space<vmem>>, vector<16xf32>,
        %parallel_loop3A_529 = arith.constant 2 : i32
        %parallel_loop3A_530 = arith.muli %parallel_loop3A_529, %parallel_loop3A_424 : i32
        %parallel_loop3A_531 = arith.constant 1 : i32
        %parallel_loop3A_532 = arith.addi %parallel_loop3A_530, %parallel_loop3A_531 : i32
        %parallel_loop3A_533 = arith.constant 8 : i32
        %parallel_loop3A_534 = vector.broadcast %parallel_loop3A_533 : i32 to vector<16xi32>
        %parallel_loop3A_535 = vector.shape_cast %parallel_loop3A_534 : vector<16xi32> to vector<16x1xi32>
        %parallel_loop3A_536 = vector.shape_cast %parallel_loop3A_535 : vector<16x1xi32> to vector<16xi32>
        %parallel_loop3A_537 = tpu.dynamic_gather %parallel_loop3A_428[%parallel_loop3A_536] in [0] : vector<16xf32>, vector<16xi32> -> vector<16xf32>
        %parallel_loop3A_538 = arith.index_cast %parallel_loop3A_532 : i32 to index
        %parallel_loop3A_539 = arith.constant 0 : index
        %parallel_loop3A_540 = tpu.vector_load %arg10[%parallel_loop3A_538, %parallel_loop3A_539] {strides = array<i32>} : memref<128x128xf32, #tpu.memory_space<vmem>>, vector<16xf32>,
        %parallel_loop3A_541 = arith.mulf %parallel_loop3A_540, %parallel_loop3A_537 : vector<16xf32>
        %parallel_loop3A_542 = arith.index_cast %parallel_loop3A_532 : i32 to index
        %parallel_loop3A_543 = arith.constant 0 : index
        %parallel_loop3A_544 = tpu.vector_load %arg10[%parallel_loop3A_542, %parallel_loop3A_543] {strides = array<i32>} : memref<128x128xf32, #tpu.memory_space<vmem>>, vector<16xf32>,
        tpu.vector_store %arg10[%parallel_loop3A_542, %parallel_loop3A_543], %parallel_loop3A_541 {strides = array<i32>} : memref<128x128xf32, #tpu.memory_space<vmem>>, vector<16xf32>,
        %parallel_loop3A_545 = arith.constant 9 : i32
        %parallel_loop3A_546 = vector.broadcast %parallel_loop3A_545 : i32 to vector<16xi32>
        %parallel_loop3A_547 = vector.shape_cast %parallel_loop3A_546 : vector<16xi32> to vector<16x1xi32>
        %parallel_loop3A_548 = vector.shape_cast %parallel_loop3A_547 : vector<16x1xi32> to vector<16xi32>
        %parallel_loop3A_549 = tpu.dynamic_gather %parallel_loop3A_428[%parallel_loop3A_548] in [0] : vector<16xf32>, vector<16xi32> -> vector<16xf32>
        %parallel_loop3A_550 = arith.index_cast %parallel_loop3A_532 : i32 to index
        %parallel_loop3A_551 = arith.constant 16 : index
        %parallel_loop3A_552 = tpu.vector_load %arg10[%parallel_loop3A_550, %parallel_loop3A_551] {strides = array<i32>} : memref<128x128xf32, #tpu.memory_space<vmem>>, vector<16xf32>,
        %parallel_loop3A_553 = arith.mulf %parallel_loop3A_552, %parallel_loop3A_549 : vector<16xf32>
        %parallel_loop3A_554 = arith.index_cast %parallel_loop3A_532 : i32 to index
        %parallel_loop3A_555 = arith.constant 16 : index
        %parallel_loop3A_556 = tpu.vector_load %arg10[%parallel_loop3A_554, %parallel_loop3A_555] {strides = array<i32>} : memref<128x128xf32, #tpu.memory_space<vmem>>, vector<16xf32>,
        tpu.vector_store %arg10[%parallel_loop3A_554, %parallel_loop3A_555], %parallel_loop3A_553 {strides = array<i32>} : memref<128x128xf32, #tpu.memory_space<vmem>>, vector<16xf32>,
        %parallel_loop3A_557 = arith.constant 10 : i32
        %parallel_loop3A_558 = vector.broadcast %parallel_loop3A_557 : i32 to vector<16xi32>
        %parallel_loop3A_559 = vector.shape_cast %parallel_loop3A_558 : vector<16xi32> to vector<16x1xi32>
        %parallel_loop3A_560 = vector.shape_cast %parallel_loop3A_559 : vector<16x1xi32> to vector<16xi32>
        %parallel_loop3A_561 = tpu.dynamic_gather %parallel_loop3A_428[%parallel_loop3A_560] in [0] : vector<16xf32>, vector<16xi32> -> vector<16xf32>
        %parallel_loop3A_562 = arith.index_cast %parallel_loop3A_532 : i32 to index
        %parallel_loop3A_563 = arith.constant 32 : index
        %parallel_loop3A_564 = tpu.vector_load %arg10[%parallel_loop3A_562, %parallel_loop3A_563] {strides = array<i32>} : memref<128x128xf32, #tpu.memory_space<vmem>>, vector<16xf32>,
        %parallel_loop3A_565 = arith.mulf %parallel_loop3A_564, %parallel_loop3A_561 : vector<16xf32>
        %parallel_loop3A_566 = arith.index_cast %parallel_loop3A_532 : i32 to index
        %parallel_loop3A_567 = arith.constant 32 : index
        %parallel_loop3A_568 = tpu.vector_load %arg10[%parallel_loop3A_566, %parallel_loop3A_567] {strides = array<i32>} : memref<128x128xf32, #tpu.memory_space<vmem>>, vector<16xf32>,
        tpu.vector_store %arg10[%parallel_loop3A_566, %parallel_loop3A_567], %parallel_loop3A_565 {strides = array<i32>} : memref<128x128xf32, #tpu.memory_space<vmem>>, vector<16xf32>,
        %parallel_loop3A_569 = arith.constant 11 : i32
        %parallel_loop3A_570 = vector.broadcast %parallel_loop3A_569 : i32 to vector<16xi32>
        %parallel_loop3A_571 = vector.shape_cast %parallel_loop3A_570 : vector<16xi32> to vector<16x1xi32>
        %parallel_loop3A_572 = vector.shape_cast %parallel_loop3A_571 : vector<16x1xi32> to vector<16xi32>
        %parallel_loop3A_573 = tpu.dynamic_gather %parallel_loop3A_428[%parallel_loop3A_572] in [0] : vector<16xf32>, vector<16xi32> -> vector<16xf32>
        %parallel_loop3A_574 = arith.index_cast %parallel_loop3A_532 : i32 to index
        %parallel_loop3A_575 = arith.constant 48 : index
        %parallel_loop3A_576 = tpu.vector_load %arg10[%parallel_loop3A_574, %parallel_loop3A_575] {strides = array<i32>} : memref<128x128xf32, #tpu.memory_space<vmem>>, vector<16xf32>,
        %parallel_loop3A_577 = arith.mulf %parallel_loop3A_576, %parallel_loop3A_573 : vector<16xf32>
        %parallel_loop3A_578 = arith.index_cast %parallel_loop3A_532 : i32 to index
        %parallel_loop3A_579 = arith.constant 48 : index
        %parallel_loop3A_580 = tpu.vector_load %arg10[%parallel_loop3A_578, %parallel_loop3A_579] {strides = array<i32>} : memref<128x128xf32, #tpu.memory_space<vmem>>, vector<16xf32>,
        tpu.vector_store %arg10[%parallel_loop3A_578, %parallel_loop3A_579], %parallel_loop3A_577 {strides = array<i32>} : memref<128x128xf32, #tpu.memory_space<vmem>>, vector<16xf32>,
        %parallel_loop3A_581 = arith.constant 12 : i32
        %parallel_loop3A_582 = vector.broadcast %parallel_loop3A_581 : i32 to vector<16xi32>
        %parallel_loop3A_583 = vector.shape_cast %parallel_loop3A_582 : vector<16xi32> to vector<16x1xi32>
        %parallel_loop3A_584 = vector.shape_cast %parallel_loop3A_583 : vector<16x1xi32> to vector<16xi32>
        %parallel_loop3A_585 = tpu.dynamic_gather %parallel_loop3A_428[%parallel_loop3A_584] in [0] : vector<16xf32>, vector<16xi32> -> vector<16xf32>
        %parallel_loop3A_586 = arith.index_cast %parallel_loop3A_532 : i32 to index
        %parallel_loop3A_587 = arith.constant 64 : index
        %parallel_loop3A_588 = tpu.vector_load %arg10[%parallel_loop3A_586, %parallel_loop3A_587] {strides = array<i32>} : memref<128x128xf32, #tpu.memory_space<vmem>>, vector<16xf32>,
        %parallel_loop3A_589 = arith.mulf %parallel_loop3A_588, %parallel_loop3A_585 : vector<16xf32>
        %parallel_loop3A_590 = arith.index_cast %parallel_loop3A_532 : i32 to index
        %parallel_loop3A_591 = arith.constant 64 : index
        %parallel_loop3A_592 = tpu.vector_load %arg10[%parallel_loop3A_590, %parallel_loop3A_591] {strides = array<i32>} : memref<128x128xf32, #tpu.memory_space<vmem>>, vector<16xf32>,
        tpu.vector_store %arg10[%parallel_loop3A_590, %parallel_loop3A_591], %parallel_loop3A_589 {strides = array<i32>} : memref<128x128xf32, #tpu.memory_space<vmem>>, vector<16xf32>,
        %parallel_loop3A_593 = arith.constant 13 : i32
        %parallel_loop3A_594 = vector.broadcast %parallel_loop3A_593 : i32 to vector<16xi32>
        %parallel_loop3A_595 = vector.shape_cast %parallel_loop3A_594 : vector<16xi32> to vector<16x1xi32>
        %parallel_loop3A_596 = vector.shape_cast %parallel_loop3A_595 : vector<16x1xi32> to vector<16xi32>
        %parallel_loop3A_597 = tpu.dynamic_gather %parallel_loop3A_428[%parallel_loop3A_596] in [0] : vector<16xf32>, vector<16xi32> -> vector<16xf32>
        %parallel_loop3A_598 = arith.index_cast %parallel_loop3A_532 : i32 to index
        %parallel_loop3A_599 = arith.constant 80 : index
        %parallel_loop3A_600 = tpu.vector_load %arg10[%parallel_loop3A_598, %parallel_loop3A_599] {strides = array<i32>} : memref<128x128xf32, #tpu.memory_space<vmem>>, vector<16xf32>,
        %parallel_loop3A_601 = arith.mulf %parallel_loop3A_600, %parallel_loop3A_597 : vector<16xf32>
        %parallel_loop3A_602 = arith.index_cast %parallel_loop3A_532 : i32 to index
        %parallel_loop3A_603 = arith.constant 80 : index
        %parallel_loop3A_604 = tpu.vector_load %arg10[%parallel_loop3A_602, %parallel_loop3A_603] {strides = array<i32>} : memref<128x128xf32, #tpu.memory_space<vmem>>, vector<16xf32>,
        tpu.vector_store %arg10[%parallel_loop3A_602, %parallel_loop3A_603], %parallel_loop3A_601 {strides = array<i32>} : memref<128x128xf32, #tpu.memory_space<vmem>>, vector<16xf32>,
        %parallel_loop3A_605 = arith.constant 14 : i32
        %parallel_loop3A_606 = vector.broadcast %parallel_loop3A_605 : i32 to vector<16xi32>
        %parallel_loop3A_607 = vector.shape_cast %parallel_loop3A_606 : vector<16xi32> to vector<16x1xi32>
        %parallel_loop3A_608 = vector.shape_cast %parallel_loop3A_607 : vector<16x1xi32> to vector<16xi32>
        %parallel_loop3A_609 = tpu.dynamic_gather %parallel_loop3A_428[%parallel_loop3A_608] in [0] : vector<16xf32>, vector<16xi32> -> vector<16xf32>
        %parallel_loop3A_610 = arith.index_cast %parallel_loop3A_532 : i32 to index
        %parallel_loop3A_611 = arith.constant 96 : index
        %parallel_loop3A_612 = tpu.vector_load %arg10[%parallel_loop3A_610, %parallel_loop3A_611] {strides = array<i32>} : memref<128x128xf32, #tpu.memory_space<vmem>>, vector<16xf32>,
        %parallel_loop3A_613 = arith.mulf %parallel_loop3A_612, %parallel_loop3A_609 : vector<16xf32>
        %parallel_loop3A_614 = arith.index_cast %parallel_loop3A_532 : i32 to index
        %parallel_loop3A_615 = arith.constant 96 : index
        %parallel_loop3A_616 = tpu.vector_load %arg10[%parallel_loop3A_614, %parallel_loop3A_615] {strides = array<i32>} : memref<128x128xf32, #tpu.memory_space<vmem>>, vector<16xf32>,
        tpu.vector_store %arg10[%parallel_loop3A_614, %parallel_loop3A_615], %parallel_loop3A_613 {strides = array<i32>} : memref<128x128xf32, #tpu.memory_space<vmem>>, vector<16xf32>,
        %parallel_loop3A_617 = arith.constant 15 : i32
        %parallel_loop3A_618 = vector.broadcast %parallel_loop3A_617 : i32 to vector<16xi32>
        %parallel_loop3A_619 = vector.shape_cast %parallel_loop3A_618 : vector<16xi32> to vector<16x1xi32>
        %parallel_loop3A_620 = vector.shape_cast %parallel_loop3A_619 : vector<16x1xi32> to vector<16xi32>
        %parallel_loop3A_621 = tpu.dynamic_gather %parallel_loop3A_428[%parallel_loop3A_620] in [0] : vector<16xf32>, vector<16xi32> -> vector<16xf32>
        %parallel_loop3A_622 = arith.index_cast %parallel_loop3A_532 : i32 to index
        %parallel_loop3A_623 = arith.constant 112 : index
        %parallel_loop3A_624 = tpu.vector_load %arg10[%parallel_loop3A_622, %parallel_loop3A_623] {strides = array<i32>} : memref<128x128xf32, #tpu.memory_space<vmem>>, vector<16xf32>,
        %parallel_loop3A_625 = arith.mulf %parallel_loop3A_624, %parallel_loop3A_621 : vector<16xf32>
        %parallel_loop3A_626 = arith.index_cast %parallel_loop3A_532 : i32 to index
        %parallel_loop3A_627 = arith.constant 112 : index
        %parallel_loop3A_628 = tpu.vector_load %arg10[%parallel_loop3A_626, %parallel_loop3A_627] {strides = array<i32>} : memref<128x128xf32, #tpu.memory_space<vmem>>, vector<16xf32>,
        tpu.vector_store %arg10[%parallel_loop3A_626, %parallel_loop3A_627], %parallel_loop3A_625 {strides = array<i32>} : memref<128x128xf32, #tpu.memory_space<vmem>>, vector<16xf32>,
      } {sc.loop_unroll_factor = 2 : i64, sc.parallel_access}
      %jit3A_371 = arith.constant 2 : i32
      %eq3A_372 = arith.constant 0 : i32
      %eq3A_373 = arith.cmpi eq, %jit3A_371, %eq3A_372 : i32
      %jit3A_374 = arith.constant 1 : i32
      %select_n3A_375 = arith.select %eq3A_373, %jit3A_374, %jit3A_371 : i32
      %rem3A_376 = arith.remsi %select_n3A_302, %select_n3A_375 : i32
      %ne3A_377 = arith.constant 0 : i32
      %ne3A_378 = arith.cmpi ne, %rem3A_376, %ne3A_377 : i32
      %lt3A_379 = arith.constant 0 : i32
      %lt3A_380 = arith.cmpi slt, %rem3A_376, %lt3A_379 : i32
      %lt3A_381 = arith.constant 0 : i32
      %lt3A_382 = arith.cmpi slt, %select_n3A_375, %lt3A_381 : i32
      %ne3A_383 = arith.xori %lt3A_380, %lt3A_382 : i1
      %and3A_384 = arith.andi %ne3A_383, %ne3A_378 : i1
      %add3A_385 = arith.addi %rem3A_376, %select_n3A_375 : i32
      %select_n3A_386 = arith.select %and3A_384, %add3A_385, %rem3A_376 : i32
      %jit3A_387 = arith.constant 8 : i32
      %eq3A_388 = arith.constant 0 : i32
      %eq3A_389 = arith.cmpi eq, %jit3A_387, %eq3A_388 : i32
      %jit3A_390 = arith.constant 1 : i32
      %select_n3A_391 = arith.select %eq3A_389, %jit3A_390, %jit3A_387 : i32
      %rem3A_392 = arith.remsi %add3A_278, %select_n3A_391 : i32
      %ne3A_393 = arith.constant 0 : i32
      %ne3A_394 = arith.cmpi ne, %rem3A_392, %ne3A_393 : i32
      %lt3A_395 = arith.constant 0 : i32
      %lt3A_396 = arith.cmpi slt, %rem3A_392, %lt3A_395 : i32
      %lt3A_397 = arith.constant 0 : i32
      %lt3A_398 = arith.cmpi slt, %select_n3A_391, %lt3A_397 : i32
      %ne3A_399 = arith.xori %lt3A_396, %lt3A_398 : i1
      %and3A_400 = arith.andi %ne3A_399, %ne3A_394 : i1
      %add3A_401 = arith.addi %rem3A_392, %select_n3A_391 : i32
      %select_n3A_402 = arith.select %and3A_400, %add3A_401, %rem3A_392 : i32
      %dma_start3A_403 = arith.constant 0 : i32
      %dma_start3A_404 = arith.constant 0 : i32
      %dma_start3A_405 = tpu.memref_slice %arg10[%dma_start3A_403, %dma_start3A_404] : memref<128x128xf32, #tpu.memory_space<vmem>> -> memref<128x128xf32, #tpu.memory_space<vmem>>
      %dma_start3A_406 = arith.constant 0 : i32
      %dma_start3A_407 = tpu.memref_slice %arg8[%select_n3A_386, %select_n3A_402, %dma_start3A_406] : memref<2x8x128xi32, #tpu.memory_space<vmem>> -> memref<1x1x128xi32, #tpu.memory_space<vmem>>
      %dma_start3A_408 = tpu.memref_squeeze %dma_start3A_407 : memref<1x1x128xi32, #tpu.memory_space<vmem>> -> memref<128xi32, #tpu.memory_space<vmem>>
      %dma_start3A_409 = arith.constant 0 : i32
      %dma_start3A_410 = arith.constant 0 : i32
      %dma_start3A_411 = tpu.memref_slice %arg14[%dma_start3A_409, %dma_start3A_410] : memref<10240x128xf32, #tpu.memory_space<vmem_shared>> -> memref<10240x128xf32, #tpu.memory_space<vmem_shared>>
      tpu.enqueue_indirect_dma source(%dma_start3A_405 : memref<128x128xf32, #tpu.memory_space<vmem>>) target(%dma_start3A_411 : memref<10240x128xf32, #tpu.memory_space<vmem_shared>>) offsets(%dma_start3A_408 : memref<128xi32, #tpu.memory_space<vmem>>) semaphore(%arg20 : memref<!tpu.dma_semaphore, #tpu.memory_space<semaphore_mem>>) {add = true}
      %dma_wait3A_412 = arith.constant 0 : i32
      %dma_wait3A_413 = arith.constant 0 : i32
      %dma_wait3A_414 = tpu.memref_slice %arg9[%dma_wait3A_412, %dma_wait3A_413] : memref<128x128xf32, #tpu.memory_space<vmem>> -> memref<128x128xf32, #tpu.memory_space<vmem>>
      %dma_wait3A_415 = arith.constant 0 : i32
      %dma_wait3A_416 = tpu.memref_slice %arg7[%select_n3A_349, %dma_wait3A_415] : memref<8x128xi32, #tpu.memory_space<vmem>> -> memref<1x128xi32, #tpu.memory_space<vmem>>
      %dma_wait3A_417 = tpu.memref_squeeze %dma_wait3A_416 : memref<1x128xi32, #tpu.memory_space<vmem>> -> memref<128xi32, #tpu.memory_space<vmem>>
      %dma_wait3A_418 = arith.constant 0 : i32
      %dma_wait3A_419 = arith.constant 0 : i32
      %dma_wait3A_420 = tpu.memref_slice %arg2[%dma_wait3A_418, %dma_wait3A_419] : memref<10240x128xf32, #tpu.memory_space<hbm>> -> memref<10240x128xf32, #tpu.memory_space<hbm>>
      tpu.wait_indirect_dma semaphore(%arg15 : memref<!tpu.dma_semaphore, #tpu.memory_space<semaphore_mem>>) src(%dma_wait3A_420 : memref<10240x128xf32, #tpu.memory_space<hbm>>) dst(%dma_wait3A_414 : memref<128x128xf32, #tpu.memory_space<vmem>>)
      %dma_wait3A_421 = tpu.memref_slice %arg3[%mul3A_365] : memref<2622464xf32, #tpu.memory_space<hbm>> -> memref<1024xf32, #tpu.memory_space<hbm>>
      %dma_wait3A_422 = tpu.memref_slice %arg3[%mul3A_365] : memref<2622464xf32, #tpu.memory_space<hbm>> -> memref<1024xf32, #tpu.memory_space<hbm>>
      tpu.wait_dma2 semaphore(%arg17 : memref<!tpu.dma_semaphore, #tpu.memory_space<semaphore_mem>>) src(%dma_wait3A_422 : memref<1024xf32, #tpu.memory_space<hbm>>) dst(%arg11 : memref<1024xf32, #tpu.memory_space<vmem>>)
      %scan3A_423 = arith.constant 0 : i32
      scf.yield %scan3A_423 : i32
    }
    %scan3A_122 = arith.constant 40 : i32
    %dma_wait3A_123 = arith.constant 0 : i32
    %dma_wait3A_124 = arith.constant 0 : i32
    %dma_wait3A_125 = arith.constant 0 : i32
    %dma_wait3A_126 = arith.constant 0 : i32
    %dma_wait3A_127 = tpu.memref_slice %arg10[%dma_wait3A_125, %dma_wait3A_126] : memref<128x128xf32, #tpu.memory_space<vmem>> -> memref<128x128xf32, #tpu.memory_space<vmem>>
    %dma_wait3A_128 = arith.constant 0 : i32
    %dma_wait3A_129 = tpu.memref_slice %arg8[%dma_wait3A_123, %dma_wait3A_124, %dma_wait3A_128] : memref<2x8x128xi32, #tpu.memory_space<vmem>> -> memref<1x1x128xi32, #tpu.memory_space<vmem>>
    %dma_wait3A_130 = tpu.memref_squeeze %dma_wait3A_129 : memref<1x1x128xi32, #tpu.memory_space<vmem>> -> memref<128xi32, #tpu.memory_space<vmem>>
    %dma_wait3A_131 = arith.constant 0 : i32
    %dma_wait3A_132 = arith.constant 0 : i32
    %dma_wait3A_133 = tpu.memref_slice %arg14[%dma_wait3A_131, %dma_wait3A_132] : memref<10240x128xf32, #tpu.memory_space<vmem_shared>> -> memref<10240x128xf32, #tpu.memory_space<vmem_shared>>
    tpu.wait_indirect_dma semaphore(%arg20 : memref<!tpu.dma_semaphore, #tpu.memory_space<semaphore_mem>>) src(%dma_wait3A_127 : memref<128x128xf32, #tpu.memory_space<vmem>>) dst(%dma_wait3A_133 : memref<10240x128xf32, #tpu.memory_space<vmem_shared>>)
    %barrier3A_134 = arith.constant 0 : index
    tpu.barrier barrier_id(%barrier3A_134)
    %mul3A_135 = arith.constant 640 : i32
    %mul3A_136 = arith.muli %arg1, %mul3A_135 : i32
    %mul3A_137 = arith.constant 640 : i32
    %mul3A_138 = arith.muli %arg1, %mul3A_137 : i32
    "tpu.region"() ({
      %run_scoped3A_139 = tpu.sem_alloc : memref<!tpu.dma_semaphore, #tpu.memory_space<semaphore_mem>>
      %dma_start3A_140 = arith.constant 0 : i32
      %dma_start3A_141 = tpu.memref_slice %arg6[%arg0, %mul3A_138, %dma_start3A_140] : memref<2x10240x128xf32, #tpu.memory_space<hbm>> -> memref<1x640x128xf32, #tpu.memory_space<hbm>>
      %dma_start3A_142 = tpu.memref_squeeze %dma_start3A_141 : memref<1x640x128xf32, #tpu.memory_space<hbm>> -> memref<640x128xf32, #tpu.memory_space<hbm>>
      %dma_start3A_143 = arith.constant 0 : i32
      %dma_start3A_144 = tpu.memref_slice %arg14[%mul3A_136, %dma_start3A_143] : memref<10240x128xf32, #tpu.memory_space<vmem_shared>> -> memref<640x128xf32, #tpu.memory_space<vmem_shared>>
      tpu.enqueue_dma source(%dma_start3A_144 : memref<640x128xf32, #tpu.memory_space<vmem_shared>>) target(%dma_start3A_142 : memref<640x128xf32, #tpu.memory_space<hbm>>) target_semaphore(%run_scoped3A_139 : memref<!tpu.dma_semaphore, #tpu.memory_space<semaphore_mem>>)
      %dma_wait3A_145 = arith.constant 0 : i32
      %dma_wait3A_146 = tpu.memref_slice %arg6[%arg0, %mul3A_138, %dma_wait3A_145] : memref<2x10240x128xf32, #tpu.memory_space<hbm>> -> memref<1x640x128xf32, #tpu.memory_space<hbm>>
      %dma_wait3A_147 = tpu.memref_squeeze %dma_wait3A_146 : memref<1x640x128xf32, #tpu.memory_space<hbm>> -> memref<640x128xf32, #tpu.memory_space<hbm>>
      %dma_wait3A_148 = arith.constant 0 : i32
      %dma_wait3A_149 = tpu.memref_slice %arg14[%mul3A_136, %dma_wait3A_148] : memref<10240x128xf32, #tpu.memory_space<vmem_shared>> -> memref<640x128xf32, #tpu.memory_space<vmem_shared>>
      tpu.wait_dma2 semaphore(%run_scoped3A_139 : memref<!tpu.dma_semaphore, #tpu.memory_space<semaphore_mem>>) src(%dma_wait3A_149 : memref<640x128xf32, #tpu.memory_space<vmem_shared>>) dst(%dma_wait3A_147 : memref<640x128xf32, #tpu.memory_space<hbm>>)
      tpu.yield
    }) : () -> ()
    return
  }
}

#map = affine_map<(d0, d1) -> (0)>
#map1 = affine_map<(d0, d1) -> (0, 0)>
module attributes {stable_mosaic.version = 14 : i64} {
  func.func @_p1a_body(%arg0: i32, %arg1: i32, %arg2: memref<81920xf32, #tpu.memory_space<hbm>>, %arg3: memref<2560x128xi32, #tpu.memory_space<hbm>>, %arg4: memref<2621440xf32, #tpu.memory_space<hbm>>, %arg5: memref<2621440xf32, #tpu.memory_space<hbm>>, %arg6: memref<81920xf32, #tpu.memory_space<vmem>>, %arg7: memref<8x128xi32, #tpu.memory_space<vmem>>, %arg8: memref<8192xf32, #tpu.memory_space<vmem>>, %arg9: memref<8192xf32, #tpu.memory_space<vmem>>, %arg10: memref<!tpu.dma_semaphore, #tpu.memory_space<semaphore_mem>>) attributes {dimension_semantics = [#tpu.dimension_semantics<core_parallel>, #tpu.dimension_semantics<subcore_parallel>], iteration_bounds = array<i64: 2, 16>, scalar_prefetch = 0 : i64, scratch_operands = 5 : i64, tpu.core_type = #tpu.core_type<sc_vector_subcore>, window_params = [{transform_indices = #map}, {transform_indices = #map1}, {transform_indices = #map}, {transform_indices = #map}]} {
    %mul3A = arith.constant 16 : i32
    %mul3A_0 = arith.muli %arg0, %mul3A : i32
    %add3A = arith.addi %mul3A_0, %arg1 : i32
    %iota3A = tpu.iota {dimensions = array<i32: 0>} : vector<16xi32>
    %jit3A = arith.constant 8 : i32
    %div3A = vector.broadcast %jit3A : i32 to vector<16xi32>
    %div3A_1 = arith.divsi %iota3A, %div3A : vector<16xi32>
    %sign3A = arith.constant 0 : i32
    %sign3A_2 = vector.broadcast %sign3A : i32 to vector<16xi32>
    %sign3A_3 = arith.cmpi sgt, %iota3A, %sign3A_2 : vector<16xi32>
    %sign3A_4 = arith.extui %sign3A_3 : vector<16xi1> to vector<16xi32>
    %sign3A_5 = arith.constant 0 : i32
    %sign3A_6 = vector.broadcast %sign3A_5 : i32 to vector<16xi32>
    %sign3A_7 = arith.cmpi slt, %iota3A, %sign3A_6 : vector<16xi32>
    %sign3A_8 = arith.extui %sign3A_7 : vector<16xi1> to vector<16xi32>
    %sign3A_9 = arith.subi %sign3A_4, %sign3A_8 : vector<16xi32>
    %sign3A_10 = arith.constant 0 : i32
    %sign3A_11 = arith.cmpi sgt, %jit3A, %sign3A_10 : i32
    %sign3A_12 = arith.extui %sign3A_11 : i1 to i32
    %sign3A_13 = arith.constant 0 : i32
    %sign3A_14 = arith.cmpi slt, %jit3A, %sign3A_13 : i32
    %sign3A_15 = arith.extui %sign3A_14 : i1 to i32
    %sign3A_16 = arith.subi %sign3A_12, %sign3A_15 : i32
    %ne3A = vector.broadcast %sign3A_16 : i32 to vector<16xi32>
    %ne3A_17 = arith.cmpi ne, %sign3A_9, %ne3A : vector<16xi32>
    %rem3A = vector.broadcast %jit3A : i32 to vector<16xi32>
    %rem3A_18 = arith.remsi %iota3A, %rem3A : vector<16xi32>
    %ne3A_19 = arith.constant 0 : i32
    %ne3A_20 = vector.broadcast %ne3A_19 : i32 to vector<16xi32>
    %ne3A_21 = arith.cmpi ne, %rem3A_18, %ne3A_20 : vector<16xi32>
    %and3A = arith.andi %ne3A_17, %ne3A_21 : vector<16xi1>
    %sub3A = arith.constant 1 : i32
    %sub3A_22 = vector.broadcast %sub3A : i32 to vector<16xi32>
    %sub3A_23 = arith.subi %div3A_1, %sub3A_22 : vector<16xi32>
    %select_n3A = arith.select %and3A, %sub3A_23, %div3A_1 : vector<16xi1>, vector<16xi32>
    %jit3A_24 = arith.constant 8 : i32
    %eq3A = arith.constant 0 : i32
    %eq3A_25 = arith.cmpi eq, %jit3A_24, %eq3A : i32
    %jit3A_26 = arith.constant 1 : i32
    %select_n3A_27 = arith.select %eq3A_25, %jit3A_26, %jit3A_24 : i32
    %rem3A_28 = vector.broadcast %select_n3A_27 : i32 to vector<16xi32>
    %rem3A_29 = arith.remsi %iota3A, %rem3A_28 : vector<16xi32>
    %ne3A_30 = arith.constant 0 : i32
    %ne3A_31 = vector.broadcast %ne3A_30 : i32 to vector<16xi32>
    %ne3A_32 = arith.cmpi ne, %rem3A_29, %ne3A_31 : vector<16xi32>
    %lt3A = arith.constant 0 : i32
    %lt3A_33 = vector.broadcast %lt3A : i32 to vector<16xi32>
    %lt3A_34 = arith.cmpi slt, %rem3A_29, %lt3A_33 : vector<16xi32>
    %lt3A_35 = arith.constant 0 : i32
    %lt3A_36 = arith.cmpi slt, %select_n3A_27, %lt3A_35 : i32
    %ne3A_37 = vector.broadcast %lt3A_36 : i1 to vector<16xi1>
    %ne3A_38 = vector.broadcast %ne3A_37 : vector<16xi1> to vector<16xi1>
    %ne3A_39 = arith.xori %lt3A_34, %ne3A_38 : vector<16xi1>
    %and3A_40 = arith.andi %ne3A_39, %ne3A_32 : vector<16xi1>
    %add3A_41 = vector.broadcast %select_n3A_27 : i32 to vector<16xi32>
    %add3A_42 = arith.addi %rem3A_29, %add3A_41 : vector<16xi32>
    %select_n3A_43 = arith.select %and3A_40, %add3A_42, %rem3A_29 : vector<16xi1>, vector<16xi32>
    "tpu.region"() ({
      %run_scoped3A = tpu.sem_alloc : memref<!tpu.dma_semaphore, #tpu.memory_space<semaphore_mem>>
      tpu.enqueue_dma source(%arg2 : memref<81920xf32, #tpu.memory_space<hbm>>) target(%arg6 : memref<81920xf32, #tpu.memory_space<vmem>>) target_semaphore(%run_scoped3A : memref<!tpu.dma_semaphore, #tpu.memory_space<semaphore_mem>>)
      tpu.wait_dma2 semaphore(%run_scoped3A : memref<!tpu.dma_semaphore, #tpu.memory_space<semaphore_mem>>) src(%arg2 : memref<81920xf32, #tpu.memory_space<hbm>>) dst(%arg6 : memref<81920xf32, #tpu.memory_space<vmem>>)
      tpu.yield
    }) : () -> ()
    %scan3A = arith.constant 0 : i32
    %scan3A_44 = arith.constant 0 : i32
    %scan3A_45 = arith.constant 10 : i32
    %scan3A_46 = arith.addi %scan3A_44, %scan3A_45 : i32
    %scan3A_47 = arith.constant 1 : i32
    %scan3A_48 = scf.for %scan3A_50 = %scan3A_44 to %scan3A_46 step %scan3A_47 iter_args(%scan3A_51 = %scan3A) -> (i32)  : i32 {
      %mul3A_52 = arith.constant 10240 : i32
      %mul3A_53 = arith.muli %add3A, %mul3A_52 : i32
      %mul3A_54 = arith.constant 1024 : i32
      %mul3A_55 = arith.muli %scan3A_50, %mul3A_54 : i32
      %add3A_56 = arith.addi %mul3A_53, %mul3A_55 : i32
      %mul3A_57 = arith.constant 80 : i32
      %mul3A_58 = arith.muli %add3A, %mul3A_57 : i32
      %mul3A_59 = arith.constant 8 : i32
      %mul3A_60 = arith.muli %mul3A_59, %scan3A_50 : i32
      %add3A_61 = arith.addi %mul3A_58, %mul3A_60 : i32
      %dma_start3A = arith.constant 0 : i32
      %dma_start3A_62 = tpu.memref_slice %arg3[%add3A_61, %dma_start3A] : memref<2560x128xi32, #tpu.memory_space<hbm>> -> memref<8x128xi32, #tpu.memory_space<hbm>>
      %dma_start3A_63 = arith.constant 0 : i32
      %dma_start3A_64 = tpu.memref_slice %arg3[%add3A_61, %dma_start3A_63] : memref<2560x128xi32, #tpu.memory_space<hbm>> -> memref<8x128xi32, #tpu.memory_space<hbm>>
      tpu.enqueue_dma source(%dma_start3A_64 : memref<8x128xi32, #tpu.memory_space<hbm>>) target(%arg7 : memref<8x128xi32, #tpu.memory_space<vmem>>) target_semaphore(%arg10 : memref<!tpu.dma_semaphore, #tpu.memory_space<semaphore_mem>>)
      %mul3A_65 = arith.constant 8 : i32
      %mul3A_66 = arith.muli %mul3A_65, %add3A_56 : i32
      %dma_start3A_67 = tpu.memref_slice %arg4[%mul3A_66] : memref<2621440xf32, #tpu.memory_space<hbm>> -> memref<8192xf32, #tpu.memory_space<hbm>>
      %dma_start3A_68 = tpu.memref_slice %arg4[%mul3A_66] : memref<2621440xf32, #tpu.memory_space<hbm>> -> memref<8192xf32, #tpu.memory_space<hbm>>
      tpu.enqueue_dma source(%dma_start3A_68 : memref<8192xf32, #tpu.memory_space<hbm>>) target(%arg8 : memref<8192xf32, #tpu.memory_space<vmem>>) target_semaphore(%arg10 : memref<!tpu.dma_semaphore, #tpu.memory_space<semaphore_mem>>)
      %dma_wait3A = arith.constant 0 : i32
      %dma_wait3A_69 = tpu.memref_slice %arg3[%add3A_61, %dma_wait3A] : memref<2560x128xi32, #tpu.memory_space<hbm>> -> memref<8x128xi32, #tpu.memory_space<hbm>>
      %dma_wait3A_70 = arith.constant 0 : i32
      %dma_wait3A_71 = tpu.memref_slice %arg3[%add3A_61, %dma_wait3A_70] : memref<2560x128xi32, #tpu.memory_space<hbm>> -> memref<8x128xi32, #tpu.memory_space<hbm>>
      tpu.wait_dma2 semaphore(%arg10 : memref<!tpu.dma_semaphore, #tpu.memory_space<semaphore_mem>>) src(%dma_wait3A_71 : memref<8x128xi32, #tpu.memory_space<hbm>>) dst(%arg7 : memref<8x128xi32, #tpu.memory_space<vmem>>)
      %dma_wait3A_72 = tpu.memref_slice %arg4[%mul3A_66] : memref<2621440xf32, #tpu.memory_space<hbm>> -> memref<8192xf32, #tpu.memory_space<hbm>>
      %dma_wait3A_73 = tpu.memref_slice %arg4[%mul3A_66] : memref<2621440xf32, #tpu.memory_space<hbm>> -> memref<8192xf32, #tpu.memory_space<hbm>>
      tpu.wait_dma2 semaphore(%arg10 : memref<!tpu.dma_semaphore, #tpu.memory_space<semaphore_mem>>) src(%dma_wait3A_73 : memref<8192xf32, #tpu.memory_space<hbm>>) dst(%arg8 : memref<8192xf32, #tpu.memory_space<vmem>>)
      %parallel_loop3A = arith.constant 0 : i32
      %parallel_loop3A_74 = arith.constant 512 : i32
      %parallel_loop3A_75 = arith.constant 1 : i32
      scf.for %parallel_loop3A_79 = %parallel_loop3A to %parallel_loop3A_74 step %parallel_loop3A_75  : i32 {
        %parallel_loop3A_80 = arith.constant 2 : i32
        %parallel_loop3A_81 = arith.muli %parallel_loop3A_80, %parallel_loop3A_79 : i32
        %parallel_loop3A_82 = vector.broadcast %parallel_loop3A_81 : i32 to vector<16xi32>
        %parallel_loop3A_83 = arith.addi %parallel_loop3A_82, %select_n3A : vector<16xi32>
        %parallel_loop3A_84 = arith.constant 128 : i32
        %parallel_loop3A_85 = vector.broadcast %parallel_loop3A_84 : i32 to vector<16xi32>
        %parallel_loop3A_86 = arith.divsi %parallel_loop3A_83, %parallel_loop3A_85 : vector<16xi32>
        %parallel_loop3A_87 = arith.constant 0 : i32
        %parallel_loop3A_88 = vector.broadcast %parallel_loop3A_87 : i32 to vector<16xi32>
        %parallel_loop3A_89 = arith.cmpi sgt, %parallel_loop3A_83, %parallel_loop3A_88 : vector<16xi32>
        %parallel_loop3A_90 = arith.extui %parallel_loop3A_89 : vector<16xi1> to vector<16xi32>
        %parallel_loop3A_91 = arith.constant 0 : i32
        %parallel_loop3A_92 = vector.broadcast %parallel_loop3A_91 : i32 to vector<16xi32>
        %parallel_loop3A_93 = arith.cmpi slt, %parallel_loop3A_83, %parallel_loop3A_92 : vector<16xi32>
        %parallel_loop3A_94 = arith.extui %parallel_loop3A_93 : vector<16xi1> to vector<16xi32>
        %parallel_loop3A_95 = arith.subi %parallel_loop3A_90, %parallel_loop3A_94 : vector<16xi32>
        %parallel_loop3A_96 = arith.constant 0 : i32
        %parallel_loop3A_97 = arith.cmpi sgt, %parallel_loop3A_84, %parallel_loop3A_96 : i32
        %parallel_loop3A_98 = arith.extui %parallel_loop3A_97 : i1 to i32
        %parallel_loop3A_99 = arith.constant 0 : i32
        %parallel_loop3A_100 = arith.cmpi slt, %parallel_loop3A_84, %parallel_loop3A_99 : i32
        %parallel_loop3A_101 = arith.extui %parallel_loop3A_100 : i1 to i32
        %parallel_loop3A_102 = arith.subi %parallel_loop3A_98, %parallel_loop3A_101 : i32
        %parallel_loop3A_103 = vector.broadcast %parallel_loop3A_102 : i32 to vector<16xi32>
        %parallel_loop3A_104 = arith.cmpi ne, %parallel_loop3A_95, %parallel_loop3A_103 : vector<16xi32>
        %parallel_loop3A_105 = vector.broadcast %parallel_loop3A_84 : i32 to vector<16xi32>
        %parallel_loop3A_106 = arith.remsi %parallel_loop3A_83, %parallel_loop3A_105 : vector<16xi32>
        %parallel_loop3A_107 = arith.constant 0 : i32
        %parallel_loop3A_108 = vector.broadcast %parallel_loop3A_107 : i32 to vector<16xi32>
        %parallel_loop3A_109 = arith.cmpi ne, %parallel_loop3A_106, %parallel_loop3A_108 : vector<16xi32>
        %parallel_loop3A_110 = arith.andi %parallel_loop3A_104, %parallel_loop3A_109 : vector<16xi1>
        %parallel_loop3A_111 = arith.constant 1 : i32
        %parallel_loop3A_112 = vector.broadcast %parallel_loop3A_111 : i32 to vector<16xi32>
        %parallel_loop3A_113 = arith.subi %parallel_loop3A_86, %parallel_loop3A_112 : vector<16xi32>
        %parallel_loop3A_114 = arith.select %parallel_loop3A_110, %parallel_loop3A_113, %parallel_loop3A_86 : vector<16xi1>, vector<16xi32>
        %parallel_loop3A_115 = arith.constant 128 : i32
        %parallel_loop3A_116 = arith.constant 0 : i32
        %parallel_loop3A_117 = arith.cmpi eq, %parallel_loop3A_115, %parallel_loop3A_116 : i32
        %parallel_loop3A_118 = arith.constant 1 : i32
        %parallel_loop3A_119 = arith.select %parallel_loop3A_117, %parallel_loop3A_118, %parallel_loop3A_115 : i32
        %parallel_loop3A_120 = vector.broadcast %parallel_loop3A_119 : i32 to vector<16xi32>
        %parallel_loop3A_121 = arith.remsi %parallel_loop3A_83, %parallel_loop3A_120 : vector<16xi32>
        %parallel_loop3A_122 = arith.constant 0 : i32
        %parallel_loop3A_123 = vector.broadcast %parallel_loop3A_122 : i32 to vector<16xi32>
        %parallel_loop3A_124 = arith.cmpi ne, %parallel_loop3A_121, %parallel_loop3A_123 : vector<16xi32>
        %parallel_loop3A_125 = arith.constant 0 : i32
        %parallel_loop3A_126 = vector.broadcast %parallel_loop3A_125 : i32 to vector<16xi32>
        %parallel_loop3A_127 = arith.cmpi slt, %parallel_loop3A_121, %parallel_loop3A_126 : vector<16xi32>
        %parallel_loop3A_128 = arith.constant 0 : i32
        %parallel_loop3A_129 = arith.cmpi slt, %parallel_loop3A_119, %parallel_loop3A_128 : i32
        %parallel_loop3A_130 = vector.broadcast %parallel_loop3A_129 : i1 to vector<16xi1>
        %parallel_loop3A_131 = vector.broadcast %parallel_loop3A_130 : vector<16xi1> to vector<16xi1>
        %parallel_loop3A_132 = arith.xori %parallel_loop3A_127, %parallel_loop3A_131 : vector<16xi1>
        %parallel_loop3A_133 = arith.andi %parallel_loop3A_132, %parallel_loop3A_124 : vector<16xi1>
        %parallel_loop3A_134 = vector.broadcast %parallel_loop3A_119 : i32 to vector<16xi32>
        %parallel_loop3A_135 = arith.addi %parallel_loop3A_121, %parallel_loop3A_134 : vector<16xi32>
        %parallel_loop3A_136 = arith.select %parallel_loop3A_133, %parallel_loop3A_135, %parallel_loop3A_121 : vector<16xi1>, vector<16xi32>
        %parallel_loop3A_137 = tpu.vector_load_idx %arg7[%parallel_loop3A_114, %parallel_loop3A_136] : memref<8x128xi32, #tpu.memory_space<vmem>>[vector<16xi32>, vector<16xi32>], vector<16xi32>,
        %parallel_loop3A_138 = arith.constant 8 : i32
        %parallel_loop3A_139 = vector.broadcast %parallel_loop3A_138 : i32 to vector<16xi32>
        %parallel_loop3A_140 = arith.muli %parallel_loop3A_137, %parallel_loop3A_139 : vector<16xi32>
        %parallel_loop3A_141 = arith.addi %parallel_loop3A_140, %select_n3A_43 : vector<16xi32>
        %parallel_loop3A_142 = tpu.vector_load_idx %arg6[%parallel_loop3A_141] : memref<81920xf32, #tpu.memory_space<vmem>>[vector<16xi32>], vector<16xf32>,
        %parallel_loop3A_143 = arith.constant 16 : i32
        %parallel_loop3A_144 = arith.muli %parallel_loop3A_143, %parallel_loop3A_79 : i32
        %parallel_loop3A_145 = arith.index_cast %parallel_loop3A_144 : i32 to index
        %parallel_loop3A_146 = tpu.vector_load %arg8[%parallel_loop3A_145] {strides = array<i32>} : memref<8192xf32, #tpu.memory_space<vmem>>, vector<16xf32>,
        %parallel_loop3A_147 = arith.addf %parallel_loop3A_142, %parallel_loop3A_146 : vector<16xf32>
        %parallel_loop3A_148 = arith.constant 16 : i32
        %parallel_loop3A_149 = arith.muli %parallel_loop3A_148, %parallel_loop3A_79 : i32
        %parallel_loop3A_150 = arith.index_cast %parallel_loop3A_149 : i32 to index
        %parallel_loop3A_151 = tpu.vector_load %arg9[%parallel_loop3A_150] {strides = array<i32>} : memref<8192xf32, #tpu.memory_space<vmem>>, vector<16xf32>,
        tpu.vector_store %arg9[%parallel_loop3A_150], %parallel_loop3A_147 {strides = array<i32>} : memref<8192xf32, #tpu.memory_space<vmem>>, vector<16xf32>,
      } {sc.loop_unroll_factor = 4 : i64, sc.parallel_access}
      %mul3A_76 = arith.constant 8 : i32
      %mul3A_77 = arith.muli %mul3A_76, %add3A_56 : i32
      "tpu.region"() ({
        %run_scoped3A = tpu.sem_alloc : memref<!tpu.dma_semaphore, #tpu.memory_space<semaphore_mem>>
        %dma_start3A_79 = tpu.memref_slice %arg5[%mul3A_77] : memref<2621440xf32, #tpu.memory_space<hbm>> -> memref<8192xf32, #tpu.memory_space<hbm>>
        %dma_start3A_80 = tpu.memref_slice %arg5[%mul3A_77] : memref<2621440xf32, #tpu.memory_space<hbm>> -> memref<8192xf32, #tpu.memory_space<hbm>>
        tpu.enqueue_dma source(%arg9 : memref<8192xf32, #tpu.memory_space<vmem>>) target(%dma_start3A_80 : memref<8192xf32, #tpu.memory_space<hbm>>) target_semaphore(%run_scoped3A : memref<!tpu.dma_semaphore, #tpu.memory_space<semaphore_mem>>)
        %dma_wait3A_81 = tpu.memref_slice %arg5[%mul3A_77] : memref<2621440xf32, #tpu.memory_space<hbm>> -> memref<8192xf32, #tpu.memory_space<hbm>>
        %dma_wait3A_82 = tpu.memref_slice %arg5[%mul3A_77] : memref<2621440xf32, #tpu.memory_space<hbm>> -> memref<8192xf32, #tpu.memory_space<hbm>>
        tpu.wait_dma2 semaphore(%run_scoped3A : memref<!tpu.dma_semaphore, #tpu.memory_space<semaphore_mem>>) src(%arg9 : memref<8192xf32, #tpu.memory_space<vmem>>) dst(%dma_wait3A_82 : memref<8192xf32, #tpu.memory_space<hbm>>)
        tpu.yield
      }) : () -> ()
      %scan3A_78 = arith.constant 0 : i32
      scf.yield %scan3A_78 : i32
    }
    %scan3A_49 = arith.constant 10 : i32
    return
  }
}

module attributes {stable_mosaic.version = 14 : i64} {
  func.func @_dense_body(%arg0: i32, %arg1: memref<512x128xf32, #tpu.memory_space<vmem>>, %arg2: memref<1024x16xf32, #tpu.memory_space<vmem>>, %arg3: memref<128x128xf32, #tpu.memory_space<vmem>>, %arg4: memref<128x128xf32, #tpu.memory_space<vmem>>, %arg5: memref<1x128xf32, #tpu.memory_space<vmem>>, %arg6: memref<1x128xf32, #tpu.memory_space<vmem>>, %arg7: memref<1x128xf32, #tpu.memory_space<vmem>>, %arg8: memref<1x128xf32, #tpu.memory_space<vmem>>, %arg9: memref<1x128xf32, #tpu.memory_space<vmem>>, %arg10: memref<128x8xf32, #tpu.memory_space<vmem>>, %arg11: memref<16x128xf32, #tpu.memory_space<vmem>>, %arg12: memref<128x128xf32, #tpu.memory_space<vmem>>, %arg13: memref<512x128xf32, #tpu.memory_space<vmem>>, %arg14: memref<512x128xf32, #tpu.memory_space<vmem>>, %arg15: memref<512x8xf32, #tpu.memory_space<vmem>>, %arg16: memref<512x8xf32, #tpu.memory_space<vmem>>, %arg17: memref<1024x128xf32, #tpu.memory_space<vmem>>) attributes {dimension_semantics = [#tpu.dimension_semantics<arbitrary>], iteration_bounds = array<i64: 20>, scalar_prefetch = 0 : i64, scratch_operands = 0 : i64, tpu.core_type = #tpu.core_type<tc>, window_params = [{transform_indices = @transform_0, window_bounds = array<i64: 512, 128>}, {transform_indices = @transform_1, window_bounds = array<i64: 1024, 16>}, {pipeline_mode = #tpu.pipeline_mode<synchronous>, transform_indices = @transform_2, window_bounds = array<i64: 128, 128>}, {pipeline_mode = #tpu.pipeline_mode<synchronous>, transform_indices = @transform_3, window_bounds = array<i64: 128, 128>}, {pipeline_mode = #tpu.pipeline_mode<synchronous>, transform_indices = @transform_4, window_bounds = array<i64: 1, 128>}, {pipeline_mode = #tpu.pipeline_mode<synchronous>, transform_indices = @transform_5, window_bounds = array<i64: 1, 128>}, {pipeline_mode = #tpu.pipeline_mode<synchronous>, transform_indices = @transform_6, window_bounds = array<i64: 1, 128>}, {pipeline_mode = #tpu.pipeline_mode<synchronous>, transform_indices = @transform_7, window_bounds = array<i64: 1, 128>}, {pipeline_mode = #tpu.pipeline_mode<synchronous>, transform_indices = @transform_8, window_bounds = array<i64: 1, 128>}, {pipeline_mode = #tpu.pipeline_mode<synchronous>, transform_indices = @transform_9, window_bounds = array<i64: 128, 8>}, {pipeline_mode = #tpu.pipeline_mode<synchronous>, transform_indices = @transform_10, window_bounds = array<i64: 16, 128>}, {pipeline_mode = #tpu.pipeline_mode<synchronous>, transform_indices = @transform_11, window_bounds = array<i64: 128, 128>}, {transform_indices = @transform_12, window_bounds = array<i64: 512, 128>}, {transform_indices = @transform_13, window_bounds = array<i64: 512, 128>}, {transform_indices = @transform_14, window_bounds = array<i64: 512, 8>}, {transform_indices = @transform_15, window_bounds = array<i64: 512, 8>}, {transform_indices = @transform_16, window_bounds = array<i64: 1024, 128>}]} {
    %get3A = arith.constant 0 : index
    %get3A_0 = arith.constant 0 : index
    %get3A_1 = vector.load %arg1[%get3A, %get3A_0] : memref<512x128xf32, #tpu.memory_space<vmem>>, vector<512x128xf32>
    %get3A_2 = arith.constant 0 : index
    %get3A_3 = arith.constant 0 : index
    %get3A_4 = vector.load %arg3[%get3A_2, %get3A_3] : memref<128x128xf32, #tpu.memory_space<vmem>>, vector<128x128xf32>
    %dot_general3A = arith.constant dense<0.000000e+00> : vector<512x128xf32>
    %dot_general3A_5 = tpu.matmul %get3A_1, %get3A_4, %dot_general3A {dimension_numbers = #tpu.dot_dimension_numbers<[1], [0], [0], [1], [0, 0, 1, 1], [], []>, transpose_lhs_hint = false} : vector<512x128xf32>, vector<128x128xf32>, vector<512x128xf32> -> vector<512x128xf32>
    %swap3A = arith.constant 0 : index
    %swap3A_6 = arith.constant 0 : index
    %swap3A_7 = vector.load %arg13[%swap3A, %swap3A_6] : memref<512x128xf32, #tpu.memory_space<vmem>>, vector<512x128xf32>
    tpu.vector_store %arg13[%swap3A, %swap3A_6], %dot_general3A_5 {strides = array<i32>} : memref<512x128xf32, #tpu.memory_space<vmem>>, vector<512x128xf32>,
    %get3A_8 = arith.constant 0 : index
    %get3A_9 = arith.constant 0 : index
    %get3A_10 = vector.load %arg4[%get3A_8, %get3A_9] : memref<128x128xf32, #tpu.memory_space<vmem>>, vector<128x128xf32>
    %dot_general3A_11 = arith.constant dense<0.000000e+00> : vector<512x128xf32>
    %dot_general3A_12 = tpu.matmul %get3A_1, %get3A_10, %dot_general3A_11 {dimension_numbers = #tpu.dot_dimension_numbers<[1], [0], [0], [1], [0, 0, 1, 1], [], []>, transpose_lhs_hint = false} : vector<512x128xf32>, vector<128x128xf32>, vector<512x128xf32> -> vector<512x128xf32>
    %get3A_13 = arith.constant 0 : index
    %get3A_14 = arith.constant 0 : index
    %get3A_15 = vector.load %arg9[%get3A_13, %get3A_14] : memref<1x128xf32, #tpu.memory_space<vmem>>, vector<1x128xf32>
    %add3A = vector.broadcast %get3A_15 : vector<1x128xf32> to vector<512x128xf32>
    %add3A_16 = arith.addf %dot_general3A_12, %add3A : vector<512x128xf32>
    %swap3A_17 = arith.constant 0 : index
    %swap3A_18 = arith.constant 0 : index
    %swap3A_19 = vector.load %arg14[%swap3A_17, %swap3A_18] : memref<512x128xf32, #tpu.memory_space<vmem>>, vector<512x128xf32>
    tpu.vector_store %arg14[%swap3A_17, %swap3A_18], %add3A_16 {strides = array<i32>} : memref<512x128xf32, #tpu.memory_space<vmem>>, vector<512x128xf32>,
    %get3A_20 = arith.constant 0 : index
    %get3A_21 = arith.constant 0 : index
    %get3A_22 = vector.load %arg5[%get3A_20, %get3A_21] : memref<1x128xf32, #tpu.memory_space<vmem>>, vector<1x128xf32>
    %mul3A = vector.broadcast %get3A_22 : vector<1x128xf32> to vector<512x128xf32>
    %mul3A_23 = arith.mulf %dot_general3A_5, %mul3A : vector<512x128xf32>
    %get3A_24 = arith.constant 0 : index
    %get3A_25 = arith.constant 0 : index
    %get3A_26 = vector.load %arg10[%get3A_24, %get3A_25] : memref<128x8xf32, #tpu.memory_space<vmem>>, vector<128x8xf32>
    %dot_general3A_27 = arith.constant dense<0.000000e+00> : vector<512x8xf32>
    %dot_general3A_28 = tpu.matmul %mul3A_23, %get3A_26, %dot_general3A_27 {dimension_numbers = #tpu.dot_dimension_numbers<[1], [0], [0], [1], [0, 0, 1, 1], [], []>, transpose_lhs_hint = false} : vector<512x128xf32>, vector<128x8xf32>, vector<512x8xf32> -> vector<512x8xf32>
    %swap3A_29 = arith.constant 0 : index
    %swap3A_30 = arith.constant 0 : index
    %swap3A_31 = vector.load %arg15[%swap3A_29, %swap3A_30] : memref<512x8xf32, #tpu.memory_space<vmem>>, vector<512x8xf32>
    tpu.vector_store %arg15[%swap3A_29, %swap3A_30], %dot_general3A_28 {strides = array<i32>} : memref<512x8xf32, #tpu.memory_space<vmem>>, vector<512x8xf32>,
    %get3A_32 = arith.constant 0 : index
    %get3A_33 = arith.constant 0 : index
    %get3A_34 = vector.load %arg6[%get3A_32, %get3A_33] : memref<1x128xf32, #tpu.memory_space<vmem>>, vector<1x128xf32>
    %mul3A_35 = vector.broadcast %get3A_34 : vector<1x128xf32> to vector<512x128xf32>
    %mul3A_36 = arith.mulf %dot_general3A_5, %mul3A_35 : vector<512x128xf32>
    %get3A_37 = arith.constant 0 : index
    %get3A_38 = arith.constant 0 : index
    %get3A_39 = vector.load %arg10[%get3A_37, %get3A_38] : memref<128x8xf32, #tpu.memory_space<vmem>>, vector<128x8xf32>
    %dot_general3A_40 = arith.constant dense<0.000000e+00> : vector<512x8xf32>
    %dot_general3A_41 = tpu.matmul %mul3A_36, %get3A_39, %dot_general3A_40 {dimension_numbers = #tpu.dot_dimension_numbers<[1], [0], [0], [1], [0, 0, 1, 1], [], []>, transpose_lhs_hint = false} : vector<512x128xf32>, vector<128x8xf32>, vector<512x8xf32> -> vector<512x8xf32>
    %swap3A_42 = arith.constant 0 : index
    %swap3A_43 = arith.constant 0 : index
    %swap3A_44 = vector.load %arg16[%swap3A_42, %swap3A_43] : memref<512x8xf32, #tpu.memory_space<vmem>>, vector<512x8xf32>
    tpu.vector_store %arg16[%swap3A_42, %swap3A_43], %dot_general3A_41 {strides = array<i32>} : memref<512x8xf32, #tpu.memory_space<vmem>>, vector<512x8xf32>,
    %get3A_45 = arith.constant 0 : index
    %get3A_46 = arith.constant 0 : index
    %get3A_47 = vector.load %arg7[%get3A_45, %get3A_46] : memref<1x128xf32, #tpu.memory_space<vmem>>, vector<1x128xf32>
    %get3A_48 = arith.constant 0 : index
    %get3A_49 = arith.constant 0 : index
    %get3A_50 = vector.load %arg8[%get3A_48, %get3A_49] : memref<1x128xf32, #tpu.memory_space<vmem>>, vector<1x128xf32>
    %mul3A_51 = arith.mulf %get3A_47, %get3A_50 : vector<1x128xf32>
    %get3A_52 = arith.constant 0 : index
    %get3A_53 = arith.constant 0 : index
    %get3A_54 = vector.load %arg12[%get3A_52, %get3A_53] : memref<128x128xf32, #tpu.memory_space<vmem>>, vector<128x128xf32>
    %dot_general3A_55 = arith.constant dense<0.000000e+00> : vector<1x128xf32>
    %dot_general3A_56 = tpu.matmul %mul3A_51, %get3A_54, %dot_general3A_55 {dimension_numbers = #tpu.dot_dimension_numbers<[1], [0], [0], [1], [0, 0, 1, 1], [], []>, transpose_lhs_hint = false} : vector<1x128xf32>, vector<128x128xf32>, vector<1x128xf32> -> vector<1x128xf32>
    %get3A_57 = arith.constant 0 : index
    %get3A_58 = arith.constant 0 : index
    %get3A_59 = vector.load %arg2[%get3A_57, %get3A_58] : memref<1024x16xf32, #tpu.memory_space<vmem>>, vector<1024x16xf32>
    %get3A_60 = arith.constant 0 : index
    %get3A_61 = arith.constant 0 : index
    %get3A_62 = vector.load %arg11[%get3A_60, %get3A_61] : memref<16x128xf32, #tpu.memory_space<vmem>>, vector<16x128xf32>
    %dot_general3A_63 = arith.constant dense<0.000000e+00> : vector<1024x128xf32>
    %dot_general3A_64 = tpu.matmul %get3A_59, %get3A_62, %dot_general3A_63 {dimension_numbers = #tpu.dot_dimension_numbers<[1], [0], [0], [1], [0, 0, 1, 1], [], []>, transpose_lhs_hint = false} : vector<1024x16xf32>, vector<16x128xf32>, vector<1024x128xf32> -> vector<1024x128xf32>
    %mul3A_65 = vector.broadcast %dot_general3A_56 : vector<1x128xf32> to vector<1024x128xf32>
    %mul3A_66 = arith.mulf %dot_general3A_64, %mul3A_65 : vector<1024x128xf32>
    %swap3A_67 = arith.constant 0 : index
    %swap3A_68 = arith.constant 0 : index
    %swap3A_69 = vector.load %arg17[%swap3A_67, %swap3A_68] : memref<1024x128xf32, #tpu.memory_space<vmem>>, vector<1024x128xf32>
    tpu.vector_store %arg17[%swap3A_67, %swap3A_68], %mul3A_66 {strides = array<i32>} : memref<1024x128xf32, #tpu.memory_space<vmem>>, vector<1024x128xf32>,
    return
  }
  func.func @transform_0(%arg0: i32) -> (i32, i32) {
    %c0_i32 = arith.constant 0 : i32
    %c0_i32_0 = arith.constant 0 : i32
    return %arg0, %c0_i32 : i32, i32
  }
  func.func @transform_1(%arg0: i32) -> (i32, i32) {
    %c0_i32 = arith.constant 0 : i32
    %c0_i32_0 = arith.constant 0 : i32
    return %arg0, %c0_i32 : i32, i32
  }
  func.func @transform_2(%arg0: i32) -> (i32, i32) {
    %c0_i32 = arith.constant 0 : i32
    %c0_i32_0 = arith.constant 0 : i32
    %c0_i32_1 = arith.constant 0 : i32
    return %c0_i32, %c0_i32_0 : i32, i32
  }
  func.func @transform_3(%arg0: i32) -> (i32, i32) {
    %c0_i32 = arith.constant 0 : i32
    %c0_i32_0 = arith.constant 0 : i32
    %c0_i32_1 = arith.constant 0 : i32
    return %c0_i32, %c0_i32_0 : i32, i32
  }
  func.func @transform_4(%arg0: i32) -> (i32, i32) {
    %c0_i32 = arith.constant 0 : i32
    %c0_i32_0 = arith.constant 0 : i32
    %c0_i32_1 = arith.constant 0 : i32
    return %c0_i32, %c0_i32_0 : i32, i32
  }
  func.func @transform_5(%arg0: i32) -> (i32, i32) {
    %c0_i32 = arith.constant 0 : i32
    %c0_i32_0 = arith.constant 0 : i32
    %c0_i32_1 = arith.constant 0 : i32
    return %c0_i32, %c0_i32_0 : i32, i32
  }
  func.func @transform_6(%arg0: i32) -> (i32, i32) {
    %c0_i32 = arith.constant 0 : i32
    %c0_i32_0 = arith.constant 0 : i32
    %c0_i32_1 = arith.constant 0 : i32
    return %c0_i32, %c0_i32_0 : i32, i32
  }
  func.func @transform_7(%arg0: i32) -> (i32, i32) {
    %c0_i32 = arith.constant 0 : i32
    %c0_i32_0 = arith.constant 0 : i32
    %c0_i32_1 = arith.constant 0 : i32
    return %c0_i32, %c0_i32_0 : i32, i32
  }
  func.func @transform_8(%arg0: i32) -> (i32, i32) {
    %c0_i32 = arith.constant 0 : i32
    %c0_i32_0 = arith.constant 0 : i32
    %c0_i32_1 = arith.constant 0 : i32
    return %c0_i32, %c0_i32_0 : i32, i32
  }
  func.func @transform_9(%arg0: i32) -> (i32, i32) {
    %c0_i32 = arith.constant 0 : i32
    %c0_i32_0 = arith.constant 0 : i32
    %c0_i32_1 = arith.constant 0 : i32
    return %c0_i32, %c0_i32_0 : i32, i32
  }
  func.func @transform_10(%arg0: i32) -> (i32, i32) {
    %c0_i32 = arith.constant 0 : i32
    %c0_i32_0 = arith.constant 0 : i32
    %c0_i32_1 = arith.constant 0 : i32
    return %c0_i32, %c0_i32_0 : i32, i32
  }
  func.func @transform_11(%arg0: i32) -> (i32, i32) {
    %c0_i32 = arith.constant 0 : i32
    %c0_i32_0 = arith.constant 0 : i32
    %c0_i32_1 = arith.constant 0 : i32
    return %c0_i32, %c0_i32_0 : i32, i32
  }
  func.func @transform_12(%arg0: i32) -> (i32, i32) {
    %c0_i32 = arith.constant 0 : i32
    %c0_i32_0 = arith.constant 0 : i32
    return %arg0, %c0_i32 : i32, i32
  }
  func.func @transform_13(%arg0: i32) -> (i32, i32) {
    %c0_i32 = arith.constant 0 : i32
    %c0_i32_0 = arith.constant 0 : i32
    return %arg0, %c0_i32 : i32, i32
  }
  func.func @transform_14(%arg0: i32) -> (i32, i32) {
    %c0_i32 = arith.constant 0 : i32
    %c0_i32_0 = arith.constant 0 : i32
    return %arg0, %c0_i32 : i32, i32
  }
  func.func @transform_15(%arg0: i32) -> (i32, i32) {
    %c0_i32 = arith.constant 0 : i32
    %c0_i32_0 = arith.constant 0 : i32
    return %arg0, %c0_i32 : i32, i32
  }
  func.func @transform_16(%arg0: i32) -> (i32, i32) {
    %c0_i32 = arith.constant 0 : i32
    %c0_i32_0 = arith.constant 0 : i32
    return %arg0, %c0_i32 : i32, i32
  }
}

module attributes {stable_mosaic.version = 14 : i64} {
  func.func @_recip_body(%arg0: memref<1280x128xf32, #tpu.memory_space<vmem>>, %arg1: memref<1280x128xf32, #tpu.memory_space<vmem>>, %arg2: memref<1280x128xf32, #tpu.memory_space<vmem>>) attributes {dimension_semantics = [], scalar_prefetch = 0 : i64, scratch_operands = 0 : i64, tpu.core_type = #tpu.core_type<tc>} {
    %get3A = arith.constant 0 : index
    %get3A_0 = arith.constant 0 : index
    %get3A_1 = vector.load %arg0[%get3A, %get3A_0] : memref<1280x128xf32, #tpu.memory_space<vmem>>, vector<1280x128xf32>
    %get3A_2 = arith.constant 0 : index
    %get3A_3 = arith.constant 0 : index
    %get3A_4 = vector.load %arg1[%get3A_2, %get3A_3] : memref<1280x128xf32, #tpu.memory_space<vmem>>, vector<1280x128xf32>
    %add3A = arith.addf %get3A_1, %get3A_4 : vector<1280x128xf32>
    %add3A_5 = arith.constant 1.000000e-16 : f32
    %add3A_6 = vector.broadcast %add3A_5 : f32 to vector<1280x128xf32>
    %add3A_7 = arith.addf %add3A, %add3A_6 : vector<1280x128xf32>
    %div3A = arith.constant 1.000000e+00 : f32
    %div3A_8 = vector.broadcast %div3A : f32 to vector<1280x128xf32>
    %div3A_9 = arith.divf %div3A_8, %add3A_7 : vector<1280x128xf32>
    %swap3A = arith.constant 0 : index
    %swap3A_10 = arith.constant 0 : index
    %swap3A_11 = vector.load %arg2[%swap3A, %swap3A_10] : memref<1280x128xf32, #tpu.memory_space<vmem>>, vector<1280x128xf32>
    tpu.vector_store %arg2[%swap3A, %swap3A_10], %div3A_9 {strides = array<i32>} : memref<1280x128xf32, #tpu.memory_space<vmem>>, vector<1280x128xf32>,
    return
  }
}

module attributes {stable_mosaic.version = 14 : i64} {
  func.func @_finish_body(%arg0: i32, %arg1: memref<512x128xf32, #tpu.memory_space<vmem>>, %arg2: memref<512x128xf32, #tpu.memory_space<vmem>>, %arg3: memref<512x128xf32, #tpu.memory_space<vmem>>, %arg4: memref<512x128xf32, #tpu.memory_space<vmem>>) attributes {dimension_semantics = [#tpu.dimension_semantics<arbitrary>], iteration_bounds = array<i64: 20>, scalar_prefetch = 0 : i64, scratch_operands = 0 : i64, tpu.core_type = #tpu.core_type<tc>, window_params = [{transform_indices = @transform_0, window_bounds = array<i64: 512, 128>}, {transform_indices = @transform_1, window_bounds = array<i64: 512, 128>}, {transform_indices = @transform_2, window_bounds = array<i64: 512, 128>}, {transform_indices = @transform_3, window_bounds = array<i64: 512, 128>}]} {
    %get3A = arith.constant 0 : index
    %get3A_0 = arith.constant 0 : index
    %get3A_1 = vector.load %arg1[%get3A, %get3A_0] : memref<512x128xf32, #tpu.memory_space<vmem>>, vector<512x128xf32>
    %get3A_2 = arith.constant 0 : index
    %get3A_3 = arith.constant 0 : index
    %get3A_4 = vector.load %arg2[%get3A_2, %get3A_3] : memref<512x128xf32, #tpu.memory_space<vmem>>, vector<512x128xf32>
    %add3A = arith.addf %get3A_1, %get3A_4 : vector<512x128xf32>
    %get3A_5 = arith.constant 0 : index
    %get3A_6 = arith.constant 0 : index
    %get3A_7 = vector.load %arg3[%get3A_5, %get3A_6] : memref<512x128xf32, #tpu.memory_space<vmem>>, vector<512x128xf32>
    %add3A_8 = arith.addf %add3A, %get3A_7 : vector<512x128xf32>
    %gt3A = arith.constant 0.000000e+00 : f32
    %gt3A_9 = vector.broadcast %gt3A : f32 to vector<512x128xf32>
    %gt3A_10 = arith.cmpf ogt, %add3A_8, %gt3A_9 : vector<512x128xf32>
    %exp3A = math.exp %add3A_8 : vector<512x128xf32>
    %sub3A = arith.constant 1.000000e+00 : f32
    %sub3A_11 = vector.broadcast %sub3A : f32 to vector<512x128xf32>
    %sub3A_12 = arith.subf %exp3A, %sub3A_11 : vector<512x128xf32>
    %select_n3A = arith.select %gt3A_10, %add3A_8, %sub3A_12 : vector<512x128xi1>, vector<512x128xf32>
    %swap3A = arith.constant 0 : index
    %swap3A_13 = arith.constant 0 : index
    %swap3A_14 = vector.load %arg4[%swap3A, %swap3A_13] : memref<512x128xf32, #tpu.memory_space<vmem>>, vector<512x128xf32>
    tpu.vector_store %arg4[%swap3A, %swap3A_13], %select_n3A {strides = array<i32>} : memref<512x128xf32, #tpu.memory_space<vmem>>, vector<512x128xf32>,
    return
  }
  func.func @transform_0(%arg0: i32) -> (i32, i32) {
    %c0_i32 = arith.constant 0 : i32
    %c0_i32_0 = arith.constant 0 : i32
    return %arg0, %c0_i32 : i32, i32
  }
  func.func @transform_1(%arg0: i32) -> (i32, i32) {
    %c0_i32 = arith.constant 0 : i32
    %c0_i32_0 = arith.constant 0 : i32
    return %arg0, %c0_i32 : i32, i32
  }
  func.func @transform_2(%arg0: i32) -> (i32, i32) {
    %c0_i32 = arith.constant 0 : i32
    %c0_i32_0 = arith.constant 0 : i32
    return %arg0, %c0_i32 : i32, i32
  }
  func.func @transform_3(%arg0: i32) -> (i32, i32) {
    %c0_i32 = arith.constant 0 : i32
    %c0_i32_0 = arith.constant 0 : i32
    return %arg0, %c0_i32 : i32, i32
  }
}

</mosaic_0001>

<sc_bundles>
// kernel: kernel.12.cloned.1.call-start
scs
__scs_entry_jumppad:
0x0: {  	(pc) =	sbr.rel $0x88, $3  }
0x1: {  	(tag) =	ssettag $0x0;
	lr =	simm.s32 $0x1  }
0x2: {  	[smem:$0x3F97] =	sst lr;
	_ =	strace $0xD0000000  }
0x3: {  	_ = 	snop  }
0x4: {  	_ = 	snop  }
0x5: {  	_ = 	snop  }
0x6: {  	_ = 	snop  }
0x7: {  	_ = 	snop  }
__scs_overlays_trampoline_lowered:
0x8: {  	[smem:$0x3FA6] =	sst s0  }
0x9: {  	[smem:$0x3FA7] =	sst s1  }
0xa: {  	[smem:$0x3FA8] =	sst s2  }
0xb: {  	[smem:$0x3FA9] =	sst s3  }
0xc: {  	[smem:$0x3FAA] =	sst s4  }
0xd: {  	[smem:$0x3FAB] =	sst s5  }
0xe: {  	[smem:$0x3FAC] =	sst s6  }
0xf: {  	[smem:$0x3FAD] =	sst s7  }
0x10: {  	[smem:$0x3FAE] =	sst s8  }
0x11: {  	[smem:$0x3FAF] =	sst s9;
	s0 =	simm.s32 @!p0 $0x0  }
0x12: {  	s1 =	sld [smem:$0x3F95];
	s0 =	simm.s32 @p0 $0x1  }
0x13: {  	[smem:$0x3FB0] =	sst s0;
	s0 =	simm.s32 @!p1 $0x0  }
0x14: {  	s2 =	sld [smem:$0x3F94];
	s0 =	simm.s32 @p1 $0x1  }
0x15: {  	[smem:$0x3FB1] =	sst s0;
	s0 =	simm.s32 @!p2 $0x0  }
0x16: {  	s3 =	sld [smem:$0x3FDB];
	s0 =	simm.s32 @p2 $0x1  }
0x17: {  	s4 =	simm.s32 $0x1BF5;
	[smem:$0x3FB3] =	sst s0  }
0x18: {  	s0 =	sld [smem:$0x3F96];
	_ =	swait.ge [sflag:s4], $0x0  }
0x19: {  	s7 =	sld [smem:$0x3F97]  }
0x1a: {  	s8 =	sadd.s32 $0xFFFFE003, lr  }
0x1b: {  	s9 =	sadd.s32 $0xFFFFFEF7, lr;
	s5 =	simm.s32 $0xFFFFFFFF;
	p2 =	slt.u32 s8, $0xFFFFF086  }
0x1c: {  	p1 =	slt.u32 s9, $0xF7A;
	s5 =	simm.s32 @!p2 $0x0  }
0x1d: {  	s5 =	simm.s32 @p1 $0x1;
	p0 =	seq.s32 s7, s2  }
0x1e: {  	s7 =	smul.u32 @!p0 $0xF7A, s2;
	p2 =	seq.s32 @!p0 s5, $0x0  }
0x1f: {  	s9 =	smul.u32 $0xF7A, s1;
	s8 =	simm.s32 @!p0 $0x1BF5;
	p2 =	por !p2, p0  }
0x20: {  	[sflag:s8] =	ssyncset.s32 @!p0 $0xFFFFF086;
	s6 =	sadd.s32 @!p0 s3, s7;
	s7 =	simm.s32 @!p0 $0x108  }
0x21: {  	s3 =	sadd.s32 s3, s9;
	s6 =	sadd.s32 @!p0 $0x88, s6;
	s7 =	simm.s32 @p2 $0x1082  }
0x22: {  	[simem:s7], [sflag:s8] =	dma.local @!p0 [hbm:s6], $0xF7A  }
0x23: {  	s9 =	sor.u32 $0xD0000000, s2;
	s6 =	simm.s32 $0x108;
	_ =	swait.ge @!p0 [sflag:s8], $0x0  }
0x24: {  	s3 =	sadd.s32 $0x88, s3;
	s6 =	simm.s32 @!p1 $0x1082;
	[sflag:s4] =	ssyncset.s32 $0xFFFFF086  }
0x25: {  	[simem:s6], [sflag:s4] =	dma.local [hbm:s3], $0xF7A  }
0x26: {  	[smem:$0x3F97] =	sst s1;
	(tag) =	ssettag s2;
	_ =	strace s9  }
0x27: {  	s1 =	sld [smem:$0x3FA7]  }
0x28: {  	s2 =	sld [smem:$0x3FA8]  }
0x29: {  	s4 =	sld [smem:$0x3FAA]  }
0x2a: {  	p0 =	seq.s32 s5, $0x0;
	s5 =	sld [smem:$0x3FAB]  }
0x2b: {  	s6 =	sld [smem:$0x3FAC]  }
0x2c: {  	s7 =	sld [smem:$0x3FAD]  }
0x2d: {  	s3 =	simm.s32 $0x108;
	s8 =	sld [smem:$0x3FAE]  }
0x2e: {  	s3 =	simm.s32 @!p0 $0x1082;
	s9 =	sld [smem:$0x3FAF]  }
0x2f: {  	lr =	sadd.s32 s0, s3;
	s0 =	sld [smem:$0x3FA6]  }
0x30: {  	s3 =	sld [smem:$0x3FA9]  }
0x31: {  	[smem:$0x3FB2] =	sst s10  }
0x32: {  	s10 =	sld [smem:$0x3FB0];
	_ =	sdelay $0x3  }
0x33: {  	p0 =	seq.s32 s10, $0x1;
	s10 =	sld [smem:$0x3FB2];
	_ =	sdelay $0x3  }
0x34: {  	[smem:$0x3FB2] =	sst s10  }
0x35: {  	s10 =	sld [smem:$0x3FB1];
	_ =	sdelay $0x3  }
0x36: {  	p1 =	seq.s32 s10, $0x1;
	s10 =	sld [smem:$0x3FB2];
	_ =	sdelay $0x3  }
0x37: {  	[smem:$0x3FB2] =	sst s10  }
0x38: {  	s10 =	sld [smem:$0x3FB3]  }
0x39: {  	_ = 	snop;
	(pc) =	sbr.ind lr, $3  }
0x3a: {  	_ = 	snop  }
0x3b: {  	_ = 	snop  }
0x3c: {  	p2 =	seq.s32 s10, $0x1;
	s10 =	sld [smem:$0x3FB2]  }
0x3d: {  	_ =	shalt  }
0x3e: {  	_ =	shalt  }
0x3f: {  	_ =	shalt  }
0x40: {  	_ =	shalt  }
0x41: {  	_ =	shalt  }
0x42: {  	_ =	shalt  }
0x43: {  	_ =	shalt  }
0x44: {  	_ =	shalt  }
0x45: {  	_ =	shalt  }
0x46: {  	_ =	shalt  }
0x47: {  	_ =	shalt  }
0x48: {  	_ =	shalt  }
0x49: {  	_ =	shalt  }
0x4a: {  	_ =	shalt  }
0x4b: {  	_ =	shalt  }
0x4c: {  	_ =	shalt  }
0x4d: {  	_ =	shalt  }
0x4e: {  	_ =	shalt  }
0x4f: {  	_ =	shalt  }
0x50: {  	_ =	shalt  }
0x51: {  	_ =	shalt  }
0x52: {  	_ =	shalt  }
0x53: {  	_ =	shalt  }
0x54: {  	_ =	shalt  }
0x55: {  	_ =	shalt  }
0x56: {  	_ =	shalt  }
0x57: {  	_ =	shalt  }
0x58: {  	_ =	shalt  }
0x59: {  	_ =	shalt  }
0x5a: {  	_ =	shalt  }
0x5b: {  	_ =	shalt  }
0x5c: {  	_ =	shalt  }
0x5d: {  	_ =	shalt  }
0x5e: {  	_ =	shalt  }
0x5f: {  	_ =	shalt  }
0x60: {  	_ =	shalt  }
0x61: {  	_ =	shalt  }
0x62: {  	_ =	shalt  }
0x63: {  	_ =	shalt  }
0x64: {  	_ =	shalt  }
0x65: {  	_ =	shalt  }
0x66: {  	_ =	shalt  }
0x67: {  	_ =	shalt  }
0x68: {  	_ =	shalt  }
0x69: {  	_ =	shalt  }
0x6a: {  	_ =	shalt  }
0x6b: {  	_ =	shalt  }
0x6c: {  	_ =	shalt  }
0x6d: {  	_ =	shalt  }
0x6e: {  	_ =	shalt  }
0x6f: {  	_ =	shalt  }
0x70: {  	_ =	shalt  }
0x71: {  	_ =	shalt  }
0x72: {  	_ =	shalt  }
0x73: {  	_ =	shalt  }
0x74: {  	_ =	shalt  }
0x75: {  	_ =	shalt  }
0x76: {  	_ =	shalt  }
0x77: {  	_ =	shalt  }
0x78: {  	_ =	shalt  }
0x79: {  	_ =	shalt  }
0x7a: {  	_ =	shalt  }
0x7b: {  	_ =	shalt  }
0x7c: {  	_ =	shalt  }
0x7d: {  	_ =	shalt  }
0x7e: {  	_ =	shalt  }
0x7f: {  	_ =	shalt  }
0x80: {  	_ =	shalt  }
0x81: {  	_ =	shalt  }
0x82: {  	_ =	shalt  }
0x83: {  	_ =	shalt  }
0x84: {  	_ =	shalt  }
0x85: {  	_ =	shalt  }
0x86: {  	_ =	shalt  }
0x87: {  	_ =	shalt  }
.Lfunc_end0:
.L_simem_size_0:
called_computation.1_lowered:
.L_overlay_start_0:
0x88: {  	s2 =	sld [smem:$0x3FD9]  }
0x89: {  	s3 =	sld [smem:$0x3FFE];
	_ =	sdelay $0x1  }
0x8a: {  	s1 =	srdreg.scid  }
0x8b: {  	s0 =	sand.u32 $0x1, s1  }
0x8c: {  	s14 =	sshll.u32 s0, $0xA;
	s2 =	sadd.s32 s3, s2  }
0x8d: {  	s2 =	sadd.s32 s2, s14  }
0x8e: {  	[smem:$0x3FBE] =	sst s2  }
0x8f: {  	_ = 	snop  }
0x90: {  	s2 =	sld [smem:$0x3FD0];
	_ =	sdelay $0x2  }
0x91: {  	s15 =	simm.s32 $0xA;
	s4 =	simm.s32 $0x10  }
0x92: {  	[smem:s4], [sflag:s15] =	dma.local [hbm:s2], $0x1  }
0x93: {  	_ =	swait.eq [sflag:s15], $0x1  }
0x94: {  	[sflag:s15] =	ssyncset.done $0x0  }
0x95: {  	s16 =	sld [smem:$0x11];
	[sflag:s15] =	ssyncadd.s32 $0xFFFFFFFF  }
0x96: {  	s17 =	sld [smem:$0x12];
	(tm) =	ssettm $0x1  }
0x97: {  	s18 =	sld [smem:$0x3FFB];
	_ =	sdelay $0x3  }
0x98: {  	_ =	strace s18  }
0x99: {  	s4 =	sld [smem:$0x3FFC];
	_ =	sdelay $0x3  }
0x9a: {  	_ =	strace s4  }
0x9b: {  	s4 =	sld [smem:$0x3FFD];
	_ =	sdelay $0x3  }
0x9c: {  	_ =	strace s4  }
0x9d: {  	_ =	strace $0x8FFFFFFF  }
0x9e: {  	s19 =	sld [smem:$0x3FDB];
	_ =	sdelay $0x1  }
0x9f: {  	s5 =	simm.s32 $_scs_section_size  }
0xa0: {  	s6 =	simm.s32 $_size__tile_overlayer_lowered;
	s7 =	simm.s32 $_tile_overlayer_lowered  }
0xa1: {  	s22 =	simm.s32 $0x1BFF;
	s21 =	sshll.u32 s7, $0x1;
	s4 =	sadd.s32 s5, s19  }
0xa2: {  	s8 =	simm.s32 $0x0;
	s20 =	sshll.u32 s6, $0x1;
	s6 =	sadd.s32 s21, s4  }
0xa3: {  	[timem:s8], [sflag:s22] =	dma.local [hbm:s6], s20  }
0xa4: {  	_ =	swait.ge [sflag:s22], s20  }
0xa5: {  	s5 =	ssub.s32 $0x0, s20;
	[sflag:s22] =	ssyncset.done $0x0  }
0xa6: {  	[sflag:s22] =	ssyncadd.s32 s5;
	_ =	sdelay $0x1  }
0xa7: {  	s23 =	simm.s32 $0x1B8B  }
0xa8: {  	_ =	swait.ge [sflag:s23], $0x1  }
0xa9: {  	[sflag:s23] =	ssyncset.done $0x0  }
0xaa: {  	s25 =	simm.s32 $0x1B8E;
	s24 =	sld [smem:$0x3FFE];
	[sflag:s23] =	ssyncadd.s32 $0xFFFFFFFF  }
0xab: {  	s26 =	simm.s32 $execute0_lowered;
	[smem:$0x3FD2] =	sst s25  }
0xac: {  	s6 =	sshll.u32 s26, $0x1;
	_ =	strace $0x80000049;
	[dreg:$0x1] =	wrdreg $0xFFFFFFFF  }
0xad: {  	s28 =	simm.s32 $_size_execute0_lowered;
	s4 =	sadd.s32 s4, s6;
	[dreg:$0x0] =	wrdreg $0x0  }
0xae: {  	s6 =	sshll.u32 s28, $0x1;
	[dreg:$0x2] =	wrdreg s4  }
0xaf: {  	[dreg:$0x3] =	wrdreg s6  }
0xb0: {  	[dreg:$0x4] =	wrdreg $0xC0  }
0xb1: {  	_ =	task [dreg:s8], $0x5FFFF  }
0xb2: {  	[dreg:$0x1] =	wrdreg $0xFFFFFFFF  }
0xb3: {  	[dreg:$0x0] =	wrdreg $0x60  }
0xb4: {  	[dreg:$0x2] =	wrdreg s17  }
0xb5: {  	[dreg:$0x3] =	wrdreg s16  }
0xb6: {  	[dreg:$0x4] =	wrdreg s24  }
0xb7: {  	[dreg:$0x5] =	wrdreg $0x1A4000  }
0xb8: {  	[dreg:$0x6] =	wrdreg $0x9  }
0xb9: {  	_ =	task.clear_ibuf [dreg:s8], $0x7FFFF;
	_ =	strace $0x90000049  }
0xba: {  	s29 =	simm.s32 $0x9;
	_ =	strace $0x8000004B  }
0xbb: {  	_ =	swait.ge [sflag:s29], $0x1  }
0xbc: {  	[sflag:s29] =	ssyncadd.s32 $0xFFFFFFFF  }
0xbd: {  	_ =	strace $0x9000004B  }
0xbe: {  	_ =	sfence  }
0xbf: {  	s30 =	sld [smem:$0x0];
	_ =	sdelay $0x2  }
0xc0: {  	s31 =	sshll.u32 s1, $0xD;
	s1 =	sshrl.u32 s1, $0x2  }
0xc1: {  	s3 =	sand.u32 $0x4000, s31;
	s1 =	sadd.s32 s1, s30  }
0xc2: {  	s0 =	sor.u32 s3, s0;
	s1 =	sshll.u32 s1, $0x11  }
0xc3: {  	s0 =	sor.u32 s1, s0  }
0xc4: {  	s0 =	sadd.s32 $0x8F2B, s0  }
0xc5: {  	[sflag:s0] =	ssyncadd.remote.s32 $0x1  }
0xc6: {  	_ =	sfence.sel $0xFFFF  }
0xc7: {  	[dreg:$0x0] =	wrdreg $0xFFFFFFFF;
	(pc) =	sbr.abs _section_cstart, $3  }
0xc8: {  	[dreg:$0x1] =	wrdreg $0xFFFFFFFF  }
0xc9: {  	_ =	task.clear_ibuf [dreg:s8], $0x2FFFF;
	_ =	strace $0x9FFFFFFF  }
0xca: {  	(tm) =	ssettm $0x7FFFFFFF  }
0xcb: {  	_ =	shalt  }
tec
execute0_lowered:
.L_overlay_start_1:
0x0: {  	(tag) =	ssettag $0x1  }
0x1: {  	s1 =	rddreg [dreg:$0x1]  }
0x2: {  	s0 =	rddreg [dreg:$0x2]  }
0x3: {  	s2 =	srdreg.scid;
	s4 =	rddreg [dreg:$0x3]  }
0x4: {  	s9 =	stileid.u32;
	s5 =	simm.s32 $0x0;
	s15 =	simm.s32 $0x2  }
0x5: {  	s16 =	simm.s32 $0x18400;
	s17 =	simm.s32 $0x14000;
	s18 =	simm.s32 $0x1  }
0x6: {  	s19 =	simm.s32 $0x80;
	s20 =	simm.s32 $0x14080;
	s21 =	simm.s32 $0x18C00  }
0x7: {  	s22 =	simm.s32 $0x14100;
	s23 =	simm.s32 $0x19400;
	s28 =	simm.s32 $0x14280  }
0x8: {  	s29 =	simm.s32 $0x14300;
	s30 =	simm.s32 $0x14380;
	s6 =	smul.u32 $0x2800, s9  }
0x9: {  	s31 =	simm.s32 $0x16400;
	s2 =	sand.u32 $0x1, s2;
	s8 =	smul.u32 $0xA000, s9  }
0xa: {  	[smem:$0x7FF] =	sst s5;
	s7 =	sadd.s32 $0x34800, s0;
	s3 =	smul.u32 $0x28000, s2  }
0xb: {  	_ =	strace $0x8000004A;
	s24 =	sshll.u32 s2, $0x4;
	s2 =	ssub.s32 $0x2, s2  }
0xc: {  	s8 =	sshrl.u32 s8, $0x2;
	s10 =	sshrl.u32 s2, $0x1;
	s3 =	sadd.s32 s6, s3  }
0xd: {  	s6 =	sadd.s32 $0xCA800, s0;
	s8 =	sadd.s32 s8, s4;
	s2 =	ssub.s32 s2, s10  }
0xe: {  	s3 =	sshrl.u32 s3, $0x3;
	s10 =	sadd.s32 $0x2000, s8;
	s26 =	smax.u32 s2, $0x1  }
0xf: {  	s2 =	simm.s32 $0x0;
	[dreg:$0x5] =	wrdreg s8;
	s0 =	sadd.s32 s3, s0  }
0x10: {  	s3 =	sor.u32 s9, s24;
	[dreg:$0x9] =	wrdreg s26;
	s24 =	simm.s32 $0x14180  }
0x11: {  	v3 =	vlaneseq.u32;
	s26 =	simm.s32 $0x14200;
	[dreg:$0x6] =	wrdreg s10;
	s25 =	sadd.s32 $0x2A800, s0  }
0x12: {  	v0 =	vimm.f32 $0.0e+00;
	v1 =	vshrl.u32 v3, $0x3;
	s9 =	smul.u32 $0x2800, s3;
	s0 =	sadd.s32 $0x2AC00, s0;
	[dreg:$0x7] =	wrdreg s25  }
0x13: {  	v2 =	vimm.s32 $0x0;
	v3 =	vand.u32 $0x7, v3;
	v4 =	vmul.u32 $0x10, v1;
	s11 =	smul.u32 $0x14000, s3;
	[dreg:$0x8] =	wrdreg s0;
	s25 =	simm.s32 $0x19C00  }
.LBB2_1:
0x14: {  	[dreg:$0xa] =	wrdreg s2  }
0x15: {  	s0 =	rddreg [dreg:$0x0]  }
0x16: {  	[tilespmem:s5], [sflag:$0x2] =	stream.linear.gather [hbm4b:s0+s5], $0x14000, $0x38;
	[tilespmem:$0x1CC00] =	vst v63  }
0x17: {  	_ =	swait.ge [sflag:s15], $0x14000  }
0x18: {  	[sflag:s15] =	ssyncset.done $0x0  }
0x19: {  	s2 =	simm.s32 $0x0;
	s0 =	simm.s32 $0x40;
	[sflag:s15] =	ssyncadd.s32 $0xFFFEC000  }
.LBB2_2:
0x1a: {  	p0 =	sne.s32 s0, $0x7FC0;
	[tilespmem:s2+$0x18400] =	vst v0;
	s2 =	smov.u32 s0;
	s0 =	sadd.s32 $0x40, s0  }
.Ltmp0:
0x1b: {  	(pc) =	sbr.rel @p0 .LBB2_2-.Ltmp0, $2  }
0x1c: {  	_ =	sdelay $0x2  }
0x1d: {  	s2 =	sshra.s32 s2, $0x2  }
0x1e: {  	[tilespmem:s2+$0x18400] =	vst v0  }
0x1f: {  	[spmem:s8] =	stream.linear.scatter [tilespmem:s16], [sflag:$0x2], $0x2000, $0x38;
	[tilespmem:$0x1CC00] =	vst v63  }
0x20: {  	_ =	swait.ge [sflag:s15], $0x2000  }
0x21: {  	[sflag:s15] =	ssyncset.done $0x0  }
0x22: {  	[sflag:s15] =	ssyncadd.s32 $0xFFFFE000  }
0x23: {  	[spmem:s10] =	stream.linear.scatter [tilespmem:s16], [sflag:$0x2], $0x800, $0x38;
	[tilespmem:$0x1CC00] =	vst v63  }
0x24: {  	_ =	swait.ge [sflag:s15], $0x800  }
0x25: {  	[sflag:s15] =	ssyncset.done $0x0  }
0x26: {  	[sflag:s15] =	ssyncadd.s32 $0xFFFFF800  }
0x27: {  	s0 =	simm.s32 $0x0;
	s12 =	simm.s32 $0x0;
	[bflag:$0x0] =	sbarrier.arrive $0xFFFF  }
.LBB2_4:
0x28: {  	s2 =	sshll.u32 s12, $0xA  }
0x29: {  	s2 =	sadd.s32 s9, s2  }
0x2a: {  	v6 =	vor.u32 s0, v1;
	s2 =	sshrl.u32 s2, $0x3  }
0x2b: {  	v5 =	vmov s0;
	s13 =	sshll.u32 s12, $0xD;
	v7 =	vand.u32 $0x7F, v6;
	s2 =	sadd.s32 s1, s2  }
0x2c: {  	vm0 =	veq.s32 v5, v1;
	vm1 =	vne.s32 v7, $0x0;
	[tilespmem:s17], [sflag:$0x1] =	stream.linear.gather [hbm4b:s2+s0], $0x400, $0x38;
	[tilespmem:$0x1CC00] =	vst v63  }
0x2d: {  	vm0 =	vmand vm0, vm1;
	s2 =	sadd.s32 s11, s13  }
0x2e: {  	v5 =	vsel vm0, $0xFFFFFFFF, v2;
	s13 =	sshrl.u32 s2, $0x3  }
0x2f: {  	s8 =	simm.s32 $0x14400;
	v5 =	vshll.u32 v5, $0x7;
	s2 =	sadd.s32 s6, s13  }
0x30: {  	v5 =	vadd.s32 s0, v5;
	[tilespmem:s8], [sflag:$0x1] =	stream.linear.gather [hbm4b:s2+s0], $0x2000, $0x38;
	[tilespmem:$0x1CC00] =	vst v63  }
0x31: {  	v5 =	vand.u32 $0xFFFFFF80, v5;
	_ =	swait.ge [sflag:s18], $0x400  }
0x32: {  	v5 =	vor.u32 v7, v5;
	[sflag:s18] =	ssyncset.done $0x0  }
0x33: {  	[sflag:s18] =	ssyncadd.s32 $0xFFFFFC00  }
0x34: {  	_ =	swait.ge [sflag:s18], $0x2000  }
0x35: {  	[sflag:s18] =	ssyncset.done $0x0  }
0x36: {  	[sflag:s18] =	ssyncadd.s32 $0xFFFFE000  }
0x37: {  	v5 =	vld.idx.msk [tilespmem:v5+s17+$0x0], $0xffff;
	_ =	sdelay $0x4  }
0x38: {  	v5 =	vshll.u32 v5, $0x3  }
0x39: {  	v5 =	vor.u32 v3, v5;
	_ =	sdelay $0x3  }
0x3a: {  	v7 =	vld [tilespmem:s8+$0x0]  }
0x3b: {  	v5 =	vld.idx.msk [tilespmem:v5+s5+$0x0], $0xffff;
	_ =	sdelay $0x4  }
0x3c: {  	v5 =	vadd.f32 v7, v5;
	_ =	sdelay $0x1  }
0x3d: {  	v7 =	vmul.f32 $2.000000030e-01, v5;
	_ =	sdelay $0x1  }
0x3e: {  	v5 =	vmax.f32 v5, v7  }
0x3f: {  	s14 =	simm.s32 $0x2;
	v7 =	vmul.f32 $1.442695020e+00, v5  }
0x40: {  	v5 =	vor.u32 s14, v1  }
0x41: {  	v8 =	vmov s14;
	v9 =	vand.u32 $0x7F, v5;
	(erf) = vpow2.f32 v7  }
0x42: {  	vm14 =	veq.s32 v8, v1;
	vm15 =	vne.s32 v9, $0x0  }
0x43: {  	vm0 =	vmand vm14, vm15  }
0x44: {  	v7 =	vsel vm0, $0xFFFFFFFF, v2  }
0x45: {  	v7 =	vshll.u32 v7, $0x7  }
0x46: {  	v6 =	vshll.u32 v6, $0x4;
	v7 =	vadd.s32 s14, v7  }
0x47: {  	v6 =	vor.u32 v3, v6;
	v7 =	vand.u32 $0xFFFFFF80, v7  }
0x48: {  	v7 =	vor.u32 v9, v7;
	_ =	sdelay $0x1  }
0x49: {  	s14 =	simm.s32 $0x16400;
	v8 =	vpop (erf)  }
0x4a: {  	[tilespmem:s14+$0x0] =	vst v8  }
0x4b: {  	[tilespmem:v6+s16+$0x0] =	vst.idx.msk $0xffff, v8  }
0x4c: {  	v6 =	vld.idx.msk [tilespmem:v7+s17+$0x0], $0xffff;
	_ =	sdelay $0x4  }
0x4d: {  	v6 =	vshll.u32 v6, $0x3  }
0x4e: {  	v6 =	vor.u32 v3, v6;
	_ =	sdelay $0x2  }
0x4f: {  	s2 =	simm.s32 $0x14410  }
0x50: {  	v7 =	vld [tilespmem:s2+$0x0]  }
0x51: {  	v6 =	vld.idx.msk [tilespmem:v6+s5+$0x0], $0xffff;
	_ =	sdelay $0x4  }
0x52: {  	v6 =	vadd.f32 v7, v6;
	_ =	sdelay $0x1  }
0x53: {  	v7 =	vmul.f32 $2.000000030e-01, v6;
	_ =	sdelay $0x1  }
0x54: {  	v6 =	vmax.f32 v6, v7  }
0x55: {  	s10 =	simm.s32 $0x4;
	v9 =	vmul.f32 $1.442695020e+00, v6  }
0x56: {  	v6 =	vor.u32 s10, v1  }
0x57: {  	s8 =	simm.s32 $0x6;
	v8 =	vmov s10;
	v7 =	vand.u32 $0x7F, v6;
	(erf) = vpow2.f32 v9  }
.LBB2_5:
0x58: {  	p0 =	sne.s32 s8, $0x1FE;
	vm0 =	veq.s32 v8, v1;
	vm1 =	vne.s32 v7, $0x0  }
0x59: {  	vm0 =	vmand vm0, vm1  }
0x5a: {  	v8 =	vsel vm0, $0xFFFFFFFF, v2  }
0x5b: {  	v8 =	vshll.u32 v8, $0x7  }
0x5c: {  	v9 =	vshll.u32 v5, $0x4;
	v5 =	vmov v6;
	v8 =	vadd.s32 s10, v8;
	s10 =	smov.u32 s8  }
0x5d: {  	v6 =	vand.u32 $0xFFFFFF80, v8;
	v8 =	vor.u32 v3, v9  }
0x5e: {  	v6 =	vor.u32 v7, v6;
	_ =	sdelay $0x1  }
0x5f: {  	s14 =	sadd.s32 $0x10, s14;
	v7 =	vpop (erf)  }
0x60: {  	[tilespmem:s14+$0x0] =	vst v7  }
0x61: {  	[tilespmem:v8+s16+$0x0] =	vst.idx.msk $0xffff, v7  }
0x62: {  	v6 =	vld.idx.msk [tilespmem:v6+s17+$0x0], $0xffff;
	_ =	sdelay $0x5  }
0x63: {  	v6 =	vshll.u32 v6, $0x3  }
0x64: {  	v6 =	vor.u32 v3, v6;
	_ =	sdelay $0x4  }
0x65: {  	s2 =	sadd.s32 $0x10, s2;
	v6 =	vld.idx.msk [tilespmem:v6+s5+$0x0], $0xffff  }
0x66: {  	v7 =	vld [tilespmem:s2+$0x0];
	_ =	sdelay $0x4  }
0x67: {  	v6 =	vadd.f32 v7, v6;
	_ =	sdelay $0x1  }
0x68: {  	v7 =	vmul.f32 $2.000000030e-01, v6  }
.Ltmp1:
0x69: {  	(pc) =	sbr.rel @p0 .LBB2_5-.Ltmp1, $4  }
0x6a: {  	v6 =	vmax.f32 v6, v7  }
0x6b: {  	v9 =	vmul.f32 $1.442695020e+00, v6  }
0x6c: {  	v6 =	vor.u32 s8, v1  }
0x6d: {  	v8 =	vmov s10;
	s8 =	sadd.s32 $0x2, s8;
	v7 =	vand.u32 $0x7F, v6;
	(erf) = vpow2.f32 v9  }
0x6e: {  	vm0 =	veq.s32 v8, v1;
	vm1 =	vne.s32 v7, $0x0  }
0x6f: {  	vm0 =	vmand vm0, vm1  }
0x70: {  	v8 =	vsel vm0, $0xFFFFFFFF, v2  }
0x71: {  	v8 =	vshll.u32 v8, $0x7  }
0x72: {  	v5 =	vshll.u32 v5, $0x4;
	v8 =	vadd.s32 s10, v8  }
0x73: {  	v5 =	vor.u32 v3, v5;
	v8 =	vand.u32 $0xFFFFFF80, v8  }
0x74: {  	v7 =	vor.u32 v7, v8;
	_ =	sdelay $0x1  }
0x75: {  	s8 =	sadd.s32 $0x10, s14;
	v8 =	vpop (erf)  }
0x76: {  	[tilespmem:s8+$0x0] =	vst v8  }
0x77: {  	[tilespmem:v5+s16+$0x0] =	vst.idx.msk $0xffff, v8  }
0x78: {  	v5 =	vld.idx.msk [tilespmem:v7+s17+$0x0], $0xffff;
	_ =	sdelay $0x4  }
0x79: {  	v5 =	vshll.u32 v5, $0x3  }
0x7a: {  	v5 =	vor.u32 v3, v5;
	_ =	sdelay $0x2  }
0x7b: {  	s2 =	sadd.s32 $0x10, s2  }
0x7c: {  	v7 =	vld [tilespmem:s2+$0x0]  }
0x7d: {  	v5 =	vld.idx.msk [tilespmem:v5+s5+$0x0], $0xffff;
	_ =	sdelay $0x4  }
0x7e: {  	v5 =	vadd.f32 v7, v5;
	_ =	sdelay $0x1  }
0x7f: {  	v7 =	vmul.f32 $2.000000030e-01, v5;
	_ =	sdelay $0x1  }
0x80: {  	v5 =	vmax.f32 v5, v7  }
0x81: {  	v5 =	vmul.f32 $1.442695020e+00, v5;
	_ =	sdelay $0x1  }
0x82: {  	(erf) = vpow2.f32 v5;
	_ =	sdelay $0x4  }
0x83: {  	v5 =	vshll.u32 v6, $0x4  }
0x84: {  	v5 =	vor.u32 v3, v5;
	_ =	sdelay $0x2  }
0x85: {  	s8 =	sadd.s32 $0x10, s8;
	v6 =	vpop (erf)  }
0x86: {  	[tilespmem:s8+$0x0] =	vst v6  }
0x87: {  	[tilespmem:v5+s16+$0x0] =	vst.idx.msk $0xffff, v6  }
0x88: {  	[spmem:s4] =	stream.indirect.scatter.add.f32 [tilespmem:s16], [sflag:$0x1], $0x10, s17, s19, $0xb8;
	[tilespmem:$0x1CC00] =	vst v63  }
0x89: {  	_ = 	snop  }
0x8a: {  	[spmem:s4] =	stream.indirect.scatter.add.f32 [tilespmem:s21], [sflag:$0x1], $0x10, s20, s19, $0xb8;
	[tilespmem:$0x1CC00] =	vst v63  }
0x8b: {  	_ = 	snop  }
0x8c: {  	[spmem:s4] =	stream.indirect.scatter.add.f32 [tilespmem:s23], [sflag:$0x1], $0x10, s22, s19, $0xb8;
	[tilespmem:$0x1CC00] =	vst v63  }
0x8d: {  	_ = 	snop  }
0x8e: {  	[spmem:s4] =	stream.indirect.scatter.add.f32 [tilespmem:s25], [sflag:$0x1], $0x10, s24, s19, $0xb8;
	[tilespmem:$0x1CC00] =	vst v63  }
0x8f: {  	_ =	swait.ge [sflag:s18], $0x800  }
0x90: {  	[sflag:s18] =	ssyncset.done $0x0  }
0x91: {  	[sflag:s18] =	ssyncadd.s32 $0xFFFFF800  }
0x92: {  	_ =	swait.ge [sflag:s18], $0x800  }
0x93: {  	[sflag:s18] =	ssyncset.done $0x0  }
0x94: {  	[sflag:s18] =	ssyncadd.s32 $0xFFFFF800  }
0x95: {  	s10 =	simm.s32 $0x200;
	_ =	swait.ge [sflag:s18], $0x800  }
0x96: {  	v5 =	vor.u32 s10, v1;
	[sflag:s18] =	ssyncset.done $0x0  }
0x97: {  	[sflag:s18] =	ssyncadd.s32 $0xFFFFF800  }
0x98: {  	_ =	swait.ge [sflag:s18], $0x800  }
0x99: {  	[sflag:s18] =	ssyncset.done $0x0  }
0x9a: {  	[sflag:s18] =	ssyncadd.s32 $0xFFFFF800  }
0x9b: {  	v5 =	vld.idx.msk [tilespmem:v5+s17+$0x0], $0xffff;
	_ =	sdelay $0x4  }
0x9c: {  	v5 =	vshll.u32 v5, $0x3  }
0x9d: {  	v5 =	vor.u32 v3, v5;
	_ =	sdelay $0x2  }
0x9e: {  	s14 =	simm.s32 $0x15400  }
0x9f: {  	v6 =	vld [tilespmem:s14+$0x0]  }
0xa0: {  	v5 =	vld.idx.msk [tilespmem:v5+s5+$0x0], $0xffff;
	_ =	sdelay $0x4  }
0xa1: {  	v5 =	vadd.f32 v6, v5;
	_ =	sdelay $0x1  }
0xa2: {  	v6 =	vmul.f32 $2.000000030e-01, v5;
	_ =	sdelay $0x1  }
0xa3: {  	v5 =	vmax.f32 v5, v6  }
0xa4: {  	v5 =	vmul.f32 $1.442695020e+00, v5;
	_ =	sdelay $0x1  }
0xa5: {  	(erf) = vpow2.f32 v5;
	_ =	sdelay $0x1  }
0xa6: {  	s3 =	simm.s32 $0x0  }
0xa7: {  	v5 =	vmov s3  }
0xa8: {  	v5 =	vshll.u32 v5, $0x4  }
0xa9: {  	v5 =	vor.u32 v4, v5  }
0xaa: {  	s8 =	simm.s32 $0x202;
	v5 =	vor.u32 v3, v5  }
0xab: {  	v6 =	vor.u32 s8, v1;
	_ =	sdelay $0x1  }
0xac: {  	s2 =	simm.s32 $0x17400;
	v7 =	vpop (erf)  }
0xad: {  	[tilespmem:s2+$0x0] =	vst v7  }
0xae: {  	[tilespmem:v5+s16+$0x0] =	vst.idx.msk $0xffff, v7  }
0xaf: {  	v5 =	vld.idx.msk [tilespmem:v6+s17+$0x0], $0xffff;
	_ =	sdelay $0x4  }
0xb0: {  	v5 =	vshll.u32 v5, $0x3  }
0xb1: {  	v5 =	vor.u32 v3, v5;
	_ =	sdelay $0x2  }
0xb2: {  	s14 =	simm.s32 $0x15410  }
0xb3: {  	v6 =	vld [tilespmem:s14+$0x0]  }
0xb4: {  	v5 =	vld.idx.msk [tilespmem:v5+s5+$0x0], $0xffff;
	_ =	sdelay $0x4  }
0xb5: {  	v5 =	vadd.f32 v6, v5;
	_ =	sdelay $0x1  }
0xb6: {  	v6 =	vmul.f32 $2.000000030e-01, v5;
	_ =	sdelay $0x1  }
0xb7: {  	v5 =	vmax.f32 v5, v6  }
0xb8: {  	v5 =	vmul.f32 $1.442695020e+00, v5;
	_ =	sdelay $0x1  }
0xb9: {  	(erf) = vpow2.f32 v5;
	_ =	sdelay $0x1  }
0xba: {  	s10 =	simm.s32 $0x2  }
0xbb: {  	v6 =	vmov s10  }
0xbc: {  	v6 =	vshll.u32 v6, $0x4  }
0xbd: {  	v6 =	vor.u32 v4, v6  }
0xbe: {  	s3 =	simm.s32 $0x204;
	v5 =	vor.u32 v3, v6  }
0xbf: {  	s8 =	simm.s32 $0x6;
	s10 =	simm.s32 $0x4;
	v6 =	vor.u32 s3, v1  }
.LBB2_7:
0xc0: {  	p0 =	sne.s32 s8, $0x1FE  }
0xc1: {  	s2 =	sadd.s32 $0x10, s2;
	v7 =	vpop (erf)  }
0xc2: {  	[tilespmem:s2+$0x0] =	vst v7  }
0xc3: {  	[tilespmem:v5+s16+$0x0] =	vst.idx.msk $0xffff, v7  }
0xc4: {  	v5 =	vld.idx.msk [tilespmem:v6+s17+$0x0], $0xffff;
	_ =	sdelay $0x5  }
0xc5: {  	v5 =	vshll.u32 v5, $0x3  }
0xc6: {  	v5 =	vor.u32 v3, v5;
	_ =	sdelay $0x4  }
0xc7: {  	s14 =	sadd.s32 $0x10, s14;
	v5 =	vld.idx.msk [tilespmem:v5+s5+$0x0], $0xffff  }
0xc8: {  	v6 =	vld [tilespmem:s14+$0x0];
	_ =	sdelay $0x4  }
0xc9: {  	v5 =	vadd.f32 v6, v5;
	_ =	sdelay $0x1  }
0xca: {  	v6 =	vmul.f32 $2.000000030e-01, v5;
	_ =	sdelay $0x1  }
0xcb: {  	v5 =	vmax.f32 v5, v6  }
0xcc: {  	v5 =	vmul.f32 $1.442695020e+00, v5;
	_ =	sdelay $0x1  }
0xcd: {  	(erf) = vpow2.f32 v5;
	_ =	sdelay $0x2  }
.Ltmp2:
0xce: {  	v5 =	vmov s10;
	s10 =	smov.u32 s8;
	(pc) =	sbr.rel @p0 .LBB2_7-.Ltmp2, $4  }
0xcf: {  	v5 =	vshll.u32 v5, $0x4  }
0xd0: {  	v5 =	vor.u32 v4, v5  }
0xd1: {  	s3 =	sadd.s32 $0x200, s8;
	v5 =	vor.u32 v3, v5  }
0xd2: {  	v6 =	vor.u32 s3, v1;
	s8 =	sadd.s32 $0x2, s8  }
0xd3: {  	_ =	sdelay $0x1  }
0xd4: {  	s2 =	sadd.s32 $0x10, s2;
	v7 =	vpop (erf)  }
0xd5: {  	[tilespmem:s2+$0x0] =	vst v7  }
0xd6: {  	[tilespmem:v5+s16+$0x0] =	vst.idx.msk $0xffff, v7  }
0xd7: {  	v5 =	vld.idx.msk [tilespmem:v6+s17+$0x0], $0xffff;
	_ =	sdelay $0x4  }
0xd8: {  	v5 =	vshll.u32 v5, $0x3  }
0xd9: {  	v5 =	vor.u32 v3, v5;
	_ =	sdelay $0x2  }
0xda: {  	s3 =	sadd.s32 $0x10, s14  }
0xdb: {  	v6 =	vld [tilespmem:s3+$0x0]  }
0xdc: {  	v5 =	vld.idx.msk [tilespmem:v5+s5+$0x0], $0xffff;
	_ =	sdelay $0x4  }
0xdd: {  	v5 =	vadd.f32 v6, v5;
	_ =	sdelay $0x1  }
0xde: {  	v6 =	vmul.f32 $2.000000030e-01, v5;
	_ =	sdelay $0x1  }
0xdf: {  	v5 =	vmax.f32 v5, v6  }
0xe0: {  	v5 =	vmul.f32 $1.442695020e+00, v5;
	_ =	sdelay $0x1  }
0xe1: {  	(erf) = vpow2.f32 v5;
	_ =	sdelay $0x2  }
0xe2: {  	v5 =	vmov s10  }
0xe3: {  	v5 =	vshll.u32 v5, $0x4  }
0xe4: {  	v5 =	vor.u32 v4, v5  }
0xe5: {  	v5 =	vor.u32 v3, v5;
	_ =	sdelay $0x2  }
0xe6: {  	s2 =	sadd.s32 $0x10, s2;
	v6 =	vpop (erf)  }
0xe7: {  	[tilespmem:s2+$0x0] =	vst v6  }
0xe8: {  	[tilespmem:v5+s16+$0x0] =	vst.idx.msk $0xffff, v6  }
0xe9: {  	[spmem:s4] =	stream.indirect.scatter.add.f32 [tilespmem:s16], [sflag:$0x1], $0x10, s26, s19, $0xb8;
	[tilespmem:$0x1CC00] =	vst v63  }
0xea: {  	_ = 	snop  }
0xeb: {  	[spmem:s4] =	stream.indirect.scatter.add.f32 [tilespmem:s21], [sflag:$0x1], $0x10, s28, s19, $0xb8;
	[tilespmem:$0x1CC00] =	vst v63  }
0xec: {  	_ = 	snop  }
0xed: {  	[spmem:s4] =	stream.indirect.scatter.add.f32 [tilespmem:s23], [sflag:$0x1], $0x10, s29, s19, $0xb8;
	[tilespmem:$0x1CC00] =	vst v63  }
0xee: {  	_ = 	snop  }
0xef: {  	[spmem:s4] =	stream.indirect.scatter.add.f32 [tilespmem:s25], [sflag:$0x1], $0x10, s30, s19, $0xb8;
	[tilespmem:$0x1CC00] =	vst v63  }
0xf0: {  	_ =	swait.ge [sflag:s18], $0x800  }
0xf1: {  	[sflag:s18] =	ssyncset.done $0x0  }
0xf2: {  	[sflag:s18] =	ssyncadd.s32 $0xFFFFF800  }
0xf3: {  	_ =	swait.ge [sflag:s18], $0x800  }
0xf4: {  	[sflag:s18] =	ssyncset.done $0x0  }
0xf5: {  	[sflag:s18] =	ssyncadd.s32 $0xFFFFF800  }
0xf6: {  	_ =	swait.ge [sflag:s18], $0x800  }
0xf7: {  	[sflag:s18] =	ssyncset.done $0x0  }
0xf8: {  	[sflag:s18] =	ssyncadd.s32 $0xFFFFF800  }
0xf9: {  	s12 =	sadd.s32 $0x1, s12;
	_ =	swait.ge [sflag:s18], $0x800  }
0xfa: {  	p0 =	sne.s32 s12, $0xA;
	[sflag:s18] =	ssyncset.done $0x0  }
.Ltmp3:
0xfb: {  	s14 =	sadd.s32 s7, s13;
	[sflag:s18] =	ssyncadd.s32 $0xFFFFF800;
	(pc) =	sbr.rel @p0 .LBB2_4-.Ltmp3, $4  }
0xfc: {  	[hbm4b:s14+s5] =	stream.linear.scatter [tilespmem:s31], [sflag:$0x2], $0x2000, $0x38;
	[tilespmem:$0x1CC00] =	vst v63  }
0xfd: {  	_ =	swait.ge [sflag:s15], $0x2000  }
0xfe: {  	[sflag:s15] =	ssyncset.done $0x0  }
0xff: {  	[sflag:s15] =	ssyncadd.s32 $0xFFFFE000  }
0x100: {  	[bflag:$0x0] =	sbarrier.arrive $0xFFFF  }
0x101: {  	s8 =	rddreg [dreg:$0x5]  }
0x102: {  	[tilespmem:s16], [sflag:$0x2] =	stream.linear.gather [spmem:s8], $0x2000, $0x38;
	[tilespmem:$0x1CC00] =	vst v63  }
0x103: {  	_ =	swait.ge [sflag:s15], $0x2000  }
0x104: {  	[sflag:s15] =	ssyncset.done $0x0  }
0x105: {  	s0 =	simm.s32 $0x0;
	[sflag:s15] =	ssyncadd.s32 $0xFFFFE000  }
0x106: {  	s2 =	simm.s32 $0x40;
	v5 =	vld [tilespmem:s0+$0x18400]  }
.LBB2_10:
0x107: {  	p0 =	sne.s32 s2, $0x7FC0  }
.Ltmp4:
0x108: {  	_ = 	snop;
	(pc) =	sbr.rel @p0 .LBB2_10-.Ltmp4, $3  }
0x109: {  	_ =	sdelay $0x1  }
0x10a: {  	[tilespmem:s0+$0x14400] =	vst v5;
	s0 =	sshra.s32 s2, $0x2;
	s2 =	sadd.s32 $0x40, s2  }
0x10b: {  	v5 =	vld [tilespmem:s0+$0x18400]  }
0x10c: {  	_ =	sdelay $0x3  }
0x10d: {  	s14 =	simm.s32 $0x0;
	s2 =	rddreg [dreg:$0x7];
	s3 =	simm.s32 $0x14400;
	[tilespmem:s0+$0x14400] =	vst v5  }
0x10e: {  	[hbm4b:s2+s14] =	stream.linear.scatter [tilespmem:s3], [sflag:$0x2], $0x2000, $0x38;
	[tilespmem:$0x1CC00] =	vst v63  }
0x10f: {  	_ =	swait.ge [sflag:s15], $0x2000  }
0x110: {  	[sflag:s15] =	ssyncset.done $0x0  }
0x111: {  	s10 =	rddreg [dreg:$0x6];
	[sflag:s15] =	ssyncadd.s32 $0xFFFFE000  }
0x112: {  	[tilespmem:s16], [sflag:$0x2] =	stream.linear.gather [spmem:s10], $0x800, $0x38;
	[tilespmem:$0x1CC00] =	vst v63  }
0x113: {  	_ =	swait.ge [sflag:s15], $0x800  }
0x114: {  	[sflag:s15] =	ssyncset.done $0x0  }
0x115: {  	s0 =	simm.s32 $0x0;
	[sflag:s15] =	ssyncadd.s32 $0xFFFFF800  }
0x116: {  	s2 =	simm.s32 $0x40;
	v5 =	vld [tilespmem:s0+$0x18400]  }
.LBB2_12:
0x117: {  	p0 =	sne.s32 s2, $0x1FC0  }
.Ltmp5:
0x118: {  	_ = 	snop;
	(pc) =	sbr.rel @p0 .LBB2_12-.Ltmp5, $3  }
0x119: {  	_ =	sdelay $0x1  }
0x11a: {  	[tilespmem:s0+$0x14400] =	vst v5;
	s0 =	sshra.s32 s2, $0x2;
	s2 =	sadd.s32 $0x40, s2  }
0x11b: {  	v5 =	vld [tilespmem:s0+$0x18400]  }
0x11c: {  	_ =	sdelay $0x3  }
0x11d: {  	s13 =	rddreg [dreg:$0x8];
	[tilespmem:s0+$0x14400] =	vst v5  }
0x11e: {  	[hbm4b:s13+s5] =	stream.linear.scatter [tilespmem:s3], [sflag:$0x2], $0x800, $0x38;
	[tilespmem:$0x1CC00] =	vst v63  }
0x11f: {  	_ =	swait.ge [sflag:s15], $0x800  }
0x120: {  	s2 =	rddreg [dreg:$0xa]  }
0x121: {  	s14 =	rddreg [dreg:$0x9];
	s2 =	sadd.s32 $0x1, s2  }
0x122: {  	p0 =	sne.s32 s2, s14  }
.Ltmp6:
0x123: {  	_ = 	snop;
	(pc) =	sbr.rel @p0 .LBB2_1-.Ltmp6, $3  }
0x124: {  	_ =	sdelay $0x1  }
0x125: {  	[sflag:s15] =	ssyncset.done $0x0  }
0x126: {  	[sflag:s15] =	ssyncadd.s32 $0xFFFFF800  }
0x127: {  	_ =	sfence.sel $0x180000  }
0x128: {  	[bflag:$0x0] =	sbarrier.arrive $0xFFFF  }
0x129: {  	_ =	strace $0x9000004A  }
0x12a: {  	s0 =	stileid.u32;
	[bflag:$0x2] =	sbarrier.arrive $0xFFFF  }
0x12b: {  	p0 =	sne.s32 s0, $0x0;
	s0 =	rddreg [dreg:$0x4]  }
0x12c: {  	s0 =	sadd.s32 @!p0 $0x100000, s0  }
0x12d: {  	[sflag:s0] =	ssyncadd.tile.s32 @!p0 $0x1;
	_ =	shalt  }
.Lfunc_end2:
_tile_overlayer_lowered:
.L_overlay_start_2:
0x12e: {  	(tag) =	ssettag $0x2  }
0x12f: {  	s0 =	rddreg [dreg:$0x0];
	s2 =	stileid.u32  }
0x130: {  	s1 =	rddreg [dreg:$0x1];
	p0 =	sne.s32 s2, $0x0  }
0x131: {  	s3 =	rddreg [dreg:$0x2];
	[bflag:$0x3] =	sbarrier.arrive $0xFFFF;
	s2 =	simm.s32 @!p0 $0x1C02  }
0x132: {  	[timem:s3], [sflag:s2] =	dma.local @!p0 [hbm:s0], s1  }
0x133: {  	s0 =	simm.s32 @!p0 $0x2  }
0x134: {  	_ =	swait.ge @!p0 [sflag:s0], s1  }
0x135: {  	s1 =	ssub.s32 @!p0 $0x0, s1;
	[sflag:s0] =	ssyncset.done @!p0 $0x0  }
0x136: {  	[sflag:s0] =	ssyncadd.s32 @!p0 s1  }
0x137: {  	[bflag:$0x3] =	sbarrier.arrive $0xFFFF  }
0x138: {  	_ =	shalt  }

// kernel: kernel.15.cloned.1.call-start
scs
__scs_entry_jumppad:
0x0: {  	(pc) =	sbr.rel $0x88, $3  }
0x1: {  	(tag) =	ssettag $0x0;
	lr =	simm.s32 $0x1  }
0x2: {  	[smem:$0x3F97] =	sst lr;
	_ =	strace $0xD0000000  }
0x3: {  	_ = 	snop  }
0x4: {  	_ = 	snop  }
0x5: {  	_ = 	snop  }
0x6: {  	_ = 	snop  }
0x7: {  	_ = 	snop  }
__scs_overlays_trampoline_lowered:
0x8: {  	[smem:$0x3FA6] =	sst s0  }
0x9: {  	[smem:$0x3FA7] =	sst s1  }
0xa: {  	[smem:$0x3FA8] =	sst s2  }
0xb: {  	[smem:$0x3FA9] =	sst s3  }
0xc: {  	[smem:$0x3FAA] =	sst s4  }
0xd: {  	[smem:$0x3FAB] =	sst s5  }
0xe: {  	[smem:$0x3FAC] =	sst s6  }
0xf: {  	[smem:$0x3FAD] =	sst s7  }
0x10: {  	[smem:$0x3FAE] =	sst s8  }
0x11: {  	[smem:$0x3FAF] =	sst s9;
	s0 =	simm.s32 @!p0 $0x0  }
0x12: {  	s1 =	sld [smem:$0x3F95];
	s0 =	simm.s32 @p0 $0x1  }
0x13: {  	[smem:$0x3FB0] =	sst s0;
	s0 =	simm.s32 @!p1 $0x0  }
0x14: {  	s2 =	sld [smem:$0x3F94];
	s0 =	simm.s32 @p1 $0x1  }
0x15: {  	[smem:$0x3FB1] =	sst s0;
	s0 =	simm.s32 @!p2 $0x0  }
0x16: {  	s3 =	sld [smem:$0x3FDB];
	s0 =	simm.s32 @p2 $0x1  }
0x17: {  	s4 =	simm.s32 $0x1BF5;
	[smem:$0x3FB3] =	sst s0  }
0x18: {  	s0 =	sld [smem:$0x3F96];
	_ =	swait.ge [sflag:s4], $0x0  }
0x19: {  	s7 =	sld [smem:$0x3F97]  }
0x1a: {  	s8 =	sadd.s32 $0xFFFFE003, lr  }
0x1b: {  	s9 =	sadd.s32 $0xFFFFFEF7, lr;
	s5 =	simm.s32 $0xFFFFFFFF;
	p2 =	slt.u32 s8, $0xFFFFF086  }
0x1c: {  	p1 =	slt.u32 s9, $0xF7A;
	s5 =	simm.s32 @!p2 $0x0  }
0x1d: {  	s5 =	simm.s32 @p1 $0x1;
	p0 =	seq.s32 s7, s2  }
0x1e: {  	s7 =	smul.u32 @!p0 $0xF7A, s2;
	p2 =	seq.s32 @!p0 s5, $0x0  }
0x1f: {  	s9 =	smul.u32 $0xF7A, s1;
	s8 =	simm.s32 @!p0 $0x1BF5;
	p2 =	por !p2, p0  }
0x20: {  	[sflag:s8] =	ssyncset.s32 @!p0 $0xFFFFF086;
	s6 =	sadd.s32 @!p0 s3, s7;
	s7 =	simm.s32 @!p0 $0x108  }
0x21: {  	s3 =	sadd.s32 s3, s9;
	s6 =	sadd.s32 @!p0 $0x88, s6;
	s7 =	simm.s32 @p2 $0x1082  }
0x22: {  	[simem:s7], [sflag:s8] =	dma.local @!p0 [hbm:s6], $0xF7A  }
0x23: {  	s9 =	sor.u32 $0xD0000000, s2;
	s6 =	simm.s32 $0x108;
	_ =	swait.ge @!p0 [sflag:s8], $0x0  }
0x24: {  	s3 =	sadd.s32 $0x88, s3;
	s6 =	simm.s32 @!p1 $0x1082;
	[sflag:s4] =	ssyncset.s32 $0xFFFFF086  }
0x25: {  	[simem:s6], [sflag:s4] =	dma.local [hbm:s3], $0xF7A  }
0x26: {  	[smem:$0x3F97] =	sst s1;
	(tag) =	ssettag s2;
	_ =	strace s9  }
0x27: {  	s1 =	sld [smem:$0x3FA7]  }
0x28: {  	s2 =	sld [smem:$0x3FA8]  }
0x29: {  	s4 =	sld [smem:$0x3FAA]  }
0x2a: {  	p0 =	seq.s32 s5, $0x0;
	s5 =	sld [smem:$0x3FAB]  }
0x2b: {  	s6 =	sld [smem:$0x3FAC]  }
0x2c: {  	s7 =	sld [smem:$0x3FAD]  }
0x2d: {  	s3 =	simm.s32 $0x108;
	s8 =	sld [smem:$0x3FAE]  }
0x2e: {  	s3 =	simm.s32 @!p0 $0x1082;
	s9 =	sld [smem:$0x3FAF]  }
0x2f: {  	lr =	sadd.s32 s0, s3;
	s0 =	sld [smem:$0x3FA6]  }
0x30: {  	s3 =	sld [smem:$0x3FA9]  }
0x31: {  	[smem:$0x3FB2] =	sst s10  }
0x32: {  	s10 =	sld [smem:$0x3FB0];
	_ =	sdelay $0x3  }
0x33: {  	p0 =	seq.s32 s10, $0x1;
	s10 =	sld [smem:$0x3FB2];
	_ =	sdelay $0x3  }
0x34: {  	[smem:$0x3FB2] =	sst s10  }
0x35: {  	s10 =	sld [smem:$0x3FB1];
	_ =	sdelay $0x3  }
0x36: {  	p1 =	seq.s32 s10, $0x1;
	s10 =	sld [smem:$0x3FB2];
	_ =	sdelay $0x3  }
0x37: {  	[smem:$0x3FB2] =	sst s10  }
0x38: {  	s10 =	sld [smem:$0x3FB3]  }
0x39: {  	_ = 	snop;
	(pc) =	sbr.ind lr, $3  }
0x3a: {  	_ = 	snop  }
0x3b: {  	_ = 	snop  }
0x3c: {  	p2 =	seq.s32 s10, $0x1;
	s10 =	sld [smem:$0x3FB2]  }
0x3d: {  	_ =	shalt  }
0x3e: {  	_ =	shalt  }
0x3f: {  	_ =	shalt  }
0x40: {  	_ =	shalt  }
0x41: {  	_ =	shalt  }
0x42: {  	_ =	shalt  }
0x43: {  	_ =	shalt  }
0x44: {  	_ =	shalt  }
0x45: {  	_ =	shalt  }
0x46: {  	_ =	shalt  }
0x47: {  	_ =	shalt  }
0x48: {  	_ =	shalt  }
0x49: {  	_ =	shalt  }
0x4a: {  	_ =	shalt  }
0x4b: {  	_ =	shalt  }
0x4c: {  	_ =	shalt  }
0x4d: {  	_ =	shalt  }
0x4e: {  	_ =	shalt  }
0x4f: {  	_ =	shalt  }
0x50: {  	_ =	shalt  }
0x51: {  	_ =	shalt  }
0x52: {  	_ =	shalt  }
0x53: {  	_ =	shalt  }
0x54: {  	_ =	shalt  }
0x55: {  	_ =	shalt  }
0x56: {  	_ =	shalt  }
0x57: {  	_ =	shalt  }
0x58: {  	_ =	shalt  }
0x59: {  	_ =	shalt  }
0x5a: {  	_ =	shalt  }
0x5b: {  	_ =	shalt  }
0x5c: {  	_ =	shalt  }
0x5d: {  	_ =	shalt  }
0x5e: {  	_ =	shalt  }
0x5f: {  	_ =	shalt  }
0x60: {  	_ =	shalt  }
0x61: {  	_ =	shalt  }
0x62: {  	_ =	shalt  }
0x63: {  	_ =	shalt  }
0x64: {  	_ =	shalt  }
0x65: {  	_ =	shalt  }
0x66: {  	_ =	shalt  }
0x67: {  	_ =	shalt  }
0x68: {  	_ =	shalt  }
0x69: {  	_ =	shalt  }
0x6a: {  	_ =	shalt  }
0x6b: {  	_ =	shalt  }
0x6c: {  	_ =	shalt  }
0x6d: {  	_ =	shalt  }
0x6e: {  	_ =	shalt  }
0x6f: {  	_ =	shalt  }
0x70: {  	_ =	shalt  }
0x71: {  	_ =	shalt  }
0x72: {  	_ =	shalt  }
0x73: {  	_ =	shalt  }
0x74: {  	_ =	shalt  }
0x75: {  	_ =	shalt  }
0x76: {  	_ =	shalt  }
0x77: {  	_ =	shalt  }
0x78: {  	_ =	shalt  }
0x79: {  	_ =	shalt  }
0x7a: {  	_ =	shalt  }
0x7b: {  	_ =	shalt  }
0x7c: {  	_ =	shalt  }
0x7d: {  	_ =	shalt  }
0x7e: {  	_ =	shalt  }
0x7f: {  	_ =	shalt  }
0x80: {  	_ =	shalt  }
0x81: {  	_ =	shalt  }
0x82: {  	_ =	shalt  }
0x83: {  	_ =	shalt  }
0x84: {  	_ =	shalt  }
0x85: {  	_ =	shalt  }
0x86: {  	_ =	shalt  }
0x87: {  	_ =	shalt  }
.Lfunc_end0:
.L_simem_size_0:
called_computation.2_lowered:
.L_overlay_start_0:
0x88: {  	s2 =	sld [smem:$0x3FD9]  }
0x89: {  	s3 =	sld [smem:$0x3FFE];
	_ =	sdelay $0x1  }
0x8a: {  	s1 =	srdreg.scid  }
0x8b: {  	s0 =	sand.u32 $0x1, s1  }
0x8c: {  	s14 =	sshll.u32 s0, $0xA;
	s2 =	sadd.s32 s3, s2  }
0x8d: {  	s2 =	sadd.s32 s2, s14  }
0x8e: {  	[smem:$0x3FBE] =	sst s2  }
0x8f: {  	_ = 	snop  }
0x90: {  	s2 =	sld [smem:$0x3FD0];
	_ =	sdelay $0x2  }
0x91: {  	s15 =	simm.s32 $0xA;
	s4 =	simm.s32 $0x10  }
0x92: {  	[smem:s4], [sflag:s15] =	dma.local [hbm:s2], $0x1  }
0x93: {  	_ =	swait.eq [sflag:s15], $0x1  }
0x94: {  	[sflag:s15] =	ssyncset.done $0x0  }
0x95: {  	s16 =	sld [smem:$0x11];
	[sflag:s15] =	ssyncadd.s32 $0xFFFFFFFF  }
0x96: {  	s17 =	sld [smem:$0x12];
	(tm) =	ssettm $0x1  }
0x97: {  	s18 =	sld [smem:$0x3FFB];
	_ =	sdelay $0x3  }
0x98: {  	_ =	strace s18  }
0x99: {  	s4 =	sld [smem:$0x3FFC];
	_ =	sdelay $0x3  }
0x9a: {  	_ =	strace s4  }
0x9b: {  	s4 =	sld [smem:$0x3FFD];
	_ =	sdelay $0x3  }
0x9c: {  	_ =	strace s4  }
0x9d: {  	_ =	strace $0x8FFFFFFF  }
0x9e: {  	s19 =	sld [smem:$0x3FDB];
	_ =	sdelay $0x1  }
0x9f: {  	s5 =	simm.s32 $_scs_section_size  }
0xa0: {  	s6 =	simm.s32 $_size__tile_overlayer_lowered;
	s7 =	simm.s32 $_tile_overlayer_lowered  }
0xa1: {  	s22 =	simm.s32 $0x1BFF;
	s21 =	sshll.u32 s7, $0x1;
	s4 =	sadd.s32 s5, s19  }
0xa2: {  	s8 =	simm.s32 $0x0;
	s20 =	sshll.u32 s6, $0x1;
	s6 =	sadd.s32 s21, s4  }
0xa3: {  	[timem:s8], [sflag:s22] =	dma.local [hbm:s6], s20  }
0xa4: {  	_ =	swait.ge [sflag:s22], s20  }
0xa5: {  	s5 =	ssub.s32 $0x0, s20;
	[sflag:s22] =	ssyncset.done $0x0  }
0xa6: {  	[sflag:s22] =	ssyncadd.s32 s5;
	_ =	sdelay $0x1  }
0xa7: {  	s23 =	simm.s32 $0x1B8B  }
0xa8: {  	_ =	swait.ge [sflag:s23], $0x1  }
0xa9: {  	[sflag:s23] =	ssyncset.done $0x0  }
0xaa: {  	s25 =	simm.s32 $0x1B8E;
	s24 =	sld [smem:$0x3FFE];
	[sflag:s23] =	ssyncadd.s32 $0xFFFFFFFF  }
0xab: {  	s26 =	simm.s32 $execute0_lowered;
	[smem:$0x3FD2] =	sst s25  }
0xac: {  	s6 =	sshll.u32 s26, $0x1;
	_ =	strace $0x8000004C;
	[dreg:$0x1] =	wrdreg $0xFFFFFFFF  }
0xad: {  	s28 =	simm.s32 $_size_execute0_lowered;
	s4 =	sadd.s32 s4, s6;
	[dreg:$0x0] =	wrdreg $0x0  }
0xae: {  	s6 =	sshll.u32 s28, $0x1;
	[dreg:$0x2] =	wrdreg s4  }
0xaf: {  	[dreg:$0x3] =	wrdreg s6  }
0xb0: {  	[dreg:$0x4] =	wrdreg $0xC0  }
0xb1: {  	_ =	task [dreg:s8], $0x5FFFF  }
0xb2: {  	[dreg:$0x1] =	wrdreg $0xFFFFFFFF  }
0xb3: {  	[dreg:$0x0] =	wrdreg $0x60  }
0xb4: {  	[dreg:$0x2] =	wrdreg s17  }
0xb5: {  	[dreg:$0x3] =	wrdreg s16  }
0xb6: {  	[dreg:$0x4] =	wrdreg s24  }
0xb7: {  	[dreg:$0x5] =	wrdreg $0x9  }
0xb8: {  	_ =	task.clear_ibuf [dreg:s8], $0x6FFFF;
	_ =	strace $0x9000004C  }
0xb9: {  	s29 =	simm.s32 $0x9;
	_ =	strace $0x8000004E  }
0xba: {  	_ =	swait.ge [sflag:s29], $0x1  }
0xbb: {  	[sflag:s29] =	ssyncadd.s32 $0xFFFFFFFF  }
0xbc: {  	_ =	strace $0x9000004E  }
0xbd: {  	_ =	sfence  }
0xbe: {  	s30 =	sld [smem:$0x0];
	_ =	sdelay $0x2  }
0xbf: {  	s31 =	sshll.u32 s1, $0xD;
	s1 =	sshrl.u32 s1, $0x2  }
0xc0: {  	s3 =	sand.u32 $0x4000, s31;
	s1 =	sadd.s32 s1, s30  }
0xc1: {  	s0 =	sor.u32 s3, s0;
	s1 =	sshll.u32 s1, $0x11  }
0xc2: {  	s0 =	sor.u32 s1, s0  }
0xc3: {  	s0 =	sadd.s32 $0x8F2B, s0  }
0xc4: {  	[sflag:s0] =	ssyncadd.remote.s32 $0x1  }
0xc5: {  	_ =	sfence.sel $0xFFFF  }
0xc6: {  	[dreg:$0x0] =	wrdreg $0xFFFFFFFF;
	(pc) =	sbr.abs _section_cstart, $3  }
0xc7: {  	[dreg:$0x1] =	wrdreg $0xFFFFFFFF  }
0xc8: {  	_ =	task.clear_ibuf [dreg:s8], $0x2FFFF;
	_ =	strace $0x9FFFFFFF  }
0xc9: {  	(tm) =	ssettm $0x7FFFFFFF  }
tec
execute0_lowered:
.L_overlay_start_1:
0x0: {  	(tag) =	ssettag $0x1  }
0x1: {  	s1 =	rddreg [dreg:$0x0]  }
0x2: {  	s2 =	rddreg [dreg:$0x1]  }
0x3: {  	s7 =	rddreg [dreg:$0x2]  }
0x4: {  	s0 =	rddreg [dreg:$0x3];
	s4 =	simm.s32 $0x0  }
0x5: {  	s3 =	srdreg.scid;
	s11 =	simm.s32 $0x14000;
	s12 =	simm.s32 $0x14400  }
0x6: {  	s13 =	simm.s32 $0x1;
	s14 =	simm.s32 $0x16400;
	s15 =	simm.s32 $0x0  }
0x7: {  	[smem:$0x7FF] =	sst s4;
	s5 =	sand.u32 $0x1, s3;
	s3 =	stileid.u32  }
0x8: {  	s6 =	ssub.s32 $0x2, s5;
	s5 =	sshll.u32 s5, $0x4;
	_ =	strace $0x8000004D  }
0x9: {  	v2 =	vlaneseq.u32;
	s8 =	sshrl.u32 s6, $0x1;
	s9 =	sor.u32 s3, s5;
	s5 =	sadd.s32 $0x34800, s7  }
0xa: {  	v1 =	vimm.s32 $0x0;
	v0 =	vshrl.u32 v2, $0x3;
	v2 =	vand.u32 $0x7, v2;
	s7 =	sadd.s32 $0x84800, s7;
	s10 =	ssub.s32 s6, s8;
	s6 =	smul.u32 $0x2800, s9  }
0xb: {  	v3 =	vor.u32 $0x2, v0;
	v4 =	vor.u32 $0x4, v0;
	v5 =	vor.u32 $0x6, v0;
	s8 =	smul.u32 $0x14000, s9;
	s9 =	smax.u32 s10, $0x1;
	s10 =	simm.s32 $0x2  }
.LBB2_1:
0xc: {  	[tilespmem:s4], [sflag:$0x2] =	stream.linear.gather [hbm4b:s1+s4], $0x14000, $0x38;
	[tilespmem:$0x18400] =	vst v63  }
0xd: {  	_ =	swait.ge [sflag:s10], $0x14000  }
0xe: {  	[sflag:s10] =	ssyncset.done $0x0  }
0xf: {  	s16 =	simm.s32 $0x0;
	[sflag:s10] =	ssyncadd.s32 $0xFFFEC000  }
.LBB2_2:
0x10: {  	s17 =	sshll.u32 s16, $0xA  }
0x11: {  	s18 =	simm.s32 $0x0;
	s17 =	sadd.s32 s6, s17  }
0x12: {  	v6 =	vor.u32 s18, v0;
	s17 =	sshrl.u32 s17, $0x3  }
0x13: {  	s28 =	sshll.u32 s16, $0xD;
	s29 =	simm.s32 $0x2;
	v7 =	vmov s18;
	v6 =	vand.u32 $0x79, v6;
	s17 =	sadd.s32 s2, s17  }
0x14: {  	vm0 =	veq.s32 v7, v0;
	vm1 =	vne.s32 v6, $0x0;
	[tilespmem:s11], [sflag:$0x1] =	stream.linear.gather [hbm4b:s17+s18], $0x400, $0x38;
	[tilespmem:$0x18400] =	vst v63  }
0x15: {  	s20 =	simm.s32 $0x4;
	s30 =	simm.s32 $0x6;
	v8 =	vmov s29;
	s17 =	sadd.s32 s8, s28;
	vm0 =	vmand vm0, vm1  }
0x16: {  	s31 =	simm.s32 $0x8;
	s22 =	simm.s32 $0xC;
	v9 =	vmov s20;
	v10 =	vmov s30;
	s17 =	sshrl.u32 s17, $0x3;
	v7 =	vsel vm0, $0xFFFFFFFF, v1  }
0x17: {  	s21 =	simm.s32 $0xA;
	v11 =	vmov s31;
	v13 =	vmov s22;
	s19 =	sadd.s32 s5, s17;
	v7 =	vshll.u32 v7, $0x7  }
0x18: {  	vm10 =	veq.s32 v11, v0;
	v11 =	vmov s21;
	[tilespmem:s12], [sflag:$0x1] =	stream.linear.gather [hbm4b:s19+s18], $0x2000, $0x38;
	v7 =	vadd.s32 s18, v7;
	[tilespmem:$0x18400] =	vst v63  }
0x19: {  	v8 =	vand.u32 $0x3F8, v8;
	v11 =	vand.u32 $0x3F8, v11;
	_ =	swait.ge [sflag:s13], $0x400;
	v7 =	vand.u32 $0xFFFFFF80, v7  }
0x1a: {  	v8 =	vbroadcast v8, $0x0;
	v11 =	vbroadcast v11, $0x0;
	[sflag:s13] =	ssyncset.done $0x0;
	v6 =	vor.u32 v6, v7  }
0x1b: {  	v7 =	vand.u32 $0x3F8, v9;
	v9 =	vand.u32 $0x3F8, v10;
	v10 =	vor.u32 s31, v0;
	[sflag:s13] =	ssyncadd.s32 $0xFFFFFC00  }
0x1c: {  	s23 =	simm.s32 $0xE;
	v8 =	vor.u32 v3, v8;
	v9 =	vbroadcast v9, $0x0;
	v10 =	vand.u32 $0x79, v10;
	_ =	swait.ge [sflag:s13], $0x2000  }
0x1d: {  	s24 =	simm.s32 $0x10;
	v14 =	vmov s23;
	v11 =	vor.u32 v3, v11;
	vm11 =	vne.s32 v10, $0x0;
	[sflag:s13] =	ssyncset.done $0x0  }
0x1e: {  	v15 =	vmov s24;
	vm0 =	vmand vm10, vm11;
	v9 =	vor.u32 v5, v9;
	[sflag:s13] =	ssyncadd.s32 $0xFFFFE000  }
0x1f: {  	s26 =	simm.s32 $0x12;
	v13 =	vand.u32 $0x3F8, v13;
	v7 =	vbroadcast v7, $0x0;
	v12 =	vsel vm0, $0xFFFFFFFF, v1;
	v6 =	vld.idx.msk [tilespmem:v6+s11+$0x0], $0xffff  }
0x20: {  	vm12 =	veq.s32 v15, v0;
	v15 =	vmov s26;
	v12 =	vshll.u32 v12, $0x7  }
0x21: {  	v15 =	vand.u32 $0x3F8, v15;
	v7 =	vor.u32 v4, v7;
	v8 =	vld.idx.msk [tilespmem:v8+s11+$0x0], $0xffff;
	v12 =	vadd.s32 s31, v12  }
0x22: {  	s30 =	simm.s32 $0x1A;
	v14 =	vand.u32 $0x3F8, v14;
	s21 =	simm.s32 $0x16;
	v15 =	vbroadcast v15, $0x0;
	v11 =	vld.idx.msk [tilespmem:v11+s11+$0x0], $0xffff;
	v12 =	vand.u32 $0xFFFFFF80, v12  }
0x23: {  	s25 =	simm.s32 $0x14420;
	v20 =	vmov s30;
	v19 =	vmov s21;
	v10 =	vor.u32 v10, v12;
	v9 =	vld.idx.msk [tilespmem:v9+s11+$0x0], $0xffff  }
0x24: {  	v15 =	vor.u32 v3, v15;
	v16 =	vld [tilespmem:s25+$0xFFFFFFE0];
	v12 =	vbroadcast v13, $0x0;
	v6 =	vshll.u32 v6, $0x3  }
0x25: {  	v22 =	vld [tilespmem:s25+$0x0];
	v13 =	vbroadcast v14, $0x0;
	v14 =	vor.u32 s24, v0;
	v6 =	vor.u32 v2, v6  }
0x26: {  	v7 =	vld.idx.msk [tilespmem:v7+s11+$0x0], $0xffff;
	v14 =	vand.u32 $0x79, v14;
	v8 =	vshll.u32 v8, $0x3;
	v12 =	vor.u32 v4, v12  }
0x27: {  	v20 =	vand.u32 $0x3F8, v20;
	v23 =	vld [tilespmem:s25+$0x10];
	vm13 =	vne.s32 v14, $0x0;
	v8 =	vor.u32 v2, v8  }
0x28: {  	s28 =	simm.s32 $0x14;
	v13 =	vor.u32 v5, v13;
	vm0 =	vmand vm12, vm13;
	v10 =	vld.idx.msk [tilespmem:v10+s11+$0x0], $0xffff;
	v9 =	vshll.u32 v9, $0x3  }
0x29: {  	v18 =	vmov s28;
	v15 =	vld.idx.msk [tilespmem:v15+s11+$0x0], $0xffff;
	v17 =	vsel vm0, $0xFFFFFFFF, v1;
	v9 =	vor.u32 v2, v9  }
0x2a: {  	v20 =	vbroadcast v20, $0x0;
	v18 =	vand.u32 $0x3F8, v18;
	v17 =	vshll.u32 v17, $0x7;
	v6 =	vld.idx.msk [tilespmem:v6+s4+$0x0], $0xffff  }
0x2b: {  	v18 =	vbroadcast v18, $0x0;
	v7 =	vshll.u32 v7, $0x3;
	v17 =	vadd.s32 s24, v17;
	v12 =	vld.idx.msk [tilespmem:v12+s11+$0x0], $0xffff  }
0x2c: {  	v7 =	vor.u32 v2, v7;
	v17 =	vand.u32 $0xFFFFFF80, v17;
	v21 =	vld.idx.msk [tilespmem:v8+s4+$0x0], $0xffff;
	v8 =	vand.u32 $0x3F8, v19  }
0x2d: {  	v13 =	vld.idx.msk [tilespmem:v13+s11+$0x0], $0xffff;
	v14 =	vor.u32 v14, v17;
	v8 =	vbroadcast v8, $0x0;
	v10 =	vshll.u32 v10, $0x3  }
0x2e: {  	s29 =	simm.s32 $0x18;
	s19 =	simm.s32 $0x14460;
	v19 =	vld.idx.msk [tilespmem:v9+s4+$0x0], $0xffff;
	v9 =	vshll.u32 v11, $0x3;
	v10 =	vor.u32 v2, v10;
	v11 =	vor.u32 v4, v18  }
0x2f: {  	v25 =	vld [tilespmem:s19+$0xFFFFFFE0];
	v8 =	vor.u32 v5, v8;
	v6 =	vmul.f32 v16, v6;
	v16 =	vor.u32 s29, v0  }
0x30: {  	v17 =	vld [tilespmem:s25+$0xFFFFFFF0];
	v18 =	vmov s29;
	v9 =	vor.u32 v2, v9;
	v16 =	vand.u32 $0x79, v16  }
0x31: {  	v7 =	vld.idx.msk [tilespmem:v7+s4+$0x0], $0xffff;
	vm14 =	veq.s32 v18, v0;
	v12 =	vshll.u32 v12, $0x3;
	vm15 =	vne.s32 v16, $0x0  }
0x32: {  	v13 =	vshll.u32 v13, $0x3;
	v14 =	vld.idx.msk [tilespmem:v14+s11+$0x0], $0xffff;
	v12 =	vor.u32 v2, v12;
	vm0 =	vmand vm14, vm15  }
0x33: {  	s22 =	simm.s32 $0x1E;
	v13 =	vor.u32 v2, v13;
	v18 =	vld.idx.msk [tilespmem:v10+s4+$0x0], $0xffff;
	v10 =	vsel vm0, $0xFFFFFFFF, v1  }
0x34: {  	v26 =	vmov s22;
	v20 =	vor.u32 v3, v20;
	s31 =	simm.s32 $0x1C;
	v27 =	vld.idx.msk [tilespmem:v11+s11+$0x0], $0xffff;
	v10 =	vshll.u32 v10, $0x7  }
0x35: {  	v24 =	vmov s31;
	v15 =	vshll.u32 v15, $0x3;
	v63 =	vld.idx.msk [tilespmem:v8+s11+$0x0], $0xffff;
	v10 =	vadd.s32 s29, v10  }
0x36: {  	v21 =	vmul.f32 v17, v21;
	v11 =	vand.u32 $0x3F8, v24;
	v8 =	vand.u32 $0xFFFFFF80, v10;
	v10 =	vld.idx.msk [tilespmem:v9+s4+$0x0], $0xffff  }
0x37: {  	v17 =	vmul.f32 v22, v7;
	v9 =	vld.idx.msk [tilespmem:v12+s4+$0x0], $0xffff;
	v16 =	vor.u32 v16, v8;
	v8 =	vand.u32 $0x3F8, v26  }
0x38: {  	v11 =	vbroadcast v11, $0x0;
	v12 =	vshll.u32 v14, $0x3;
	v26 =	vbroadcast v8, $0x0;
	v8 =	vld.idx.msk [tilespmem:v13+s4+$0x0], $0xffff  }
0x39: {  	s20 =	simm.s32 $0x16420;
	v19 =	vmul.f32 v23, v19;
	v25 =	vmul.f32 v25, v18;
	v18 =	vor.u32 v2, v12;
	v13 =	vld [tilespmem:s19+$0xFFFFFFF0]  }
0x3a: {  	s18 =	simm.s32 $0x16460;
	[tilespmem:s20+$0xFFFFFFE0] =	vst v6;
	v6 =	vld [tilespmem:s19+$0x0];
	v11 =	vor.u32 v4, v11;
	v12 =	vor.u32 v2, v15;
	v15 =	vshll.u32 v27, $0x3  }
0x3b: {  	s22 =	simm.s32 $0x20;
	s21 =	simm.s32 $0xC;
	v7 =	vld [tilespmem:s19+$0x10];
	v22 =	vshll.u32 v63, $0x3;
	v15 =	vor.u32 v2, v15;
	[tilespmem:s18+$0xFFFFFFE0] =	vst v25;
	v14 =	vor.u32 v5, v26  }
.LBB2_3:
0x3c: {  	v23 =	vor.u32 s22, v0;
	s23 =	sadd.s32 $0x2, s22;
	s24 =	sadd.s32 $0x4, s22;
	s25 =	sadd.s32 $0x6, s22;
	v20 =	vld.idx.msk [tilespmem:v20+s11+$0x0], $0xffff;
	v22 =	vor.u32 v2, v22;
	[tilespmem:s20+$0xFFFFFFF0] =	vst v21;
	v21 =	vmov v10  }
0x3d: {  	v10 =	vmov s22;
	s21 =	sadd.s32 $0x4, s21;
	v23 =	vand.u32 $0x79, v23;
	v24 =	vmov s23;
	v25 =	vld.idx.msk [tilespmem:v16+s11+$0x0], $0xffff;
	[tilespmem:s20+$0x0] =	vst v17;
	v17 =	vmovc v9  }
0x3e: {  	s19 =	sadd.s32 $0x40, s19;
	vm0 =	veq.s32 v10, v0;
	v9 =	vmov s24;
	p0 =	slt.u32 s21, $0x1FC;
	vm1 =	vne.s32 v23, $0x0;
	v18 =	vld.idx.msk [tilespmem:v18+s4+$0x0], $0xffff;
	[tilespmem:s20+$0x10] =	vst v19;
	v19 =	vmovc v8;
	v26 =	vmovc v13;
	s20 =	smov.u32 s18  }
0x3f: {  	v10 =	vmov s25;
	v8 =	vand.u32 $0x3F8, v24;
	vm0 =	vmand vm0, vm1;
	v13 =	vld [tilespmem:s19+$0xFFFFFFE0]  }
0x40: {  	v9 =	vand.u32 $0x3F8, v9;
	v10 =	vand.u32 $0x3F8, v10;
	v16 =	vsel vm0, $0xFFFFFFFF, v1;
	v24 =	vld.idx.msk [tilespmem:v11+s11+$0x0], $0xffff  }
0x41: {  	v8 =	vbroadcast v8, $0x0;
	v9 =	vbroadcast v9, $0x0;
	v11 =	vshll.u32 v16, $0x7;
	v27 =	vld.idx.msk [tilespmem:v14+s11+$0x0], $0xffff  }
0x42: {  	v14 =	vbroadcast v10, $0x0;
	v28 =	vshll.u32 v20, $0x3;
	v11 =	vadd.s32 s22, v11;
	v10 =	vld.idx.msk [tilespmem:v12+s4+$0x0], $0xffff  }
.Ltmp0:
0x43: {  	v20 =	vor.u32 v3, v8;
	v12 =	vand.u32 $0xFFFFFF80, v11;
	v11 =	vor.u32 v4, v9;
	v9 =	vld.idx.msk [tilespmem:v15+s4+$0x0], $0xffff;
	(pc) =	sbr.rel @p0 .LBB2_3-.Ltmp0, $4  }
0x44: {  	v16 =	vor.u32 v23, v12;
	v12 =	vshll.u32 v25, $0x3;
	v15 =	vmul.f32 v13, v18;
	v8 =	vld.idx.msk [tilespmem:v22+s4+$0x0], $0xffff  }
0x45: {  	s18 =	sadd.s32 $0x40, s18;
	v14 =	vor.u32 v5, v14;
	v18 =	vor.u32 v2, v12;
	v12 =	vor.u32 v2, v28;
	v13 =	vld [tilespmem:s19+$0xFFFFFFF0]  }
0x46: {  	v21 =	vmul.f32 v26, v21;
	v17 =	vmul.f32 v6, v17;
	v22 =	vshll.u32 v24, $0x3;
	[tilespmem:s18+$0xFFFFFFE0] =	vst v15;
	v6 =	vld [tilespmem:s19+$0x0]  }
0x47: {  	v19 =	vmul.f32 v7, v19;
	s22 =	sadd.s32 $0x8, s22;
	v15 =	vor.u32 v2, v22;
	v22 =	vshll.u32 v27, $0x3;
	v7 =	vld [tilespmem:s19+$0x10]  }
0x48: {  	_ =	sdelay $0x3  }
0x49: {  	v20 =	vld.idx.msk [tilespmem:v20+s11+$0x0], $0xffff  }
0x4a: {  	v16 =	vld.idx.msk [tilespmem:v16+s11+$0x0], $0xffff  }
0x4b: {  	v18 =	vld.idx.msk [tilespmem:v18+s4+$0x0], $0xffff  }
0x4c: {  	v11 =	vld.idx.msk [tilespmem:v11+s11+$0x0], $0xffff  }
0x4d: {  	v14 =	vld.idx.msk [tilespmem:v14+s11+$0x0], $0xffff  }
0x4e: {  	v12 =	vld.idx.msk [tilespmem:v12+s4+$0x0], $0xffff  }
0x4f: {  	s19 =	sadd.s32 $0x40, s19;
	v15 =	vld.idx.msk [tilespmem:v15+s4+$0x0], $0xffff  }
0x50: {  	v23 =	vld [tilespmem:s19+$0xFFFFFFE0]  }
0x51: {  	v24 =	vld [tilespmem:s19+$0xFFFFFFF0]  }
0x52: {  	v22 =	vor.u32 v2, v22;
	v25 =	vld [tilespmem:s19+$0x0];
	v16 =	vshll.u32 v16, $0x3  }
0x53: {  	v26 =	vld [tilespmem:s19+$0x10];
	s19 =	sadd.s32 $0x40, s19;
	v11 =	vshll.u32 v11, $0x3;
	v16 =	vor.u32 v2, v16  }
0x54: {  	v55 =	vld [tilespmem:s19+$0xFFFFFFE0];
	v11 =	vor.u32 v2, v11  }
0x55: {  	v59 =	vld [tilespmem:s19+$0xFFFFFFF0];
	v14 =	vshll.u32 v14, $0x3  }
0x56: {  	[tilespmem:s20+$0xFFFFFFF0] =	vst v21;
	v60 =	vld [tilespmem:s19+$0x0];
	v20 =	vshll.u32 v20, $0x3;
	v14 =	vor.u32 v2, v14  }
0x57: {  	[tilespmem:s20+$0x0] =	vst v17;
	v10 =	vmul.f32 v13, v10;
	v22 =	vld.idx.msk [tilespmem:v22+s4+$0x0], $0xffff;
	v20 =	vor.u32 v2, v20  }
0x58: {  	[tilespmem:s20+$0x10] =	vst v19;
	v6 =	vmul.f32 v6, v9;
	v16 =	vld.idx.msk [tilespmem:v16+s4+$0x0], $0xffff  }
0x59: {  	v7 =	vmul.f32 v7, v8;
	[tilespmem:s18+$0xFFFFFFF0] =	vst v10;
	v11 =	vld.idx.msk [tilespmem:v11+s4+$0x0], $0xffff  }
0x5a: {  	v61 =	vld [tilespmem:s19+$0x10];
	[tilespmem:s18+$0x0] =	vst v6;
	v56 =	vmul.f32 v23, v18  }
0x5b: {  	s30 =	sadd.s32 $0x40, s18;
	[tilespmem:s18+$0x10] =	vst v7;
	v7 =	vmul.f32 v24, v12;
	v58 =	vld.idx.msk [tilespmem:v14+s4+$0x0], $0xffff  }
0x5c: {  	[tilespmem:s30+$0xFFFFFFE0] =	vst v56;
	v62 =	vmul.f32 v26, v22;
	v57 =	vld.idx.msk [tilespmem:v20+s4+$0x0], $0xffff  }
0x5d: {  	[tilespmem:s30+$0xFFFFFFF0] =	vst v7;
	v6 =	vmul.f32 v55, v16  }
0x5e: {  	s31 =	sadd.s32 $0x40, s30;
	[tilespmem:s30+$0x10] =	vst v62;
	v7 =	vmul.f32 v60, v11  }
0x5f: {  	[tilespmem:s31+$0xFFFFFFE0] =	vst v6;
	v6 =	vmul.f32 v25, v15  }
0x60: {  	v63 =	vmul.f32 v61, v58;
	[tilespmem:s31+$0x0] =	vst v7  }
0x61: {  	s16 =	sadd.s32 $0x1, s16;
	[tilespmem:s30+$0x0] =	vst v6;
	v6 =	vmul.f32 v59, v57  }
0x62: {  	p0 =	sne.s32 s16, $0xA;
	[tilespmem:s31+$0x10] =	vst v63  }
.Ltmp1:
0x63: {  	s17 =	sadd.s32 s7, s17;
	[tilespmem:s31+$0xFFFFFFF0] =	vst v6;
	(pc) =	sbr.rel @p0 .LBB2_2-.Ltmp1, $4  }
0x64: {  	[hbm4b:s17+s4] =	stream.linear.scatter [tilespmem:s14], [sflag:$0x2], $0x2000, $0x38;
	[tilespmem:$0x18400] =	vst v63  }
0x65: {  	_ =	swait.ge [sflag:s10], $0x2000  }
0x66: {  	[sflag:s10] =	ssyncset.done $0x0  }
0x67: {  	[sflag:s10] =	ssyncadd.s32 $0xFFFFE000  }
0x68: {  	s15 =	sadd.s32 $0x1, s15  }
0x69: {  	p0 =	sne.s32 s15, s9  }
.Ltmp2:
0x6a: {  	_ = 	snop;
	(pc) =	sbr.rel @p0 .LBB2_1-.Ltmp2, $1  }
0x6b: {  	_ =	sdelay $0x3  }
0x6c: {  	_ =	sfence.sel $0x180000  }
0x6d: {  	[bflag:$0x0] =	sbarrier.arrive $0xFFFF  }
0x6e: {  	p0 =	sne.s32 s3, $0x0;
	_ =	strace $0x9000004D  }
0x6f: {  	s0 =	sadd.s32 @!p0 $0x100000, s0;
	[bflag:$0x2] =	sbarrier.arrive $0xFFFF  }
0x70: {  	[sflag:s0] =	ssyncadd.tile.s32 @!p0 $0x1;
	_ =	shalt  }
.Lfunc_end2:
_tile_overlayer_lowered:
.L_overlay_start_2:
0x71: {  	(tag) =	ssettag $0x2  }
0x72: {  	s0 =	rddreg [dreg:$0x0];
	s2 =	stileid.u32  }
0x73: {  	s1 =	rddreg [dreg:$0x1];
	p0 =	sne.s32 s2, $0x0  }
0x74: {  	s3 =	rddreg [dreg:$0x2];
	[bflag:$0x3] =	sbarrier.arrive $0xFFFF;
	s2 =	simm.s32 @!p0 $0x1C02  }
0x75: {  	[timem:s3], [sflag:s2] =	dma.local @!p0 [hbm:s0], s1  }
0x76: {  	s0 =	simm.s32 @!p0 $0x2  }
0x77: {  	_ =	swait.ge @!p0 [sflag:s0], s1  }
0x78: {  	s1 =	ssub.s32 @!p0 $0x0, s1;
	[sflag:s0] =	ssyncset.done @!p0 $0x0  }
0x79: {  	[sflag:s0] =	ssyncadd.s32 @!p0 s1  }
0x7a: {  	[bflag:$0x3] =	sbarrier.arrive $0xFFFF  }
0x7b: {  	_ =	shalt  }

// kernel: kernel.18.cloned.1.call-start
scs
__scs_entry_jumppad:
0x0: {  	(pc) =	sbr.rel $0x88, $3  }
0x1: {  	(tag) =	ssettag $0x0;
	lr =	simm.s32 $0x1  }
0x2: {  	[smem:$0x3F97] =	sst lr;
	_ =	strace $0xD0000000  }
0x3: {  	_ = 	snop  }
0x4: {  	_ = 	snop  }
0x5: {  	_ = 	snop  }
0x6: {  	_ = 	snop  }
0x7: {  	_ = 	snop  }
__scs_overlays_trampoline_lowered:
0x8: {  	[smem:$0x3FA6] =	sst s0  }
0x9: {  	[smem:$0x3FA7] =	sst s1  }
0xa: {  	[smem:$0x3FA8] =	sst s2  }
0xb: {  	[smem:$0x3FA9] =	sst s3  }
0xc: {  	[smem:$0x3FAA] =	sst s4  }
0xd: {  	[smem:$0x3FAB] =	sst s5  }
0xe: {  	[smem:$0x3FAC] =	sst s6  }
0xf: {  	[smem:$0x3FAD] =	sst s7  }
0x10: {  	[smem:$0x3FAE] =	sst s8  }
0x11: {  	[smem:$0x3FAF] =	sst s9;
	s0 =	simm.s32 @!p0 $0x0  }
0x12: {  	s1 =	sld [smem:$0x3F95];
	s0 =	simm.s32 @p0 $0x1  }
0x13: {  	[smem:$0x3FB0] =	sst s0;
	s0 =	simm.s32 @!p1 $0x0  }
0x14: {  	s2 =	sld [smem:$0x3F94];
	s0 =	simm.s32 @p1 $0x1  }
0x15: {  	[smem:$0x3FB1] =	sst s0;
	s0 =	simm.s32 @!p2 $0x0  }
0x16: {  	s3 =	sld [smem:$0x3FDB];
	s0 =	simm.s32 @p2 $0x1  }
0x17: {  	s4 =	simm.s32 $0x1BF5;
	[smem:$0x3FB3] =	sst s0  }
0x18: {  	s0 =	sld [smem:$0x3F96];
	_ =	swait.ge [sflag:s4], $0x0  }
0x19: {  	s7 =	sld [smem:$0x3F97]  }
0x1a: {  	s8 =	sadd.s32 $0xFFFFE003, lr  }
0x1b: {  	s9 =	sadd.s32 $0xFFFFFEF7, lr;
	s5 =	simm.s32 $0xFFFFFFFF;
	p2 =	slt.u32 s8, $0xFFFFF086  }
0x1c: {  	p1 =	slt.u32 s9, $0xF7A;
	s5 =	simm.s32 @!p2 $0x0  }
0x1d: {  	s5 =	simm.s32 @p1 $0x1;
	p0 =	seq.s32 s7, s2  }
0x1e: {  	s7 =	smul.u32 @!p0 $0xF7A, s2;
	p2 =	seq.s32 @!p0 s5, $0x0  }
0x1f: {  	s9 =	smul.u32 $0xF7A, s1;
	s8 =	simm.s32 @!p0 $0x1BF5;
	p2 =	por !p2, p0  }
0x20: {  	[sflag:s8] =	ssyncset.s32 @!p0 $0xFFFFF086;
	s6 =	sadd.s32 @!p0 s3, s7;
	s7 =	simm.s32 @!p0 $0x108  }
0x21: {  	s3 =	sadd.s32 s3, s9;
	s6 =	sadd.s32 @!p0 $0x88, s6;
	s7 =	simm.s32 @p2 $0x1082  }
0x22: {  	[simem:s7], [sflag:s8] =	dma.local @!p0 [hbm:s6], $0xF7A  }
0x23: {  	s9 =	sor.u32 $0xD0000000, s2;
	s6 =	simm.s32 $0x108;
	_ =	swait.ge @!p0 [sflag:s8], $0x0  }
0x24: {  	s3 =	sadd.s32 $0x88, s3;
	s6 =	simm.s32 @!p1 $0x1082;
	[sflag:s4] =	ssyncset.s32 $0xFFFFF086  }
0x25: {  	[simem:s6], [sflag:s4] =	dma.local [hbm:s3], $0xF7A  }
0x26: {  	[smem:$0x3F97] =	sst s1;
	(tag) =	ssettag s2;
	_ =	strace s9  }
0x27: {  	s1 =	sld [smem:$0x3FA7]  }
0x28: {  	s2 =	sld [smem:$0x3FA8]  }
0x29: {  	s4 =	sld [smem:$0x3FAA]  }
0x2a: {  	p0 =	seq.s32 s5, $0x0;
	s5 =	sld [smem:$0x3FAB]  }
0x2b: {  	s6 =	sld [smem:$0x3FAC]  }
0x2c: {  	s7 =	sld [smem:$0x3FAD]  }
0x2d: {  	s3 =	simm.s32 $0x108;
	s8 =	sld [smem:$0x3FAE]  }
0x2e: {  	s3 =	simm.s32 @!p0 $0x1082;
	s9 =	sld [smem:$0x3FAF]  }
0x2f: {  	lr =	sadd.s32 s0, s3;
	s0 =	sld [smem:$0x3FA6]  }
0x30: {  	s3 =	sld [smem:$0x3FA9]  }
0x31: {  	[smem:$0x3FB2] =	sst s10  }
0x32: {  	s10 =	sld [smem:$0x3FB0];
	_ =	sdelay $0x3  }
0x33: {  	p0 =	seq.s32 s10, $0x1;
	s10 =	sld [smem:$0x3FB2];
	_ =	sdelay $0x3  }
0x34: {  	[smem:$0x3FB2] =	sst s10  }
0x35: {  	s10 =	sld [smem:$0x3FB1];
	_ =	sdelay $0x3  }
0x36: {  	p1 =	seq.s32 s10, $0x1;
	s10 =	sld [smem:$0x3FB2];
	_ =	sdelay $0x3  }
0x37: {  	[smem:$0x3FB2] =	sst s10  }
0x38: {  	s10 =	sld [smem:$0x3FB3]  }
0x39: {  	_ = 	snop;
	(pc) =	sbr.ind lr, $3  }
0x3a: {  	_ = 	snop  }
0x3b: {  	_ = 	snop  }
0x3c: {  	p2 =	seq.s32 s10, $0x1;
	s10 =	sld [smem:$0x3FB2]  }
0x3d: {  	_ =	shalt  }
0x3e: {  	_ =	shalt  }
0x3f: {  	_ =	shalt  }
0x40: {  	_ =	shalt  }
0x41: {  	_ =	shalt  }
0x42: {  	_ =	shalt  }
0x43: {  	_ =	shalt  }
0x44: {  	_ =	shalt  }
0x45: {  	_ =	shalt  }
0x46: {  	_ =	shalt  }
0x47: {  	_ =	shalt  }
0x48: {  	_ =	shalt  }
0x49: {  	_ =	shalt  }
0x4a: {  	_ =	shalt  }
0x4b: {  	_ =	shalt  }
0x4c: {  	_ =	shalt  }
0x4d: {  	_ =	shalt  }
0x4e: {  	_ =	shalt  }
0x4f: {  	_ =	shalt  }
0x50: {  	_ =	shalt  }
0x51: {  	_ =	shalt  }
0x52: {  	_ =	shalt  }
0x53: {  	_ =	shalt  }
0x54: {  	_ =	shalt  }
0x55: {  	_ =	shalt  }
0x56: {  	_ =	shalt  }
0x57: {  	_ =	shalt  }
0x58: {  	_ =	shalt  }
0x59: {  	_ =	shalt  }
0x5a: {  	_ =	shalt  }
0x5b: {  	_ =	shalt  }
0x5c: {  	_ =	shalt  }
0x5d: {  	_ =	shalt  }
0x5e: {  	_ =	shalt  }
0x5f: {  	_ =	shalt  }
0x60: {  	_ =	shalt  }
0x61: {  	_ =	shalt  }
0x62: {  	_ =	shalt  }
0x63: {  	_ =	shalt  }
0x64: {  	_ =	shalt  }
0x65: {  	_ =	shalt  }
0x66: {  	_ =	shalt  }
0x67: {  	_ =	shalt  }
0x68: {  	_ =	shalt  }
0x69: {  	_ =	shalt  }
0x6a: {  	_ =	shalt  }
0x6b: {  	_ =	shalt  }
0x6c: {  	_ =	shalt  }
0x6d: {  	_ =	shalt  }
0x6e: {  	_ =	shalt  }
0x6f: {  	_ =	shalt  }
0x70: {  	_ =	shalt  }
0x71: {  	_ =	shalt  }
0x72: {  	_ =	shalt  }
0x73: {  	_ =	shalt  }
0x74: {  	_ =	shalt  }
0x75: {  	_ =	shalt  }
0x76: {  	_ =	shalt  }
0x77: {  	_ =	shalt  }
0x78: {  	_ =	shalt  }
0x79: {  	_ =	shalt  }
0x7a: {  	_ =	shalt  }
0x7b: {  	_ =	shalt  }
0x7c: {  	_ =	shalt  }
0x7d: {  	_ =	shalt  }
0x7e: {  	_ =	shalt  }
0x7f: {  	_ =	shalt  }
0x80: {  	_ =	shalt  }
0x81: {  	_ =	shalt  }
0x82: {  	_ =	shalt  }
0x83: {  	_ =	shalt  }
0x84: {  	_ =	shalt  }
0x85: {  	_ =	shalt  }
0x86: {  	_ =	shalt  }
0x87: {  	_ =	shalt  }
.Lfunc_end0:
.L_simem_size_0:
called_computation.3_lowered:
.L_overlay_start_0:
0x88: {  	s2 =	sld [smem:$0x3FD9]  }
0x89: {  	s3 =	sld [smem:$0x3FFE];
	_ =	sdelay $0x1  }
0x8a: {  	s1 =	srdreg.scid  }
0x8b: {  	s0 =	sand.u32 $0x1, s1  }
0x8c: {  	s14 =	sshll.u32 s0, $0xA;
	s2 =	sadd.s32 s3, s2  }
0x8d: {  	s2 =	sadd.s32 s2, s14  }
0x8e: {  	[smem:$0x3FBE] =	sst s2  }
0x8f: {  	_ = 	snop  }
0x90: {  	s2 =	sld [smem:$0x3FD0];
	_ =	sdelay $0x2  }
0x91: {  	s15 =	simm.s32 $0xA;
	s4 =	simm.s32 $0x10  }
0x92: {  	[smem:s4], [sflag:s15] =	dma.local [hbm:s2], $0x1  }
0x93: {  	_ =	swait.eq [sflag:s15], $0x1  }
0x94: {  	[sflag:s15] =	ssyncset.done $0x0  }
0x95: {  	s16 =	sld [smem:$0x10];
	[sflag:s15] =	ssyncadd.s32 $0xFFFFFFFF  }
0x96: {  	s17 =	sld [smem:$0x11];
	(tm) =	ssettm $0x1  }
0x97: {  	s18 =	sld [smem:$0x3FFB];
	_ =	sdelay $0x3  }
0x98: {  	_ =	strace s18  }
0x99: {  	s4 =	sld [smem:$0x3FFC];
	_ =	sdelay $0x3  }
0x9a: {  	_ =	strace s4  }
0x9b: {  	s4 =	sld [smem:$0x3FFD];
	_ =	sdelay $0x3  }
0x9c: {  	_ =	strace s4  }
0x9d: {  	_ =	strace $0x8FFFFFFF  }
0x9e: {  	s19 =	sld [smem:$0x3FDB];
	_ =	sdelay $0x1  }
0x9f: {  	s5 =	simm.s32 $_scs_section_size  }
0xa0: {  	s6 =	simm.s32 $_size__tile_overlayer_lowered;
	s7 =	simm.s32 $_tile_overlayer_lowered  }
0xa1: {  	s22 =	simm.s32 $0x1BFF;
	s21 =	sshll.u32 s7, $0x1;
	s4 =	sadd.s32 s5, s19  }
0xa2: {  	s8 =	simm.s32 $0x0;
	s20 =	sshll.u32 s6, $0x1;
	s6 =	sadd.s32 s21, s4  }
0xa3: {  	[timem:s8], [sflag:s22] =	dma.local [hbm:s6], s20  }
0xa4: {  	_ =	swait.ge [sflag:s22], s20  }
0xa5: {  	s5 =	ssub.s32 $0x0, s20;
	[sflag:s22] =	ssyncset.done $0x0  }
0xa6: {  	[sflag:s22] =	ssyncadd.s32 s5;
	_ =	sdelay $0x1  }
0xa7: {  	s23 =	simm.s32 $0x1B8B  }
0xa8: {  	_ =	swait.ge [sflag:s23], $0x1  }
0xa9: {  	[sflag:s23] =	ssyncset.done $0x0  }
0xaa: {  	s25 =	simm.s32 $0x1B8E;
	s24 =	sld [smem:$0x3FFE];
	[sflag:s23] =	ssyncadd.s32 $0xFFFFFFFF  }
0xab: {  	s26 =	simm.s32 $execute0_lowered;
	[smem:$0x3FD2] =	sst s25  }
0xac: {  	s6 =	sshll.u32 s26, $0x1;
	_ =	strace $0x8000004F;
	[dreg:$0x1] =	wrdreg $0xFFFFFFFF  }
0xad: {  	s28 =	simm.s32 $_size_execute0_lowered;
	s4 =	sadd.s32 s4, s6;
	[dreg:$0x0] =	wrdreg $0x0  }
0xae: {  	s6 =	sshll.u32 s28, $0x1;
	[dreg:$0x2] =	wrdreg s4  }
0xaf: {  	[dreg:$0x3] =	wrdreg s6  }
0xb0: {  	[dreg:$0x4] =	wrdreg $0xC0  }
0xb1: {  	_ =	task [dreg:s8], $0x5FFFF  }
0xb2: {  	[dreg:$0x1] =	wrdreg $0xFFFFFFFF  }
0xb3: {  	[dreg:$0x0] =	wrdreg $0x60  }
0xb4: {  	[dreg:$0x2] =	wrdreg s24  }
0xb5: {  	[dreg:$0x3] =	wrdreg s16  }
0xb6: {  	[dreg:$0x4] =	wrdreg s17  }
0xb7: {  	[dreg:$0x5] =	wrdreg $0xA4000  }
0xb8: {  	[dreg:$0x6] =	wrdreg $0x9  }
0xb9: {  	_ =	task.clear_ibuf [dreg:s8], $0x7FFFF;
	_ =	strace $0x9000004F  }
0xba: {  	s29 =	simm.s32 $0x9;
	_ =	strace $0x80000051  }
0xbb: {  	_ =	swait.ge [sflag:s29], $0x1  }
0xbc: {  	[sflag:s29] =	ssyncadd.s32 $0xFFFFFFFF  }
0xbd: {  	_ =	strace $0x90000051  }
0xbe: {  	_ =	sfence  }
0xbf: {  	s30 =	sld [smem:$0x0];
	_ =	sdelay $0x2  }
0xc0: {  	s31 =	sshll.u32 s1, $0xD;
	s1 =	sshrl.u32 s1, $0x2  }
0xc1: {  	s3 =	sand.u32 $0x4000, s31;
	s1 =	sadd.s32 s1, s30  }
0xc2: {  	s0 =	sor.u32 s3, s0;
	s1 =	sshll.u32 s1, $0x11  }
0xc3: {  	s0 =	sor.u32 s1, s0  }
0xc4: {  	s0 =	sadd.s32 $0x8F2B, s0  }
0xc5: {  	[sflag:s0] =	ssyncadd.remote.s32 $0x1  }
0xc6: {  	_ =	sfence.sel $0xFFFF  }
0xc7: {  	[dreg:$0x0] =	wrdreg $0xFFFFFFFF;
	(pc) =	sbr.abs _section_cstart, $3  }
0xc8: {  	[dreg:$0x1] =	wrdreg $0xFFFFFFFF  }
0xc9: {  	_ =	task.clear_ibuf [dreg:s8], $0x2FFFF;
	_ =	strace $0x9FFFFFFF  }
0xca: {  	(tm) =	ssettm $0x7FFFFFFF  }
0xcb: {  	_ =	shalt  }
tec
execute0_lowered:
.L_overlay_start_1:
0x0: {  	(tag) =	ssettag $0x1  }
0x1: {  	s0 =	rddreg [dreg:$0x0]  }
0x2: {  	s1 =	rddreg [dreg:$0x1]  }
0x3: {  	s2 =	srdreg.scid;
	s12 =	stileid.u32  }
0x4: {  	s3 =	rddreg [dreg:$0x2];
	s2 =	sand.u32 $0x1, s2;
	s8 =	smul.u32 $0x14000, s12  }
0x5: {  	s4 =	rddreg [dreg:$0x3];
	s7 =	smul.u32 $0x140000, s2  }
0x6: {  	s5 =	simm.s32 $0x0;
	s11 =	smul.u32 $0x50000, s12;
	s10 =	ssub.s32 $0x2, s2  }
0x7: {  	s6 =	sadd.s32 $0x2800, s0;
	s23 =	sshrl.u32 s10, $0x1;
	s7 =	sadd.s32 s8, s7  }
0x8: {  	s24 =	sshrl.u32 s11, $0x2;
	s9 =	sshrl.u32 s7, $0x3;
	s7 =	sadd.s32 $0x84800, s0  }
0x9: {  	s0 =	sadd.s32 s9, s0;
	s9 =	ssub.s32 s10, s23;
	s10 =	sadd.s32 s24, s4  }
0xa: {  	[smem:$0x7FF] =	sst s5;
	s25 =	sadd.s32 $0x1000, s10  }
0xb: {  	_ =	strace $0x80000050;
	s26 =	sadd.s32 $0x2000, s10;
	[dreg:$0x5] =	wrdreg s25  }
0xc: {  	s28 =	sadd.s32 $0x3000, s10;
	[dreg:$0x6] =	wrdreg s26  }
0xd: {  	s30 =	sadd.s32 $0x4000, s10;
	[dreg:$0x7] =	wrdreg s28  }
0xe: {  	s2 =	sshll.u32 s2, $0x4;
	s31 =	sadd.s32 $0x5000, s10;
	[dreg:$0x8] =	wrdreg s30  }
0xf: {  	s2 =	sor.u32 s12, s2;
	s12 =	sadd.s32 $0x6000, s10;
	[dreg:$0x9] =	wrdreg s31  }
0x10: {  	s13 =	sadd.s32 $0x7000, s10;
	[dreg:$0xa] =	wrdreg s12  }
0x11: {  	s14 =	sadd.s32 $0x8000, s10;
	[dreg:$0xb] =	wrdreg s13  }
0x12: {  	s15 =	sadd.s32 $0x9000, s10;
	[dreg:$0xc] =	wrdreg s14  }
0x13: {  	s16 =	sadd.s32 $0xA000, s10;
	[dreg:$0xd] =	wrdreg s15  }
0x14: {  	s17 =	sadd.s32 $0xB000, s10;
	[dreg:$0xe] =	wrdreg s16  }
0x15: {  	s18 =	sadd.s32 $0xC000, s10;
	[dreg:$0xf] =	wrdreg s17  }
0x16: {  	s11 =	simm.s32 $0x9400;
	s19 =	sadd.s32 $0xD000, s10;
	[dreg:$0x10] =	wrdreg s18  }
0x17: {  	s8 =	sadd.s32 s8, s4;
	s20 =	sadd.s32 $0xE000, s10;
	[dreg:$0x11] =	wrdreg s19  }
0x18: {  	s29 =	smul.u32 $0x2800, s2;
	s21 =	sadd.s32 $0xF000, s10;
	[dreg:$0x12] =	wrdreg s20  }
0x19: {  	s24 =	smul.u32 $0x500, s2;
	s22 =	sadd.s32 $0x10000, s10;
	[dreg:$0x13] =	wrdreg s21  }
0x1a: {  	s2 =	smul.u32 $0x14000, s2;
	s23 =	sadd.s32 $0x11000, s10;
	[dreg:$0x14] =	wrdreg s22  }
0x1b: {  	s0 =	sadd.s32 $0x2A800, s0;
	[dreg:$0x15] =	wrdreg s23;
	s25 =	sadd.s32 $0x12000, s10  }
0x1c: {  	s10 =	sadd.s32 $0x13000, s10;
	s26 =	sadd.s32 s1, s24;
	s28 =	sadd.s32 s3, s24  }
0x1d: {  	[dreg:$0x1a] =	wrdreg s0;
	s30 =	smax.u32 s9, $0x1;
	s31 =	sadd.s32 s7, s29  }
0x1e: {  	v0 =	vimm.f32 $0.0e+00;
	v5 =	vimm.s32 $0x0;
	s12 =	simm.s32 $0x7;
	s13 =	simm.s32 $0x80;
	[dreg:$0x16] =	wrdreg s25  }
0x1f: {  	v53 =	vimm.s32 $0x1;
	v54 =	vimm.s32 $0x2;
	v55 =	vimm.s32 $0x3;
	s14 =	simm.s32 $0xC00;
	s15 =	simm.s32 $0x8C00;
	[dreg:$0x17] =	wrdreg s10  }
0x20: {  	v56 =	vimm.s32 $0x4;
	v6 =	vimm.s32 $0x5;
	v7 =	vimm.s32 $0x6;
	s16 =	simm.s32 $0x1;
	s17 =	simm.s32 $0x3;
	[dreg:$0x18] =	wrdreg s26  }
0x21: {  	v8 =	vimm.s32 $0x7;
	v9 =	vimm.s32 $0x8;
	v10 =	vimm.s32 $0x9;
	s18 =	simm.s32 $0x4C00;
	s19 =	simm.s32 $0x9000;
	[dreg:$0x19] =	wrdreg s28  }
0x22: {  	v11 =	vimm.s32 $0xA;
	v12 =	vimm.s32 $0xB;
	v13 =	vimm.s32 $0xC;
	s20 =	simm.s32 $0x2;
	s21 =	simm.s32 $0x4;
	[dreg:$0x1b] =	wrdreg s30  }
0x23: {  	v14 =	vimm.s32 $0xD;
	v15 =	vimm.s32 $0xE;
	v16 =	vimm.s32 $0xF;
	s22 =	simm.s32 $0x5;
	s24 =	simm.s32 $0x0;
	[dreg:$0x1c] =	wrdreg s31  }
.LBB2_1:
0x24: {  	s0 =	simm.s32 $0x0;
	s9 =	simm.s32 $0x200  }
.LBB2_2:
0x25: {  	p0 =	sne.s32 s9, $0x3E00;
	[tilespmem:s0+$0x9470] =	vst v0  }
0x26: {  	[tilespmem:s0+$0x9400] =	vst v0  }
0x27: {  	[tilespmem:s0+$0x9410] =	vst v0  }
.Ltmp0:
0x28: {  	[tilespmem:s0+$0x9420] =	vst v0;
	(pc) =	sbr.rel @p0 .LBB2_2-.Ltmp0, $4  }
0x29: {  	[tilespmem:s0+$0x9430] =	vst v0  }
0x2a: {  	[tilespmem:s0+$0x9440] =	vst v0  }
0x2b: {  	[tilespmem:s0+$0x9450] =	vst v0  }
0x2c: {  	[tilespmem:s0+$0x9460] =	vst v0;
	s0 =	sshra.s32 s9, $0x2;
	s9 =	sadd.s32 $0x200, s9  }
0x2d: {  	[tilespmem:s0+$0x9470] =	vst v0  }
0x2e: {  	[tilespmem:s0+$0x9400] =	vst v0  }
0x2f: {  	[tilespmem:s0+$0x9410] =	vst v0  }
0x30: {  	[tilespmem:s0+$0x9420] =	vst v0  }
0x31: {  	[tilespmem:s0+$0x9430] =	vst v0  }
0x32: {  	[tilespmem:s0+$0x9440] =	vst v0  }
0x33: {  	[tilespmem:s0+$0x9450] =	vst v0  }
0x34: {  	[tilespmem:s0+$0x9460] =	vst v0  }
0x35: {  	[spmem:s8] =	stream.linear.scatter [tilespmem:s11], [sflag:$0x7], $0x1000, $0x38;
	[tilespmem:$0x1E400] =	vst v63  }
0x36: {  	_ =	swait.ge [sflag:s12], $0x1000  }
0x37: {  	[sflag:s12] =	ssyncset.done $0x0  }
0x38: {  	s23 =	rddreg [dreg:$0x5];
	[sflag:s12] =	ssyncadd.s32 $0xFFFFF000  }
0x39: {  	[spmem:s23] =	stream.linear.scatter [tilespmem:s11], [sflag:$0x7], $0x1000, $0x38;
	[tilespmem:$0x1E400] =	vst v63  }
0x3a: {  	_ =	swait.ge [sflag:s12], $0x1000  }
0x3b: {  	[sflag:s12] =	ssyncset.done $0x0  }
0x3c: {  	s25 =	rddreg [dreg:$0x6];
	[sflag:s12] =	ssyncadd.s32 $0xFFFFF000  }
0x3d: {  	[spmem:s25] =	stream.linear.scatter [tilespmem:s11], [sflag:$0x7], $0x1000, $0x38;
	[tilespmem:$0x1E400] =	vst v63  }
0x3e: {  	_ =	swait.ge [sflag:s12], $0x1000  }
0x3f: {  	[sflag:s12] =	ssyncset.done $0x0  }
0x40: {  	s26 =	rddreg [dreg:$0x7];
	[sflag:s12] =	ssyncadd.s32 $0xFFFFF000  }
0x41: {  	[spmem:s26] =	stream.linear.scatter [tilespmem:s11], [sflag:$0x7], $0x1000, $0x38;
	[tilespmem:$0x1E400] =	vst v63  }
0x42: {  	_ =	swait.ge [sflag:s12], $0x1000  }
0x43: {  	[sflag:s12] =	ssyncset.done $0x0  }
0x44: {  	s28 =	rddreg [dreg:$0x8];
	[sflag:s12] =	ssyncadd.s32 $0xFFFFF000  }
0x45: {  	[spmem:s28] =	stream.linear.scatter [tilespmem:s11], [sflag:$0x7], $0x1000, $0x38;
	[tilespmem:$0x1E400] =	vst v63  }
0x46: {  	_ =	swait.ge [sflag:s12], $0x1000  }
0x47: {  	[sflag:s12] =	ssyncset.done $0x0  }
0x48: {  	s30 =	rddreg [dreg:$0x9];
	[sflag:s12] =	ssyncadd.s32 $0xFFFFF000  }
0x49: {  	[spmem:s30] =	stream.linear.scatter [tilespmem:s11], [sflag:$0x7], $0x1000, $0x38;
	[tilespmem:$0x1E400] =	vst v63  }
0x4a: {  	_ =	swait.ge [sflag:s12], $0x1000  }
0x4b: {  	[sflag:s12] =	ssyncset.done $0x0  }
0x4c: {  	s31 =	rddreg [dreg:$0xa];
	[sflag:s12] =	ssyncadd.s32 $0xFFFFF000  }
0x4d: {  	[spmem:s31] =	stream.linear.scatter [tilespmem:s11], [sflag:$0x7], $0x1000, $0x38;
	[tilespmem:$0x1E400] =	vst v63  }
0x4e: {  	_ =	swait.ge [sflag:s12], $0x1000  }
0x4f: {  	[sflag:s12] =	ssyncset.done $0x0  }
0x50: {  	s9 =	rddreg [dreg:$0xb];
	[sflag:s12] =	ssyncadd.s32 $0xFFFFF000  }
0x51: {  	[spmem:s9] =	stream.linear.scatter [tilespmem:s11], [sflag:$0x7], $0x1000, $0x38;
	[tilespmem:$0x1E400] =	vst v63  }
0x52: {  	_ =	swait.ge [sflag:s12], $0x1000  }
0x53: {  	[sflag:s12] =	ssyncset.done $0x0  }
0x54: {  	s10 =	rddreg [dreg:$0xc];
	[sflag:s12] =	ssyncadd.s32 $0xFFFFF000  }
0x55: {  	[spmem:s10] =	stream.linear.scatter [tilespmem:s11], [sflag:$0x7], $0x1000, $0x38;
	[tilespmem:$0x1E400] =	vst v63  }
0x56: {  	_ =	swait.ge [sflag:s12], $0x1000  }
0x57: {  	[sflag:s12] =	ssyncset.done $0x0  }
0x58: {  	s23 =	rddreg [dreg:$0xd];
	[sflag:s12] =	ssyncadd.s32 $0xFFFFF000  }
0x59: {  	[spmem:s23] =	stream.linear.scatter [tilespmem:s11], [sflag:$0x7], $0x1000, $0x38;
	[tilespmem:$0x1E400] =	vst v63  }
0x5a: {  	_ =	swait.ge [sflag:s12], $0x1000  }
0x5b: {  	[sflag:s12] =	ssyncset.done $0x0  }
0x5c: {  	s25 =	rddreg [dreg:$0xe];
	[sflag:s12] =	ssyncadd.s32 $0xFFFFF000  }
0x5d: {  	[spmem:s25] =	stream.linear.scatter [tilespmem:s11], [sflag:$0x7], $0x1000, $0x38;
	[tilespmem:$0x1E400] =	vst v63  }
0x5e: {  	_ =	swait.ge [sflag:s12], $0x1000  }
0x5f: {  	[sflag:s12] =	ssyncset.done $0x0  }
0x60: {  	s26 =	rddreg [dreg:$0xf];
	[sflag:s12] =	ssyncadd.s32 $0xFFFFF000  }
0x61: {  	[spmem:s26] =	stream.linear.scatter [tilespmem:s11], [sflag:$0x7], $0x1000, $0x38;
	[tilespmem:$0x1E400] =	vst v63  }
0x62: {  	_ =	swait.ge [sflag:s12], $0x1000  }
0x63: {  	[sflag:s12] =	ssyncset.done $0x0  }
0x64: {  	s28 =	rddreg [dreg:$0x10];
	[sflag:s12] =	ssyncadd.s32 $0xFFFFF000  }
0x65: {  	[spmem:s28] =	stream.linear.scatter [tilespmem:s11], [sflag:$0x7], $0x1000, $0x38;
	[tilespmem:$0x1E400] =	vst v63  }
0x66: {  	_ =	swait.ge [sflag:s12], $0x1000  }
0x67: {  	[sflag:s12] =	ssyncset.done $0x0  }
0x68: {  	s30 =	rddreg [dreg:$0x11];
	[sflag:s12] =	ssyncadd.s32 $0xFFFFF000  }
0x69: {  	[spmem:s30] =	stream.linear.scatter [tilespmem:s11], [sflag:$0x7], $0x1000, $0x38;
	[tilespmem:$0x1E400] =	vst v63  }
0x6a: {  	_ =	swait.ge [sflag:s12], $0x1000  }
0x6b: {  	[sflag:s12] =	ssyncset.done $0x0  }
0x6c: {  	s31 =	rddreg [dreg:$0x12];
	[sflag:s12] =	ssyncadd.s32 $0xFFFFF000  }
0x6d: {  	[spmem:s31] =	stream.linear.scatter [tilespmem:s11], [sflag:$0x7], $0x1000, $0x38;
	[tilespmem:$0x1E400] =	vst v63  }
0x6e: {  	_ =	swait.ge [sflag:s12], $0x1000  }
0x6f: {  	[sflag:s12] =	ssyncset.done $0x0  }
0x70: {  	s9 =	rddreg [dreg:$0x13];
	[sflag:s12] =	ssyncadd.s32 $0xFFFFF000  }
0x71: {  	[spmem:s9] =	stream.linear.scatter [tilespmem:s11], [sflag:$0x7], $0x1000, $0x38;
	[tilespmem:$0x1E400] =	vst v63  }
0x72: {  	_ =	swait.ge [sflag:s12], $0x1000  }
0x73: {  	[sflag:s12] =	ssyncset.done $0x0  }
0x74: {  	s10 =	rddreg [dreg:$0x14];
	[sflag:s12] =	ssyncadd.s32 $0xFFFFF000  }
0x75: {  	[spmem:s10] =	stream.linear.scatter [tilespmem:s11], [sflag:$0x7], $0x1000, $0x38;
	[tilespmem:$0x1E400] =	vst v63  }
0x76: {  	_ =	swait.ge [sflag:s12], $0x1000  }
0x77: {  	[sflag:s12] =	ssyncset.done $0x0  }
0x78: {  	s23 =	rddreg [dreg:$0x15];
	[sflag:s12] =	ssyncadd.s32 $0xFFFFF000  }
0x79: {  	[spmem:s23] =	stream.linear.scatter [tilespmem:s11], [sflag:$0x7], $0x1000, $0x38;
	[tilespmem:$0x1E400] =	vst v63  }
0x7a: {  	_ =	swait.ge [sflag:s12], $0x1000  }
0x7b: {  	[sflag:s12] =	ssyncset.done $0x0  }
0x7c: {  	s25 =	rddreg [dreg:$0x16];
	[sflag:s12] =	ssyncadd.s32 $0xFFFFF000  }
0x7d: {  	[spmem:s25] =	stream.linear.scatter [tilespmem:s11], [sflag:$0x7], $0x1000, $0x38;
	[tilespmem:$0x1E400] =	vst v63  }
0x7e: {  	_ =	swait.ge [sflag:s12], $0x1000  }
0x7f: {  	[sflag:s12] =	ssyncset.done $0x0  }
0x80: {  	s26 =	rddreg [dreg:$0x17];
	[sflag:s12] =	ssyncadd.s32 $0xFFFFF000  }
0x81: {  	[spmem:s26] =	stream.linear.scatter [tilespmem:s11], [sflag:$0x7], $0x1000, $0x38;
	[tilespmem:$0x1E400] =	vst v63  }
0x82: {  	_ =	swait.ge [sflag:s12], $0x1000  }
0x83: {  	[sflag:s12] =	ssyncset.done $0x0  }
0x84: {  	[sflag:s12] =	ssyncadd.s32 $0xFFFFF000  }
0x85: {  	[bflag:$0x0] =	sbarrier.arrive $0xFFFF  }
0x86: {  	s25 =	simm.s32 $0x0;
	s28 =	rddreg [dreg:$0x18]  }
0x87: {  	[tilespmem:s25], [sflag:$0x7] =	stream.linear.gather [hbm4b:s28+s25], $0x400, $0x38;
	[tilespmem:$0x1E400] =	vst v63  }
0x88: {  	_ =	swait.ge [sflag:s12], $0x400  }
0x89: {  	[sflag:s12] =	ssyncset.done $0x0  }
0x8a: {  	s9 =	simm.s32 $0x400;
	s30 =	rddreg [dreg:$0x19];
	[sflag:s12] =	ssyncadd.s32 $0xFFFFFC00  }
0x8b: {  	[tilespmem:s9], [sflag:$0x7] =	stream.linear.gather [hbm4b:s30+s25], $0x400, $0x38;
	[tilespmem:$0x1E400] =	vst v63  }
0x8c: {  	_ =	swait.ge [sflag:s12], $0x400  }
0x8d: {  	[sflag:s12] =	ssyncset.done $0x0  }
0x8e: {  	[sflag:s12] =	ssyncadd.s32 $0xFFFFFC00  }
0x8f: {  	[tilespmem:s14], [sflag:$0x1] =	stream.indirect.gather [hbm4b:s6+s13], $0x80, s25, s13, $0xb8;
	[tilespmem:$0x1E400] =	vst v63  }
0x90: {  	s31 =	rddreg [dreg:$0x1c]  }
0x91: {  	[tilespmem:s15], [sflag:$0x3] =	stream.linear.gather [hbm4b:s31+s25], $0x400, $0x38;
	[tilespmem:$0x1E400] =	vst v63  }
0x92: {  	_ =	swait.ge [sflag:s16], $0x4000  }
0x93: {  	[sflag:s16] =	ssyncset.done $0x0  }
0x94: {  	[sflag:s16] =	ssyncadd.s32 $0xFFFFC000  }
0x95: {  	_ =	swait.ge [sflag:s17], $0x400  }
0x96: {  	[sflag:s17] =	ssyncset.done $0x0  }
0x97: {  	[sflag:s17] =	ssyncadd.s32 $0xFFFFFC00  }
.LBB2_4:
0x98: {  	p0 =	seq.s32 s25, $0x0  }
0x99: {  	s0 =	simm.s32 @!p0 $0x6  }
0x9a: {  	s9 =	sshllo.u32 s25, $0x1;
	_ =	swait.ge @!p0 [sflag:s0], $0x4000  }
0x9b: {  	s26 =	sshll.u32 s9, $0x7;
	s10 =	sshll.u32 s9, $0xA;
	[sflag:s0] =	ssyncset.done @!p0 $0x0  }
0x9c: {  	s26 =	sand.u32 $0x380, s26;
	[sflag:s0] =	ssyncadd.s32 @!p0 $0xFFFFC000;
	s0 =	sadd.s32 s2, s10  }
0x9d: {  	[tilespmem:s18], [sflag:$0x2] =	stream.indirect.gather [hbm4b:s6+s13], $0x80, s26, s13, $0xb8;
	[tilespmem:$0x1E400] =	vst v63  }
0x9e: {  	s0 =	sshrl.u32 s0, $0x3  }
0x9f: {  	s23 =	simm.s32 $0x8C10;
	s0 =	sadd.s32 s7, s0  }
0xa0: {  	[tilespmem:s19], [sflag:$0x4] =	stream.linear.gather [hbm4b:s0+s5], $0x400, $0x38;
	[tilespmem:$0x1E400] =	vst v63  }
0xa1: {  	v22 =	vld [tilespmem:s23+$0x0]  }
0xa2: {  	s28 =	simm.s32 $0xD00;
	v17 =	vld [tilespmem:s23+$0xFFFFFFF0]  }
0xa3: {  	v18 =	vld [tilespmem:s28+$0xF0]  }
0xa4: {  	v19 =	vld [tilespmem:s28+$0xFFFFFF00]  }
0xa5: {  	v20 =	vld [tilespmem:s28+$0xFFFFFF10]  }
0xa6: {  	v21 =	vld [tilespmem:s28+$0xFFFFFF20];
	v23 =	vperm.xlane v22, v5;
	v24 =	vperm.xlane v22, v16  }
0xa7: {  	v27 =	vld [tilespmem:s28+$0xFFFFFF30];
	v25 =	vperm.xlane v17, v5;
	v26 =	vperm.xlane v17, v53  }
0xa8: {  	v29 =	vld [tilespmem:s28+$0xFFFFFF40];
	v28 =	vperm.xlane v17, v54;
	v30 =	vperm.xlane v17, v56  }
0xa9: {  	v31 =	vld [tilespmem:s28+$0xFFFFFF50];
	v32 =	vperm.xlane v17, v6;
	v33 =	vperm.xlane v17, v7  }
0xaa: {  	v34 =	vld [tilespmem:s28+$0xFFFFFF60];
	v35 =	vperm.xlane v17, v8;
	v37 =	vperm.xlane v17, v9  }
0xab: {  	v36 =	vld [tilespmem:s28+$0xFFFFFF70];
	v39 =	vperm.xlane v17, v10;
	v40 =	vperm.xlane v17, v11  }
0xac: {  	v38 =	vld [tilespmem:s28+$0xFFFFFF80];
	v42 =	vperm.xlane v17, v12;
	v43 =	vperm.xlane v17, v13  }
0xad: {  	v41 =	vld [tilespmem:s28+$0xFFFFFF90];
	v58 =	vperm.xlane v22, v54;
	v60 =	vperm.xlane v22, v55  }
0xae: {  	v50 =	vld [tilespmem:s28+$0xFFFFFFD0];
	v48 =	vperm.xlane v22, v7;
	v18 =	vmul.f32 v18, v24  }
0xaf: {  	v51 =	vld [tilespmem:s28+$0xFFFFFFE0];
	v24 =	vperm.xlane v17, v55;
	v19 =	vmul.f32 v19, v25  }
0xb0: {  	v61 =	vld [tilespmem:s28+$0x30];
	v20 =	vmul.f32 v20, v26;
	v26 =	vperm.xlane v17, v14  }
0xb1: {  	v52 =	vld [tilespmem:s28+$0xFFFFFFF0];
	v21 =	vmul.f32 v21, v28;
	v29 =	vmul.f32 v29, v30  }
0xb2: {  	v57 =	vld [tilespmem:s28+$0x0];
	v30 =	vperm.xlane v17, v15;
	v31 =	vmul.f32 v31, v32  }
0xb3: {  	v59 =	vld [tilespmem:s28+$0x10];
	v17 =	vperm.xlane v17, v16;
	v44 =	vmul.f32 v34, v33  }
0xb4: {  	v62 =	vld [tilespmem:s28+$0x40];
	v45 =	vmul.f32 v36, v35;
	v46 =	vmul.f32 v38, v37  }
0xb5: {  	v63 =	vld [tilespmem:s28+$0x50];
	v41 =	vmul.f32 v41, v39;
	v36 =	vmul.f32 v61, v60  }
0xb6: {  	v28 =	vld [tilespmem:s28+$0xFFFFFFB0];
	v24 =	vmul.f32 v27, v24;
	[tilespmem:s28+$0xF0] =	vst v18;
	v18 =	vperm.xlane v22, v53  }
0xb7: {  	v25 =	vld [tilespmem:s28+$0xFFFFFFA0];
	v26 =	vmul.f32 v50, v26;
	[tilespmem:s28+$0xFFFFFF00] =	vst v19;
	v19 =	vperm.xlane v22, v56  }
0xb8: {  	v27 =	vld [tilespmem:s28+$0xFFFFFFC0];
	[tilespmem:s28+$0xFFFFFF10] =	vst v20;
	v20 =	vperm.xlane v22, v6;
	v33 =	vmul.f32 v52, v17  }
0xb9: {  	v49 =	vld [tilespmem:s28+$0x60];
	v50 =	vperm.xlane v22, v8;
	[tilespmem:s28+$0xFFFFFF40] =	vst v29;
	v29 =	vperm.xlane v22, v9  }
0xba: {  	[tilespmem:s28+$0xFFFFFF20] =	vst v21;
	v52 =	vld [tilespmem:s28+$0x80];
	v17 =	vperm.xlane v22, v10;
	v21 =	vperm.xlane v22, v11  }
0xbb: {  	v34 =	vmul.f32 v59, v18;
	v35 =	vmul.f32 v28, v42;
	v28 =	vld [tilespmem:s28+$0x20]  }
0xbc: {  	v37 =	vld [tilespmem:s28+$0x90];
	[tilespmem:s28+$0xFFFFFF50] =	vst v31;
	v18 =	vperm.xlane v22, v12;
	v47 =	vmul.f32 v25, v40  }
0xbd: {  	[tilespmem:s28+$0xFFFFFF60] =	vst v44;
	v25 =	vmul.f32 v27, v43;
	v27 =	vmul.f32 v51, v30;
	v51 =	vld [tilespmem:s28+$0x70]  }
0xbe: {  	v38 =	vld [tilespmem:s28+$0xA0];
	[tilespmem:s28+$0xFFFFFF30] =	vst v24;
	v24 =	vmul.f32 v49, v48;
	v30 =	vmul.f32 v57, v23  }
0xbf: {  	v39 =	vld [tilespmem:s28+$0xB0];
	[tilespmem:s28+$0xFFFFFF70] =	vst v45;
	v23 =	vmul.f32 v62, v19;
	v19 =	vperm.xlane v22, v13  }
0xc0: {  	[tilespmem:s28+$0xFFFFFF90] =	vst v41;
	v41 =	vld [tilespmem:s28+$0xD0];
	v29 =	vmul.f32 v52, v29;
	v32 =	vmul.f32 v28, v58  }
0xc1: {  	s30 =	sshll.u32 s25, $0x1;
	[tilespmem:s28+$0xFFFFFF80] =	vst v46;
	v40 =	vld [tilespmem:s28+$0xC0];
	v28 =	vmul.f32 v63, v20;
	v20 =	vperm.xlane v22, v14  }
0xc2: {  	s31 =	simm.s32 $0xD00;
	s9 =	simm.s32 $0x8C30;
	s0 =	simm.s32 $0x0;
	v42 =	vld [tilespmem:s28+$0xE0];
	[tilespmem:s28+$0xFFFFFFA0] =	vst v47;
	v22 =	vperm.xlane v22, v15;
	v31 =	vmul.f32 v51, v50  }
.LBB2_5:
0xc3: {  	v43 =	vld [tilespmem:s9+$0x0];
	s0 =	sadd.s32 $0x2, s0;
	[tilespmem:s28+$0xFFFFFFB0] =	vst v35;
	v17 =	vmul.f32 v37, v17;
	v21 =	vmul.f32 v38, v21  }
0xc4: {  	v35 =	vld [tilespmem:s9+$0xFFFFFFF0]  }
0xc5: {  	s28 =	sadd.s32 $0x200, s28;
	p0 =	slt.u32 s0, $0x3E;
	[tilespmem:s31+$0xFFFFFFC0] =	vst v25;
	v18 =	vmul.f32 v39, v18  }
0xc6: {  	v25 =	vld [tilespmem:s28+$0xF0];
	[tilespmem:s31+$0xFFFFFFD0] =	vst v26;
	v19 =	vmul.f32 v40, v19  }
0xc7: {  	v26 =	vld [tilespmem:s28+$0xFFFFFF00];
	[tilespmem:s31+$0xFFFFFFE0] =	vst v27;
	v20 =	vmul.f32 v41, v20;
	v22 =	vmul.f32 v42, v22  }
0xc8: {  	v27 =	vld [tilespmem:s28+$0xFFFFFF10];
	[tilespmem:s31+$0xFFFFFFF0] =	vst v33;
	v38 =	vperm.xlane v43, v5;
	v37 =	vperm.xlane v43, v16  }
0xc9: {  	v33 =	vld [tilespmem:s28+$0xFFFFFF20];
	[tilespmem:s31+$0x0] =	vst v30;
	v60 =	vperm.xlane v43, v6;
	v30 =	vperm.xlane v35, v5  }
0xca: {  	v39 =	vperm.xlane v35, v53;
	v40 =	vld [tilespmem:s28+$0xFFFFFF30];
	[tilespmem:s31+$0x10] =	vst v34;
	v34 =	vperm.xlane v35, v54  }
0xcb: {  	v44 =	vperm.xlane v35, v7;
	v41 =	vld [tilespmem:s28+$0xFFFFFF40];
	v25 =	vmul.f32 v25, v37;
	[tilespmem:s31+$0x20] =	vst v32  }
0xcc: {  	v32 =	vperm.xlane v35, v55;
	v37 =	vperm.xlane v35, v56;
	v42 =	vld [tilespmem:s28+$0xFFFFFF50];
	[tilespmem:s31+$0x30] =	vst v36  }
0xcd: {  	v47 =	vperm.xlane v35, v9;
	v36 =	vperm.xlane v35, v6;
	v45 =	vld [tilespmem:s28+$0xFFFFFF60];
	[tilespmem:s28+$0xF0] =	vst v25  }
0xce: {  	v48 =	vperm.xlane v35, v10;
	v25 =	vperm.xlane v35, v8;
	v46 =	vld [tilespmem:s28+$0xFFFFFF70];
	[tilespmem:s31+$0x40] =	vst v23  }
0xcf: {  	v49 =	vperm.xlane v35, v11;
	v50 =	vperm.xlane v35, v12;
	v23 =	vld [tilespmem:s28+$0xFFFFFF80];
	[tilespmem:s31+$0x50] =	vst v28  }
0xd0: {  	v0 =	vimm.s32 $0x1;
	v51 =	vperm.xlane v35, v13;
	v52 =	vperm.xlane v35, v14;
	v28 =	vld [tilespmem:s28+$0xFFFFFF90];
	[tilespmem:s31+$0x60] =	vst v24  }
0xd1: {  	v53 =	vperm.xlane v35, v15;
	v55 =	vperm.xlane v43, v0;
	v0 =	vimm.s32 $0x2;
	v24 =	vld [tilespmem:s28+$0xFFFFFFA0];
	[tilespmem:s31+$0x70] =	vst v31  }
0xd2: {  	v54 =	vperm.xlane v35, v16;
	v56 =	vperm.xlane v43, v0;
	v0 =	vimm.s32 $0x3;
	v31 =	vld [tilespmem:s28+$0xFFFFFFB0];
	[tilespmem:s31+$0x80] =	vst v29  }
0xd3: {  	v62 =	vperm.xlane v43, v7;
	v57 =	vperm.xlane v43, v0;
	v0 =	vimm.s32 $0x4;
	v29 =	vld [tilespmem:s28+$0xFFFFFFC0];
	[tilespmem:s31+$0x90] =	vst v17  }
0xd4: {  	v63 =	vperm.xlane v43, v8;
	v59 =	vperm.xlane v43, v0;
	v58 =	vld [tilespmem:s28+$0xFFFFFFD0];
	[tilespmem:s31+$0xA0] =	vst v21  }
0xd5: {  	v1 =	vperm.xlane v43, v9;
	v26 =	vmul.f32 v26, v30;
	v61 =	vld [tilespmem:s28+$0xFFFFFFE0];
	[tilespmem:s31+$0xB0] =	vst v18  }
0xd6: {  	v27 =	vmul.f32 v27, v39;
	v17 =	vperm.xlane v43, v10;
	v0 =	vld [tilespmem:s28+$0xFFFFFFF0];
	[tilespmem:s31+$0xC0] =	vst v19  }
0xd7: {  	v21 =	vperm.xlane v43, v11;
	v18 =	vperm.xlane v43, v12;
	v2 =	vld [tilespmem:s28+$0x0];
	[tilespmem:s31+$0xD0] =	vst v20  }
0xd8: {  	v19 =	vperm.xlane v43, v13;
	v20 =	vperm.xlane v43, v14;
	v3 =	vld [tilespmem:s28+$0x10];
	[tilespmem:s31+$0xE0] =	vst v22;
	s31 =	smov.u32 s28  }
0xd9: {  	v30 =	vmul.f32 v33, v34;
	v22 =	vperm.xlane v43, v15;
	v4 =	vld [tilespmem:s28+$0x20]  }
0xda: {  	v33 =	vmul.f32 v45, v44;
	v34 =	vmul.f32 v46, v25;
	v43 =	vld [tilespmem:s28+$0x30]  }
0xdb: {  	[tilespmem:s28+$0xFFFFFF00] =	vst v26;
	v26 =	vmul.f32 v40, v32;
	v32 =	vmul.f32 v41, v37;
	v40 =	vld [tilespmem:s28+$0x40]  }
0xdc: {  	v23 =	vmul.f32 v23, v47;
	[tilespmem:s28+$0xFFFFFF10] =	vst v27;
	v27 =	vmul.f32 v42, v36;
	v41 =	vld [tilespmem:s28+$0x50]  }
0xdd: {  	v28 =	vmul.f32 v28, v48;
	v44 =	vmul.f32 v24, v49;
	[tilespmem:s28+$0xFFFFFF20] =	vst v30;
	v42 =	vld [tilespmem:s28+$0x60]  }
0xde: {  	v35 =	vmul.f32 v31, v50;
	v25 =	vmul.f32 v29, v51;
	[tilespmem:s28+$0xFFFFFF30] =	vst v26;
	v45 =	vld [tilespmem:s28+$0x70]  }
0xdf: {  	v30 =	vmul.f32 v2, v38;
	v26 =	vmul.f32 v58, v52;
	[tilespmem:s28+$0xFFFFFF40] =	vst v32;
	v29 =	vld [tilespmem:s28+$0x80]  }
0xe0: {  	v32 =	vmul.f32 v4, v56;
	[tilespmem:s28+$0xFFFFFF50] =	vst v27;
	v27 =	vmul.f32 v61, v53;
	v37 =	vld [tilespmem:s28+$0x90]  }
.Ltmp1:
0xe1: {  	v36 =	vmul.f32 v43, v57;
	[tilespmem:s28+$0xFFFFFF60] =	vst v33;
	v33 =	vmul.f32 v0, v54;
	v38 =	vld [tilespmem:s28+$0xA0];
	(pc) =	sbr.rel @p0 .LBB2_5-.Ltmp1, $4  }
0xe2: {  	v53 =	vimm.s32 $0x1;
	v54 =	vimm.s32 $0x2;
	[tilespmem:s28+$0xFFFFFF70] =	vst v34;
	v34 =	vmul.f32 v3, v55;
	v39 =	vld [tilespmem:s28+$0xB0]  }
0xe3: {  	v56 =	vimm.s32 $0x4;
	v55 =	vimm.s32 $0x3;
	[tilespmem:s28+$0xFFFFFF80] =	vst v23;
	v23 =	vmul.f32 v40, v59;
	v40 =	vld [tilespmem:s28+$0xC0]  }
0xe4: {  	v24 =	vmul.f32 v42, v62;
	[tilespmem:s28+$0xFFFFFF90] =	vst v28;
	v28 =	vmul.f32 v41, v60;
	v41 =	vld [tilespmem:s28+$0xD0]  }
0xe5: {  	s9 =	sadd.s32 $0x20, s9;
	v31 =	vmul.f32 v45, v63;
	v29 =	vmul.f32 v29, v1;
	[tilespmem:s28+$0xFFFFFFA0] =	vst v44;
	v42 =	vld [tilespmem:s28+$0xE0]  }
0xe6: {  	[tilespmem:s28+$0xFFFFFFB0] =	vst v35  }
0xe7: {  	[tilespmem:s31+$0x0] =	vst v30  }
0xe8: {  	[tilespmem:s31+$0x10] =	vst v34  }
0xe9: {  	[tilespmem:s31+$0x20] =	vst v32  }
0xea: {  	[tilespmem:s31+$0x30] =	vst v36  }
0xeb: {  	[tilespmem:s31+$0x40] =	vst v23  }
0xec: {  	[tilespmem:s31+$0x50] =	vst v28  }
0xed: {  	[tilespmem:s31+$0x60] =	vst v24  }
0xee: {  	[tilespmem:s31+$0xFFFFFFC0] =	vst v25  }
0xef: {  	[tilespmem:s31+$0xFFFFFFD0] =	vst v26  }
0xf0: {  	[tilespmem:s31+$0xFFFFFFE0] =	vst v27  }
0xf1: {  	[tilespmem:s31+$0xFFFFFFF0] =	vst v33  }
0xf2: {  	v0 =	vmul.f32 v37, v17;
	[tilespmem:s31+$0x70] =	vst v31  }
0xf3: {  	v1 =	vmul.f32 v38, v21;
	[tilespmem:s31+$0x80] =	vst v29  }
0xf4: {  	v2 =	vmul.f32 v39, v18;
	[tilespmem:s31+$0x90] =	vst v0  }
0xf5: {  	v39 =	vmul.f32 v40, v19;
	[tilespmem:s31+$0xA0] =	vst v1  }
0xf6: {  	s0 =	sshll.u32 s25, $0x8;
	v40 =	vmul.f32 v41, v20;
	[tilespmem:s31+$0xB0] =	vst v2  }
0xf7: {  	s9 =	sand.u32 $0x400, s0;
	v41 =	vmul.f32 v42, v22;
	[tilespmem:s31+$0xC0] =	vst v39  }
0xf8: {  	s0 =	sand.u32 $0x300, s0;
	s28 =	sadd.s32 $0x400, s9;
	[tilespmem:s31+$0xD0] =	vst v40  }
0xf9: {  	s0 =	sor.u32 s0, s28;
	[tilespmem:s31+$0xE0] =	vst v41  }
0xfa: {  	[spmem:s4] =	stream.indirect.scatter.add.f32 [tilespmem:s14], [sflag:$0x5], $0x80, s0, s13, $0xb8;
	[tilespmem:$0x1E400] =	vst v63  }
0xfb: {  	_ =	swait.ge [sflag:s20], $0x4000  }
0xfc: {  	s0 =	sadd.s32 $0x2, s30;
	[sflag:s20] =	ssyncset.done $0x0  }
0xfd: {  	p0 =	seq.s32 s25, $0x27;
	s9 =	sand.u32 $0x6, s0;
	[sflag:s20] =	ssyncadd.s32 $0xFFFFC000  }
0xfe: {  	p1 =	sne.s32 @!p0 s9, $0x0;
	_ =	swait.ge [sflag:s21], $0x400  }
0xff: {  	p0 =	por p1, p0;
	[sflag:s21] =	ssyncset.done $0x0  }
0x100: {  	s30 =	sshll.u32 @!p0 s0, $0x7;
	[sflag:s21] =	ssyncadd.s32 $0xFFFFFC00  }
0x101: {  	s31 =	sadd.s32 @!p0 s29, s30;
	_ =	swait.ge [sflag:s22], $0x4000  }
0x102: {  	s31 =	sshrl.u32 @!p0 s31, $0x3;
	[sflag:s22] =	ssyncset.done $0x0  }
0x103: {  	s23 =	simm.s32 @!p0 $0x0;
	s10 =	sadd.s32 @!p0 s1, s31;
	[sflag:s22] =	ssyncadd.s32 $0xFFFFC000  }
0x104: {  	[tilespmem:s23], [sflag:$0x7] =	stream.linear.gather @!p0 [hbm4b:s10+s23], $0x400, $0x38;
	[tilespmem:$0x1E400] =	vst v63  }
0x105: {  	s10 =	simm.s32 @!p0 $0x7  }
0x106: {  	_ =	swait.ge @!p0 [sflag:s10], $0x400  }
0x107: {  	s30 =	sand.u32 @!p0 $0x400, s30;
	[sflag:s10] =	ssyncset.done @!p0 $0x0  }
0x108: {  	s30 =	sadd.s32 @!p0 $0x400, s30;
	s31 =	sadd.s32 @!p0 s3, s31;
	[sflag:s10] =	ssyncadd.s32 @!p0 $0xFFFFFC00  }
0x109: {  	[tilespmem:s30], [sflag:$0x7] =	stream.linear.gather @!p0 [hbm4b:s31+s23], $0x400, $0x38;
	[tilespmem:$0x1E400] =	vst v63  }
0x10a: {  	s0 =	sshll.u32 s0, $0xA;
	_ =	swait.ge @!p0 [sflag:s10], $0x400  }
0x10b: {  	s0 =	sadd.s32 s2, s0;
	[sflag:s10] =	ssyncset.done @!p0 $0x0  }
0x10c: {  	s9 =	sshll.u32 s9, $0x7;
	s0 =	sshrl.u32 s0, $0x3;
	[sflag:s10] =	ssyncadd.s32 @!p0 $0xFFFFFC00  }
0x10d: {  	[tilespmem:s14], [sflag:$0x1] =	stream.indirect.gather [hbm4b:s6+s13], $0x80, s9, s13, $0xb8;
	[tilespmem:$0x1E400] =	vst v63  }
0x10e: {  	s0 =	sadd.s32 s7, s0;
	s23 =	simm.s32 $0x9010  }
0x10f: {  	[tilespmem:s15], [sflag:$0x3] =	stream.linear.gather [hbm4b:s0+s5], $0x400, $0x38;
	[tilespmem:$0x1E400] =	vst v63  }
0x110: {  	v0 =	vld [tilespmem:s23+$0x0]  }
0x111: {  	s30 =	simm.s32 $0x4D00;
	v42 =	vld [tilespmem:s23+$0xFFFFFFF0]  }
0x112: {  	v43 =	vld [tilespmem:s30+$0xF0]  }
0x113: {  	v3 =	vld [tilespmem:s30+$0xFFFFFF00]  }
0x114: {  	v4 =	vld [tilespmem:s30+$0xFFFFFF10]  }
0x115: {  	v17 =	vld [tilespmem:s30+$0xFFFFFF20];
	v18 =	vperm.xlane v0, v5;
	v19 =	vperm.xlane v0, v16  }
0x116: {  	v22 =	vld [tilespmem:s30+$0xFFFFFF30];
	v20 =	vperm.xlane v42, v5;
	v21 =	vperm.xlane v42, v53  }
0x117: {  	v24 =	vld [tilespmem:s30+$0xFFFFFF40];
	v23 =	vperm.xlane v42, v54;
	v25 =	vperm.xlane v42, v56  }
0x118: {  	v26 =	vld [tilespmem:s30+$0xFFFFFF50];
	v27 =	vperm.xlane v42, v6;
	v28 =	vperm.xlane v42, v7  }
0x119: {  	v29 =	vld [tilespmem:s30+$0xFFFFFF60];
	v30 =	vperm.xlane v42, v8;
	v44 =	vperm.xlane v42, v9  }
0x11a: {  	v31 =	vld [tilespmem:s30+$0xFFFFFF70];
	v46 =	vperm.xlane v42, v10;
	v47 =	vperm.xlane v42, v11  }
0x11b: {  	v45 =	vld [tilespmem:s30+$0xFFFFFF80];
	v49 =	vperm.xlane v42, v12;
	v50 =	vperm.xlane v42, v13  }
0x11c: {  	v48 =	vld [tilespmem:s30+$0xFFFFFF90];
	v1 =	vperm.xlane v42, v16;
	v52 =	vperm.xlane v0, v53  }
0x11d: {  	v58 =	vld [tilespmem:s30+$0x0];
	v60 =	vperm.xlane v0, v54;
	v2 =	vmul.f32 v43, v19  }
0x11e: {  	v62 =	vld [tilespmem:s30+$0x50];
	v19 =	vperm.xlane v42, v55;
	v3 =	vmul.f32 v3, v20  }
0x11f: {  	v63 =	vld [tilespmem:s30+$0x70];
	v4 =	vmul.f32 v4, v21;
	v21 =	vperm.xlane v42, v14  }
0x120: {  	v37 =	vld [tilespmem:s30+$0x90];
	v17 =	vmul.f32 v17, v23;
	v24 =	vmul.f32 v24, v25  }
0x121: {  	v20 =	vld [tilespmem:s30+$0xFFFFFFA0];
	v25 =	vperm.xlane v42, v15;
	v51 =	vmul.f32 v26, v27  }
0x122: {  	v23 =	vld [tilespmem:s30+$0xFFFFFFB0];
	v29 =	vmul.f32 v29, v28;
	v30 =	vmul.f32 v31, v30  }
0x123: {  	v27 =	vld [tilespmem:s30+$0xFFFFFFD0];
	v57 =	vmul.f32 v45, v44;
	v59 =	vmul.f32 v48, v46  }
0x124: {  	v28 =	vld [tilespmem:s30+$0xFFFFFFE0];
	v43 =	vperm.xlane v0, v7;
	v45 =	vperm.xlane v0, v8;
	[tilespmem:s30+$0xFFFFFF00] =	vst v3  }
0x125: {  	v31 =	vld [tilespmem:s30+$0xFFFFFFF0];
	v46 =	vperm.xlane v0, v9;
	v19 =	vmul.f32 v22, v19;
	[tilespmem:s30+$0xFFFFFF10] =	vst v4  }
0x126: {  	v44 =	vld [tilespmem:s30+$0x60];
	v3 =	vperm.xlane v0, v56;
	v4 =	vperm.xlane v0, v6;
	[tilespmem:s30+$0xFFFFFF20] =	vst v17  }
0x127: {  	v22 =	vld [tilespmem:s30+$0xFFFFFFC0];
	v17 =	vperm.xlane v0, v10;
	[tilespmem:s30+$0xFFFFFF70] =	vst v30;
	v30 =	vmul.f32 v63, v45  }
0x128: {  	[tilespmem:s30+$0xFFFFFF60] =	vst v29;
	v29 =	vmul.f32 v62, v4;
	v61 =	vmul.f32 v20, v47;
	v20 =	vld [tilespmem:s30+$0x10]  }
0x129: {  	[tilespmem:s30+$0xFFFFFF30] =	vst v19;
	v19 =	vperm.xlane v0, v14;
	v35 =	vmul.f32 v23, v49;
	v23 =	vld [tilespmem:s30+$0x20]  }
0x12a: {  	v27 =	vmul.f32 v27, v21;
	v21 =	vld [tilespmem:s30+$0x30];
	v28 =	vmul.f32 v28, v25  }
0x12b: {  	v25 =	vld [tilespmem:s30+$0x40];
	v33 =	vmul.f32 v31, v1;
	v31 =	vmul.f32 v58, v18  }
0x12c: {  	[tilespmem:s30+$0xFFFFFF40] =	vst v24;
	v47 =	vld [tilespmem:s30+$0x80];
	v18 =	vperm.xlane v0, v12;
	v24 =	vmul.f32 v44, v43  }
0x12d: {  	v38 =	vld [tilespmem:s30+$0xA0];
	[tilespmem:s30+$0xF0] =	vst v2;
	v26 =	vmul.f32 v22, v50;
	v22 =	vperm.xlane v0, v55  }
0x12e: {  	v39 =	vld [tilespmem:s30+$0xB0];
	[tilespmem:s30+$0xFFFFFF50] =	vst v51;
	v34 =	vmul.f32 v20, v52;
	v32 =	vmul.f32 v23, v60  }
0x12f: {  	v40 =	vld [tilespmem:s30+$0xC0];
	[tilespmem:s30+$0xFFFFFF80] =	vst v57;
	v36 =	vmul.f32 v21, v22;
	v21 =	vperm.xlane v0, v11  }
0x130: {  	v41 =	vld [tilespmem:s30+$0xD0];
	[tilespmem:s30+$0xFFFFFF90] =	vst v59;
	v23 =	vmul.f32 v25, v3;
	v20 =	vperm.xlane v0, v13  }
0x131: {  	s31 =	simm.s32 $0x4D00;
	s9 =	simm.s32 $0x9030;
	s0 =	simm.s32 $0x0;
	v42 =	vld [tilespmem:s30+$0xE0];
	[tilespmem:s30+$0xFFFFFFA0] =	vst v61;
	v22 =	vperm.xlane v0, v15;
	v25 =	vmul.f32 v47, v46  }
.LBB2_7:
0x132: {  	v0 =	vld [tilespmem:s9+$0x0]  }
0x133: {  	s0 =	sadd.s32 $0x2, s0;
	[tilespmem:s30+$0xFFFFFFB0] =	vst v35;
	v1 =	vmul.f32 v37, v17;
	v2 =	vmul.f32 v38, v21  }
0x134: {  	s30 =	sadd.s32 $0x200, s30;
	v3 =	vld [tilespmem:s9+$0xFFFFFFF0];
	p0 =	slt.u32 s0, $0x3E;
	[tilespmem:s31+$0xFFFFFFC0] =	vst v26;
	v4 =	vmul.f32 v39, v18  }
0x135: {  	v17 =	vld [tilespmem:s30+$0xF0];
	[tilespmem:s31+$0xFFFFFFD0] =	vst v27;
	v18 =	vmul.f32 v40, v20  }
0x136: {  	v26 =	vld [tilespmem:s30+$0xFFFFFF00];
	[tilespmem:s31+$0xFFFFFFE0] =	vst v28;
	v19 =	vmul.f32 v41, v19  }
0x137: {  	v27 =	vld [tilespmem:s30+$0xFFFFFF10];
	[tilespmem:s31+$0xFFFFFFF0] =	vst v33;
	v22 =	vmul.f32 v42, v22;
	v38 =	vperm.xlane v0, v5  }
0x138: {  	v28 =	vld [tilespmem:s30+$0xFFFFFF20];
	v20 =	vperm.xlane v0, v16;
	[tilespmem:s31+$0x0] =	vst v31;
	v52 =	vperm.xlane v0, v53  }
0x139: {  	v31 =	vperm.xlane v3, v5;
	v33 =	vperm.xlane v3, v53;
	v35 =	vld [tilespmem:s30+$0xFFFFFF30];
	[tilespmem:s31+$0x10] =	vst v34  }
0x13a: {  	v34 =	vperm.xlane v3, v54;
	v37 =	vld [tilespmem:s30+$0xFFFFFF40];
	v17 =	vmul.f32 v17, v20;
	[tilespmem:s31+$0x20] =	vst v32  }
0x13b: {  	v39 =	vperm.xlane v3, v56;
	v32 =	vperm.xlane v3, v55;
	v40 =	vld [tilespmem:s30+$0xFFFFFF50];
	[tilespmem:s31+$0x30] =	vst v36  }
0x13c: {  	v41 =	vperm.xlane v3, v7;
	v36 =	vperm.xlane v3, v6;
	v42 =	vld [tilespmem:s30+$0xFFFFFF60];
	[tilespmem:s30+$0xF0] =	vst v17  }
0x13d: {  	v43 =	vperm.xlane v3, v8;
	v45 =	vperm.xlane v3, v9;
	v44 =	vld [tilespmem:s30+$0xFFFFFF70];
	[tilespmem:s31+$0x40] =	vst v23  }
0x13e: {  	v46 =	vperm.xlane v3, v10;
	v47 =	vperm.xlane v3, v11;
	v23 =	vld [tilespmem:s30+$0xFFFFFF80];
	[tilespmem:s31+$0x50] =	vst v29  }
0x13f: {  	v48 =	vperm.xlane v3, v12;
	v49 =	vperm.xlane v3, v13;
	v29 =	vld [tilespmem:s30+$0xFFFFFF90];
	[tilespmem:s31+$0x60] =	vst v24  }
0x140: {  	v50 =	vperm.xlane v3, v14;
	v51 =	vperm.xlane v3, v15;
	v24 =	vld [tilespmem:s30+$0xFFFFFFA0];
	[tilespmem:s31+$0x70] =	vst v30  }
0x141: {  	v57 =	vperm.xlane v0, v7;
	v3 =	vperm.xlane v3, v16;
	v30 =	vld [tilespmem:s30+$0xFFFFFFB0];
	[tilespmem:s31+$0x80] =	vst v25  }
0x142: {  	v53 =	vperm.xlane v0, v54;
	v54 =	vperm.xlane v0, v55;
	v25 =	vld [tilespmem:s30+$0xFFFFFFC0];
	[tilespmem:s31+$0x90] =	vst v1  }
0x143: {  	v55 =	vperm.xlane v0, v56;
	v56 =	vperm.xlane v0, v6;
	v1 =	vld [tilespmem:s30+$0xFFFFFFD0];
	[tilespmem:s31+$0xA0] =	vst v2  }
0x144: {  	v58 =	vperm.xlane v0, v8;
	v59 =	vperm.xlane v0, v9;
	v2 =	vld [tilespmem:s30+$0xFFFFFFE0];
	[tilespmem:s31+$0xB0] =	vst v4  }
0x145: {  	v21 =	vperm.xlane v0, v11;
	v17 =	vperm.xlane v0, v10;
	v4 =	vld [tilespmem:s30+$0xFFFFFFF0];
	[tilespmem:s31+$0xC0] =	vst v18  }
0x146: {  	v20 =	vperm.xlane v0, v13;
	v18 =	vperm.xlane v0, v12;
	v60 =	vld [tilespmem:s30+$0x0];
	[tilespmem:s31+$0xD0] =	vst v19  }
0x147: {  	v26 =	vmul.f32 v26, v31;
	v19 =	vperm.xlane v0, v14;
	v61 =	vld [tilespmem:s30+$0x10];
	[tilespmem:s31+$0xE0] =	vst v22;
	s31 =	smov.u32 s30  }
0x148: {  	v31 =	vmul.f32 v42, v41;
	v22 =	vperm.xlane v0, v15;
	v62 =	vld [tilespmem:s30+$0x20]  }
0x149: {  	v0 =	vmul.f32 v27, v33;
	v27 =	vmul.f32 v28, v34;
	v63 =	vld [tilespmem:s30+$0x30]  }
0x14a: {  	v28 =	vmul.f32 v37, v39;
	[tilespmem:s30+$0xFFFFFF00] =	vst v26;
	v26 =	vmul.f32 v35, v32;
	v5 =	vld [tilespmem:s30+$0x40]  }
0x14b: {  	v23 =	vmul.f32 v23, v45;
	[tilespmem:s30+$0xFFFFFF10] =	vst v0;
	v0 =	vmul.f32 v40, v36;
	v41 =	vld [tilespmem:s30+$0x50]  }
0x14c: {  	v29 =	vmul.f32 v29, v46;
	v32 =	vmul.f32 v44, v43;
	[tilespmem:s30+$0xFFFFFF20] =	vst v27;
	v42 =	vld [tilespmem:s30+$0x60]  }
0x14d: {  	v43 =	vmul.f32 v24, v47;
	v35 =	vmul.f32 v30, v48;
	[tilespmem:s30+$0xFFFFFF30] =	vst v26;
	v44 =	vld [tilespmem:s30+$0x70]  }
0x14e: {  	v33 =	vmul.f32 v4, v3;
	v26 =	vmul.f32 v25, v49;
	[tilespmem:s30+$0xFFFFFF40] =	vst v28;
	v25 =	vld [tilespmem:s30+$0x80]  }
0x14f: {  	v27 =	vmul.f32 v1, v50;
	v28 =	vmul.f32 v2, v51;
	[tilespmem:s30+$0xFFFFFF50] =	vst v0;
	v37 =	vld [tilespmem:s30+$0x90]  }
.Ltmp2:
0x150: {  	v34 =	vmul.f32 v61, v52;
	[tilespmem:s30+$0xFFFFFF60] =	vst v31;
	v31 =	vmul.f32 v60, v38;
	v38 =	vld [tilespmem:s30+$0xA0];
	(pc) =	sbr.rel @p0 .LBB2_7-.Ltmp2, $4  }
0x151: {  	v36 =	vmul.f32 v63, v54;
	v54 =	vimm.s32 $0x2;
	[tilespmem:s30+$0xFFFFFF70] =	vst v32;
	v32 =	vmul.f32 v62, v53;
	v39 =	vld [tilespmem:s30+$0xB0]  }
0x152: {  	v53 =	vimm.s32 $0x1;
	[tilespmem:s30+$0xFFFFFF80] =	vst v23;
	v23 =	vmul.f32 v5, v55;
	v5 =	vimm.s32 $0x0;
	v40 =	vld [tilespmem:s30+$0xC0]  }
0x153: {  	v24 =	vmul.f32 v42, v57;
	v55 =	vimm.s32 $0x3;
	[tilespmem:s30+$0xFFFFFF90] =	vst v29;
	v29 =	vmul.f32 v41, v56;
	v41 =	vld [tilespmem:s30+$0xD0]  }
0x154: {  	s9 =	sadd.s32 $0x20, s9;
	v30 =	vmul.f32 v44, v58;
	v25 =	vmul.f32 v25, v59;
	v56 =	vimm.s32 $0x4;
	[tilespmem:s30+$0xFFFFFFA0] =	vst v43;
	v42 =	vld [tilespmem:s30+$0xE0]  }
0x155: {  	[tilespmem:s30+$0xFFFFFFB0] =	vst v35  }
0x156: {  	[tilespmem:s31+$0x0] =	vst v31  }
0x157: {  	[tilespmem:s31+$0x10] =	vst v34  }
0x158: {  	[tilespmem:s31+$0x20] =	vst v32  }
0x159: {  	[tilespmem:s31+$0x30] =	vst v36  }
0x15a: {  	[tilespmem:s31+$0x40] =	vst v23  }
0x15b: {  	[tilespmem:s31+$0x50] =	vst v29  }
0x15c: {  	[tilespmem:s31+$0x60] =	vst v24  }
0x15d: {  	[tilespmem:s31+$0xFFFFFFC0] =	vst v26  }
0x15e: {  	[tilespmem:s31+$0xFFFFFFD0] =	vst v27  }
0x15f: {  	[tilespmem:s31+$0xFFFFFFE0] =	vst v28  }
0x160: {  	[tilespmem:s31+$0xFFFFFFF0] =	vst v33  }
0x161: {  	v0 =	vmul.f32 v37, v17;
	[tilespmem:s31+$0x70] =	vst v30  }
0x162: {  	v1 =	vmul.f32 v38, v21;
	[tilespmem:s31+$0x80] =	vst v25  }
0x163: {  	v2 =	vmul.f32 v39, v18;
	[tilespmem:s31+$0x90] =	vst v0  }
0x164: {  	v61 =	vmul.f32 v40, v20;
	[tilespmem:s31+$0xA0] =	vst v1  }
0x165: {  	v62 =	vmul.f32 v41, v19;
	[tilespmem:s31+$0xB0] =	vst v2  }
0x166: {  	v63 =	vmul.f32 v42, v22;
	[tilespmem:s31+$0xC0] =	vst v61  }
0x167: {  	[tilespmem:s31+$0xD0] =	vst v62  }
0x168: {  	s0 =	sadd.s32 s26, s28;
	s25 =	sadd.s32 $0x1, s25;
	[tilespmem:s31+$0xE0] =	vst v63  }
0x169: {  	[spmem:s4] =	stream.indirect.scatter.add.f32 [tilespmem:s18], [sflag:$0x6], $0x80, s0, s13, $0xb8;
	[tilespmem:$0x1E400] =	vst v63  }
0x16a: {  	p0 =	sne.s32 s25, $0x28;
	_ =	swait.ge [sflag:s16], $0x4000  }
.Ltmp3:
0x16b: {  	[sflag:s16] =	ssyncset.done $0x0;
	(pc) =	sbr.rel @p0 .LBB2_4-.Ltmp3, $4  }
0x16c: {  	[sflag:s16] =	ssyncadd.s32 $0xFFFFC000  }
0x16d: {  	_ =	swait.ge [sflag:s17], $0x400  }
0x16e: {  	[sflag:s17] =	ssyncset.done $0x0  }
0x16f: {  	[sflag:s17] =	ssyncadd.s32 $0xFFFFFC00  }
0x170: {  	s0 =	simm.s32 $0x6  }
0x171: {  	_ =	swait.ge [sflag:s0], $0x4000  }
0x172: {  	[sflag:s0] =	ssyncset.done $0x0  }
0x173: {  	s30 =	stileid.u32;
	[sflag:s0] =	ssyncadd.s32 $0xFFFFC000  }
0x174: {  	s0 =	sshll.u32 s30, $0x6;
	[bflag:$0x0] =	sbarrier.arrive $0xFFFF  }
0x175: {  	s9 =	sshrl.u32 s8, $0x3;
	s0 =	sor.u32 $0x1C07, s0;
	s10 =	rddreg [dreg:$0x1a]  }
0x176: {  	[hbm:s10], [sflag:s0] =	dma.local [spmem:s9], $0x2800  }
0x177: {  	_ =	swait.ge [sflag:s12], $0x2800  }
0x178: {  	s24 =	sadd.s32 $0x1, s24;
	s31 =	rddreg [dreg:$0x1b]  }
0x179: {  	p0 =	sne.s32 s24, s31  }
.Ltmp4:
0x17a: {  	_ = 	snop;
	(pc) =	sbr.rel @p0 .LBB2_1-.Ltmp4, $3  }
0x17b: {  	_ =	sdelay $0x1  }
0x17c: {  	[sflag:s12] =	ssyncset.done $0x0  }
0x17d: {  	v0 =	vimm.f32 $0.0e+00;
	[sflag:s12] =	ssyncadd.s32 $0xFFFFD800  }
0x17e: {  	_ =	sfence.sel $0x180000  }
0x17f: {  	[bflag:$0x0] =	sbarrier.arrive $0xFFFF  }
0x180: {  	_ =	strace $0x90000050  }
0x181: {  	s0 =	stileid.u32;
	[bflag:$0x2] =	sbarrier.arrive $0xFFFF  }
0x182: {  	p0 =	sne.s32 s0, $0x0;
	s0 =	rddreg [dreg:$0x4]  }
0x183: {  	s0 =	sadd.s32 @!p0 $0x100000, s0  }
0x184: {  	[sflag:s0] =	ssyncadd.tile.s32 @!p0 $0x1;
	_ =	shalt  }
.Lfunc_end2:
_tile_overlayer_lowered:
.L_overlay_start_2:
0x185: {  	(tag) =	ssettag $0x2  }
0x186: {  	s0 =	rddreg [dreg:$0x0];
	s2 =	stileid.u32  }
0x187: {  	s1 =	rddreg [dreg:$0x1];
	p0 =	sne.s32 s2, $0x0  }
0x188: {  	s3 =	rddreg [dreg:$0x2];
	[bflag:$0x3] =	sbarrier.arrive $0xFFFF;
	s2 =	simm.s32 @!p0 $0x1C07  }
0x189: {  	[timem:s3], [sflag:s2] =	dma.local @!p0 [hbm:s0], s1  }
0x18a: {  	s0 =	simm.s32 @!p0 $0x7  }
0x18b: {  	_ =	swait.ge @!p0 [sflag:s0], s1  }
0x18c: {  	s1 =	ssub.s32 @!p0 $0x0, s1;
	[sflag:s0] =	ssyncset.done @!p0 $0x0  }
0x18d: {  	[sflag:s0] =	ssyncadd.s32 @!p0 s1  }
0x18e: {  	[bflag:$0x3] =	sbarrier.arrive $0xFFFF  }
0x18f: {  	_ =	shalt  }

// kernel: kernel.9.cloned.1.call-start
scs
__scs_entry_jumppad:
0x0: {  	(pc) =	sbr.rel $0x88, $3  }
0x1: {  	(tag) =	ssettag $0x0;
	lr =	simm.s32 $0x1  }
0x2: {  	[smem:$0x3F97] =	sst lr;
	_ =	strace $0xD0000000  }
0x3: {  	_ = 	snop  }
0x4: {  	_ = 	snop  }
0x5: {  	_ = 	snop  }
0x6: {  	_ = 	snop  }
0x7: {  	_ = 	snop  }
__scs_overlays_trampoline_lowered:
0x8: {  	[smem:$0x3FA6] =	sst s0  }
0x9: {  	[smem:$0x3FA7] =	sst s1  }
0xa: {  	[smem:$0x3FA8] =	sst s2  }
0xb: {  	[smem:$0x3FA9] =	sst s3  }
0xc: {  	[smem:$0x3FAA] =	sst s4  }
0xd: {  	[smem:$0x3FAB] =	sst s5  }
0xe: {  	[smem:$0x3FAC] =	sst s6  }
0xf: {  	[smem:$0x3FAD] =	sst s7  }
0x10: {  	[smem:$0x3FAE] =	sst s8  }
0x11: {  	[smem:$0x3FAF] =	sst s9;
	s0 =	simm.s32 @!p0 $0x0  }
0x12: {  	s1 =	sld [smem:$0x3F95];
	s0 =	simm.s32 @p0 $0x1  }
0x13: {  	[smem:$0x3FB0] =	sst s0;
	s0 =	simm.s32 @!p1 $0x0  }
0x14: {  	s2 =	sld [smem:$0x3F94];
	s0 =	simm.s32 @p1 $0x1  }
0x15: {  	[smem:$0x3FB1] =	sst s0;
	s0 =	simm.s32 @!p2 $0x0  }
0x16: {  	s3 =	sld [smem:$0x3FDB];
	s0 =	simm.s32 @p2 $0x1  }
0x17: {  	s4 =	simm.s32 $0x1BF5;
	[smem:$0x3FB3] =	sst s0  }
0x18: {  	s0 =	sld [smem:$0x3F96];
	_ =	swait.ge [sflag:s4], $0x0  }
0x19: {  	s7 =	sld [smem:$0x3F97]  }
0x1a: {  	s8 =	sadd.s32 $0xFFFFE003, lr  }
0x1b: {  	s9 =	sadd.s32 $0xFFFFFEF7, lr;
	s5 =	simm.s32 $0xFFFFFFFF;
	p2 =	slt.u32 s8, $0xFFFFF086  }
0x1c: {  	p1 =	slt.u32 s9, $0xF7A;
	s5 =	simm.s32 @!p2 $0x0  }
0x1d: {  	s5 =	simm.s32 @p1 $0x1;
	p0 =	seq.s32 s7, s2  }
0x1e: {  	s7 =	smul.u32 @!p0 $0xF7A, s2;
	p2 =	seq.s32 @!p0 s5, $0x0  }
0x1f: {  	s9 =	smul.u32 $0xF7A, s1;
	s8 =	simm.s32 @!p0 $0x1BF5;
	p2 =	por !p2, p0  }
0x20: {  	[sflag:s8] =	ssyncset.s32 @!p0 $0xFFFFF086;
	s6 =	sadd.s32 @!p0 s3, s7;
	s7 =	simm.s32 @!p0 $0x108  }
0x21: {  	s3 =	sadd.s32 s3, s9;
	s6 =	sadd.s32 @!p0 $0x88, s6;
	s7 =	simm.s32 @p2 $0x1082  }
0x22: {  	[simem:s7], [sflag:s8] =	dma.local @!p0 [hbm:s6], $0xF7A  }
0x23: {  	s9 =	sor.u32 $0xD0000000, s2;
	s6 =	simm.s32 $0x108;
	_ =	swait.ge @!p0 [sflag:s8], $0x0  }
0x24: {  	s3 =	sadd.s32 $0x88, s3;
	s6 =	simm.s32 @!p1 $0x1082;
	[sflag:s4] =	ssyncset.s32 $0xFFFFF086  }
0x25: {  	[simem:s6], [sflag:s4] =	dma.local [hbm:s3], $0xF7A  }
0x26: {  	[smem:$0x3F97] =	sst s1;
	(tag) =	ssettag s2;
	_ =	strace s9  }
0x27: {  	s1 =	sld [smem:$0x3FA7]  }
0x28: {  	s2 =	sld [smem:$0x3FA8]  }
0x29: {  	s4 =	sld [smem:$0x3FAA]  }
0x2a: {  	p0 =	seq.s32 s5, $0x0;
	s5 =	sld [smem:$0x3FAB]  }
0x2b: {  	s6 =	sld [smem:$0x3FAC]  }
0x2c: {  	s7 =	sld [smem:$0x3FAD]  }
0x2d: {  	s3 =	simm.s32 $0x108;
	s8 =	sld [smem:$0x3FAE]  }
0x2e: {  	s3 =	simm.s32 @!p0 $0x1082;
	s9 =	sld [smem:$0x3FAF]  }
0x2f: {  	lr =	sadd.s32 s0, s3;
	s0 =	sld [smem:$0x3FA6]  }
0x30: {  	s3 =	sld [smem:$0x3FA9]  }
0x31: {  	[smem:$0x3FB2] =	sst s10  }
0x32: {  	s10 =	sld [smem:$0x3FB0];
	_ =	sdelay $0x3  }
0x33: {  	p0 =	seq.s32 s10, $0x1;
	s10 =	sld [smem:$0x3FB2];
	_ =	sdelay $0x3  }
0x34: {  	[smem:$0x3FB2] =	sst s10  }
0x35: {  	s10 =	sld [smem:$0x3FB1];
	_ =	sdelay $0x3  }
0x36: {  	p1 =	seq.s32 s10, $0x1;
	s10 =	sld [smem:$0x3FB2];
	_ =	sdelay $0x3  }
0x37: {  	[smem:$0x3FB2] =	sst s10  }
0x38: {  	s10 =	sld [smem:$0x3FB3]  }
0x39: {  	_ = 	snop;
	(pc) =	sbr.ind lr, $3  }
0x3a: {  	_ = 	snop  }
0x3b: {  	_ = 	snop  }
0x3c: {  	p2 =	seq.s32 s10, $0x1;
	s10 =	sld [smem:$0x3FB2]  }
0x3d: {  	_ =	shalt  }
0x3e: {  	_ =	shalt  }
0x3f: {  	_ =	shalt  }
0x40: {  	_ =	shalt  }
0x41: {  	_ =	shalt  }
0x42: {  	_ =	shalt  }
0x43: {  	_ =	shalt  }
0x44: {  	_ =	shalt  }
0x45: {  	_ =	shalt  }
0x46: {  	_ =	shalt  }
0x47: {  	_ =	shalt  }
0x48: {  	_ =	shalt  }
0x49: {  	_ =	shalt  }
0x4a: {  	_ =	shalt  }
0x4b: {  	_ =	shalt  }
0x4c: {  	_ =	shalt  }
0x4d: {  	_ =	shalt  }
0x4e: {  	_ =	shalt  }
0x4f: {  	_ =	shalt  }
0x50: {  	_ =	shalt  }
0x51: {  	_ =	shalt  }
0x52: {  	_ =	shalt  }
0x53: {  	_ =	shalt  }
0x54: {  	_ =	shalt  }
0x55: {  	_ =	shalt  }
0x56: {  	_ =	shalt  }
0x57: {  	_ =	shalt  }
0x58: {  	_ =	shalt  }
0x59: {  	_ =	shalt  }
0x5a: {  	_ =	shalt  }
0x5b: {  	_ =	shalt  }
0x5c: {  	_ =	shalt  }
0x5d: {  	_ =	shalt  }
0x5e: {  	_ =	shalt  }
0x5f: {  	_ =	shalt  }
0x60: {  	_ =	shalt  }
0x61: {  	_ =	shalt  }
0x62: {  	_ =	shalt  }
0x63: {  	_ =	shalt  }
0x64: {  	_ =	shalt  }
0x65: {  	_ =	shalt  }
0x66: {  	_ =	shalt  }
0x67: {  	_ =	shalt  }
0x68: {  	_ =	shalt  }
0x69: {  	_ =	shalt  }
0x6a: {  	_ =	shalt  }
0x6b: {  	_ =	shalt  }
0x6c: {  	_ =	shalt  }
0x6d: {  	_ =	shalt  }
0x6e: {  	_ =	shalt  }
0x6f: {  	_ =	shalt  }
0x70: {  	_ =	shalt  }
0x71: {  	_ =	shalt  }
0x72: {  	_ =	shalt  }
0x73: {  	_ =	shalt  }
0x74: {  	_ =	shalt  }
0x75: {  	_ =	shalt  }
0x76: {  	_ =	shalt  }
0x77: {  	_ =	shalt  }
0x78: {  	_ =	shalt  }
0x79: {  	_ =	shalt  }
0x7a: {  	_ =	shalt  }
0x7b: {  	_ =	shalt  }
0x7c: {  	_ =	shalt  }
0x7d: {  	_ =	shalt  }
0x7e: {  	_ =	shalt  }
0x7f: {  	_ =	shalt  }
0x80: {  	_ =	shalt  }
0x81: {  	_ =	shalt  }
0x82: {  	_ =	shalt  }
0x83: {  	_ =	shalt  }
0x84: {  	_ =	shalt  }
0x85: {  	_ =	shalt  }
0x86: {  	_ =	shalt  }
0x87: {  	_ =	shalt  }
.Lfunc_end0:
.L_simem_size_0:
called_computation_lowered:
.L_overlay_start_0:
0x88: {  	s2 =	sld [smem:$0x3FD9]  }
0x89: {  	s3 =	sld [smem:$0x3FFE];
	_ =	sdelay $0x1  }
0x8a: {  	s1 =	srdreg.scid  }
0x8b: {  	s0 =	sand.u32 $0x1, s1  }
0x8c: {  	s14 =	sshll.u32 s0, $0xA;
	s2 =	sadd.s32 s3, s2  }
0x8d: {  	s2 =	sadd.s32 s2, s14  }
0x8e: {  	[smem:$0x3FBE] =	sst s2  }
0x8f: {  	_ = 	snop  }
0x90: {  	s2 =	sld [smem:$0x3FD0];
	_ =	sdelay $0x2  }
0x91: {  	s15 =	simm.s32 $0xA;
	s4 =	simm.s32 $0x10  }
0x92: {  	[smem:s4], [sflag:s15] =	dma.local [hbm:s2], $0x1  }
0x93: {  	_ =	swait.eq [sflag:s15], $0x1  }
0x94: {  	[sflag:s15] =	ssyncset.done $0x0  }
0x95: {  	[sflag:s15] =	ssyncadd.s32 $0xFFFFFFFF  }
0x96: {  	s16 =	sld [smem:$0x10];
	(tm) =	ssettm $0x1  }
0x97: {  	s17 =	sld [smem:$0x3FFB];
	_ =	sdelay $0x3  }
0x98: {  	_ =	strace s17  }
0x99: {  	s3 =	sld [smem:$0x3FFC];
	_ =	sdelay $0x3  }
0x9a: {  	_ =	strace s3  }
0x9b: {  	s3 =	sld [smem:$0x3FFD];
	_ =	sdelay $0x3  }
0x9c: {  	_ =	strace s3  }
0x9d: {  	_ =	strace $0x8FFFFFFF  }
0x9e: {  	s18 =	sld [smem:$0x3FDB];
	_ =	sdelay $0x1  }
0x9f: {  	s19 =	simm.s32 $_scs_section_size  }
0xa0: {  	s5 =	simm.s32 $_size__tile_overlayer_lowered;
	s6 =	simm.s32 $_tile_overlayer_lowered  }
0xa1: {  	s22 =	simm.s32 $0x1BFF;
	s21 =	sshll.u32 s6, $0x1;
	s3 =	sadd.s32 s19, s18  }
0xa2: {  	s7 =	simm.s32 $0x0;
	s20 =	sshll.u32 s5, $0x1;
	s5 =	sadd.s32 s21, s3  }
0xa3: {  	[timem:s7], [sflag:s22] =	dma.local [hbm:s5], s20  }
0xa4: {  	_ =	swait.ge [sflag:s22], s20  }
0xa5: {  	s4 =	ssub.s32 $0x0, s20;
	[sflag:s22] =	ssyncset.done $0x0  }
0xa6: {  	[sflag:s22] =	ssyncadd.s32 s4;
	_ =	sdelay $0x1  }
0xa7: {  	s23 =	simm.s32 $0x1B8B  }
0xa8: {  	_ =	swait.ge [sflag:s23], $0x1  }
0xa9: {  	[sflag:s23] =	ssyncset.done $0x0  }
0xaa: {  	s25 =	simm.s32 $0x1B8E;
	s24 =	sld [smem:$0x3FFE];
	[sflag:s23] =	ssyncadd.s32 $0xFFFFFFFF  }
0xab: {  	s26 =	simm.s32 $execute0_lowered;
	[smem:$0x3FD2] =	sst s25  }
0xac: {  	s5 =	sshll.u32 s26, $0x1;
	_ =	strace $0x80000046;
	[dreg:$0x1] =	wrdreg $0xFFFFFFFF  }
0xad: {  	s28 =	simm.s32 $_size_execute0_lowered;
	s3 =	sadd.s32 s3, s5;
	[dreg:$0x0] =	wrdreg $0x0  }
0xae: {  	s5 =	sshll.u32 s28, $0x1;
	[dreg:$0x2] =	wrdreg s3  }
0xaf: {  	[dreg:$0x3] =	wrdreg s5  }
0xb0: {  	[dreg:$0x4] =	wrdreg $0xC0  }
0xb1: {  	_ =	task [dreg:s7], $0x5FFFF  }
0xb2: {  	[dreg:$0x1] =	wrdreg $0xFFFFFFFF  }
0xb3: {  	[dreg:$0x0] =	wrdreg $0x60  }
0xb4: {  	[dreg:$0x2] =	wrdreg s24  }
0xb5: {  	[dreg:$0x3] =	wrdreg s16  }
0xb6: {  	[dreg:$0x4] =	wrdreg $0x9  }
0xb7: {  	_ =	task.clear_ibuf [dreg:s7], $0x5FFFF;
	_ =	strace $0x90000046  }
0xb8: {  	s29 =	simm.s32 $0x9;
	_ =	strace $0x80000048  }
0xb9: {  	_ =	swait.ge [sflag:s29], $0x1  }
0xba: {  	[sflag:s29] =	ssyncadd.s32 $0xFFFFFFFF  }
0xbb: {  	_ =	strace $0x90000048  }
0xbc: {  	_ =	sfence  }
0xbd: {  	s30 =	sld [smem:$0x0];
	_ =	sdelay $0x2  }
0xbe: {  	s31 =	sshll.u32 s1, $0xD;
	s1 =	sshrl.u32 s1, $0x2  }
0xbf: {  	s3 =	sand.u32 $0x4000, s31;
	s1 =	sadd.s32 s1, s30  }
0xc0: {  	s0 =	sor.u32 s3, s0;
	s1 =	sshll.u32 s1, $0x11  }
0xc1: {  	s0 =	sor.u32 s1, s0  }
0xc2: {  	s0 =	sadd.s32 $0x8F2B, s0  }
0xc3: {  	[sflag:s0] =	ssyncadd.remote.s32 $0x1  }
0xc4: {  	_ =	sfence.sel $0xFFFF  }
0xc5: {  	[dreg:$0x0] =	wrdreg $0xFFFFFFFF;
	(pc) =	sbr.abs _section_cstart, $3  }
0xc6: {  	[dreg:$0x1] =	wrdreg $0xFFFFFFFF  }
0xc7: {  	_ =	task.clear_ibuf [dreg:s7], $0x2FFFF;
	_ =	strace $0x9FFFFFFF  }
0xc8: {  	(tm) =	ssettm $0x7FFFFFFF  }
0xc9: {  	_ =	shalt  }
tec
execute0_lowered:
.L_overlay_start_1:
0x0: {  	(tag) =	ssettag $0x1  }
0x1: {  	s7 =	rddreg [dreg:$0x0]  }
0x2: {  	s1 =	rddreg [dreg:$0x1]  }
0x3: {  	s0 =	rddreg [dreg:$0x2];
	s2 =	simm.s32 $0x0;
	s3 =	srdreg.scid  }
0x4: {  	s11 =	simm.s32 $0x14000;
	s12 =	simm.s32 $0x14400;
	s13 =	simm.s32 $0x1  }
0x5: {  	s14 =	simm.s32 $0x16400;
	s15 =	simm.s32 $0x0;
	[smem:$0x7FF] =	sst s2  }
0x6: {  	s4 =	sand.u32 $0x1, s3;
	s3 =	stileid.u32;
	_ =	strace $0x80000047  }
0x7: {  	s6 =	ssub.s32 $0x2, s4;
	s5 =	sshll.u32 s4, $0x4;
	s4 =	sadd.s32 $0x2A800, s7  }
0x8: {  	v2 =	vlaneseq.u32;
	s8 =	sshrl.u32 s6, $0x1;
	s9 =	sor.u32 s3, s5;
	s5 =	sadd.s32 $0x7A800, s7  }
0x9: {  	v1 =	vimm.s32 $0x0;
	v0 =	vshrl.u32 v2, $0x3;
	v2 =	vand.u32 $0x7, v2;
	s7 =	sadd.s32 $0xCA800, s7;
	s10 =	ssub.s32 s6, s8;
	s6 =	smul.u32 $0x2800, s9  }
0xa: {  	v3 =	vor.u32 $0x2, v0;
	v4 =	vor.u32 $0x4, v0;
	v5 =	vor.u32 $0x6, v0;
	s8 =	smul.u32 $0x14000, s9;
	s9 =	smax.u32 s10, $0x1;
	s10 =	simm.s32 $0x2  }
.LBB2_1:
0xb: {  	[tilespmem:s2], [sflag:$0x2] =	stream.linear.gather [hbm4b:s4+s2], $0x14000, $0x38;
	[tilespmem:$0x18400] =	vst v63  }
0xc: {  	_ =	swait.ge [sflag:s10], $0x14000  }
0xd: {  	[sflag:s10] =	ssyncset.done $0x0  }
0xe: {  	s16 =	simm.s32 $0x0;
	[sflag:s10] =	ssyncadd.s32 $0xFFFEC000  }
.LBB2_2:
0xf: {  	s17 =	sshll.u32 s16, $0xA  }
0x10: {  	s18 =	simm.s32 $0x0;
	s17 =	sadd.s32 s6, s17  }
0x11: {  	v6 =	vor.u32 s18, v0;
	s17 =	sshrl.u32 s17, $0x3  }
0x12: {  	s28 =	sshll.u32 s16, $0xD;
	s29 =	simm.s32 $0x2;
	v7 =	vmov s18;
	v6 =	vand.u32 $0x79, v6;
	s17 =	sadd.s32 s1, s17  }
0x13: {  	vm0 =	veq.s32 v7, v0;
	vm1 =	vne.s32 v6, $0x0;
	[tilespmem:s11], [sflag:$0x1] =	stream.linear.gather [hbm4b:s17+s18], $0x400, $0x38;
	[tilespmem:$0x18400] =	vst v63  }
0x14: {  	s20 =	simm.s32 $0x4;
	s30 =	simm.s32 $0x6;
	v8 =	vmov s29;
	s17 =	sadd.s32 s8, s28;
	vm0 =	vmand vm0, vm1  }
0x15: {  	s31 =	simm.s32 $0x8;
	s22 =	simm.s32 $0xC;
	v9 =	vmov s20;
	v10 =	vmov s30;
	s17 =	sshrl.u32 s17, $0x3;
	v7 =	vsel vm0, $0xFFFFFFFF, v1  }
0x16: {  	s21 =	simm.s32 $0xA;
	v11 =	vmov s31;
	v13 =	vmov s22;
	s19 =	sadd.s32 s5, s17;
	v7 =	vshll.u32 v7, $0x7  }
0x17: {  	vm10 =	veq.s32 v11, v0;
	v11 =	vmov s21;
	[tilespmem:s12], [sflag:$0x1] =	stream.linear.gather [hbm4b:s19+s18], $0x2000, $0x38;
	v7 =	vadd.s32 s18, v7;
	[tilespmem:$0x18400] =	vst v63  }
0x18: {  	v8 =	vand.u32 $0x3F8, v8;
	v11 =	vand.u32 $0x3F8, v11;
	_ =	swait.ge [sflag:s13], $0x400;
	v7 =	vand.u32 $0xFFFFFF80, v7  }
0x19: {  	v8 =	vbroadcast v8, $0x0;
	v11 =	vbroadcast v11, $0x0;
	[sflag:s13] =	ssyncset.done $0x0;
	v6 =	vor.u32 v6, v7  }
0x1a: {  	v7 =	vand.u32 $0x3F8, v9;
	v9 =	vand.u32 $0x3F8, v10;
	v10 =	vor.u32 s31, v0;
	[sflag:s13] =	ssyncadd.s32 $0xFFFFFC00  }
0x1b: {  	s23 =	simm.s32 $0xE;
	v8 =	vor.u32 v3, v8;
	v9 =	vbroadcast v9, $0x0;
	v10 =	vand.u32 $0x79, v10;
	_ =	swait.ge [sflag:s13], $0x2000  }
0x1c: {  	s24 =	simm.s32 $0x10;
	v14 =	vmov s23;
	v11 =	vor.u32 v3, v11;
	vm11 =	vne.s32 v10, $0x0;
	[sflag:s13] =	ssyncset.done $0x0  }
0x1d: {  	v15 =	vmov s24;
	vm0 =	vmand vm10, vm11;
	v9 =	vor.u32 v5, v9;
	[sflag:s13] =	ssyncadd.s32 $0xFFFFE000  }
0x1e: {  	s26 =	simm.s32 $0x12;
	v13 =	vand.u32 $0x3F8, v13;
	v7 =	vbroadcast v7, $0x0;
	v12 =	vsel vm0, $0xFFFFFFFF, v1;
	v6 =	vld.idx.msk [tilespmem:v6+s11+$0x0], $0xffff  }
0x1f: {  	vm12 =	veq.s32 v15, v0;
	v15 =	vmov s26;
	v12 =	vshll.u32 v12, $0x7  }
0x20: {  	v15 =	vand.u32 $0x3F8, v15;
	v7 =	vor.u32 v4, v7;
	v8 =	vld.idx.msk [tilespmem:v8+s11+$0x0], $0xffff;
	v12 =	vadd.s32 s31, v12  }
0x21: {  	s30 =	simm.s32 $0x1A;
	v14 =	vand.u32 $0x3F8, v14;
	s21 =	simm.s32 $0x16;
	v15 =	vbroadcast v15, $0x0;
	v11 =	vld.idx.msk [tilespmem:v11+s11+$0x0], $0xffff;
	v12 =	vand.u32 $0xFFFFFF80, v12  }
0x22: {  	s25 =	simm.s32 $0x14420;
	v20 =	vmov s30;
	v19 =	vmov s21;
	v10 =	vor.u32 v10, v12;
	v9 =	vld.idx.msk [tilespmem:v9+s11+$0x0], $0xffff  }
0x23: {  	v15 =	vor.u32 v3, v15;
	v16 =	vld [tilespmem:s25+$0xFFFFFFE0];
	v12 =	vbroadcast v13, $0x0;
	v6 =	vshll.u32 v6, $0x3  }
0x24: {  	v22 =	vld [tilespmem:s25+$0x0];
	v13 =	vbroadcast v14, $0x0;
	v14 =	vor.u32 s24, v0;
	v6 =	vor.u32 v2, v6  }
0x25: {  	v7 =	vld.idx.msk [tilespmem:v7+s11+$0x0], $0xffff;
	v14 =	vand.u32 $0x79, v14;
	v8 =	vshll.u32 v8, $0x3;
	v12 =	vor.u32 v4, v12  }
0x26: {  	v20 =	vand.u32 $0x3F8, v20;
	v23 =	vld [tilespmem:s25+$0x10];
	vm13 =	vne.s32 v14, $0x0;
	v8 =	vor.u32 v2, v8  }
0x27: {  	s28 =	simm.s32 $0x14;
	v13 =	vor.u32 v5, v13;
	vm0 =	vmand vm12, vm13;
	v10 =	vld.idx.msk [tilespmem:v10+s11+$0x0], $0xffff;
	v9 =	vshll.u32 v9, $0x3  }
0x28: {  	v18 =	vmov s28;
	v15 =	vld.idx.msk [tilespmem:v15+s11+$0x0], $0xffff;
	v17 =	vsel vm0, $0xFFFFFFFF, v1;
	v9 =	vor.u32 v2, v9  }
0x29: {  	v20 =	vbroadcast v20, $0x0;
	v18 =	vand.u32 $0x3F8, v18;
	v17 =	vshll.u32 v17, $0x7;
	v6 =	vld.idx.msk [tilespmem:v6+s2+$0x0], $0xffff  }
0x2a: {  	v18 =	vbroadcast v18, $0x0;
	v7 =	vshll.u32 v7, $0x3;
	v17 =	vadd.s32 s24, v17;
	v12 =	vld.idx.msk [tilespmem:v12+s11+$0x0], $0xffff  }
0x2b: {  	v7 =	vor.u32 v2, v7;
	v17 =	vand.u32 $0xFFFFFF80, v17;
	v21 =	vld.idx.msk [tilespmem:v8+s2+$0x0], $0xffff;
	v8 =	vand.u32 $0x3F8, v19  }
0x2c: {  	v13 =	vld.idx.msk [tilespmem:v13+s11+$0x0], $0xffff;
	v14 =	vor.u32 v14, v17;
	v8 =	vbroadcast v8, $0x0;
	v10 =	vshll.u32 v10, $0x3  }
0x2d: {  	s29 =	simm.s32 $0x18;
	s19 =	simm.s32 $0x14460;
	v19 =	vld.idx.msk [tilespmem:v9+s2+$0x0], $0xffff;
	v9 =	vshll.u32 v11, $0x3;
	v10 =	vor.u32 v2, v10;
	v11 =	vor.u32 v4, v18  }
0x2e: {  	v25 =	vld [tilespmem:s19+$0xFFFFFFE0];
	v8 =	vor.u32 v5, v8;
	v6 =	vadd.f32 v16, v6;
	v16 =	vor.u32 s29, v0  }
0x2f: {  	v17 =	vld [tilespmem:s25+$0xFFFFFFF0];
	v18 =	vmov s29;
	v9 =	vor.u32 v2, v9;
	v16 =	vand.u32 $0x79, v16  }
0x30: {  	v7 =	vld.idx.msk [tilespmem:v7+s2+$0x0], $0xffff;
	vm14 =	veq.s32 v18, v0;
	v12 =	vshll.u32 v12, $0x3;
	vm15 =	vne.s32 v16, $0x0  }
0x31: {  	v13 =	vshll.u32 v13, $0x3;
	v14 =	vld.idx.msk [tilespmem:v14+s11+$0x0], $0xffff;
	v12 =	vor.u32 v2, v12;
	vm0 =	vmand vm14, vm15  }
0x32: {  	s22 =	simm.s32 $0x1E;
	v13 =	vor.u32 v2, v13;
	v18 =	vld.idx.msk [tilespmem:v10+s2+$0x0], $0xffff;
	v10 =	vsel vm0, $0xFFFFFFFF, v1  }
0x33: {  	v26 =	vmov s22;
	v20 =	vor.u32 v3, v20;
	s31 =	simm.s32 $0x1C;
	v27 =	vld.idx.msk [tilespmem:v11+s11+$0x0], $0xffff;
	v10 =	vshll.u32 v10, $0x7  }
0x34: {  	v24 =	vmov s31;
	v15 =	vshll.u32 v15, $0x3;
	v63 =	vld.idx.msk [tilespmem:v8+s11+$0x0], $0xffff;
	v10 =	vadd.s32 s29, v10  }
0x35: {  	v21 =	vadd.f32 v17, v21;
	v11 =	vand.u32 $0x3F8, v24;
	v8 =	vand.u32 $0xFFFFFF80, v10;
	v10 =	vld.idx.msk [tilespmem:v9+s2+$0x0], $0xffff  }
0x36: {  	v17 =	vadd.f32 v22, v7;
	v9 =	vld.idx.msk [tilespmem:v12+s2+$0x0], $0xffff;
	v16 =	vor.u32 v16, v8;
	v8 =	vand.u32 $0x3F8, v26  }
0x37: {  	v11 =	vbroadcast v11, $0x0;
	v12 =	vshll.u32 v14, $0x3;
	v26 =	vbroadcast v8, $0x0;
	v8 =	vld.idx.msk [tilespmem:v13+s2+$0x0], $0xffff  }
0x38: {  	s20 =	simm.s32 $0x16420;
	v19 =	vadd.f32 v23, v19;
	v25 =	vadd.f32 v25, v18;
	v18 =	vor.u32 v2, v12;
	v13 =	vld [tilespmem:s19+$0xFFFFFFF0]  }
0x39: {  	s18 =	simm.s32 $0x16460;
	[tilespmem:s20+$0xFFFFFFE0] =	vst v6;
	v6 =	vld [tilespmem:s19+$0x0];
	v11 =	vor.u32 v4, v11;
	v12 =	vor.u32 v2, v15;
	v15 =	vshll.u32 v27, $0x3  }
0x3a: {  	s22 =	simm.s32 $0x20;
	s21 =	simm.s32 $0xC;
	v7 =	vld [tilespmem:s19+$0x10];
	v22 =	vshll.u32 v63, $0x3;
	v15 =	vor.u32 v2, v15;
	[tilespmem:s18+$0xFFFFFFE0] =	vst v25;
	v14 =	vor.u32 v5, v26  }
.LBB2_3:
0x3b: {  	v23 =	vor.u32 s22, v0;
	s23 =	sadd.s32 $0x2, s22;
	s24 =	sadd.s32 $0x4, s22;
	s25 =	sadd.s32 $0x6, s22;
	v20 =	vld.idx.msk [tilespmem:v20+s11+$0x0], $0xffff;
	v22 =	vor.u32 v2, v22;
	[tilespmem:s20+$0xFFFFFFF0] =	vst v21;
	v21 =	vmov v10  }
0x3c: {  	v10 =	vmov s22;
	s21 =	sadd.s32 $0x4, s21;
	v23 =	vand.u32 $0x79, v23;
	v24 =	vmov s23;
	v25 =	vld.idx.msk [tilespmem:v16+s11+$0x0], $0xffff;
	[tilespmem:s20+$0x0] =	vst v17;
	v17 =	vmovc v9  }
0x3d: {  	s19 =	sadd.s32 $0x40, s19;
	vm0 =	veq.s32 v10, v0;
	v9 =	vmov s24;
	p0 =	slt.u32 s21, $0x1FC;
	vm1 =	vne.s32 v23, $0x0;
	v18 =	vld.idx.msk [tilespmem:v18+s2+$0x0], $0xffff;
	[tilespmem:s20+$0x10] =	vst v19;
	v19 =	vmovc v8;
	v26 =	vmovc v13;
	s20 =	smov.u32 s18  }
0x3e: {  	v10 =	vmov s25;
	v8 =	vand.u32 $0x3F8, v24;
	vm0 =	vmand vm0, vm1;
	v13 =	vld [tilespmem:s19+$0xFFFFFFE0]  }
0x3f: {  	v9 =	vand.u32 $0x3F8, v9;
	v10 =	vand.u32 $0x3F8, v10;
	v16 =	vsel vm0, $0xFFFFFFFF, v1;
	v24 =	vld.idx.msk [tilespmem:v11+s11+$0x0], $0xffff  }
0x40: {  	v8 =	vbroadcast v8, $0x0;
	v9 =	vbroadcast v9, $0x0;
	v11 =	vshll.u32 v16, $0x7;
	v27 =	vld.idx.msk [tilespmem:v14+s11+$0x0], $0xffff  }
0x41: {  	v14 =	vbroadcast v10, $0x0;
	v28 =	vshll.u32 v20, $0x3;
	v11 =	vadd.s32 s22, v11;
	v10 =	vld.idx.msk [tilespmem:v12+s2+$0x0], $0xffff  }
.Ltmp0:
0x42: {  	v20 =	vor.u32 v3, v8;
	v12 =	vand.u32 $0xFFFFFF80, v11;
	v11 =	vor.u32 v4, v9;
	v9 =	vld.idx.msk [tilespmem:v15+s2+$0x0], $0xffff;
	(pc) =	sbr.rel @p0 .LBB2_3-.Ltmp0, $4  }
0x43: {  	v16 =	vor.u32 v23, v12;
	v12 =	vshll.u32 v25, $0x3;
	v15 =	vadd.f32 v13, v18;
	v8 =	vld.idx.msk [tilespmem:v22+s2+$0x0], $0xffff  }
0x44: {  	s18 =	sadd.s32 $0x40, s18;
	v14 =	vor.u32 v5, v14;
	v18 =	vor.u32 v2, v12;
	v12 =	vor.u32 v2, v28;
	v13 =	vld [tilespmem:s19+$0xFFFFFFF0]  }
0x45: {  	v21 =	vadd.f32 v26, v21;
	v17 =	vadd.f32 v6, v17;
	v22 =	vshll.u32 v24, $0x3;
	[tilespmem:s18+$0xFFFFFFE0] =	vst v15;
	v6 =	vld [tilespmem:s19+$0x0]  }
0x46: {  	v19 =	vadd.f32 v7, v19;
	s22 =	sadd.s32 $0x8, s22;
	v15 =	vor.u32 v2, v22;
	v22 =	vshll.u32 v27, $0x3;
	v7 =	vld [tilespmem:s19+$0x10]  }
0x47: {  	_ =	sdelay $0x3  }
0x48: {  	v20 =	vld.idx.msk [tilespmem:v20+s11+$0x0], $0xffff  }
0x49: {  	v16 =	vld.idx.msk [tilespmem:v16+s11+$0x0], $0xffff  }
0x4a: {  	v18 =	vld.idx.msk [tilespmem:v18+s2+$0x0], $0xffff  }
0x4b: {  	v11 =	vld.idx.msk [tilespmem:v11+s11+$0x0], $0xffff  }
0x4c: {  	v14 =	vld.idx.msk [tilespmem:v14+s11+$0x0], $0xffff  }
0x4d: {  	v12 =	vld.idx.msk [tilespmem:v12+s2+$0x0], $0xffff  }
0x4e: {  	s19 =	sadd.s32 $0x40, s19;
	v15 =	vld.idx.msk [tilespmem:v15+s2+$0x0], $0xffff  }
0x4f: {  	v23 =	vld [tilespmem:s19+$0xFFFFFFE0]  }
0x50: {  	v24 =	vld [tilespmem:s19+$0xFFFFFFF0]  }
0x51: {  	v22 =	vor.u32 v2, v22;
	v25 =	vld [tilespmem:s19+$0x0];
	v16 =	vshll.u32 v16, $0x3  }
0x52: {  	v26 =	vld [tilespmem:s19+$0x10];
	s19 =	sadd.s32 $0x40, s19;
	v11 =	vshll.u32 v11, $0x3;
	v16 =	vor.u32 v2, v16  }
0x53: {  	v55 =	vld [tilespmem:s19+$0xFFFFFFE0];
	v11 =	vor.u32 v2, v11  }
0x54: {  	v59 =	vld [tilespmem:s19+$0xFFFFFFF0];
	v14 =	vshll.u32 v14, $0x3  }
0x55: {  	[tilespmem:s20+$0xFFFFFFF0] =	vst v21;
	v60 =	vld [tilespmem:s19+$0x0];
	v20 =	vshll.u32 v20, $0x3;
	v14 =	vor.u32 v2, v14  }
0x56: {  	[tilespmem:s20+$0x0] =	vst v17;
	v10 =	vadd.f32 v13, v10;
	v22 =	vld.idx.msk [tilespmem:v22+s2+$0x0], $0xffff;
	v20 =	vor.u32 v2, v20  }
0x57: {  	[tilespmem:s20+$0x10] =	vst v19;
	v6 =	vadd.f32 v6, v9;
	v16 =	vld.idx.msk [tilespmem:v16+s2+$0x0], $0xffff  }
0x58: {  	v7 =	vadd.f32 v7, v8;
	[tilespmem:s18+$0xFFFFFFF0] =	vst v10;
	v11 =	vld.idx.msk [tilespmem:v11+s2+$0x0], $0xffff  }
0x59: {  	v61 =	vld [tilespmem:s19+$0x10];
	[tilespmem:s18+$0x0] =	vst v6;
	v56 =	vadd.f32 v23, v18  }
0x5a: {  	s30 =	sadd.s32 $0x40, s18;
	[tilespmem:s18+$0x10] =	vst v7;
	v7 =	vadd.f32 v24, v12;
	v58 =	vld.idx.msk [tilespmem:v14+s2+$0x0], $0xffff  }
0x5b: {  	[tilespmem:s30+$0xFFFFFFE0] =	vst v56;
	v62 =	vadd.f32 v26, v22;
	v57 =	vld.idx.msk [tilespmem:v20+s2+$0x0], $0xffff  }
0x5c: {  	[tilespmem:s30+$0xFFFFFFF0] =	vst v7;
	v6 =	vadd.f32 v55, v16  }
0x5d: {  	s31 =	sadd.s32 $0x40, s30;
	[tilespmem:s30+$0x10] =	vst v62;
	v7 =	vadd.f32 v60, v11  }
0x5e: {  	[tilespmem:s31+$0xFFFFFFE0] =	vst v6;
	v6 =	vadd.f32 v25, v15  }
0x5f: {  	v63 =	vadd.f32 v61, v58;
	[tilespmem:s31+$0x0] =	vst v7  }
0x60: {  	s16 =	sadd.s32 $0x1, s16;
	[tilespmem:s30+$0x0] =	vst v6;
	v6 =	vadd.f32 v59, v57  }
0x61: {  	p0 =	sne.s32 s16, $0xA;
	[tilespmem:s31+$0x10] =	vst v63  }
.Ltmp1:
0x62: {  	s17 =	sadd.s32 s7, s17;
	[tilespmem:s31+$0xFFFFFFF0] =	vst v6;
	(pc) =	sbr.rel @p0 .LBB2_2-.Ltmp1, $4  }
0x63: {  	[hbm4b:s17+s2] =	stream.linear.scatter [tilespmem:s14], [sflag:$0x2], $0x2000, $0x38;
	[tilespmem:$0x18400] =	vst v63  }
0x64: {  	_ =	swait.ge [sflag:s10], $0x2000  }
0x65: {  	[sflag:s10] =	ssyncset.done $0x0  }
0x66: {  	[sflag:s10] =	ssyncadd.s32 $0xFFFFE000  }
0x67: {  	s15 =	sadd.s32 $0x1, s15  }
0x68: {  	p0 =	sne.s32 s15, s9  }
.Ltmp2:
0x69: {  	_ = 	snop;
	(pc) =	sbr.rel @p0 .LBB2_1-.Ltmp2, $1  }
0x6a: {  	_ =	sdelay $0x3  }
0x6b: {  	_ =	sfence.sel $0x180000  }
0x6c: {  	[bflag:$0x0] =	sbarrier.arrive $0xFFFF  }
0x6d: {  	p0 =	sne.s32 s3, $0x0;
	_ =	strace $0x90000047  }
0x6e: {  	s0 =	sadd.s32 @!p0 $0x100000, s0;
	[bflag:$0x2] =	sbarrier.arrive $0xFFFF  }
0x6f: {  	[sflag:s0] =	ssyncadd.tile.s32 @!p0 $0x1;
	_ =	shalt  }
.Lfunc_end2:
_tile_overlayer_lowered:
.L_overlay_start_2:
0x70: {  	(tag) =	ssettag $0x2  }
0x71: {  	s0 =	rddreg [dreg:$0x0];
	s2 =	stileid.u32  }
0x72: {  	s1 =	rddreg [dreg:$0x1];
	p0 =	sne.s32 s2, $0x0  }
0x73: {  	s3 =	rddreg [dreg:$0x2];
	[bflag:$0x3] =	sbarrier.arrive $0xFFFF;
	s2 =	simm.s32 @!p0 $0x1C02  }
0x74: {  	[timem:s3], [sflag:s2] =	dma.local @!p0 [hbm:s0], s1  }
0x75: {  	s0 =	simm.s32 @!p0 $0x2  }
0x76: {  	_ =	swait.ge @!p0 [sflag:s0], s1  }
0x77: {  	s1 =	ssub.s32 @!p0 $0x0, s1;
	[sflag:s0] =	ssyncset.done @!p0 $0x0  }
0x78: {  	[sflag:s0] =	ssyncadd.s32 @!p0 s1  }
0x79: {  	[bflag:$0x3] =	sbarrier.arrive $0xFFFF  }
0x7a: {  	_ =	shalt  }

</sc_bundles>
